<compile_context>
chip_gen: v7x
topology: tpu7x:2x2x1
jax: 0.10.2.dev20260603
libtpu: 0.0.44.dev20260713+nightly
codegen_flags: <defaults>
</compile_context>

<pallas_src>
import functools

import jax
import jax.numpy as jnp
from jax import lax
from jax.experimental import pallas as pl
from jax.experimental.pallas import tpu as pltpu
from jax.experimental.pallas import tpu_sc as plsc


def _cdiv(a, b):
    return (a + b - 1) // b




def _make_pi_kernel(n_nodes, e1, e1p, pi_iters):
    npad = _cdiv(n_nodes, 1024) * 1024
    per_tile = e1p // 16
    c_chunks = per_tile // 16
    slice_sz = npad // 16
    sum_chunks = n_nodes // 16
    mesh = plsc.VectorSubcoreMesh(core_axis_name="c", subcore_axis_name="s")

    @functools.partial(
        pl.kernel,
        out_type=[jax.ShapeDtypeStruct((npad,), jnp.float32),
                  jax.ShapeDtypeStruct((npad,), jnp.float32)],
        mesh=mesh,
        compiler_params=pltpu.CompilerParams(needs_layout_passes=False),
        scratch_types=[
            pltpu.VMEM((per_tile,), jnp.int32),
            pltpu.VMEM((per_tile,), jnp.int32),
            pltpu.VMEM((per_tile,), jnp.float32),
            pltpu.VMEM((npad,), jnp.float32),
            pltpu.VMEM((npad,), jnp.float32),
            pltpu.VMEM((npad,), jnp.float32),
            pltpu.VMEM((npad,), jnp.float32),
            pltpu.VMEM((16, slice_sz), jnp.float32),
            pltpu.VMEM((slice_sz,), jnp.float32),
            pltpu.VMEM((16,), jnp.float32),
            pltpu.VMEM_SHARED((16, npad), jnp.float32),
            pltpu.VMEM_SHARED((npad,), jnp.float32),
        ],
    )
    def pi_kernel(row_h, col_h, alpha_h, a_h, b_h,
                  row_v, col_v, p_v, pi_v, lacc_v, r_v, deginv_v, tmp_v,
                  red_v, alpha_v, acc_all, pi_sh):
        c = lax.axis_index("c")
        w = lax.axis_index("s")
        iota16 = lax.broadcasted_iota(jnp.int32, (16,), 0)
        zero16 = jnp.zeros((16,), jnp.float32)

        pltpu.sync_copy(row_h.at[w], row_v)
        pltpu.sync_copy(col_h.at[w], col_v)
        pltpu.sync_copy(alpha_h, alpha_v)
        va = alpha_v[...]

        def zero_lacc(_i, carry):
            lacc_v[pl.ds(_i * 16, 16)] = zero16
            return carry

        def allreduce_to_pi():
            pltpu.sync_copy(lacc_v, acc_all.at[w])
            plsc.subcore_barrier()
            pltpu.sync_copy(acc_all.at[:, pl.ds(w * slice_sz, slice_sz)],
                            tmp_v)

            def addc(i, cc):
                r = tmp_v[0, pl.ds(i * 16, 16)]
                for t in range(1, 16):
                    r = r + tmp_v[t, pl.ds(i * 16, 16)]
                red_v[pl.ds(i * 16, 16)] = r
                return cc
            lax.fori_loop(0, slice_sz // 16, addc, 0)
            pltpu.sync_copy(red_v, pi_sh.at[pl.ds(w * slice_sz, slice_sz)])
            plsc.subcore_barrier()
            pltpu.sync_copy(pi_sh, pi_v)

        lax.fori_loop(0, npad // 16, zero_lacc, 0)

        def deg_body(b, carry):
            gid = w * per_tile + b * 16 + iota16
            ind = jnp.where(gid < e1, 1.0, 0.0).astype(jnp.float32)
            idx = row_v[pl.ds(b * 16, 16)]
            plsc.addupdate_scatter(lacc_v, [idx], ind)
            return carry
        lax.fori_loop(0, c_chunks, deg_body, 0)
        allreduce_to_pi()

        def dib(i, carry):
            dg = pi_v[pl.ds(i * 16, 16)]
            deginv_v[pl.ds(i * 16, 16)] = jnp.where(
                dg > 0.0, 1.0 / jnp.maximum(dg, 1.0e-30), 0.0)
            return carry
        lax.fori_loop(0, npad // 16, dib, 0)

        def p_body(b, carry):
            gid = w * per_tile + b * 16 + iota16
            ind = jnp.where(gid < e1, 1.0, 0.0).astype(jnp.float32)
            idx = row_v[pl.ds(b * 16, 16)]
            dg = plsc.load_gather(deginv_v, [idx])
            p_v[pl.ds(b * 16, 16)] = ind * dg
            return carry
        lax.fori_loop(0, c_chunks, p_body, 0)

        inv_n = jnp.float32(1.0 / n_nodes)

        def init_body(i, carry):
            pi_v[pl.ds(i * 16, 16)] = jnp.full((16,), inv_n, jnp.float32)
            return carry
        lax.fori_loop(0, npad // 16, init_body, 0)

        def iter_body(_t, carry):
            lax.fori_loop(0, npad // 16, zero_lacc, 0)

            def vb(b, cc):
                idx = row_v[pl.ds(b * 16, 16)]
                g = plsc.load_gather(pi_v, [idx])
                v = g * p_v[pl.ds(b * 16, 16)]
                cidx = col_v[pl.ds(b * 16, 16)]
                plsc.addupdate_scatter(lacc_v, [cidx], v)
                return cc
            lax.fori_loop(0, c_chunks, vb, 0)
            allreduce_to_pi()

            def ab(i, acc16):
                v = pi_v[pl.ds(i * 16, 16)]
                v2 = (1.0 - va) * v + va * inv_n
                pi_v[pl.ds(i * 16, 16)] = v2
                return acc16 + v2
            s16 = lax.fori_loop(0, sum_chunks, ab, zero16)
            total = jnp.sum(s16)

            def nb(i, cc):
                pi_v[pl.ds(i * 16, 16)] = pi_v[pl.ds(i * 16, 16)] / total
                return cc
            lax.fori_loop(0, sum_chunks, nb, 0)
            return carry
        lax.fori_loop(0, pi_iters, iter_body, 0)

        def rb(i, carry):
            v = pi_v[pl.ds(i * 16, 16)]
            x = jnp.maximum(v, 1e-12)
            ii = plsc.bitcast(x, jnp.int32)
            ii = jnp.int32(0x5F3759DF) - (ii >> 1)
            y = plsc.bitcast(ii, jnp.float32)
            y = y * (1.5 - 0.5 * x * y * y)
            y = y * (1.5 - 0.5 * x * y * y)
            y = y * (1.5 - 0.5 * x * y * y)
            r_v[pl.ds(i * 16, 16)] = y
            pi_v[pl.ds(i * 16, 16)] = x * y
            return carry
        lax.fori_loop(0, npad // 16, rb, 0)

        def awb(i, carry):
            o = w * slice_sz + i * 16
            red_v[pl.ds(i * 16, 16)] = (
                0.5 * pi_v[pl.ds(o, 16)] * deginv_v[pl.ds(o, 16)])
            return carry
        lax.fori_loop(0, slice_sz // 16, awb, 0)

        @pl.when(c == 0)
        def _():
            pltpu.sync_copy(red_v, a_h.at[pl.ds(w * slice_sz, slice_sz)])
            pltpu.sync_copy(r_v.at[pl.ds(w * slice_sz, slice_sz)],
                            b_h.at[pl.ds(w * slice_sz, slice_sz)])

    return pi_kernel




_CH = 128


def _make_prop_kernel(n_nodes, d, e1p):
    per_tile = e1p // 16
    t_chunks = per_tile // _CH
    npad = _cdiv(n_nodes, 1024) * 1024
    rows_per_tile = npad // 16
    mesh = plsc.VectorSubcoreMesh(core_axis_name="c", subcore_axis_name="s")

    @functools.partial(
        pl.kernel,
        out_type=jax.ShapeDtypeStruct((2 * npad, d), jnp.float32),
        mesh=mesh,
        compiler_params=pltpu.CompilerParams(needs_layout_passes=False),
        scratch_types=[
            pltpu.VMEM((2, 128), jnp.int32),
            pltpu.VMEM((2, 128), jnp.int32),
            pltpu.VMEM((2, 128), jnp.int32),
            pltpu.VMEM((2, 128), jnp.int32),
            pltpu.VMEM((128, d), jnp.float32),
            pltpu.VMEM((128, d), jnp.float32),
            pltpu.VMEM_SHARED((npad, d), jnp.float32),
            pltpu.SemaphoreType.DMA,
            pltpu.SemaphoreType.DMA,
            pltpu.SemaphoreType.DMA,
            pltpu.SemaphoreType.DMA,
            pltpu.SemaphoreType.DMA,
            pltpu.SemaphoreType.DMA,
            pltpu.SemaphoreType.DMA,
            pltpu.SemaphoreType.DMA,
        ],
    )
    def prop_kernel(ed_h, hab_h, out_h,
                    e0, e1, e2, e3, r0, r1, acc,
                    es0, es1, es2, es3, gs0, gs1, ss0, ss1):
        c = lax.axis_index("c")
        s = lax.axis_index("s")
        g = c * 16 + s
        zero16 = jnp.zeros((16,), jnp.float32)
        ebufs = [e0, e1, e2, e3]
        esems = [es0, es1, es2, es3]
        rbufs = [r0, r1]
        gsems = [gs0, gs1]
        ssems = [ss0, ss1]
        T = t_chunks

        def zb(r, carry):
            for i in range(d // 16):
                r0[r, pl.ds(i * 16, 16)] = zero16
            return carry
        lax.fori_loop(0, 128, zb, 0)
        row0 = s * rows_per_tile
        for t in range(rows_per_tile // 128):
            pltpu.sync_copy(r0, acc.at[pl.ds(row0 + t * 128, 128), :])
        plsc.subcore_barrier()

        def drain_scatter(b):
            pltpu.make_async_copy(
                rbufs[b], acc.at[pl.ds(0, 128)], ssems[b]).wait()

        def drain_gather(b):
            pltpu.make_async_copy(
                hab_h.at[pl.ds(0, 128)], rbufs[b], gsems[b]).wait()

        pltpu.async_copy(ed_h.at[g].at[0], e0, es0).wait()
        pltpu.async_copy(ed_h.at[g].at[1], e1, es1)
        pltpu.async_copy(hab_h.at[e0.at[0]], r0, gs0)

        def step(st, carry):
            j0 = st * 4
            for u in range(4):
                j = j0 + u
                rb = u % 2
                nu = (u + 1) % 4
                pu = (u + 2) % 4
                @pl.when(j + 2 < T)
                def _():
                    pltpu.async_copy(ed_h.at[g].at[j + 2], ebufs[pu],
                                     esems[pu])
                drain_gather(rb)
                @pl.when(j + 1 < T)
                def _():
                    pltpu.make_async_copy(ed_h.at[g].at[0], ebufs[nu],
                                          esems[nu]).wait()

                    @pl.when(j >= 1)
                    def _():
                        drain_scatter(1 - rb)
                    pltpu.async_copy(hab_h.at[ebufs[nu].at[0]], rbufs[1 - rb],
                                     gsems[1 - rb])
                pltpu.async_copy(rbufs[rb], acc.at[ebufs[u].at[1]],
                                 ssems[rb], add=True)
            return carry
        lax.fori_loop(0, T // 4, step, 0)
        drain_scatter((T - 1) % 2)
        drain_scatter(T % 2)
        plsc.subcore_barrier()

        pltpu.sync_copy(
            acc.at[pl.ds(row0, rows_per_tile), :],
            out_h.at[pl.ds(c * npad + row0, rows_per_tile), :])

    return prop_kernel



_BLK = 1000


def _mm2_body(x_ref, w2_ref, wl_ref, bl_ref, a_ref, b_ref,
              h2_ref, o0_ref):
    xb = x_ref[...]
    av = a_ref[...]
    bv = b_ref[...]
    h2 = lax.dot_general(xb, w2_ref[...], (((1,), (0,)), ((), ())),
                         preferred_element_type=jnp.float32)
    h2_ref[0] = h2 * av
    h2_ref[1] = h2 * bv
    o0_ref[...] = lax.dot_general(
        xb, wl_ref[...], (((1,), (1,)), ((), ())),
        preferred_element_type=jnp.float32) + bl_ref[...]


def _mm2(x, w2, wl, bl, a, b, npad):
    n, d = x.shape
    grid = n // _BLK
    return pl.pallas_call(
        _mm2_body,
        grid=(grid,),
        in_specs=[
            pl.BlockSpec((_BLK, d), lambda i: (i, 0)),
            pl.BlockSpec((d, d), lambda i: (0, 0)),
            pl.BlockSpec((d, d), lambda i: (0, 0)),
            pl.BlockSpec((1, d), lambda i: (0, 0)),
            pl.BlockSpec((_BLK, 1), lambda i: (i, 0)),
            pl.BlockSpec((_BLK, 1), lambda i: (i, 0)),
        ],
        out_specs=[
            pl.BlockSpec((2, _BLK, d), lambda i: (0, i, 0)),
            pl.BlockSpec((_BLK, d), lambda i: (i, 0)),
        ],
        out_shape=[
            jax.ShapeDtypeStruct((2, npad, d), jnp.float32),
            jax.ShapeDtypeStruct((n, d), jnp.float32),
        ],
    )(x, w2, wl, bl, a, b)


def _zmid_body(x_ref, w1_ref, u_ref, a_ref, b_ref, o_ref):
    av = a_ref[...]
    bv = b_ref[...]
    h1 = lax.dot_general(x_ref[...], w1_ref[...], (((1,), (0,)), ((), ())),
                         preferred_element_type=jnp.float32)
    z = h1 + bv * u_ref[0] + av * u_ref[1]
    o_ref[0] = z * av
    o_ref[1] = z * bv


def _zmid(x, w1, upair, a, b):
    n, d = x.shape
    npad = upair.shape[1]
    grid = n // _BLK
    return pl.pallas_call(
        _zmid_body,
        grid=(grid,),
        in_specs=[
            pl.BlockSpec((_BLK, d), lambda i: (i, 0)),
            pl.BlockSpec((d, d), lambda i: (0, 0)),
            pl.BlockSpec((2, _BLK, d), lambda i: (0, i, 0)),
            pl.BlockSpec((_BLK, 1), lambda i: (i, 0)),
            pl.BlockSpec((_BLK, 1), lambda i: (i, 0)),
        ],
        out_specs=pl.BlockSpec((2, _BLK, d), lambda i: (0, i, 0)),
        out_shape=jax.ShapeDtypeStruct((2, npad, d), jnp.float32),
    )(x, w1, upair, a, b)


def _fin_body(o0_ref, y_ref, a_ref, b_ref, c1_ref, c2_ref, o_ref):
    o_ref[...] = (o0_ref[...]
                  + b_ref[...] * y_ref[0] + a_ref[...] * y_ref[1]
                  + c1_ref[...] + c2_ref[...])


def _fin(o0, y, a, b, c1, c2):
    n, d = o0.shape
    grid = n // _BLK
    return pl.pallas_call(
        _fin_body,
        grid=(grid,),
        in_specs=[
            pl.BlockSpec((_BLK, d), lambda i: (i, 0)),
            pl.BlockSpec((2, _BLK, d), lambda i: (0, i, 0)),
            pl.BlockSpec((_BLK, 1), lambda i: (i, 0)),
            pl.BlockSpec((_BLK, 1), lambda i: (i, 0)),
            pl.BlockSpec((1, d), lambda i: (0, 0)),
            pl.BlockSpec((1, d), lambda i: (0, 0)),
        ],
        out_specs=pl.BlockSpec((_BLK, d), lambda i: (i, 0)),
        out_shape=jax.ShapeDtypeStruct((n, d), jnp.float32),
    )(o0, y, a, b, c1, c2)




def kernel(x, alpha, lin_w, lin_b, conv1_w, conv1_b, conv2_w, conv2_b,
           edge_index):
    n, d = x.shape
    e = edge_index.shape[1]
    e1 = e + n
    e1p = _cdiv(e1, 16 * 4 * _CH) * (16 * 4 * _CH)
    pi_iters = 20
    npad = _cdiv(n, 1024) * 1024
    t_chunks = e1p // 16 // _CH

    loops = jnp.arange(n, dtype=jnp.int32)
    row = jnp.concatenate([edge_index[0], loops])
    col = jnp.concatenate([edge_index[1], loops])
    row_p = jnp.pad(row, (0, e1p - e1)).reshape(16, t_chunks, _CH)
    col_p = jnp.pad(col, (0, e1p - e1)).reshape(16, t_chunks, _CH)
    alpha16 = jnp.full((16,), alpha, jnp.float32)

    pi_kernel = _make_pi_kernel(n, e1, e1p, pi_iters)
    a_full, b_full = pi_kernel(row_p.reshape(16, -1), col_p.reshape(16, -1),
                               alpha16)
    a2 = a_full[:n].reshape(n, 1)
    b2 = b_full[:n].reshape(n, 1)

    shp = (16, t_chunks, _CH)
    src1 = row_p
    dst1 = jnp.pad(col, (0, e1p - e1),
                   constant_values=npad - 1).reshape(shp)
    src2 = col_p + npad
    dst2 = jnp.pad(row, (0, e1p - e1),
                   constant_values=npad - 1).reshape(shp)
    ed = jnp.concatenate([
        jnp.stack([src1, dst1], axis=2),
        jnp.stack([src2, dst2], axis=2),
    ], axis=0)

    prop = _make_prop_kernel(n, d, e1p)
    c1 = conv1_b.reshape(1, d)
    c2 = conv2_b.reshape(1, d)
    bl = lin_b.reshape(1, d)

    xc = x
    for _ in range(2):
        h2ab, o0 = _mm2(xc, conv2_w, lin_w, bl, a2, b2, npad)
        u = prop(ed, h2ab.reshape(2 * npad, d)).reshape(2, npad, d)
        zab = _zmid(xc, conv1_w, u, a2, b2)
        y = prop(ed, zab.reshape(2 * npad, d)).reshape(2, npad, d)
        xc = _fin(o0, y, a2, b2, c1, c2)
    return xc

# --- scband reference (transcript-rebuilt; emitter-appended) ---
"""Pipeline reference for scband-di-gcn-79448305041893 (READ-ONLY COPY).

The authoritative reference and input builder live on the scoring server;
editing this copy changes nothing except your own understanding.
"""

import jax, jax.numpy as jnp
import numpy as np

N_NODES = 10000
N_EDGES = 320000
D = 128
NOS_BLOCK = 2
PI_ITERS = 20


def setup_inputs(seed: int = 0):
    key = jax.random.key(seed)
    ks = jax.random.split(key, 8)
    x = jax.random.normal(ks[0], (N_NODES, D), dtype=jnp.float32)
    edge_index = jax.random.randint(ks[1], (2, N_EDGES), 0, N_NODES, dtype=jnp.int32)
    alpha = jnp.float32(0.1)
    s = 1.0 / np.sqrt(D)
    lin_w = jax.random.uniform(ks[2], (D, D), jnp.float32, -s, s)
    lin_b = jax.random.uniform(ks[3], (D,), jnp.float32, -s, s)
    conv1_w = jax.random.uniform(ks[4], (D, D), jnp.float32, -s, s)
    conv1_b = jnp.zeros((D,), jnp.float32)
    conv2_w = jax.random.uniform(ks[5], (D, D), jnp.float32, -s, s)
    conv2_b = jnp.zeros((D,), jnp.float32)
    return {"x": x, "alpha": alpha, "lin_w": lin_w, "lin_b": lin_b,
            "conv1_w": conv1_w, "conv1_b": conv1_b,
            "conv2_w": conv2_w, "conv2_b": conv2_b,
            "edge_index": edge_index}


def _appr_adj(alpha, edge_index, num_nodes):
    # get_appr_directed_adj: add self loops, row-normalize to transition matrix P,
    # compute stationary distribution pi of the PPR chain (power iteration replaces
    # the dense eigen-decomposition of the original implementation), then build the
    # symmetric normalized adjacency 0.5*(Pi^{1/2} P Pi^{-1/2} + Pi^{-1/2} P^T Pi^{1/2})
    # at edge level.
    row0, col0 = edge_index[0], edge_index[1]
    loops = jnp.arange(num_nodes, dtype=row0.dtype)
    row = jnp.concatenate([row0, loops])
    col = jnp.concatenate([col0, loops])
    w = jnp.ones(row.shape[0], jnp.float32)
    deg = jax.ops.segment_sum(w, row, num_segments=num_nodes)
    deg_inv = jnp.where(deg > 0, 1.0 / deg, 0.0)
    p = deg_inv[row] * w
    pi = jnp.full((num_nodes,), 1.0 / num_nodes, jnp.float32)
    for _ in range(PI_ITERS):
        pi = (1.0 - alpha) * jax.ops.segment_sum(pi[row] * p, col, num_segments=num_nodes) + alpha / num_nodes
        pi = pi / jnp.sum(pi)
    pi_sqrt = jnp.sqrt(jnp.clip(pi, 1e-12, None))
    pi_inv_sqrt = 1.0 / pi_sqrt
    w_sym = 0.5 * pi_sqrt[row] * p * pi_inv_sqrt[col]
    src = jnp.concatenate([row, col])
    dst = jnp.concatenate([col, row])
    ew = jnp.concatenate([w_sym, w_sym])
    return src, dst, ew


def _prop(x, src, dst, ew, num_nodes):
    # DIGCNConv propagate: out[dst] += ew * x[src]
    return jax.ops.segment_sum(ew[:, None] * x[src], dst, num_segments=num_nodes)


def reference(x, alpha, lin_w, lin_b, conv1_w, conv1_b, conv2_w, conv2_b, edge_index):
    num_nodes = x.shape[0]
    src, dst, ew = _appr_adj(alpha, edge_index, num_nodes)
    # second-order adjacency applied implicitly as two propagation steps (A is
    # symmetric here, so A^T A = A A^T = A^2)
    for _ in range(NOS_BLOCK):
        out0 = x @ lin_w.T + lin_b  # self.Lin; dropout_prob=0.0 / eval -> no-op
        h1 = x @ conv1_w
        out1 = _prop(h1, src, dst, ew, num_nodes) + conv1_b
        h2 = x @ conv2_w
        out2 = _prop(_prop(h2, src, dst, ew, num_nodes), src, dst, ew, num_nodes) + conv2_b
        x = out0 + out1 + out2  # fusion_type='sum'
    return x

if __name__ == "__main__":
    import jax
    _d = setup_inputs()
    print(jax.jit(kernel)(*tuple(_d.values())))

</pallas_src>

<mosaic_0001>
#map = affine_map<(d0, d1) -> (0, 0, 0, 0)>
#map1 = affine_map<(d0, d1) -> (0, 0)>
module attributes {stable_mosaic.version = 14 : i64} {
  func.func @prop_kernel(%arg0: i32, %arg1: i32, %arg2: memref<32x164x2x128xi32, #tpu.memory_space<hbm>>, %arg3: memref<20480x128xf32, #tpu.memory_space<hbm>>, %arg4: memref<20480x128xf32, #tpu.memory_space<hbm>>, %arg5: memref<2x128xi32, #tpu.memory_space<vmem>>, %arg6: memref<2x128xi32, #tpu.memory_space<vmem>>, %arg7: memref<2x128xi32, #tpu.memory_space<vmem>>, %arg8: memref<2x128xi32, #tpu.memory_space<vmem>>, %arg9: memref<128x128xf32, #tpu.memory_space<vmem>>, %arg10: memref<128x128xf32, #tpu.memory_space<vmem>>, %arg11: memref<10240x128xf32, #tpu.memory_space<vmem_shared>>, %arg12: memref<!tpu.dma_semaphore, #tpu.memory_space<semaphore_mem>>, %arg13: memref<!tpu.dma_semaphore, #tpu.memory_space<semaphore_mem>>, %arg14: memref<!tpu.dma_semaphore, #tpu.memory_space<semaphore_mem>>, %arg15: memref<!tpu.dma_semaphore, #tpu.memory_space<semaphore_mem>>, %arg16: memref<!tpu.dma_semaphore, #tpu.memory_space<semaphore_mem>>, %arg17: memref<!tpu.dma_semaphore, #tpu.memory_space<semaphore_mem>>, %arg18: memref<!tpu.dma_semaphore, #tpu.memory_space<semaphore_mem>>, %arg19: memref<!tpu.dma_semaphore, #tpu.memory_space<semaphore_mem>>) attributes {dimension_semantics = [#tpu.dimension_semantics<core_parallel>, #tpu.dimension_semantics<subcore_parallel>], iteration_bounds = array<i64: 2, 16>, scalar_prefetch = 0 : i64, scratch_operands = 15 : i64, tpu.core_type = #tpu.core_type<sc_vector_subcore>, window_params = [{transform_indices = #map}, {transform_indices = #map1}, {transform_indices = #map1}]} {
    %mul3A = arith.constant 16 : i32
    %mul3A_0 = arith.muli %arg0, %mul3A : i32
    %add3A = arith.addi %mul3A_0, %arg1 : i32
    %broadcast_in_dim3A = arith.constant 0.000000e+00 : f32
    %broadcast_in_dim3A_1 = vector.broadcast %broadcast_in_dim3A : f32 to vector<16xf32>
    %scan3A = arith.constant 0 : i32
    %scan3A_2 = arith.constant 0 : i32
    %scan3A_3 = arith.constant 128 : i32
    %scan3A_4 = arith.addi %scan3A_2, %scan3A_3 : i32
    %scan3A_5 = arith.constant 1 : i32
    scf.for %scan3A_103 = %scan3A_2 to %scan3A_4 step %scan3A_5  : i32 {
      %swap3A = arith.index_cast %scan3A_103 : i32 to index
      %swap3A_104 = arith.constant 0 : index
      %swap3A_105 = tpu.vector_load %arg9[%swap3A, %swap3A_104] {strides = array<i32>} : memref<128x128xf32, #tpu.memory_space<vmem>>, vector<16xf32>,
      tpu.vector_store %arg9[%swap3A, %swap3A_104], %broadcast_in_dim3A_1 {strides = array<i32>} : memref<128x128xf32, #tpu.memory_space<vmem>>, vector<16xf32>,
      %swap3A_106 = arith.index_cast %scan3A_103 : i32 to index
      %swap3A_107 = arith.constant 16 : index
      %swap3A_108 = tpu.vector_load %arg9[%swap3A_106, %swap3A_107] {strides = array<i32>} : memref<128x128xf32, #tpu.memory_space<vmem>>, vector<16xf32>,
      tpu.vector_store %arg9[%swap3A_106, %swap3A_107], %broadcast_in_dim3A_1 {strides = array<i32>} : memref<128x128xf32, #tpu.memory_space<vmem>>, vector<16xf32>,
      %swap3A_109 = arith.index_cast %scan3A_103 : i32 to index
      %swap3A_110 = arith.constant 32 : index
      %swap3A_111 = tpu.vector_load %arg9[%swap3A_109, %swap3A_110] {strides = array<i32>} : memref<128x128xf32, #tpu.memory_space<vmem>>, vector<16xf32>,
      tpu.vector_store %arg9[%swap3A_109, %swap3A_110], %broadcast_in_dim3A_1 {strides = array<i32>} : memref<128x128xf32, #tpu.memory_space<vmem>>, vector<16xf32>,
      %swap3A_112 = arith.index_cast %scan3A_103 : i32 to index
      %swap3A_113 = arith.constant 48 : index
      %swap3A_114 = tpu.vector_load %arg9[%swap3A_112, %swap3A_113] {strides = array<i32>} : memref<128x128xf32, #tpu.memory_space<vmem>>, vector<16xf32>,
      tpu.vector_store %arg9[%swap3A_112, %swap3A_113], %broadcast_in_dim3A_1 {strides = array<i32>} : memref<128x128xf32, #tpu.memory_space<vmem>>, vector<16xf32>,
      %swap3A_115 = arith.index_cast %scan3A_103 : i32 to index
      %swap3A_116 = arith.constant 64 : index
      %swap3A_117 = tpu.vector_load %arg9[%swap3A_115, %swap3A_116] {strides = array<i32>} : memref<128x128xf32, #tpu.memory_space<vmem>>, vector<16xf32>,
      tpu.vector_store %arg9[%swap3A_115, %swap3A_116], %broadcast_in_dim3A_1 {strides = array<i32>} : memref<128x128xf32, #tpu.memory_space<vmem>>, vector<16xf32>,
      %swap3A_118 = arith.index_cast %scan3A_103 : i32 to index
      %swap3A_119 = arith.constant 80 : index
      %swap3A_120 = tpu.vector_load %arg9[%swap3A_118, %swap3A_119] {strides = array<i32>} : memref<128x128xf32, #tpu.memory_space<vmem>>, vector<16xf32>,
      tpu.vector_store %arg9[%swap3A_118, %swap3A_119], %broadcast_in_dim3A_1 {strides = array<i32>} : memref<128x128xf32, #tpu.memory_space<vmem>>, vector<16xf32>,
      %swap3A_121 = arith.index_cast %scan3A_103 : i32 to index
      %swap3A_122 = arith.constant 96 : index
      %swap3A_123 = tpu.vector_load %arg9[%swap3A_121, %swap3A_122] {strides = array<i32>} : memref<128x128xf32, #tpu.memory_space<vmem>>, vector<16xf32>,
      tpu.vector_store %arg9[%swap3A_121, %swap3A_122], %broadcast_in_dim3A_1 {strides = array<i32>} : memref<128x128xf32, #tpu.memory_space<vmem>>, vector<16xf32>,
      %swap3A_124 = arith.index_cast %scan3A_103 : i32 to index
      %swap3A_125 = arith.constant 112 : index
      %swap3A_126 = tpu.vector_load %arg9[%swap3A_124, %swap3A_125] {strides = array<i32>} : memref<128x128xf32, #tpu.memory_space<vmem>>, vector<16xf32>,
      tpu.vector_store %arg9[%swap3A_124, %swap3A_125], %broadcast_in_dim3A_1 {strides = array<i32>} : memref<128x128xf32, #tpu.memory_space<vmem>>, vector<16xf32>,
    }
    %scan3A_6 = arith.constant 128 : i32
    %mul3A_7 = arith.constant 640 : i32
    %mul3A_8 = arith.muli %arg1, %mul3A_7 : i32
    %add3A_9 = arith.constant 0 : i32
    %add3A_10 = arith.addi %mul3A_8, %add3A_9 : i32
    "tpu.region"() ({
      %run_scoped3A = tpu.sem_alloc : memref<!tpu.dma_semaphore, #tpu.memory_space<semaphore_mem>>
      %dma_start3A_103 = arith.constant 0 : i32
      %dma_start3A_104 = tpu.memref_slice %arg11[%add3A_10, %dma_start3A_103] : memref<10240x128xf32, #tpu.memory_space<vmem_shared>> -> memref<128x128xf32, #tpu.memory_space<vmem_shared>>
      %dma_start3A_105 = arith.constant 0 : i32
      %dma_start3A_106 = tpu.memref_slice %arg11[%add3A_10, %dma_start3A_105] : memref<10240x128xf32, #tpu.memory_space<vmem_shared>> -> memref<128x128xf32, #tpu.memory_space<vmem_shared>>
      tpu.enqueue_dma source(%arg9 : memref<128x128xf32, #tpu.memory_space<vmem>>) target(%dma_start3A_106 : memref<128x128xf32, #tpu.memory_space<vmem_shared>>) target_semaphore(%run_scoped3A : memref<!tpu.dma_semaphore, #tpu.memory_space<semaphore_mem>>)
      %dma_wait3A_107 = arith.constant 0 : i32
      %dma_wait3A_108 = tpu.memref_slice %arg11[%add3A_10, %dma_wait3A_107] : memref<10240x128xf32, #tpu.memory_space<vmem_shared>> -> memref<128x128xf32, #tpu.memory_space<vmem_shared>>
      %dma_wait3A_109 = arith.constant 0 : i32
      %dma_wait3A_110 = tpu.memref_slice %arg11[%add3A_10, %dma_wait3A_109] : memref<10240x128xf32, #tpu.memory_space<vmem_shared>> -> memref<128x128xf32, #tpu.memory_space<vmem_shared>>
      tpu.wait_dma2 semaphore(%run_scoped3A : memref<!tpu.dma_semaphore, #tpu.memory_space<semaphore_mem>>) src(%arg9 : memref<128x128xf32, #tpu.memory_space<vmem>>) dst(%dma_wait3A_110 : memref<128x128xf32, #tpu.memory_space<vmem_shared>>)
      tpu.yield
    }) : () -> ()
    %add3A_11 = arith.constant 128 : i32
    %add3A_12 = arith.addi %mul3A_8, %add3A_11 : i32
    "tpu.region"() ({
      %run_scoped3A = tpu.sem_alloc : memref<!tpu.dma_semaphore, #tpu.memory_space<semaphore_mem>>
      %dma_start3A_103 = arith.constant 0 : i32
      %dma_start3A_104 = tpu.memref_slice %arg11[%add3A_12, %dma_start3A_103] : memref<10240x128xf32, #tpu.memory_space<vmem_shared>> -> memref<128x128xf32, #tpu.memory_space<vmem_shared>>
      %dma_start3A_105 = arith.constant 0 : i32
      %dma_start3A_106 = tpu.memref_slice %arg11[%add3A_12, %dma_start3A_105] : memref<10240x128xf32, #tpu.memory_space<vmem_shared>> -> memref<128x128xf32, #tpu.memory_space<vmem_shared>>
      tpu.enqueue_dma source(%arg9 : memref<128x128xf32, #tpu.memory_space<vmem>>) target(%dma_start3A_106 : memref<128x128xf32, #tpu.memory_space<vmem_shared>>) target_semaphore(%run_scoped3A : memref<!tpu.dma_semaphore, #tpu.memory_space<semaphore_mem>>)
      %dma_wait3A_107 = arith.constant 0 : i32
      %dma_wait3A_108 = tpu.memref_slice %arg11[%add3A_12, %dma_wait3A_107] : memref<10240x128xf32, #tpu.memory_space<vmem_shared>> -> memref<128x128xf32, #tpu.memory_space<vmem_shared>>
      %dma_wait3A_109 = arith.constant 0 : i32
      %dma_wait3A_110 = tpu.memref_slice %arg11[%add3A_12, %dma_wait3A_109] : memref<10240x128xf32, #tpu.memory_space<vmem_shared>> -> memref<128x128xf32, #tpu.memory_space<vmem_shared>>
      tpu.wait_dma2 semaphore(%run_scoped3A : memref<!tpu.dma_semaphore, #tpu.memory_space<semaphore_mem>>) src(%arg9 : memref<128x128xf32, #tpu.memory_space<vmem>>) dst(%dma_wait3A_110 : memref<128x128xf32, #tpu.memory_space<vmem_shared>>)
      tpu.yield
    }) : () -> ()
    %add3A_13 = arith.constant 256 : i32
    %add3A_14 = arith.addi %mul3A_8, %add3A_13 : i32
    "tpu.region"() ({
      %run_scoped3A = tpu.sem_alloc : memref<!tpu.dma_semaphore, #tpu.memory_space<semaphore_mem>>
      %dma_start3A_103 = arith.constant 0 : i32
      %dma_start3A_104 = tpu.memref_slice %arg11[%add3A_14, %dma_start3A_103] : memref<10240x128xf32, #tpu.memory_space<vmem_shared>> -> memref<128x128xf32, #tpu.memory_space<vmem_shared>>
      %dma_start3A_105 = arith.constant 0 : i32
      %dma_start3A_106 = tpu.memref_slice %arg11[%add3A_14, %dma_start3A_105] : memref<10240x128xf32, #tpu.memory_space<vmem_shared>> -> memref<128x128xf32, #tpu.memory_space<vmem_shared>>
      tpu.enqueue_dma source(%arg9 : memref<128x128xf32, #tpu.memory_space<vmem>>) target(%dma_start3A_106 : memref<128x128xf32, #tpu.memory_space<vmem_shared>>) target_semaphore(%run_scoped3A : memref<!tpu.dma_semaphore, #tpu.memory_space<semaphore_mem>>)
      %dma_wait3A_107 = arith.constant 0 : i32
      %dma_wait3A_108 = tpu.memref_slice %arg11[%add3A_14, %dma_wait3A_107] : memref<10240x128xf32, #tpu.memory_space<vmem_shared>> -> memref<128x128xf32, #tpu.memory_space<vmem_shared>>
      %dma_wait3A_109 = arith.constant 0 : i32
      %dma_wait3A_110 = tpu.memref_slice %arg11[%add3A_14, %dma_wait3A_109] : memref<10240x128xf32, #tpu.memory_space<vmem_shared>> -> memref<128x128xf32, #tpu.memory_space<vmem_shared>>
      tpu.wait_dma2 semaphore(%run_scoped3A : memref<!tpu.dma_semaphore, #tpu.memory_space<semaphore_mem>>) src(%arg9 : memref<128x128xf32, #tpu.memory_space<vmem>>) dst(%dma_wait3A_110 : memref<128x128xf32, #tpu.memory_space<vmem_shared>>)
      tpu.yield
    }) : () -> ()
    %add3A_15 = arith.constant 384 : i32
    %add3A_16 = arith.addi %mul3A_8, %add3A_15 : i32
    "tpu.region"() ({
      %run_scoped3A = tpu.sem_alloc : memref<!tpu.dma_semaphore, #tpu.memory_space<semaphore_mem>>
      %dma_start3A_103 = arith.constant 0 : i32
      %dma_start3A_104 = tpu.memref_slice %arg11[%add3A_16, %dma_start3A_103] : memref<10240x128xf32, #tpu.memory_space<vmem_shared>> -> memref<128x128xf32, #tpu.memory_space<vmem_shared>>
      %dma_start3A_105 = arith.constant 0 : i32
      %dma_start3A_106 = tpu.memref_slice %arg11[%add3A_16, %dma_start3A_105] : memref<10240x128xf32, #tpu.memory_space<vmem_shared>> -> memref<128x128xf32, #tpu.memory_space<vmem_shared>>
      tpu.enqueue_dma source(%arg9 : memref<128x128xf32, #tpu.memory_space<vmem>>) target(%dma_start3A_106 : memref<128x128xf32, #tpu.memory_space<vmem_shared>>) target_semaphore(%run_scoped3A : memref<!tpu.dma_semaphore, #tpu.memory_space<semaphore_mem>>)
      %dma_wait3A_107 = arith.constant 0 : i32
      %dma_wait3A_108 = tpu.memref_slice %arg11[%add3A_16, %dma_wait3A_107] : memref<10240x128xf32, #tpu.memory_space<vmem_shared>> -> memref<128x128xf32, #tpu.memory_space<vmem_shared>>
      %dma_wait3A_109 = arith.constant 0 : i32
      %dma_wait3A_110 = tpu.memref_slice %arg11[%add3A_16, %dma_wait3A_109] : memref<10240x128xf32, #tpu.memory_space<vmem_shared>> -> memref<128x128xf32, #tpu.memory_space<vmem_shared>>
      tpu.wait_dma2 semaphore(%run_scoped3A : memref<!tpu.dma_semaphore, #tpu.memory_space<semaphore_mem>>) src(%arg9 : memref<128x128xf32, #tpu.memory_space<vmem>>) dst(%dma_wait3A_110 : memref<128x128xf32, #tpu.memory_space<vmem_shared>>)
      tpu.yield
    }) : () -> ()
    %add3A_17 = arith.constant 512 : i32
    %add3A_18 = arith.addi %mul3A_8, %add3A_17 : i32
    "tpu.region"() ({
      %run_scoped3A = tpu.sem_alloc : memref<!tpu.dma_semaphore, #tpu.memory_space<semaphore_mem>>
      %dma_start3A_103 = arith.constant 0 : i32
      %dma_start3A_104 = tpu.memref_slice %arg11[%add3A_18, %dma_start3A_103] : memref<10240x128xf32, #tpu.memory_space<vmem_shared>> -> memref<128x128xf32, #tpu.memory_space<vmem_shared>>
      %dma_start3A_105 = arith.constant 0 : i32
      %dma_start3A_106 = tpu.memref_slice %arg11[%add3A_18, %dma_start3A_105] : memref<10240x128xf32, #tpu.memory_space<vmem_shared>> -> memref<128x128xf32, #tpu.memory_space<vmem_shared>>
      tpu.enqueue_dma source(%arg9 : memref<128x128xf32, #tpu.memory_space<vmem>>) target(%dma_start3A_106 : memref<128x128xf32, #tpu.memory_space<vmem_shared>>) target_semaphore(%run_scoped3A : memref<!tpu.dma_semaphore, #tpu.memory_space<semaphore_mem>>)
      %dma_wait3A_107 = arith.constant 0 : i32
      %dma_wait3A_108 = tpu.memref_slice %arg11[%add3A_18, %dma_wait3A_107] : memref<10240x128xf32, #tpu.memory_space<vmem_shared>> -> memref<128x128xf32, #tpu.memory_space<vmem_shared>>
      %dma_wait3A_109 = arith.constant 0 : i32
      %dma_wait3A_110 = tpu.memref_slice %arg11[%add3A_18, %dma_wait3A_109] : memref<10240x128xf32, #tpu.memory_space<vmem_shared>> -> memref<128x128xf32, #tpu.memory_space<vmem_shared>>
      tpu.wait_dma2 semaphore(%run_scoped3A : memref<!tpu.dma_semaphore, #tpu.memory_space<semaphore_mem>>) src(%arg9 : memref<128x128xf32, #tpu.memory_space<vmem>>) dst(%dma_wait3A_110 : memref<128x128xf32, #tpu.memory_space<vmem_shared>>)
      tpu.yield
    }) : () -> ()
    %barrier3A = arith.constant 0 : index
    tpu.barrier barrier_id(%barrier3A)
    %dma_start3A = arith.constant 0 : i32
    %dma_start3A_19 = arith.constant 0 : i32
    %dma_start3A_20 = arith.constant 0 : i32
    %dma_start3A_21 = arith.constant 0 : i32
    %dma_start3A_22 = tpu.memref_slice %arg2[%add3A, %dma_start3A_19, %dma_start3A_20, %dma_start3A_21] : memref<32x164x2x128xi32, #tpu.memory_space<hbm>> -> memref<1x164x2x128xi32, #tpu.memory_space<hbm>>
    %dma_start3A_23 = tpu.memref_squeeze %dma_start3A_22 : memref<1x164x2x128xi32, #tpu.memory_space<hbm>> -> memref<164x2x128xi32, #tpu.memory_space<hbm>>
    %dma_start3A_24 = arith.constant 0 : i32
    %dma_start3A_25 = arith.constant 0 : i32
    %dma_start3A_26 = tpu.memref_slice %dma_start3A_23[%dma_start3A, %dma_start3A_24, %dma_start3A_25] : memref<164x2x128xi32, #tpu.memory_space<hbm>> -> memref<1x2x128xi32, #tpu.memory_space<hbm>>
    %dma_start3A_27 = tpu.memref_squeeze %dma_start3A_26 : memref<1x2x128xi32, #tpu.memory_space<hbm>> -> memref<2x128xi32, #tpu.memory_space<hbm>>
    %dma_start3A_28 = arith.constant 0 : i32
    %dma_start3A_29 = arith.constant 0 : i32
    %dma_start3A_30 = arith.constant 0 : i32
    %dma_start3A_31 = tpu.memref_slice %arg2[%add3A, %dma_start3A_28, %dma_start3A_29, %dma_start3A_30] : memref<32x164x2x128xi32, #tpu.memory_space<hbm>> -> memref<1x164x2x128xi32, #tpu.memory_space<hbm>>
    %dma_start3A_32 = tpu.memref_squeeze %dma_start3A_31 : memref<1x164x2x128xi32, #tpu.memory_space<hbm>> -> memref<164x2x128xi32, #tpu.memory_space<hbm>>
    %dma_start3A_33 = arith.constant 0 : i32
    %dma_start3A_34 = arith.constant 0 : i32
    %dma_start3A_35 = tpu.memref_slice %dma_start3A_32[%dma_start3A, %dma_start3A_33, %dma_start3A_34] : memref<164x2x128xi32, #tpu.memory_space<hbm>> -> memref<1x2x128xi32, #tpu.memory_space<hbm>>
    %dma_start3A_36 = tpu.memref_squeeze %dma_start3A_35 : memref<1x2x128xi32, #tpu.memory_space<hbm>> -> memref<2x128xi32, #tpu.memory_space<hbm>>
    tpu.enqueue_dma source(%dma_start3A_36 : memref<2x128xi32, #tpu.memory_space<hbm>>) target(%arg5 : memref<2x128xi32, #tpu.memory_space<vmem>>) target_semaphore(%arg12 : memref<!tpu.dma_semaphore, #tpu.memory_space<semaphore_mem>>)
    %dma_wait3A = arith.constant 0 : i32
    %dma_wait3A_37 = arith.constant 0 : i32
    %dma_wait3A_38 = arith.constant 0 : i32
    %dma_wait3A_39 = arith.constant 0 : i32
    %dma_wait3A_40 = tpu.memref_slice %arg2[%add3A, %dma_wait3A_37, %dma_wait3A_38, %dma_wait3A_39] : memref<32x164x2x128xi32, #tpu.memory_space<hbm>> -> memref<1x164x2x128xi32, #tpu.memory_space<hbm>>
    %dma_wait3A_41 = tpu.memref_squeeze %dma_wait3A_40 : memref<1x164x2x128xi32, #tpu.memory_space<hbm>> -> memref<164x2x128xi32, #tpu.memory_space<hbm>>
    %dma_wait3A_42 = arith.constant 0 : i32
    %dma_wait3A_43 = arith.constant 0 : i32
    %dma_wait3A_44 = tpu.memref_slice %dma_wait3A_41[%dma_wait3A, %dma_wait3A_42, %dma_wait3A_43] : memref<164x2x128xi32, #tpu.memory_space<hbm>> -> memref<1x2x128xi32, #tpu.memory_space<hbm>>
    %dma_wait3A_45 = tpu.memref_squeeze %dma_wait3A_44 : memref<1x2x128xi32, #tpu.memory_space<hbm>> -> memref<2x128xi32, #tpu.memory_space<hbm>>
    %dma_wait3A_46 = arith.constant 0 : i32
    %dma_wait3A_47 = arith.constant 0 : i32
    %dma_wait3A_48 = arith.constant 0 : i32
    %dma_wait3A_49 = tpu.memref_slice %arg2[%add3A, %dma_wait3A_46, %dma_wait3A_47, %dma_wait3A_48] : memref<32x164x2x128xi32, #tpu.memory_space<hbm>> -> memref<1x164x2x128xi32, #tpu.memory_space<hbm>>
    %dma_wait3A_50 = tpu.memref_squeeze %dma_wait3A_49 : memref<1x164x2x128xi32, #tpu.memory_space<hbm>> -> memref<164x2x128xi32, #tpu.memory_space<hbm>>
    %dma_wait3A_51 = arith.constant 0 : i32
    %dma_wait3A_52 = arith.constant 0 : i32
    %dma_wait3A_53 = tpu.memref_slice %dma_wait3A_50[%dma_wait3A, %dma_wait3A_51, %dma_wait3A_52] : memref<164x2x128xi32, #tpu.memory_space<hbm>> -> memref<1x2x128xi32, #tpu.memory_space<hbm>>
    %dma_wait3A_54 = tpu.memref_squeeze %dma_wait3A_53 : memref<1x2x128xi32, #tpu.memory_space<hbm>> -> memref<2x128xi32, #tpu.memory_space<hbm>>
    tpu.wait_dma2 semaphore(%arg12 : memref<!tpu.dma_semaphore, #tpu.memory_space<semaphore_mem>>) src(%dma_wait3A_54 : memref<2x128xi32, #tpu.memory_space<hbm>>) dst(%arg5 : memref<2x128xi32, #tpu.memory_space<vmem>>)
    %dma_start3A_55 = arith.constant 1 : i32
    %dma_start3A_56 = arith.constant 0 : i32
    %dma_start3A_57 = arith.constant 0 : i32
    %dma_start3A_58 = arith.constant 0 : i32
    %dma_start3A_59 = tpu.memref_slice %arg2[%add3A, %dma_start3A_56, %dma_start3A_57, %dma_start3A_58] : memref<32x164x2x128xi32, #tpu.memory_space<hbm>> -> memref<1x164x2x128xi32, #tpu.memory_space<hbm>>
    %dma_start3A_60 = tpu.memref_squeeze %dma_start3A_59 : memref<1x164x2x128xi32, #tpu.memory_space<hbm>> -> memref<164x2x128xi32, #tpu.memory_space<hbm>>
    %dma_start3A_61 = arith.constant 0 : i32
    %dma_start3A_62 = arith.constant 0 : i32
    %dma_start3A_63 = tpu.memref_slice %dma_start3A_60[%dma_start3A_55, %dma_start3A_61, %dma_start3A_62] : memref<164x2x128xi32, #tpu.memory_space<hbm>> -> memref<1x2x128xi32, #tpu.memory_space<hbm>>
    %dma_start3A_64 = tpu.memref_squeeze %dma_start3A_63 : memref<1x2x128xi32, #tpu.memory_space<hbm>> -> memref<2x128xi32, #tpu.memory_space<hbm>>
    %dma_start3A_65 = arith.constant 0 : i32
    %dma_start3A_66 = arith.constant 0 : i32
    %dma_start3A_67 = arith.constant 0 : i32
    %dma_start3A_68 = tpu.memref_slice %arg2[%add3A, %dma_start3A_65, %dma_start3A_66, %dma_start3A_67] : memref<32x164x2x128xi32, #tpu.memory_space<hbm>> -> memref<1x164x2x128xi32, #tpu.memory_space<hbm>>
    %dma_start3A_69 = tpu.memref_squeeze %dma_start3A_68 : memref<1x164x2x128xi32, #tpu.memory_space<hbm>> -> memref<164x2x128xi32, #tpu.memory_space<hbm>>
    %dma_start3A_70 = arith.constant 0 : i32
    %dma_start3A_71 = arith.constant 0 : i32
    %dma_start3A_72 = tpu.memref_slice %dma_start3A_69[%dma_start3A_55, %dma_start3A_70, %dma_start3A_71] : memref<164x2x128xi32, #tpu.memory_space<hbm>> -> memref<1x2x128xi32, #tpu.memory_space<hbm>>
    %dma_start3A_73 = tpu.memref_squeeze %dma_start3A_72 : memref<1x2x128xi32, #tpu.memory_space<hbm>> -> memref<2x128xi32, #tpu.memory_space<hbm>>
    tpu.enqueue_dma source(%dma_start3A_73 : memref<2x128xi32, #tpu.memory_space<hbm>>) target(%arg6 : memref<2x128xi32, #tpu.memory_space<vmem>>) target_semaphore(%arg13 : memref<!tpu.dma_semaphore, #tpu.memory_space<semaphore_mem>>)
    %dma_start3A_74 = arith.constant 0 : i32
    %dma_start3A_75 = arith.constant 0 : i32
    %dma_start3A_76 = tpu.memref_slice %arg5[%dma_start3A_74, %dma_start3A_75] : memref<2x128xi32, #tpu.memory_space<vmem>> -> memref<1x128xi32, #tpu.memory_space<vmem>>
    %dma_start3A_77 = tpu.memref_squeeze %dma_start3A_76 : memref<1x128xi32, #tpu.memory_space<vmem>> -> memref<128xi32, #tpu.memory_space<vmem>>
    %dma_start3A_78 = arith.constant 0 : i32
    %dma_start3A_79 = arith.constant 0 : i32
    %dma_start3A_80 = tpu.memref_slice %arg3[%dma_start3A_78, %dma_start3A_79] : memref<20480x128xf32, #tpu.memory_space<hbm>> -> memref<20480x128xf32, #tpu.memory_space<hbm>>
    tpu.enqueue_indirect_dma source(%dma_start3A_80 : memref<20480x128xf32, #tpu.memory_space<hbm>>) target(%arg9 : memref<128x128xf32, #tpu.memory_space<vmem>>) offsets(%dma_start3A_77 : memref<128xi32, #tpu.memory_space<vmem>>) semaphore(%arg16 : memref<!tpu.dma_semaphore, #tpu.memory_space<semaphore_mem>>)
    %scan3A_81 = arith.constant 0 : i32
    %scan3A_82 = arith.constant 0 : i32
    %scan3A_83 = arith.constant 41 : i32
    %scan3A_84 = arith.addi %scan3A_82, %scan3A_83 : i32
    %scan3A_85 = arith.constant 1 : i32
    scf.for %scan3A_103 = %scan3A_82 to %scan3A_84 step %scan3A_85  : i32 {
      %mul3A_104 = arith.constant 4 : i32
      %mul3A_105 = arith.muli %scan3A_103, %mul3A_104 : i32
      %add3A_106 = arith.constant 0 : i32
      %add3A_107 = arith.addi %mul3A_105, %add3A_106 : i32
      %add3A_108 = arith.constant 2 : i32
      %add3A_109 = arith.addi %add3A_107, %add3A_108 : i32
      %lt3A = arith.constant 164 : i32
      %lt3A_110 = arith.cmpi slt, %add3A_109, %lt3A : i32
      %convert_element_type3A = arith.extui %lt3A_110 : i1 to i32
      %cond3A = arith.constant 0 : i32
      %cond3A_111 = arith.cmpi ne, %convert_element_type3A, %cond3A : i32
      scf.if %cond3A_111 {
        %add3A_219 = arith.constant 2 : i32
        %add3A_220 = arith.addi %add3A_107, %add3A_219 : i32
        %dma_start3A_221 = arith.constant 0 : i32
        %dma_start3A_222 = arith.constant 0 : i32
        %dma_start3A_223 = arith.constant 0 : i32
        %dma_start3A_224 = tpu.memref_slice %arg2[%add3A, %dma_start3A_221, %dma_start3A_222, %dma_start3A_223] : memref<32x164x2x128xi32, #tpu.memory_space<hbm>> -> memref<1x164x2x128xi32, #tpu.memory_space<hbm>>
        %dma_start3A_225 = tpu.memref_squeeze %dma_start3A_224 : memref<1x164x2x128xi32, #tpu.memory_space<hbm>> -> memref<164x2x128xi32, #tpu.memory_space<hbm>>
        %dma_start3A_226 = arith.constant 0 : i32
        %dma_start3A_227 = arith.constant 0 : i32
        %dma_start3A_228 = tpu.memref_slice %dma_start3A_225[%add3A_220, %dma_start3A_226, %dma_start3A_227] : memref<164x2x128xi32, #tpu.memory_space<hbm>> -> memref<1x2x128xi32, #tpu.memory_space<hbm>>
        %dma_start3A_229 = tpu.memref_squeeze %dma_start3A_228 : memref<1x2x128xi32, #tpu.memory_space<hbm>> -> memref<2x128xi32, #tpu.memory_space<hbm>>
        %dma_start3A_230 = arith.constant 0 : i32
        %dma_start3A_231 = arith.constant 0 : i32
        %dma_start3A_232 = arith.constant 0 : i32
        %dma_start3A_233 = tpu.memref_slice %arg2[%add3A, %dma_start3A_230, %dma_start3A_231, %dma_start3A_232] : memref<32x164x2x128xi32, #tpu.memory_space<hbm>> -> memref<1x164x2x128xi32, #tpu.memory_space<hbm>>
        %dma_start3A_234 = tpu.memref_squeeze %dma_start3A_233 : memref<1x164x2x128xi32, #tpu.memory_space<hbm>> -> memref<164x2x128xi32, #tpu.memory_space<hbm>>
        %dma_start3A_235 = arith.constant 0 : i32
        %dma_start3A_236 = arith.constant 0 : i32
        %dma_start3A_237 = tpu.memref_slice %dma_start3A_234[%add3A_220, %dma_start3A_235, %dma_start3A_236] : memref<164x2x128xi32, #tpu.memory_space<hbm>> -> memref<1x2x128xi32, #tpu.memory_space<hbm>>
        %dma_start3A_238 = tpu.memref_squeeze %dma_start3A_237 : memref<1x2x128xi32, #tpu.memory_space<hbm>> -> memref<2x128xi32, #tpu.memory_space<hbm>>
        tpu.enqueue_dma source(%dma_start3A_238 : memref<2x128xi32, #tpu.memory_space<hbm>>) target(%arg7 : memref<2x128xi32, #tpu.memory_space<vmem>>) target_semaphore(%arg14 : memref<!tpu.dma_semaphore, #tpu.memory_space<semaphore_mem>>)
      } else {
      }
      %dma_wait3A_112 = arith.constant 0 : i32
      %dma_wait3A_113 = arith.constant 0 : i32
      %dma_wait3A_114 = tpu.memref_slice %arg3[%dma_wait3A_112, %dma_wait3A_113] : memref<20480x128xf32, #tpu.memory_space<hbm>> -> memref<128x128xf32, #tpu.memory_space<hbm>>
      %dma_wait3A_115 = arith.constant 0 : i32
      %dma_wait3A_116 = arith.constant 0 : i32
      %dma_wait3A_117 = tpu.memref_slice %arg3[%dma_wait3A_115, %dma_wait3A_116] : memref<20480x128xf32, #tpu.memory_space<hbm>> -> memref<128x128xf32, #tpu.memory_space<hbm>>
      tpu.wait_dma2 semaphore(%arg16 : memref<!tpu.dma_semaphore, #tpu.memory_space<semaphore_mem>>) src(%dma_wait3A_117 : memref<128x128xf32, #tpu.memory_space<hbm>>) dst(%arg9 : memref<128x128xf32, #tpu.memory_space<vmem>>)
      %add3A_118 = arith.constant 1 : i32
      %add3A_119 = arith.addi %add3A_107, %add3A_118 : i32
      %lt3A_120 = arith.constant 164 : i32
      %lt3A_121 = arith.cmpi slt, %add3A_119, %lt3A_120 : i32
      %convert_element_type3A_122 = arith.extui %lt3A_121 : i1 to i32
      %cond3A_123 = arith.constant 0 : i32
      %cond3A_124 = arith.cmpi ne, %convert_element_type3A_122, %cond3A_123 : i32
      scf.if %cond3A_124 {
        %dma_wait3A_219 = arith.constant 0 : i32
        %dma_wait3A_220 = arith.constant 0 : i32
        %dma_wait3A_221 = arith.constant 0 : i32
        %dma_wait3A_222 = arith.constant 0 : i32
        %dma_wait3A_223 = tpu.memref_slice %arg2[%add3A, %dma_wait3A_220, %dma_wait3A_221, %dma_wait3A_222] : memref<32x164x2x128xi32, #tpu.memory_space<hbm>> -> memref<1x164x2x128xi32, #tpu.memory_space<hbm>>
        %dma_wait3A_224 = tpu.memref_squeeze %dma_wait3A_223 : memref<1x164x2x128xi32, #tpu.memory_space<hbm>> -> memref<164x2x128xi32, #tpu.memory_space<hbm>>
        %dma_wait3A_225 = arith.constant 0 : i32
        %dma_wait3A_226 = arith.constant 0 : i32
        %dma_wait3A_227 = tpu.memref_slice %dma_wait3A_224[%dma_wait3A_219, %dma_wait3A_225, %dma_wait3A_226] : memref<164x2x128xi32, #tpu.memory_space<hbm>> -> memref<1x2x128xi32, #tpu.memory_space<hbm>>
        %dma_wait3A_228 = tpu.memref_squeeze %dma_wait3A_227 : memref<1x2x128xi32, #tpu.memory_space<hbm>> -> memref<2x128xi32, #tpu.memory_space<hbm>>
        %dma_wait3A_229 = arith.constant 0 : i32
        %dma_wait3A_230 = arith.constant 0 : i32
        %dma_wait3A_231 = arith.constant 0 : i32
        %dma_wait3A_232 = tpu.memref_slice %arg2[%add3A, %dma_wait3A_229, %dma_wait3A_230, %dma_wait3A_231] : memref<32x164x2x128xi32, #tpu.memory_space<hbm>> -> memref<1x164x2x128xi32, #tpu.memory_space<hbm>>
        %dma_wait3A_233 = tpu.memref_squeeze %dma_wait3A_232 : memref<1x164x2x128xi32, #tpu.memory_space<hbm>> -> memref<164x2x128xi32, #tpu.memory_space<hbm>>
        %dma_wait3A_234 = arith.constant 0 : i32
        %dma_wait3A_235 = arith.constant 0 : i32
        %dma_wait3A_236 = tpu.memref_slice %dma_wait3A_233[%dma_wait3A_219, %dma_wait3A_234, %dma_wait3A_235] : memref<164x2x128xi32, #tpu.memory_space<hbm>> -> memref<1x2x128xi32, #tpu.memory_space<hbm>>
        %dma_wait3A_237 = tpu.memref_squeeze %dma_wait3A_236 : memref<1x2x128xi32, #tpu.memory_space<hbm>> -> memref<2x128xi32, #tpu.memory_space<hbm>>
        tpu.wait_dma2 semaphore(%arg13 : memref<!tpu.dma_semaphore, #tpu.memory_space<semaphore_mem>>) src(%dma_wait3A_237 : memref<2x128xi32, #tpu.memory_space<hbm>>) dst(%arg6 : memref<2x128xi32, #tpu.memory_space<vmem>>)
        %ge3A = arith.constant 1 : i32
        %ge3A_238 = arith.cmpi sge, %add3A_107, %ge3A : i32
        %convert_element_type3A_239 = arith.extui %ge3A_238 : i1 to i32
        %cond3A_240 = arith.constant 0 : i32
        %cond3A_241 = arith.cmpi ne, %convert_element_type3A_239, %cond3A_240 : i32
        scf.if %cond3A_241 {
          %dma_wait3A_249 = arith.constant 0 : i32
          %dma_wait3A_250 = arith.constant 0 : i32
          %dma_wait3A_251 = tpu.memref_slice %arg11[%dma_wait3A_249, %dma_wait3A_250] : memref<10240x128xf32, #tpu.memory_space<vmem_shared>> -> memref<128x128xf32, #tpu.memory_space<vmem_shared>>
          %dma_wait3A_252 = arith.constant 0 : i32
          %dma_wait3A_253 = arith.constant 0 : i32
          %dma_wait3A_254 = tpu.memref_slice %arg11[%dma_wait3A_252, %dma_wait3A_253] : memref<10240x128xf32, #tpu.memory_space<vmem_shared>> -> memref<128x128xf32, #tpu.memory_space<vmem_shared>>
          tpu.wait_dma2 semaphore(%arg19 : memref<!tpu.dma_semaphore, #tpu.memory_space<semaphore_mem>>) src(%arg10 : memref<128x128xf32, #tpu.memory_space<vmem>>) dst(%dma_wait3A_254 : memref<128x128xf32, #tpu.memory_space<vmem_shared>>)
        } else {
        }
        %dma_start3A_242 = arith.constant 0 : i32
        %dma_start3A_243 = arith.constant 0 : i32
        %dma_start3A_244 = tpu.memref_slice %arg6[%dma_start3A_242, %dma_start3A_243] : memref<2x128xi32, #tpu.memory_space<vmem>> -> memref<1x128xi32, #tpu.memory_space<vmem>>
        %dma_start3A_245 = tpu.memref_squeeze %dma_start3A_244 : memref<1x128xi32, #tpu.memory_space<vmem>> -> memref<128xi32, #tpu.memory_space<vmem>>
        %dma_start3A_246 = arith.constant 0 : i32
        %dma_start3A_247 = arith.constant 0 : i32
        %dma_start3A_248 = tpu.memref_slice %arg3[%dma_start3A_246, %dma_start3A_247] : memref<20480x128xf32, #tpu.memory_space<hbm>> -> memref<20480x128xf32, #tpu.memory_space<hbm>>
        tpu.enqueue_indirect_dma source(%dma_start3A_248 : memref<20480x128xf32, #tpu.memory_space<hbm>>) target(%arg10 : memref<128x128xf32, #tpu.memory_space<vmem>>) offsets(%dma_start3A_245 : memref<128xi32, #tpu.memory_space<vmem>>) semaphore(%arg17 : memref<!tpu.dma_semaphore, #tpu.memory_space<semaphore_mem>>)
      } else {
      }
      %dma_start3A_125 = arith.constant 1 : i32
      %dma_start3A_126 = arith.constant 0 : i32
      %dma_start3A_127 = tpu.memref_slice %arg5[%dma_start3A_125, %dma_start3A_126] : memref<2x128xi32, #tpu.memory_space<vmem>> -> memref<1x128xi32, #tpu.memory_space<vmem>>
      %dma_start3A_128 = tpu.memref_squeeze %dma_start3A_127 : memref<1x128xi32, #tpu.memory_space<vmem>> -> memref<128xi32, #tpu.memory_space<vmem>>
      %dma_start3A_129 = arith.constant 0 : i32
      %dma_start3A_130 = arith.constant 0 : i32
      %dma_start3A_131 = tpu.memref_slice %arg11[%dma_start3A_129, %dma_start3A_130] : memref<10240x128xf32, #tpu.memory_space<vmem_shared>> -> memref<10240x128xf32, #tpu.memory_space<vmem_shared>>
      tpu.enqueue_indirect_dma source(%arg9 : memref<128x128xf32, #tpu.memory_space<vmem>>) target(%dma_start3A_131 : memref<10240x128xf32, #tpu.memory_space<vmem_shared>>) offsets(%dma_start3A_128 : memref<128xi32, #tpu.memory_space<vmem>>) semaphore(%arg18 : memref<!tpu.dma_semaphore, #tpu.memory_space<semaphore_mem>>) {add = true}
      %add3A_132 = arith.constant 1 : i32
      %add3A_133 = arith.addi %mul3A_105, %add3A_132 : i32
      %add3A_134 = arith.constant 2 : i32
      %add3A_135 = arith.addi %add3A_133, %add3A_134 : i32
      %lt3A_136 = arith.constant 164 : i32
      %lt3A_137 = arith.cmpi slt, %add3A_135, %lt3A_136 : i32
      %convert_element_type3A_138 = arith.extui %lt3A_137 : i1 to i32
      %cond3A_139 = arith.constant 0 : i32
      %cond3A_140 = arith.cmpi ne, %convert_element_type3A_138, %cond3A_139 : i32
      scf.if %cond3A_140 {
        %add3A_219 = arith.constant 2 : i32
        %add3A_220 = arith.addi %add3A_133, %add3A_219 : i32
        %dma_start3A_221 = arith.constant 0 : i32
        %dma_start3A_222 = arith.constant 0 : i32
        %dma_start3A_223 = arith.constant 0 : i32
        %dma_start3A_224 = tpu.memref_slice %arg2[%add3A, %dma_start3A_221, %dma_start3A_222, %dma_start3A_223] : memref<32x164x2x128xi32, #tpu.memory_space<hbm>> -> memref<1x164x2x128xi32, #tpu.memory_space<hbm>>
        %dma_start3A_225 = tpu.memref_squeeze %dma_start3A_224 : memref<1x164x2x128xi32, #tpu.memory_space<hbm>> -> memref<164x2x128xi32, #tpu.memory_space<hbm>>
        %dma_start3A_226 = arith.constant 0 : i32
        %dma_start3A_227 = arith.constant 0 : i32
        %dma_start3A_228 = tpu.memref_slice %dma_start3A_225[%add3A_220, %dma_start3A_226, %dma_start3A_227] : memref<164x2x128xi32, #tpu.memory_space<hbm>> -> memref<1x2x128xi32, #tpu.memory_space<hbm>>
        %dma_start3A_229 = tpu.memref_squeeze %dma_start3A_228 : memref<1x2x128xi32, #tpu.memory_space<hbm>> -> memref<2x128xi32, #tpu.memory_space<hbm>>
        %dma_start3A_230 = arith.constant 0 : i32
        %dma_start3A_231 = arith.constant 0 : i32
        %dma_start3A_232 = arith.constant 0 : i32
        %dma_start3A_233 = tpu.memref_slice %arg2[%add3A, %dma_start3A_230, %dma_start3A_231, %dma_start3A_232] : memref<32x164x2x128xi32, #tpu.memory_space<hbm>> -> memref<1x164x2x128xi32, #tpu.memory_space<hbm>>
        %dma_start3A_234 = tpu.memref_squeeze %dma_start3A_233 : memref<1x164x2x128xi32, #tpu.memory_space<hbm>> -> memref<164x2x128xi32, #tpu.memory_space<hbm>>
        %dma_start3A_235 = arith.constant 0 : i32
        %dma_start3A_236 = arith.constant 0 : i32
        %dma_start3A_237 = tpu.memref_slice %dma_start3A_234[%add3A_220, %dma_start3A_235, %dma_start3A_236] : memref<164x2x128xi32, #tpu.memory_space<hbm>> -> memref<1x2x128xi32, #tpu.memory_space<hbm>>
        %dma_start3A_238 = tpu.memref_squeeze %dma_start3A_237 : memref<1x2x128xi32, #tpu.memory_space<hbm>> -> memref<2x128xi32, #tpu.memory_space<hbm>>
        tpu.enqueue_dma source(%dma_start3A_238 : memref<2x128xi32, #tpu.memory_space<hbm>>) target(%arg8 : memref<2x128xi32, #tpu.memory_space<vmem>>) target_semaphore(%arg15 : memref<!tpu.dma_semaphore, #tpu.memory_space<semaphore_mem>>)
      } else {
      }
      %dma_wait3A_141 = arith.constant 0 : i32
      %dma_wait3A_142 = arith.constant 0 : i32
      %dma_wait3A_143 = tpu.memref_slice %arg3[%dma_wait3A_141, %dma_wait3A_142] : memref<20480x128xf32, #tpu.memory_space<hbm>> -> memref<128x128xf32, #tpu.memory_space<hbm>>
      %dma_wait3A_144 = arith.constant 0 : i32
      %dma_wait3A_145 = arith.constant 0 : i32
      %dma_wait3A_146 = tpu.memref_slice %arg3[%dma_wait3A_144, %dma_wait3A_145] : memref<20480x128xf32, #tpu.memory_space<hbm>> -> memref<128x128xf32, #tpu.memory_space<hbm>>
      tpu.wait_dma2 semaphore(%arg17 : memref<!tpu.dma_semaphore, #tpu.memory_space<semaphore_mem>>) src(%dma_wait3A_146 : memref<128x128xf32, #tpu.memory_space<hbm>>) dst(%arg10 : memref<128x128xf32, #tpu.memory_space<vmem>>)
      %add3A_147 = arith.constant 1 : i32
      %add3A_148 = arith.addi %add3A_133, %add3A_147 : i32
      %lt3A_149 = arith.constant 164 : i32
      %lt3A_150 = arith.cmpi slt, %add3A_148, %lt3A_149 : i32
      %convert_element_type3A_151 = arith.extui %lt3A_150 : i1 to i32
      %cond3A_152 = arith.constant 0 : i32
      %cond3A_153 = arith.cmpi ne, %convert_element_type3A_151, %cond3A_152 : i32
      scf.if %cond3A_153 {
        %dma_wait3A_219 = arith.constant 0 : i32
        %dma_wait3A_220 = arith.constant 0 : i32
        %dma_wait3A_221 = arith.constant 0 : i32
        %dma_wait3A_222 = arith.constant 0 : i32
        %dma_wait3A_223 = tpu.memref_slice %arg2[%add3A, %dma_wait3A_220, %dma_wait3A_221, %dma_wait3A_222] : memref<32x164x2x128xi32, #tpu.memory_space<hbm>> -> memref<1x164x2x128xi32, #tpu.memory_space<hbm>>
        %dma_wait3A_224 = tpu.memref_squeeze %dma_wait3A_223 : memref<1x164x2x128xi32, #tpu.memory_space<hbm>> -> memref<164x2x128xi32, #tpu.memory_space<hbm>>
        %dma_wait3A_225 = arith.constant 0 : i32
        %dma_wait3A_226 = arith.constant 0 : i32
        %dma_wait3A_227 = tpu.memref_slice %dma_wait3A_224[%dma_wait3A_219, %dma_wait3A_225, %dma_wait3A_226] : memref<164x2x128xi32, #tpu.memory_space<hbm>> -> memref<1x2x128xi32, #tpu.memory_space<hbm>>
        %dma_wait3A_228 = tpu.memref_squeeze %dma_wait3A_227 : memref<1x2x128xi32, #tpu.memory_space<hbm>> -> memref<2x128xi32, #tpu.memory_space<hbm>>
        %dma_wait3A_229 = arith.constant 0 : i32
        %dma_wait3A_230 = arith.constant 0 : i32
        %dma_wait3A_231 = arith.constant 0 : i32
        %dma_wait3A_232 = tpu.memref_slice %arg2[%add3A, %dma_wait3A_229, %dma_wait3A_230, %dma_wait3A_231] : memref<32x164x2x128xi32, #tpu.memory_space<hbm>> -> memref<1x164x2x128xi32, #tpu.memory_space<hbm>>
        %dma_wait3A_233 = tpu.memref_squeeze %dma_wait3A_232 : memref<1x164x2x128xi32, #tpu.memory_space<hbm>> -> memref<164x2x128xi32, #tpu.memory_space<hbm>>
        %dma_wait3A_234 = arith.constant 0 : i32
        %dma_wait3A_235 = arith.constant 0 : i32
        %dma_wait3A_236 = tpu.memref_slice %dma_wait3A_233[%dma_wait3A_219, %dma_wait3A_234, %dma_wait3A_235] : memref<164x2x128xi32, #tpu.memory_space<hbm>> -> memref<1x2x128xi32, #tpu.memory_space<hbm>>
        %dma_wait3A_237 = tpu.memref_squeeze %dma_wait3A_236 : memref<1x2x128xi32, #tpu.memory_space<hbm>> -> memref<2x128xi32, #tpu.memory_space<hbm>>
        tpu.wait_dma2 semaphore(%arg14 : memref<!tpu.dma_semaphore, #tpu.memory_space<semaphore_mem>>) src(%dma_wait3A_237 : memref<2x128xi32, #tpu.memory_space<hbm>>) dst(%arg7 : memref<2x128xi32, #tpu.memory_space<vmem>>)
        %ge3A = arith.constant 1 : i32
        %ge3A_238 = arith.cmpi sge, %add3A_133, %ge3A : i32
        %convert_element_type3A_239 = arith.extui %ge3A_238 : i1 to i32
        %cond3A_240 = arith.constant 0 : i32
        %cond3A_241 = arith.cmpi ne, %convert_element_type3A_239, %cond3A_240 : i32
        scf.if %cond3A_241 {
          %dma_wait3A_249 = arith.constant 0 : i32
          %dma_wait3A_250 = arith.constant 0 : i32
          %dma_wait3A_251 = tpu.memref_slice %arg11[%dma_wait3A_249, %dma_wait3A_250] : memref<10240x128xf32, #tpu.memory_space<vmem_shared>> -> memref<128x128xf32, #tpu.memory_space<vmem_shared>>
          %dma_wait3A_252 = arith.constant 0 : i32
          %dma_wait3A_253 = arith.constant 0 : i32
          %dma_wait3A_254 = tpu.memref_slice %arg11[%dma_wait3A_252, %dma_wait3A_253] : memref<10240x128xf32, #tpu.memory_space<vmem_shared>> -> memref<128x128xf32, #tpu.memory_space<vmem_shared>>
          tpu.wait_dma2 semaphore(%arg18 : memref<!tpu.dma_semaphore, #tpu.memory_space<semaphore_mem>>) src(%arg9 : memref<128x128xf32, #tpu.memory_space<vmem>>) dst(%dma_wait3A_254 : memref<128x128xf32, #tpu.memory_space<vmem_shared>>)
        } else {
        }
        %dma_start3A_242 = arith.constant 0 : i32
        %dma_start3A_243 = arith.constant 0 : i32
        %dma_start3A_244 = tpu.memref_slice %arg7[%dma_start3A_242, %dma_start3A_243] : memref<2x128xi32, #tpu.memory_space<vmem>> -> memref<1x128xi32, #tpu.memory_space<vmem>>
        %dma_start3A_245 = tpu.memref_squeeze %dma_start3A_244 : memref<1x128xi32, #tpu.memory_space<vmem>> -> memref<128xi32, #tpu.memory_space<vmem>>
        %dma_start3A_246 = arith.constant 0 : i32
        %dma_start3A_247 = arith.constant 0 : i32
        %dma_start3A_248 = tpu.memref_slice %arg3[%dma_start3A_246, %dma_start3A_247] : memref<20480x128xf32, #tpu.memory_space<hbm>> -> memref<20480x128xf32, #tpu.memory_space<hbm>>
        tpu.enqueue_indirect_dma source(%dma_start3A_248 : memref<20480x128xf32, #tpu.memory_space<hbm>>) target(%arg9 : memref<128x128xf32, #tpu.memory_space<vmem>>) offsets(%dma_start3A_245 : memref<128xi32, #tpu.memory_space<vmem>>) semaphore(%arg16 : memref<!tpu.dma_semaphore, #tpu.memory_space<semaphore_mem>>)
      } else {
      }
      %dma_start3A_154 = arith.constant 1 : i32
      %dma_start3A_155 = arith.constant 0 : i32
      %dma_start3A_156 = tpu.memref_slice %arg6[%dma_start3A_154, %dma_start3A_155] : memref<2x128xi32, #tpu.memory_space<vmem>> -> memref<1x128xi32, #tpu.memory_space<vmem>>
      %dma_start3A_157 = tpu.memref_squeeze %dma_start3A_156 : memref<1x128xi32, #tpu.memory_space<vmem>> -> memref<128xi32, #tpu.memory_space<vmem>>
      %dma_start3A_158 = arith.constant 0 : i32
      %dma_start3A_159 = arith.constant 0 : i32
      %dma_start3A_160 = tpu.memref_slice %arg11[%dma_start3A_158, %dma_start3A_159] : memref<10240x128xf32, #tpu.memory_space<vmem_shared>> -> memref<10240x128xf32, #tpu.memory_space<vmem_shared>>
      tpu.enqueue_indirect_dma source(%arg10 : memref<128x128xf32, #tpu.memory_space<vmem>>) target(%dma_start3A_160 : memref<10240x128xf32, #tpu.memory_space<vmem_shared>>) offsets(%dma_start3A_157 : memref<128xi32, #tpu.memory_space<vmem>>) semaphore(%arg19 : memref<!tpu.dma_semaphore, #tpu.memory_space<semaphore_mem>>) {add = true}
      %add3A_161 = arith.constant 2 : i32
      %add3A_162 = arith.addi %mul3A_105, %add3A_161 : i32
      %add3A_163 = arith.constant 2 : i32
      %add3A_164 = arith.addi %add3A_162, %add3A_163 : i32
      %lt3A_165 = arith.constant 164 : i32
      %lt3A_166 = arith.cmpi slt, %add3A_164, %lt3A_165 : i32
      %convert_element_type3A_167 = arith.extui %lt3A_166 : i1 to i32
      %cond3A_168 = arith.constant 0 : i32
      %cond3A_169 = arith.cmpi ne, %convert_element_type3A_167, %cond3A_168 : i32
      scf.if %cond3A_169 {
        %add3A_219 = arith.constant 2 : i32
        %add3A_220 = arith.addi %add3A_162, %add3A_219 : i32
        %dma_start3A_221 = arith.constant 0 : i32
        %dma_start3A_222 = arith.constant 0 : i32
        %dma_start3A_223 = arith.constant 0 : i32
        %dma_start3A_224 = tpu.memref_slice %arg2[%add3A, %dma_start3A_221, %dma_start3A_222, %dma_start3A_223] : memref<32x164x2x128xi32, #tpu.memory_space<hbm>> -> memref<1x164x2x128xi32, #tpu.memory_space<hbm>>
        %dma_start3A_225 = tpu.memref_squeeze %dma_start3A_224 : memref<1x164x2x128xi32, #tpu.memory_space<hbm>> -> memref<164x2x128xi32, #tpu.memory_space<hbm>>
        %dma_start3A_226 = arith.constant 0 : i32
        %dma_start3A_227 = arith.constant 0 : i32
        %dma_start3A_228 = tpu.memref_slice %dma_start3A_225[%add3A_220, %dma_start3A_226, %dma_start3A_227] : memref<164x2x128xi32, #tpu.memory_space<hbm>> -> memref<1x2x128xi32, #tpu.memory_space<hbm>>
        %dma_start3A_229 = tpu.memref_squeeze %dma_start3A_228 : memref<1x2x128xi32, #tpu.memory_space<hbm>> -> memref<2x128xi32, #tpu.memory_space<hbm>>
        %dma_start3A_230 = arith.constant 0 : i32
        %dma_start3A_231 = arith.constant 0 : i32
        %dma_start3A_232 = arith.constant 0 : i32
        %dma_start3A_233 = tpu.memref_slice %arg2[%add3A, %dma_start3A_230, %dma_start3A_231, %dma_start3A_232] : memref<32x164x2x128xi32, #tpu.memory_space<hbm>> -> memref<1x164x2x128xi32, #tpu.memory_space<hbm>>
        %dma_start3A_234 = tpu.memref_squeeze %dma_start3A_233 : memref<1x164x2x128xi32, #tpu.memory_space<hbm>> -> memref<164x2x128xi32, #tpu.memory_space<hbm>>
        %dma_start3A_235 = arith.constant 0 : i32
        %dma_start3A_236 = arith.constant 0 : i32
        %dma_start3A_237 = tpu.memref_slice %dma_start3A_234[%add3A_220, %dma_start3A_235, %dma_start3A_236] : memref<164x2x128xi32, #tpu.memory_space<hbm>> -> memref<1x2x128xi32, #tpu.memory_space<hbm>>
        %dma_start3A_238 = tpu.memref_squeeze %dma_start3A_237 : memref<1x2x128xi32, #tpu.memory_space<hbm>> -> memref<2x128xi32, #tpu.memory_space<hbm>>
        tpu.enqueue_dma source(%dma_start3A_238 : memref<2x128xi32, #tpu.memory_space<hbm>>) target(%arg5 : memref<2x128xi32, #tpu.memory_space<vmem>>) target_semaphore(%arg12 : memref<!tpu.dma_semaphore, #tpu.memory_space<semaphore_mem>>)
      } else {
      }
      %dma_wait3A_170 = arith.constant 0 : i32
      %dma_wait3A_171 = arith.constant 0 : i32
      %dma_wait3A_172 = tpu.memref_slice %arg3[%dma_wait3A_170, %dma_wait3A_171] : memref<20480x128xf32, #tpu.memory_space<hbm>> -> memref<128x128xf32, #tpu.memory_space<hbm>>
      %dma_wait3A_173 = arith.constant 0 : i32
      %dma_wait3A_174 = arith.constant 0 : i32
      %dma_wait3A_175 = tpu.memref_slice %arg3[%dma_wait3A_173, %dma_wait3A_174] : memref<20480x128xf32, #tpu.memory_space<hbm>> -> memref<128x128xf32, #tpu.memory_space<hbm>>
      tpu.wait_dma2 semaphore(%arg16 : memref<!tpu.dma_semaphore, #tpu.memory_space<semaphore_mem>>) src(%dma_wait3A_175 : memref<128x128xf32, #tpu.memory_space<hbm>>) dst(%arg9 : memref<128x128xf32, #tpu.memory_space<vmem>>)
      %add3A_176 = arith.constant 1 : i32
      %add3A_177 = arith.addi %add3A_162, %add3A_176 : i32
      %lt3A_178 = arith.constant 164 : i32
      %lt3A_179 = arith.cmpi slt, %add3A_177, %lt3A_178 : i32
      %convert_element_type3A_180 = arith.extui %lt3A_179 : i1 to i32
      %cond3A_181 = arith.constant 0 : i32
      %cond3A_182 = arith.cmpi ne, %convert_element_type3A_180, %cond3A_181 : i32
      scf.if %cond3A_182 {
        %dma_wait3A_219 = arith.constant 0 : i32
        %dma_wait3A_220 = arith.constant 0 : i32
        %dma_wait3A_221 = arith.constant 0 : i32
        %dma_wait3A_222 = arith.constant 0 : i32
        %dma_wait3A_223 = tpu.memref_slice %arg2[%add3A, %dma_wait3A_220, %dma_wait3A_221, %dma_wait3A_222] : memref<32x164x2x128xi32, #tpu.memory_space<hbm>> -> memref<1x164x2x128xi32, #tpu.memory_space<hbm>>
        %dma_wait3A_224 = tpu.memref_squeeze %dma_wait3A_223 : memref<1x164x2x128xi32, #tpu.memory_space<hbm>> -> memref<164x2x128xi32, #tpu.memory_space<hbm>>
        %dma_wait3A_225 = arith.constant 0 : i32
        %dma_wait3A_226 = arith.constant 0 : i32
        %dma_wait3A_227 = tpu.memref_slice %dma_wait3A_224[%dma_wait3A_219, %dma_wait3A_225, %dma_wait3A_226] : memref<164x2x128xi32, #tpu.memory_space<hbm>> -> memref<1x2x128xi32, #tpu.memory_space<hbm>>
        %dma_wait3A_228 = tpu.memref_squeeze %dma_wait3A_227 : memref<1x2x128xi32, #tpu.memory_space<hbm>> -> memref<2x128xi32, #tpu.memory_space<hbm>>
        %dma_wait3A_229 = arith.constant 0 : i32
        %dma_wait3A_230 = arith.constant 0 : i32
        %dma_wait3A_231 = arith.constant 0 : i32
        %dma_wait3A_232 = tpu.memref_slice %arg2[%add3A, %dma_wait3A_229, %dma_wait3A_230, %dma_wait3A_231] : memref<32x164x2x128xi32, #tpu.memory_space<hbm>> -> memref<1x164x2x128xi32, #tpu.memory_space<hbm>>
        %dma_wait3A_233 = tpu.memref_squeeze %dma_wait3A_232 : memref<1x164x2x128xi32, #tpu.memory_space<hbm>> -> memref<164x2x128xi32, #tpu.memory_space<hbm>>
        %dma_wait3A_234 = arith.constant 0 : i32
        %dma_wait3A_235 = arith.constant 0 : i32
        %dma_wait3A_236 = tpu.memref_slice %dma_wait3A_233[%dma_wait3A_219, %dma_wait3A_234, %dma_wait3A_235] : memref<164x2x128xi32, #tpu.memory_space<hbm>> -> memref<1x2x128xi32, #tpu.memory_space<hbm>>
        %dma_wait3A_237 = tpu.memref_squeeze %dma_wait3A_236 : memref<1x2x128xi32, #tpu.memory_space<hbm>> -> memref<2x128xi32, #tpu.memory_space<hbm>>
        tpu.wait_dma2 semaphore(%arg15 : memref<!tpu.dma_semaphore, #tpu.memory_space<semaphore_mem>>) src(%dma_wait3A_237 : memref<2x128xi32, #tpu.memory_space<hbm>>) dst(%arg8 : memref<2x128xi32, #tpu.memory_space<vmem>>)
        %ge3A = arith.constant 1 : i32
        %ge3A_238 = arith.cmpi sge, %add3A_162, %ge3A : i32
        %convert_element_type3A_239 = arith.extui %ge3A_238 : i1 to i32
        %cond3A_240 = arith.constant 0 : i32
        %cond3A_241 = arith.cmpi ne, %convert_element_type3A_239, %cond3A_240 : i32
        scf.if %cond3A_241 {
          %dma_wait3A_249 = arith.constant 0 : i32
          %dma_wait3A_250 = arith.constant 0 : i32
          %dma_wait3A_251 = tpu.memref_slice %arg11[%dma_wait3A_249, %dma_wait3A_250] : memref<10240x128xf32, #tpu.memory_space<vmem_shared>> -> memref<128x128xf32, #tpu.memory_space<vmem_shared>>
          %dma_wait3A_252 = arith.constant 0 : i32
          %dma_wait3A_253 = arith.constant 0 : i32
          %dma_wait3A_254 = tpu.memref_slice %arg11[%dma_wait3A_252, %dma_wait3A_253] : memref<10240x128xf32, #tpu.memory_space<vmem_shared>> -> memref<128x128xf32, #tpu.memory_space<vmem_shared>>
          tpu.wait_dma2 semaphore(%arg19 : memref<!tpu.dma_semaphore, #tpu.memory_space<semaphore_mem>>) src(%arg10 : memref<128x128xf32, #tpu.memory_space<vmem>>) dst(%dma_wait3A_254 : memref<128x128xf32, #tpu.memory_space<vmem_shared>>)
        } else {
        }
        %dma_start3A_242 = arith.constant 0 : i32
        %dma_start3A_243 = arith.constant 0 : i32
        %dma_start3A_244 = tpu.memref_slice %arg8[%dma_start3A_242, %dma_start3A_243] : memref<2x128xi32, #tpu.memory_space<vmem>> -> memref<1x128xi32, #tpu.memory_space<vmem>>
        %dma_start3A_245 = tpu.memref_squeeze %dma_start3A_244 : memref<1x128xi32, #tpu.memory_space<vmem>> -> memref<128xi32, #tpu.memory_space<vmem>>
        %dma_start3A_246 = arith.constant 0 : i32
        %dma_start3A_247 = arith.constant 0 : i32
        %dma_start3A_248 = tpu.memref_slice %arg3[%dma_start3A_246, %dma_start3A_247] : memref<20480x128xf32, #tpu.memory_space<hbm>> -> memref<20480x128xf32, #tpu.memory_space<hbm>>
        tpu.enqueue_indirect_dma source(%dma_start3A_248 : memref<20480x128xf32, #tpu.memory_space<hbm>>) target(%arg10 : memref<128x128xf32, #tpu.memory_space<vmem>>) offsets(%dma_start3A_245 : memref<128xi32, #tpu.memory_space<vmem>>) semaphore(%arg17 : memref<!tpu.dma_semaphore, #tpu.memory_space<semaphore_mem>>)
      } else {
      }
      %dma_start3A_183 = arith.constant 1 : i32
      %dma_start3A_184 = arith.constant 0 : i32
      %dma_start3A_185 = tpu.memref_slice %arg7[%dma_start3A_183, %dma_start3A_184] : memref<2x128xi32, #tpu.memory_space<vmem>> -> memref<1x128xi32, #tpu.memory_space<vmem>>
      %dma_start3A_186 = tpu.memref_squeeze %dma_start3A_185 : memref<1x128xi32, #tpu.memory_space<vmem>> -> memref<128xi32, #tpu.memory_space<vmem>>
      %dma_start3A_187 = arith.constant 0 : i32
      %dma_start3A_188 = arith.constant 0 : i32
      %dma_start3A_189 = tpu.memref_slice %arg11[%dma_start3A_187, %dma_start3A_188] : memref<10240x128xf32, #tpu.memory_space<vmem_shared>> -> memref<10240x128xf32, #tpu.memory_space<vmem_shared>>
      tpu.enqueue_indirect_dma source(%arg9 : memref<128x128xf32, #tpu.memory_space<vmem>>) target(%dma_start3A_189 : memref<10240x128xf32, #tpu.memory_space<vmem_shared>>) offsets(%dma_start3A_186 : memref<128xi32, #tpu.memory_space<vmem>>) semaphore(%arg18 : memref<!tpu.dma_semaphore, #tpu.memory_space<semaphore_mem>>) {add = true}
      %add3A_190 = arith.constant 3 : i32
      %add3A_191 = arith.addi %mul3A_105, %add3A_190 : i32
      %add3A_192 = arith.constant 2 : i32
      %add3A_193 = arith.addi %add3A_191, %add3A_192 : i32
      %lt3A_194 = arith.constant 164 : i32
      %lt3A_195 = arith.cmpi slt, %add3A_193, %lt3A_194 : i32
      %convert_element_type3A_196 = arith.extui %lt3A_195 : i1 to i32
      %cond3A_197 = arith.constant 0 : i32
      %cond3A_198 = arith.cmpi ne, %convert_element_type3A_196, %cond3A_197 : i32
      scf.if %cond3A_198 {
        %add3A_219 = arith.constant 2 : i32
        %add3A_220 = arith.addi %add3A_191, %add3A_219 : i32
        %dma_start3A_221 = arith.constant 0 : i32
        %dma_start3A_222 = arith.constant 0 : i32
        %dma_start3A_223 = arith.constant 0 : i32
        %dma_start3A_224 = tpu.memref_slice %arg2[%add3A, %dma_start3A_221, %dma_start3A_222, %dma_start3A_223] : memref<32x164x2x128xi32, #tpu.memory_space<hbm>> -> memref<1x164x2x128xi32, #tpu.memory_space<hbm>>
        %dma_start3A_225 = tpu.memref_squeeze %dma_start3A_224 : memref<1x164x2x128xi32, #tpu.memory_space<hbm>> -> memref<164x2x128xi32, #tpu.memory_space<hbm>>
        %dma_start3A_226 = arith.constant 0 : i32
        %dma_start3A_227 = arith.constant 0 : i32
        %dma_start3A_228 = tpu.memref_slice %dma_start3A_225[%add3A_220, %dma_start3A_226, %dma_start3A_227] : memref<164x2x128xi32, #tpu.memory_space<hbm>> -> memref<1x2x128xi32, #tpu.memory_space<hbm>>
        %dma_start3A_229 = tpu.memref_squeeze %dma_start3A_228 : memref<1x2x128xi32, #tpu.memory_space<hbm>> -> memref<2x128xi32, #tpu.memory_space<hbm>>
        %dma_start3A_230 = arith.constant 0 : i32
        %dma_start3A_231 = arith.constant 0 : i32
        %dma_start3A_232 = arith.constant 0 : i32
        %dma_start3A_233 = tpu.memref_slice %arg2[%add3A, %dma_start3A_230, %dma_start3A_231, %dma_start3A_232] : memref<32x164x2x128xi32, #tpu.memory_space<hbm>> -> memref<1x164x2x128xi32, #tpu.memory_space<hbm>>
        %dma_start3A_234 = tpu.memref_squeeze %dma_start3A_233 : memref<1x164x2x128xi32, #tpu.memory_space<hbm>> -> memref<164x2x128xi32, #tpu.memory_space<hbm>>
        %dma_start3A_235 = arith.constant 0 : i32
        %dma_start3A_236 = arith.constant 0 : i32
        %dma_start3A_237 = tpu.memref_slice %dma_start3A_234[%add3A_220, %dma_start3A_235, %dma_start3A_236] : memref<164x2x128xi32, #tpu.memory_space<hbm>> -> memref<1x2x128xi32, #tpu.memory_space<hbm>>
        %dma_start3A_238 = tpu.memref_squeeze %dma_start3A_237 : memref<1x2x128xi32, #tpu.memory_space<hbm>> -> memref<2x128xi32, #tpu.memory_space<hbm>>
        tpu.enqueue_dma source(%dma_start3A_238 : memref<2x128xi32, #tpu.memory_space<hbm>>) target(%arg6 : memref<2x128xi32, #tpu.memory_space<vmem>>) target_semaphore(%arg13 : memref<!tpu.dma_semaphore, #tpu.memory_space<semaphore_mem>>)
      } else {
      }
      %dma_wait3A_199 = arith.constant 0 : i32
      %dma_wait3A_200 = arith.constant 0 : i32
      %dma_wait3A_201 = tpu.memref_slice %arg3[%dma_wait3A_199, %dma_wait3A_200] : memref<20480x128xf32, #tpu.memory_space<hbm>> -> memref<128x128xf32, #tpu.memory_space<hbm>>
      %dma_wait3A_202 = arith.constant 0 : i32
      %dma_wait3A_203 = arith.constant 0 : i32
      %dma_wait3A_204 = tpu.memref_slice %arg3[%dma_wait3A_202, %dma_wait3A_203] : memref<20480x128xf32, #tpu.memory_space<hbm>> -> memref<128x128xf32, #tpu.memory_space<hbm>>
      tpu.wait_dma2 semaphore(%arg17 : memref<!tpu.dma_semaphore, #tpu.memory_space<semaphore_mem>>) src(%dma_wait3A_204 : memref<128x128xf32, #tpu.memory_space<hbm>>) dst(%arg10 : memref<128x128xf32, #tpu.memory_space<vmem>>)
      %add3A_205 = arith.constant 1 : i32
      %add3A_206 = arith.addi %add3A_191, %add3A_205 : i32
      %lt3A_207 = arith.constant 164 : i32
      %lt3A_208 = arith.cmpi slt, %add3A_206, %lt3A_207 : i32
      %convert_element_type3A_209 = arith.extui %lt3A_208 : i1 to i32
      %cond3A_210 = arith.constant 0 : i32
      %cond3A_211 = arith.cmpi ne, %convert_element_type3A_209, %cond3A_210 : i32
      scf.if %cond3A_211 {
        %dma_wait3A_219 = arith.constant 0 : i32
        %dma_wait3A_220 = arith.constant 0 : i32
        %dma_wait3A_221 = arith.constant 0 : i32
        %dma_wait3A_222 = arith.constant 0 : i32
        %dma_wait3A_223 = tpu.memref_slice %arg2[%add3A, %dma_wait3A_220, %dma_wait3A_221, %dma_wait3A_222] : memref<32x164x2x128xi32, #tpu.memory_space<hbm>> -> memref<1x164x2x128xi32, #tpu.memory_space<hbm>>
        %dma_wait3A_224 = tpu.memref_squeeze %dma_wait3A_223 : memref<1x164x2x128xi32, #tpu.memory_space<hbm>> -> memref<164x2x128xi32, #tpu.memory_space<hbm>>
        %dma_wait3A_225 = arith.constant 0 : i32
        %dma_wait3A_226 = arith.constant 0 : i32
        %dma_wait3A_227 = tpu.memref_slice %dma_wait3A_224[%dma_wait3A_219, %dma_wait3A_225, %dma_wait3A_226] : memref<164x2x128xi32, #tpu.memory_space<hbm>> -> memref<1x2x128xi32, #tpu.memory_space<hbm>>
        %dma_wait3A_228 = tpu.memref_squeeze %dma_wait3A_227 : memref<1x2x128xi32, #tpu.memory_space<hbm>> -> memref<2x128xi32, #tpu.memory_space<hbm>>
        %dma_wait3A_229 = arith.constant 0 : i32
        %dma_wait3A_230 = arith.constant 0 : i32
        %dma_wait3A_231 = arith.constant 0 : i32
        %dma_wait3A_232 = tpu.memref_slice %arg2[%add3A, %dma_wait3A_229, %dma_wait3A_230, %dma_wait3A_231] : memref<32x164x2x128xi32, #tpu.memory_space<hbm>> -> memref<1x164x2x128xi32, #tpu.memory_space<hbm>>
        %dma_wait3A_233 = tpu.memref_squeeze %dma_wait3A_232 : memref<1x164x2x128xi32, #tpu.memory_space<hbm>> -> memref<164x2x128xi32, #tpu.memory_space<hbm>>
        %dma_wait3A_234 = arith.constant 0 : i32
        %dma_wait3A_235 = arith.constant 0 : i32
        %dma_wait3A_236 = tpu.memref_slice %dma_wait3A_233[%dma_wait3A_219, %dma_wait3A_234, %dma_wait3A_235] : memref<164x2x128xi32, #tpu.memory_space<hbm>> -> memref<1x2x128xi32, #tpu.memory_space<hbm>>
        %dma_wait3A_237 = tpu.memref_squeeze %dma_wait3A_236 : memref<1x2x128xi32, #tpu.memory_space<hbm>> -> memref<2x128xi32, #tpu.memory_space<hbm>>
        tpu.wait_dma2 semaphore(%arg12 : memref<!tpu.dma_semaphore, #tpu.memory_space<semaphore_mem>>) src(%dma_wait3A_237 : memref<2x128xi32, #tpu.memory_space<hbm>>) dst(%arg5 : memref<2x128xi32, #tpu.memory_space<vmem>>)
        %ge3A = arith.constant 1 : i32
        %ge3A_238 = arith.cmpi sge, %add3A_191, %ge3A : i32
        %convert_element_type3A_239 = arith.extui %ge3A_238 : i1 to i32
        %cond3A_240 = arith.constant 0 : i32
        %cond3A_241 = arith.cmpi ne, %convert_element_type3A_239, %cond3A_240 : i32
        scf.if %cond3A_241 {
          %dma_wait3A_249 = arith.constant 0 : i32
          %dma_wait3A_250 = arith.constant 0 : i32
          %dma_wait3A_251 = tpu.memref_slice %arg11[%dma_wait3A_249, %dma_wait3A_250] : memref<10240x128xf32, #tpu.memory_space<vmem_shared>> -> memref<128x128xf32, #tpu.memory_space<vmem_shared>>
          %dma_wait3A_252 = arith.constant 0 : i32
          %dma_wait3A_253 = arith.constant 0 : i32
          %dma_wait3A_254 = tpu.memref_slice %arg11[%dma_wait3A_252, %dma_wait3A_253] : memref<10240x128xf32, #tpu.memory_space<vmem_shared>> -> memref<128x128xf32, #tpu.memory_space<vmem_shared>>
          tpu.wait_dma2 semaphore(%arg18 : memref<!tpu.dma_semaphore, #tpu.memory_space<semaphore_mem>>) src(%arg9 : memref<128x128xf32, #tpu.memory_space<vmem>>) dst(%dma_wait3A_254 : memref<128x128xf32, #tpu.memory_space<vmem_shared>>)
        } else {
        }
        %dma_start3A_242 = arith.constant 0 : i32
        %dma_start3A_243 = arith.constant 0 : i32
        %dma_start3A_244 = tpu.memref_slice %arg5[%dma_start3A_242, %dma_start3A_243] : memref<2x128xi32, #tpu.memory_space<vmem>> -> memref<1x128xi32, #tpu.memory_space<vmem>>
        %dma_start3A_245 = tpu.memref_squeeze %dma_start3A_244 : memref<1x128xi32, #tpu.memory_space<vmem>> -> memref<128xi32, #tpu.memory_space<vmem>>
        %dma_start3A_246 = arith.constant 0 : i32
        %dma_start3A_247 = arith.constant 0 : i32
        %dma_start3A_248 = tpu.memref_slice %arg3[%dma_start3A_246, %dma_start3A_247] : memref<20480x128xf32, #tpu.memory_space<hbm>> -> memref<20480x128xf32, #tpu.memory_space<hbm>>
        tpu.enqueue_indirect_dma source(%dma_start3A_248 : memref<20480x128xf32, #tpu.memory_space<hbm>>) target(%arg9 : memref<128x128xf32, #tpu.memory_space<vmem>>) offsets(%dma_start3A_245 : memref<128xi32, #tpu.memory_space<vmem>>) semaphore(%arg16 : memref<!tpu.dma_semaphore, #tpu.memory_space<semaphore_mem>>)
      } else {
      }
      %dma_start3A_212 = arith.constant 1 : i32
      %dma_start3A_213 = arith.constant 0 : i32
      %dma_start3A_214 = tpu.memref_slice %arg8[%dma_start3A_212, %dma_start3A_213] : memref<2x128xi32, #tpu.memory_space<vmem>> -> memref<1x128xi32, #tpu.memory_space<vmem>>
      %dma_start3A_215 = tpu.memref_squeeze %dma_start3A_214 : memref<1x128xi32, #tpu.memory_space<vmem>> -> memref<128xi32, #tpu.memory_space<vmem>>
      %dma_start3A_216 = arith.constant 0 : i32
      %dma_start3A_217 = arith.constant 0 : i32
      %dma_start3A_218 = tpu.memref_slice %arg11[%dma_start3A_216, %dma_start3A_217] : memref<10240x128xf32, #tpu.memory_space<vmem_shared>> -> memref<10240x128xf32, #tpu.memory_space<vmem_shared>>
      tpu.enqueue_indirect_dma source(%arg10 : memref<128x128xf32, #tpu.memory_space<vmem>>) target(%dma_start3A_218 : memref<10240x128xf32, #tpu.memory_space<vmem_shared>>) offsets(%dma_start3A_215 : memref<128xi32, #tpu.memory_space<vmem>>) semaphore(%arg19 : memref<!tpu.dma_semaphore, #tpu.memory_space<semaphore_mem>>) {add = true}
    }
    %scan3A_86 = arith.constant 41 : i32
    %dma_wait3A_87 = arith.constant 0 : i32
    %dma_wait3A_88 = arith.constant 0 : i32
    %dma_wait3A_89 = tpu.memref_slice %arg11[%dma_wait3A_87, %dma_wait3A_88] : memref<10240x128xf32, #tpu.memory_space<vmem_shared>> -> memref<128x128xf32, #tpu.memory_space<vmem_shared>>
    %dma_wait3A_90 = arith.constant 0 : i32
    %dma_wait3A_91 = arith.constant 0 : i32
    %dma_wait3A_92 = tpu.memref_slice %arg11[%dma_wait3A_90, %dma_wait3A_91] : memref<10240x128xf32, #tpu.memory_space<vmem_shared>> -> memref<128x128xf32, #tpu.memory_space<vmem_shared>>
    tpu.wait_dma2 semaphore(%arg19 : memref<!tpu.dma_semaphore, #tpu.memory_space<semaphore_mem>>) src(%arg10 : memref<128x128xf32, #tpu.memory_space<vmem>>) dst(%dma_wait3A_92 : memref<128x128xf32, #tpu.memory_space<vmem_shared>>)
    %dma_wait3A_93 = arith.constant 0 : i32
    %dma_wait3A_94 = arith.constant 0 : i32
    %dma_wait3A_95 = tpu.memref_slice %arg11[%dma_wait3A_93, %dma_wait3A_94] : memref<10240x128xf32, #tpu.memory_space<vmem_shared>> -> memref<128x128xf32, #tpu.memory_space<vmem_shared>>
    %dma_wait3A_96 = arith.constant 0 : i32
    %dma_wait3A_97 = arith.constant 0 : i32
    %dma_wait3A_98 = tpu.memref_slice %arg11[%dma_wait3A_96, %dma_wait3A_97] : memref<10240x128xf32, #tpu.memory_space<vmem_shared>> -> memref<128x128xf32, #tpu.memory_space<vmem_shared>>
    tpu.wait_dma2 semaphore(%arg18 : memref<!tpu.dma_semaphore, #tpu.memory_space<semaphore_mem>>) src(%arg9 : memref<128x128xf32, #tpu.memory_space<vmem>>) dst(%dma_wait3A_98 : memref<128x128xf32, #tpu.memory_space<vmem_shared>>)
    %barrier3A_99 = arith.constant 0 : index
    tpu.barrier barrier_id(%barrier3A_99)
    %mul3A_100 = arith.constant 10240 : i32
    %mul3A_101 = arith.muli %arg0, %mul3A_100 : i32
    %add3A_102 = arith.addi %mul3A_101, %mul3A_8 : i32
    "tpu.region"() ({
      %run_scoped3A = tpu.sem_alloc : memref<!tpu.dma_semaphore, #tpu.memory_space<semaphore_mem>>
      %dma_start3A_103 = arith.constant 0 : i32
      %dma_start3A_104 = tpu.memref_slice %arg4[%add3A_102, %dma_start3A_103] : memref<20480x128xf32, #tpu.memory_space<hbm>> -> memref<640x128xf32, #tpu.memory_space<hbm>>
      %dma_start3A_105 = arith.constant 0 : i32
      %dma_start3A_106 = tpu.memref_slice %arg11[%mul3A_8, %dma_start3A_105] : memref<10240x128xf32, #tpu.memory_space<vmem_shared>> -> memref<640x128xf32, #tpu.memory_space<vmem_shared>>
      tpu.enqueue_dma source(%dma_start3A_106 : memref<640x128xf32, #tpu.memory_space<vmem_shared>>) target(%dma_start3A_104 : memref<640x128xf32, #tpu.memory_space<hbm>>) target_semaphore(%run_scoped3A : memref<!tpu.dma_semaphore, #tpu.memory_space<semaphore_mem>>)
      %dma_wait3A_107 = arith.constant 0 : i32
      %dma_wait3A_108 = tpu.memref_slice %arg4[%add3A_102, %dma_wait3A_107] : memref<20480x128xf32, #tpu.memory_space<hbm>> -> memref<640x128xf32, #tpu.memory_space<hbm>>
      %dma_wait3A_109 = arith.constant 0 : i32
      %dma_wait3A_110 = tpu.memref_slice %arg11[%mul3A_8, %dma_wait3A_109] : memref<10240x128xf32, #tpu.memory_space<vmem_shared>> -> memref<640x128xf32, #tpu.memory_space<vmem_shared>>
      tpu.wait_dma2 semaphore(%run_scoped3A : memref<!tpu.dma_semaphore, #tpu.memory_space<semaphore_mem>>) src(%dma_wait3A_110 : memref<640x128xf32, #tpu.memory_space<vmem_shared>>) dst(%dma_wait3A_108 : memref<640x128xf32, #tpu.memory_space<hbm>>)
      tpu.yield
    }) : () -> ()
    return
  }
}

#map = affine_map<(d0, d1) -> (0, 0, 0, 0)>
#map1 = affine_map<(d0, d1) -> (0, 0)>
module attributes {stable_mosaic.version = 14 : i64} {
  func.func @prop_kernel(%arg0: i32, %arg1: i32, %arg2: memref<32x164x2x128xi32, #tpu.memory_space<hbm>>, %arg3: memref<20480x128xf32, #tpu.memory_space<hbm>>, %arg4: memref<20480x128xf32, #tpu.memory_space<hbm>>, %arg5: memref<2x128xi32, #tpu.memory_space<vmem>>, %arg6: memref<2x128xi32, #tpu.memory_space<vmem>>, %arg7: memref<2x128xi32, #tpu.memory_space<vmem>>, %arg8: memref<2x128xi32, #tpu.memory_space<vmem>>, %arg9: memref<128x128xf32, #tpu.memory_space<vmem>>, %arg10: memref<128x128xf32, #tpu.memory_space<vmem>>, %arg11: memref<10240x128xf32, #tpu.memory_space<vmem_shared>>, %arg12: memref<!tpu.dma_semaphore, #tpu.memory_space<semaphore_mem>>, %arg13: memref<!tpu.dma_semaphore, #tpu.memory_space<semaphore_mem>>, %arg14: memref<!tpu.dma_semaphore, #tpu.memory_space<semaphore_mem>>, %arg15: memref<!tpu.dma_semaphore, #tpu.memory_space<semaphore_mem>>, %arg16: memref<!tpu.dma_semaphore, #tpu.memory_space<semaphore_mem>>, %arg17: memref<!tpu.dma_semaphore, #tpu.memory_space<semaphore_mem>>, %arg18: memref<!tpu.dma_semaphore, #tpu.memory_space<semaphore_mem>>, %arg19: memref<!tpu.dma_semaphore, #tpu.memory_space<semaphore_mem>>) attributes {dimension_semantics = [#tpu.dimension_semantics<core_parallel>, #tpu.dimension_semantics<subcore_parallel>], iteration_bounds = array<i64: 2, 16>, scalar_prefetch = 0 : i64, scratch_operands = 15 : i64, tpu.core_type = #tpu.core_type<sc_vector_subcore>, window_params = [{transform_indices = #map}, {transform_indices = #map1}, {transform_indices = #map1}]} {
    %mul3A = arith.constant 16 : i32
    %mul3A_0 = arith.muli %arg0, %mul3A : i32
    %add3A = arith.addi %mul3A_0, %arg1 : i32
    %broadcast_in_dim3A = arith.constant 0.000000e+00 : f32
    %broadcast_in_dim3A_1 = vector.broadcast %broadcast_in_dim3A : f32 to vector<16xf32>
    %scan3A = arith.constant 0 : i32
    %scan3A_2 = arith.constant 0 : i32
    %scan3A_3 = arith.constant 128 : i32
    %scan3A_4 = arith.addi %scan3A_2, %scan3A_3 : i32
    %scan3A_5 = arith.constant 1 : i32
    scf.for %scan3A_103 = %scan3A_2 to %scan3A_4 step %scan3A_5  : i32 {
      %swap3A = arith.index_cast %scan3A_103 : i32 to index
      %swap3A_104 = arith.constant 0 : index
      %swap3A_105 = tpu.vector_load %arg9[%swap3A, %swap3A_104] {strides = array<i32>} : memref<128x128xf32, #tpu.memory_space<vmem>>, vector<16xf32>,
      tpu.vector_store %arg9[%swap3A, %swap3A_104], %broadcast_in_dim3A_1 {strides = array<i32>} : memref<128x128xf32, #tpu.memory_space<vmem>>, vector<16xf32>,
      %swap3A_106 = arith.index_cast %scan3A_103 : i32 to index
      %swap3A_107 = arith.constant 16 : index
      %swap3A_108 = tpu.vector_load %arg9[%swap3A_106, %swap3A_107] {strides = array<i32>} : memref<128x128xf32, #tpu.memory_space<vmem>>, vector<16xf32>,
      tpu.vector_store %arg9[%swap3A_106, %swap3A_107], %broadcast_in_dim3A_1 {strides = array<i32>} : memref<128x128xf32, #tpu.memory_space<vmem>>, vector<16xf32>,
      %swap3A_109 = arith.index_cast %scan3A_103 : i32 to index
      %swap3A_110 = arith.constant 32 : index
      %swap3A_111 = tpu.vector_load %arg9[%swap3A_109, %swap3A_110] {strides = array<i32>} : memref<128x128xf32, #tpu.memory_space<vmem>>, vector<16xf32>,
      tpu.vector_store %arg9[%swap3A_109, %swap3A_110], %broadcast_in_dim3A_1 {strides = array<i32>} : memref<128x128xf32, #tpu.memory_space<vmem>>, vector<16xf32>,
      %swap3A_112 = arith.index_cast %scan3A_103 : i32 to index
      %swap3A_113 = arith.constant 48 : index
      %swap3A_114 = tpu.vector_load %arg9[%swap3A_112, %swap3A_113] {strides = array<i32>} : memref<128x128xf32, #tpu.memory_space<vmem>>, vector<16xf32>,
      tpu.vector_store %arg9[%swap3A_112, %swap3A_113], %broadcast_in_dim3A_1 {strides = array<i32>} : memref<128x128xf32, #tpu.memory_space<vmem>>, vector<16xf32>,
      %swap3A_115 = arith.index_cast %scan3A_103 : i32 to index
      %swap3A_116 = arith.constant 64 : index
      %swap3A_117 = tpu.vector_load %arg9[%swap3A_115, %swap3A_116] {strides = array<i32>} : memref<128x128xf32, #tpu.memory_space<vmem>>, vector<16xf32>,
      tpu.vector_store %arg9[%swap3A_115, %swap3A_116], %broadcast_in_dim3A_1 {strides = array<i32>} : memref<128x128xf32, #tpu.memory_space<vmem>>, vector<16xf32>,
      %swap3A_118 = arith.index_cast %scan3A_103 : i32 to index
      %swap3A_119 = arith.constant 80 : index
      %swap3A_120 = tpu.vector_load %arg9[%swap3A_118, %swap3A_119] {strides = array<i32>} : memref<128x128xf32, #tpu.memory_space<vmem>>, vector<16xf32>,
      tpu.vector_store %arg9[%swap3A_118, %swap3A_119], %broadcast_in_dim3A_1 {strides = array<i32>} : memref<128x128xf32, #tpu.memory_space<vmem>>, vector<16xf32>,
      %swap3A_121 = arith.index_cast %scan3A_103 : i32 to index
      %swap3A_122 = arith.constant 96 : index
      %swap3A_123 = tpu.vector_load %arg9[%swap3A_121, %swap3A_122] {strides = array<i32>} : memref<128x128xf32, #tpu.memory_space<vmem>>, vector<16xf32>,
      tpu.vector_store %arg9[%swap3A_121, %swap3A_122], %broadcast_in_dim3A_1 {strides = array<i32>} : memref<128x128xf32, #tpu.memory_space<vmem>>, vector<16xf32>,
      %swap3A_124 = arith.index_cast %scan3A_103 : i32 to index
      %swap3A_125 = arith.constant 112 : index
      %swap3A_126 = tpu.vector_load %arg9[%swap3A_124, %swap3A_125] {strides = array<i32>} : memref<128x128xf32, #tpu.memory_space<vmem>>, vector<16xf32>,
      tpu.vector_store %arg9[%swap3A_124, %swap3A_125], %broadcast_in_dim3A_1 {strides = array<i32>} : memref<128x128xf32, #tpu.memory_space<vmem>>, vector<16xf32>,
    }
    %scan3A_6 = arith.constant 128 : i32
    %mul3A_7 = arith.constant 640 : i32
    %mul3A_8 = arith.muli %arg1, %mul3A_7 : i32
    %add3A_9 = arith.constant 0 : i32
    %add3A_10 = arith.addi %mul3A_8, %add3A_9 : i32
    "tpu.region"() ({
      %run_scoped3A = tpu.sem_alloc : memref<!tpu.dma_semaphore, #tpu.memory_space<semaphore_mem>>
      %dma_start3A_103 = arith.constant 0 : i32
      %dma_start3A_104 = tpu.memref_slice %arg11[%add3A_10, %dma_start3A_103] : memref<10240x128xf32, #tpu.memory_space<vmem_shared>> -> memref<128x128xf32, #tpu.memory_space<vmem_shared>>
      %dma_start3A_105 = arith.constant 0 : i32
      %dma_start3A_106 = tpu.memref_slice %arg11[%add3A_10, %dma_start3A_105] : memref<10240x128xf32, #tpu.memory_space<vmem_shared>> -> memref<128x128xf32, #tpu.memory_space<vmem_shared>>
      tpu.enqueue_dma source(%arg9 : memref<128x128xf32, #tpu.memory_space<vmem>>) target(%dma_start3A_106 : memref<128x128xf32, #tpu.memory_space<vmem_shared>>) target_semaphore(%run_scoped3A : memref<!tpu.dma_semaphore, #tpu.memory_space<semaphore_mem>>)
      %dma_wait3A_107 = arith.constant 0 : i32
      %dma_wait3A_108 = tpu.memref_slice %arg11[%add3A_10, %dma_wait3A_107] : memref<10240x128xf32, #tpu.memory_space<vmem_shared>> -> memref<128x128xf32, #tpu.memory_space<vmem_shared>>
      %dma_wait3A_109 = arith.constant 0 : i32
      %dma_wait3A_110 = tpu.memref_slice %arg11[%add3A_10, %dma_wait3A_109] : memref<10240x128xf32, #tpu.memory_space<vmem_shared>> -> memref<128x128xf32, #tpu.memory_space<vmem_shared>>
      tpu.wait_dma2 semaphore(%run_scoped3A : memref<!tpu.dma_semaphore, #tpu.memory_space<semaphore_mem>>) src(%arg9 : memref<128x128xf32, #tpu.memory_space<vmem>>) dst(%dma_wait3A_110 : memref<128x128xf32, #tpu.memory_space<vmem_shared>>)
      tpu.yield
    }) : () -> ()
    %add3A_11 = arith.constant 128 : i32
    %add3A_12 = arith.addi %mul3A_8, %add3A_11 : i32
    "tpu.region"() ({
      %run_scoped3A = tpu.sem_alloc : memref<!tpu.dma_semaphore, #tpu.memory_space<semaphore_mem>>
      %dma_start3A_103 = arith.constant 0 : i32
      %dma_start3A_104 = tpu.memref_slice %arg11[%add3A_12, %dma_start3A_103] : memref<10240x128xf32, #tpu.memory_space<vmem_shared>> -> memref<128x128xf32, #tpu.memory_space<vmem_shared>>
      %dma_start3A_105 = arith.constant 0 : i32
      %dma_start3A_106 = tpu.memref_slice %arg11[%add3A_12, %dma_start3A_105] : memref<10240x128xf32, #tpu.memory_space<vmem_shared>> -> memref<128x128xf32, #tpu.memory_space<vmem_shared>>
      tpu.enqueue_dma source(%arg9 : memref<128x128xf32, #tpu.memory_space<vmem>>) target(%dma_start3A_106 : memref<128x128xf32, #tpu.memory_space<vmem_shared>>) target_semaphore(%run_scoped3A : memref<!tpu.dma_semaphore, #tpu.memory_space<semaphore_mem>>)
      %dma_wait3A_107 = arith.constant 0 : i32
      %dma_wait3A_108 = tpu.memref_slice %arg11[%add3A_12, %dma_wait3A_107] : memref<10240x128xf32, #tpu.memory_space<vmem_shared>> -> memref<128x128xf32, #tpu.memory_space<vmem_shared>>
      %dma_wait3A_109 = arith.constant 0 : i32
      %dma_wait3A_110 = tpu.memref_slice %arg11[%add3A_12, %dma_wait3A_109] : memref<10240x128xf32, #tpu.memory_space<vmem_shared>> -> memref<128x128xf32, #tpu.memory_space<vmem_shared>>
      tpu.wait_dma2 semaphore(%run_scoped3A : memref<!tpu.dma_semaphore, #tpu.memory_space<semaphore_mem>>) src(%arg9 : memref<128x128xf32, #tpu.memory_space<vmem>>) dst(%dma_wait3A_110 : memref<128x128xf32, #tpu.memory_space<vmem_shared>>)
      tpu.yield
    }) : () -> ()
    %add3A_13 = arith.constant 256 : i32
    %add3A_14 = arith.addi %mul3A_8, %add3A_13 : i32
    "tpu.region"() ({
      %run_scoped3A = tpu.sem_alloc : memref<!tpu.dma_semaphore, #tpu.memory_space<semaphore_mem>>
      %dma_start3A_103 = arith.constant 0 : i32
      %dma_start3A_104 = tpu.memref_slice %arg11[%add3A_14, %dma_start3A_103] : memref<10240x128xf32, #tpu.memory_space<vmem_shared>> -> memref<128x128xf32, #tpu.memory_space<vmem_shared>>
      %dma_start3A_105 = arith.constant 0 : i32
      %dma_start3A_106 = tpu.memref_slice %arg11[%add3A_14, %dma_start3A_105] : memref<10240x128xf32, #tpu.memory_space<vmem_shared>> -> memref<128x128xf32, #tpu.memory_space<vmem_shared>>
      tpu.enqueue_dma source(%arg9 : memref<128x128xf32, #tpu.memory_space<vmem>>) target(%dma_start3A_106 : memref<128x128xf32, #tpu.memory_space<vmem_shared>>) target_semaphore(%run_scoped3A : memref<!tpu.dma_semaphore, #tpu.memory_space<semaphore_mem>>)
      %dma_wait3A_107 = arith.constant 0 : i32
      %dma_wait3A_108 = tpu.memref_slice %arg11[%add3A_14, %dma_wait3A_107] : memref<10240x128xf32, #tpu.memory_space<vmem_shared>> -> memref<128x128xf32, #tpu.memory_space<vmem_shared>>
      %dma_wait3A_109 = arith.constant 0 : i32
      %dma_wait3A_110 = tpu.memref_slice %arg11[%add3A_14, %dma_wait3A_109] : memref<10240x128xf32, #tpu.memory_space<vmem_shared>> -> memref<128x128xf32, #tpu.memory_space<vmem_shared>>
      tpu.wait_dma2 semaphore(%run_scoped3A : memref<!tpu.dma_semaphore, #tpu.memory_space<semaphore_mem>>) src(%arg9 : memref<128x128xf32, #tpu.memory_space<vmem>>) dst(%dma_wait3A_110 : memref<128x128xf32, #tpu.memory_space<vmem_shared>>)
      tpu.yield
    }) : () -> ()
    %add3A_15 = arith.constant 384 : i32
    %add3A_16 = arith.addi %mul3A_8, %add3A_15 : i32
    "tpu.region"() ({
      %run_scoped3A = tpu.sem_alloc : memref<!tpu.dma_semaphore, #tpu.memory_space<semaphore_mem>>
      %dma_start3A_103 = arith.constant 0 : i32
      %dma_start3A_104 = tpu.memref_slice %arg11[%add3A_16, %dma_start3A_103] : memref<10240x128xf32, #tpu.memory_space<vmem_shared>> -> memref<128x128xf32, #tpu.memory_space<vmem_shared>>
      %dma_start3A_105 = arith.constant 0 : i32
      %dma_start3A_106 = tpu.memref_slice %arg11[%add3A_16, %dma_start3A_105] : memref<10240x128xf32, #tpu.memory_space<vmem_shared>> -> memref<128x128xf32, #tpu.memory_space<vmem_shared>>
      tpu.enqueue_dma source(%arg9 : memref<128x128xf32, #tpu.memory_space<vmem>>) target(%dma_start3A_106 : memref<128x128xf32, #tpu.memory_space<vmem_shared>>) target_semaphore(%run_scoped3A : memref<!tpu.dma_semaphore, #tpu.memory_space<semaphore_mem>>)
      %dma_wait3A_107 = arith.constant 0 : i32
      %dma_wait3A_108 = tpu.memref_slice %arg11[%add3A_16, %dma_wait3A_107] : memref<10240x128xf32, #tpu.memory_space<vmem_shared>> -> memref<128x128xf32, #tpu.memory_space<vmem_shared>>
      %dma_wait3A_109 = arith.constant 0 : i32
      %dma_wait3A_110 = tpu.memref_slice %arg11[%add3A_16, %dma_wait3A_109] : memref<10240x128xf32, #tpu.memory_space<vmem_shared>> -> memref<128x128xf32, #tpu.memory_space<vmem_shared>>
      tpu.wait_dma2 semaphore(%run_scoped3A : memref<!tpu.dma_semaphore, #tpu.memory_space<semaphore_mem>>) src(%arg9 : memref<128x128xf32, #tpu.memory_space<vmem>>) dst(%dma_wait3A_110 : memref<128x128xf32, #tpu.memory_space<vmem_shared>>)
      tpu.yield
    }) : () -> ()
    %add3A_17 = arith.constant 512 : i32
    %add3A_18 = arith.addi %mul3A_8, %add3A_17 : i32
    "tpu.region"() ({
      %run_scoped3A = tpu.sem_alloc : memref<!tpu.dma_semaphore, #tpu.memory_space<semaphore_mem>>
      %dma_start3A_103 = arith.constant 0 : i32
      %dma_start3A_104 = tpu.memref_slice %arg11[%add3A_18, %dma_start3A_103] : memref<10240x128xf32, #tpu.memory_space<vmem_shared>> -> memref<128x128xf32, #tpu.memory_space<vmem_shared>>
      %dma_start3A_105 = arith.constant 0 : i32
      %dma_start3A_106 = tpu.memref_slice %arg11[%add3A_18, %dma_start3A_105] : memref<10240x128xf32, #tpu.memory_space<vmem_shared>> -> memref<128x128xf32, #tpu.memory_space<vmem_shared>>
      tpu.enqueue_dma source(%arg9 : memref<128x128xf32, #tpu.memory_space<vmem>>) target(%dma_start3A_106 : memref<128x128xf32, #tpu.memory_space<vmem_shared>>) target_semaphore(%run_scoped3A : memref<!tpu.dma_semaphore, #tpu.memory_space<semaphore_mem>>)
      %dma_wait3A_107 = arith.constant 0 : i32
      %dma_wait3A_108 = tpu.memref_slice %arg11[%add3A_18, %dma_wait3A_107] : memref<10240x128xf32, #tpu.memory_space<vmem_shared>> -> memref<128x128xf32, #tpu.memory_space<vmem_shared>>
      %dma_wait3A_109 = arith.constant 0 : i32
      %dma_wait3A_110 = tpu.memref_slice %arg11[%add3A_18, %dma_wait3A_109] : memref<10240x128xf32, #tpu.memory_space<vmem_shared>> -> memref<128x128xf32, #tpu.memory_space<vmem_shared>>
      tpu.wait_dma2 semaphore(%run_scoped3A : memref<!tpu.dma_semaphore, #tpu.memory_space<semaphore_mem>>) src(%arg9 : memref<128x128xf32, #tpu.memory_space<vmem>>) dst(%dma_wait3A_110 : memref<128x128xf32, #tpu.memory_space<vmem_shared>>)
      tpu.yield
    }) : () -> ()
    %barrier3A = arith.constant 0 : index
    tpu.barrier barrier_id(%barrier3A)
    %dma_start3A = arith.constant 0 : i32
    %dma_start3A_19 = arith.constant 0 : i32
    %dma_start3A_20 = arith.constant 0 : i32
    %dma_start3A_21 = arith.constant 0 : i32
    %dma_start3A_22 = tpu.memref_slice %arg2[%add3A, %dma_start3A_19, %dma_start3A_20, %dma_start3A_21] : memref<32x164x2x128xi32, #tpu.memory_space<hbm>> -> memref<1x164x2x128xi32, #tpu.memory_space<hbm>>
    %dma_start3A_23 = tpu.memref_squeeze %dma_start3A_22 : memref<1x164x2x128xi32, #tpu.memory_space<hbm>> -> memref<164x2x128xi32, #tpu.memory_space<hbm>>
    %dma_start3A_24 = arith.constant 0 : i32
    %dma_start3A_25 = arith.constant 0 : i32
    %dma_start3A_26 = tpu.memref_slice %dma_start3A_23[%dma_start3A, %dma_start3A_24, %dma_start3A_25] : memref<164x2x128xi32, #tpu.memory_space<hbm>> -> memref<1x2x128xi32, #tpu.memory_space<hbm>>
    %dma_start3A_27 = tpu.memref_squeeze %dma_start3A_26 : memref<1x2x128xi32, #tpu.memory_space<hbm>> -> memref<2x128xi32, #tpu.memory_space<hbm>>
    %dma_start3A_28 = arith.constant 0 : i32
    %dma_start3A_29 = arith.constant 0 : i32
    %dma_start3A_30 = arith.constant 0 : i32
    %dma_start3A_31 = tpu.memref_slice %arg2[%add3A, %dma_start3A_28, %dma_start3A_29, %dma_start3A_30] : memref<32x164x2x128xi32, #tpu.memory_space<hbm>> -> memref<1x164x2x128xi32, #tpu.memory_space<hbm>>
    %dma_start3A_32 = tpu.memref_squeeze %dma_start3A_31 : memref<1x164x2x128xi32, #tpu.memory_space<hbm>> -> memref<164x2x128xi32, #tpu.memory_space<hbm>>
    %dma_start3A_33 = arith.constant 0 : i32
    %dma_start3A_34 = arith.constant 0 : i32
    %dma_start3A_35 = tpu.memref_slice %dma_start3A_32[%dma_start3A, %dma_start3A_33, %dma_start3A_34] : memref<164x2x128xi32, #tpu.memory_space<hbm>> -> memref<1x2x128xi32, #tpu.memory_space<hbm>>
    %dma_start3A_36 = tpu.memref_squeeze %dma_start3A_35 : memref<1x2x128xi32, #tpu.memory_space<hbm>> -> memref<2x128xi32, #tpu.memory_space<hbm>>
    tpu.enqueue_dma source(%dma_start3A_36 : memref<2x128xi32, #tpu.memory_space<hbm>>) target(%arg5 : memref<2x128xi32, #tpu.memory_space<vmem>>) target_semaphore(%arg12 : memref<!tpu.dma_semaphore, #tpu.memory_space<semaphore_mem>>)
    %dma_wait3A = arith.constant 0 : i32
    %dma_wait3A_37 = arith.constant 0 : i32
    %dma_wait3A_38 = arith.constant 0 : i32
    %dma_wait3A_39 = arith.constant 0 : i32
    %dma_wait3A_40 = tpu.memref_slice %arg2[%add3A, %dma_wait3A_37, %dma_wait3A_38, %dma_wait3A_39] : memref<32x164x2x128xi32, #tpu.memory_space<hbm>> -> memref<1x164x2x128xi32, #tpu.memory_space<hbm>>
    %dma_wait3A_41 = tpu.memref_squeeze %dma_wait3A_40 : memref<1x164x2x128xi32, #tpu.memory_space<hbm>> -> memref<164x2x128xi32, #tpu.memory_space<hbm>>
    %dma_wait3A_42 = arith.constant 0 : i32
    %dma_wait3A_43 = arith.constant 0 : i32
    %dma_wait3A_44 = tpu.memref_slice %dma_wait3A_41[%dma_wait3A, %dma_wait3A_42, %dma_wait3A_43] : memref<164x2x128xi32, #tpu.memory_space<hbm>> -> memref<1x2x128xi32, #tpu.memory_space<hbm>>
    %dma_wait3A_45 = tpu.memref_squeeze %dma_wait3A_44 : memref<1x2x128xi32, #tpu.memory_space<hbm>> -> memref<2x128xi32, #tpu.memory_space<hbm>>
    %dma_wait3A_46 = arith.constant 0 : i32
    %dma_wait3A_47 = arith.constant 0 : i32
    %dma_wait3A_48 = arith.constant 0 : i32
    %dma_wait3A_49 = tpu.memref_slice %arg2[%add3A, %dma_wait3A_46, %dma_wait3A_47, %dma_wait3A_48] : memref<32x164x2x128xi32, #tpu.memory_space<hbm>> -> memref<1x164x2x128xi32, #tpu.memory_space<hbm>>
    %dma_wait3A_50 = tpu.memref_squeeze %dma_wait3A_49 : memref<1x164x2x128xi32, #tpu.memory_space<hbm>> -> memref<164x2x128xi32, #tpu.memory_space<hbm>>
    %dma_wait3A_51 = arith.constant 0 : i32
    %dma_wait3A_52 = arith.constant 0 : i32
    %dma_wait3A_53 = tpu.memref_slice %dma_wait3A_50[%dma_wait3A, %dma_wait3A_51, %dma_wait3A_52] : memref<164x2x128xi32, #tpu.memory_space<hbm>> -> memref<1x2x128xi32, #tpu.memory_space<hbm>>
    %dma_wait3A_54 = tpu.memref_squeeze %dma_wait3A_53 : memref<1x2x128xi32, #tpu.memory_space<hbm>> -> memref<2x128xi32, #tpu.memory_space<hbm>>
    tpu.wait_dma2 semaphore(%arg12 : memref<!tpu.dma_semaphore, #tpu.memory_space<semaphore_mem>>) src(%dma_wait3A_54 : memref<2x128xi32, #tpu.memory_space<hbm>>) dst(%arg5 : memref<2x128xi32, #tpu.memory_space<vmem>>)
    %dma_start3A_55 = arith.constant 1 : i32
    %dma_start3A_56 = arith.constant 0 : i32
    %dma_start3A_57 = arith.constant 0 : i32
    %dma_start3A_58 = arith.constant 0 : i32
    %dma_start3A_59 = tpu.memref_slice %arg2[%add3A, %dma_start3A_56, %dma_start3A_57, %dma_start3A_58] : memref<32x164x2x128xi32, #tpu.memory_space<hbm>> -> memref<1x164x2x128xi32, #tpu.memory_space<hbm>>
    %dma_start3A_60 = tpu.memref_squeeze %dma_start3A_59 : memref<1x164x2x128xi32, #tpu.memory_space<hbm>> -> memref<164x2x128xi32, #tpu.memory_space<hbm>>
    %dma_start3A_61 = arith.constant 0 : i32
    %dma_start3A_62 = arith.constant 0 : i32
    %dma_start3A_63 = tpu.memref_slice %dma_start3A_60[%dma_start3A_55, %dma_start3A_61, %dma_start3A_62] : memref<164x2x128xi32, #tpu.memory_space<hbm>> -> memref<1x2x128xi32, #tpu.memory_space<hbm>>
    %dma_start3A_64 = tpu.memref_squeeze %dma_start3A_63 : memref<1x2x128xi32, #tpu.memory_space<hbm>> -> memref<2x128xi32, #tpu.memory_space<hbm>>
    %dma_start3A_65 = arith.constant 0 : i32
    %dma_start3A_66 = arith.constant 0 : i32
    %dma_start3A_67 = arith.constant 0 : i32
    %dma_start3A_68 = tpu.memref_slice %arg2[%add3A, %dma_start3A_65, %dma_start3A_66, %dma_start3A_67] : memref<32x164x2x128xi32, #tpu.memory_space<hbm>> -> memref<1x164x2x128xi32, #tpu.memory_space<hbm>>
    %dma_start3A_69 = tpu.memref_squeeze %dma_start3A_68 : memref<1x164x2x128xi32, #tpu.memory_space<hbm>> -> memref<164x2x128xi32, #tpu.memory_space<hbm>>
    %dma_start3A_70 = arith.constant 0 : i32
    %dma_start3A_71 = arith.constant 0 : i32
    %dma_start3A_72 = tpu.memref_slice %dma_start3A_69[%dma_start3A_55, %dma_start3A_70, %dma_start3A_71] : memref<164x2x128xi32, #tpu.memory_space<hbm>> -> memref<1x2x128xi32, #tpu.memory_space<hbm>>
    %dma_start3A_73 = tpu.memref_squeeze %dma_start3A_72 : memref<1x2x128xi32, #tpu.memory_space<hbm>> -> memref<2x128xi32, #tpu.memory_space<hbm>>
    tpu.enqueue_dma source(%dma_start3A_73 : memref<2x128xi32, #tpu.memory_space<hbm>>) target(%arg6 : memref<2x128xi32, #tpu.memory_space<vmem>>) target_semaphore(%arg13 : memref<!tpu.dma_semaphore, #tpu.memory_space<semaphore_mem>>)
    %dma_start3A_74 = arith.constant 0 : i32
    %dma_start3A_75 = arith.constant 0 : i32
    %dma_start3A_76 = tpu.memref_slice %arg5[%dma_start3A_74, %dma_start3A_75] : memref<2x128xi32, #tpu.memory_space<vmem>> -> memref<1x128xi32, #tpu.memory_space<vmem>>
    %dma_start3A_77 = tpu.memref_squeeze %dma_start3A_76 : memref<1x128xi32, #tpu.memory_space<vmem>> -> memref<128xi32, #tpu.memory_space<vmem>>
    %dma_start3A_78 = arith.constant 0 : i32
    %dma_start3A_79 = arith.constant 0 : i32
    %dma_start3A_80 = tpu.memref_slice %arg3[%dma_start3A_78, %dma_start3A_79] : memref<20480x128xf32, #tpu.memory_space<hbm>> -> memref<20480x128xf32, #tpu.memory_space<hbm>>
    tpu.enqueue_indirect_dma source(%dma_start3A_80 : memref<20480x128xf32, #tpu.memory_space<hbm>>) target(%arg9 : memref<128x128xf32, #tpu.memory_space<vmem>>) offsets(%dma_start3A_77 : memref<128xi32, #tpu.memory_space<vmem>>) semaphore(%arg16 : memref<!tpu.dma_semaphore, #tpu.memory_space<semaphore_mem>>)
    %scan3A_81 = arith.constant 0 : i32
    %scan3A_82 = arith.constant 0 : i32
    %scan3A_83 = arith.constant 41 : i32
    %scan3A_84 = arith.addi %scan3A_82, %scan3A_83 : i32
    %scan3A_85 = arith.constant 1 : i32
    scf.for %scan3A_103 = %scan3A_82 to %scan3A_84 step %scan3A_85  : i32 {
      %mul3A_104 = arith.constant 4 : i32
      %mul3A_105 = arith.muli %scan3A_103, %mul3A_104 : i32
      %add3A_106 = arith.constant 0 : i32
      %add3A_107 = arith.addi %mul3A_105, %add3A_106 : i32
      %add3A_108 = arith.constant 2 : i32
      %add3A_109 = arith.addi %add3A_107, %add3A_108 : i32
      %lt3A = arith.constant 164 : i32
      %lt3A_110 = arith.cmpi slt, %add3A_109, %lt3A : i32
      %convert_element_type3A = arith.extui %lt3A_110 : i1 to i32
      %cond3A = arith.constant 0 : i32
      %cond3A_111 = arith.cmpi ne, %convert_element_type3A, %cond3A : i32
      scf.if %cond3A_111 {
        %add3A_219 = arith.constant 2 : i32
        %add3A_220 = arith.addi %add3A_107, %add3A_219 : i32
        %dma_start3A_221 = arith.constant 0 : i32
        %dma_start3A_222 = arith.constant 0 : i32
        %dma_start3A_223 = arith.constant 0 : i32
        %dma_start3A_224 = tpu.memref_slice %arg2[%add3A, %dma_start3A_221, %dma_start3A_222, %dma_start3A_223] : memref<32x164x2x128xi32, #tpu.memory_space<hbm>> -> memref<1x164x2x128xi32, #tpu.memory_space<hbm>>
        %dma_start3A_225 = tpu.memref_squeeze %dma_start3A_224 : memref<1x164x2x128xi32, #tpu.memory_space<hbm>> -> memref<164x2x128xi32, #tpu.memory_space<hbm>>
        %dma_start3A_226 = arith.constant 0 : i32
        %dma_start3A_227 = arith.constant 0 : i32
        %dma_start3A_228 = tpu.memref_slice %dma_start3A_225[%add3A_220, %dma_start3A_226, %dma_start3A_227] : memref<164x2x128xi32, #tpu.memory_space<hbm>> -> memref<1x2x128xi32, #tpu.memory_space<hbm>>
        %dma_start3A_229 = tpu.memref_squeeze %dma_start3A_228 : memref<1x2x128xi32, #tpu.memory_space<hbm>> -> memref<2x128xi32, #tpu.memory_space<hbm>>
        %dma_start3A_230 = arith.constant 0 : i32
        %dma_start3A_231 = arith.constant 0 : i32
        %dma_start3A_232 = arith.constant 0 : i32
        %dma_start3A_233 = tpu.memref_slice %arg2[%add3A, %dma_start3A_230, %dma_start3A_231, %dma_start3A_232] : memref<32x164x2x128xi32, #tpu.memory_space<hbm>> -> memref<1x164x2x128xi32, #tpu.memory_space<hbm>>
        %dma_start3A_234 = tpu.memref_squeeze %dma_start3A_233 : memref<1x164x2x128xi32, #tpu.memory_space<hbm>> -> memref<164x2x128xi32, #tpu.memory_space<hbm>>
        %dma_start3A_235 = arith.constant 0 : i32
        %dma_start3A_236 = arith.constant 0 : i32
        %dma_start3A_237 = tpu.memref_slice %dma_start3A_234[%add3A_220, %dma_start3A_235, %dma_start3A_236] : memref<164x2x128xi32, #tpu.memory_space<hbm>> -> memref<1x2x128xi32, #tpu.memory_space<hbm>>
        %dma_start3A_238 = tpu.memref_squeeze %dma_start3A_237 : memref<1x2x128xi32, #tpu.memory_space<hbm>> -> memref<2x128xi32, #tpu.memory_space<hbm>>
        tpu.enqueue_dma source(%dma_start3A_238 : memref<2x128xi32, #tpu.memory_space<hbm>>) target(%arg7 : memref<2x128xi32, #tpu.memory_space<vmem>>) target_semaphore(%arg14 : memref<!tpu.dma_semaphore, #tpu.memory_space<semaphore_mem>>)
      } else {
      }
      %dma_wait3A_112 = arith.constant 0 : i32
      %dma_wait3A_113 = arith.constant 0 : i32
      %dma_wait3A_114 = tpu.memref_slice %arg3[%dma_wait3A_112, %dma_wait3A_113] : memref<20480x128xf32, #tpu.memory_space<hbm>> -> memref<128x128xf32, #tpu.memory_space<hbm>>
      %dma_wait3A_115 = arith.constant 0 : i32
      %dma_wait3A_116 = arith.constant 0 : i32
      %dma_wait3A_117 = tpu.memref_slice %arg3[%dma_wait3A_115, %dma_wait3A_116] : memref<20480x128xf32, #tpu.memory_space<hbm>> -> memref<128x128xf32, #tpu.memory_space<hbm>>
      tpu.wait_dma2 semaphore(%arg16 : memref<!tpu.dma_semaphore, #tpu.memory_space<semaphore_mem>>) src(%dma_wait3A_117 : memref<128x128xf32, #tpu.memory_space<hbm>>) dst(%arg9 : memref<128x128xf32, #tpu.memory_space<vmem>>)
      %add3A_118 = arith.constant 1 : i32
      %add3A_119 = arith.addi %add3A_107, %add3A_118 : i32
      %lt3A_120 = arith.constant 164 : i32
      %lt3A_121 = arith.cmpi slt, %add3A_119, %lt3A_120 : i32
      %convert_element_type3A_122 = arith.extui %lt3A_121 : i1 to i32
      %cond3A_123 = arith.constant 0 : i32
      %cond3A_124 = arith.cmpi ne, %convert_element_type3A_122, %cond3A_123 : i32
      scf.if %cond3A_124 {
        %dma_wait3A_219 = arith.constant 0 : i32
        %dma_wait3A_220 = arith.constant 0 : i32
        %dma_wait3A_221 = arith.constant 0 : i32
        %dma_wait3A_222 = arith.constant 0 : i32
        %dma_wait3A_223 = tpu.memref_slice %arg2[%add3A, %dma_wait3A_220, %dma_wait3A_221, %dma_wait3A_222] : memref<32x164x2x128xi32, #tpu.memory_space<hbm>> -> memref<1x164x2x128xi32, #tpu.memory_space<hbm>>
        %dma_wait3A_224 = tpu.memref_squeeze %dma_wait3A_223 : memref<1x164x2x128xi32, #tpu.memory_space<hbm>> -> memref<164x2x128xi32, #tpu.memory_space<hbm>>
        %dma_wait3A_225 = arith.constant 0 : i32
        %dma_wait3A_226 = arith.constant 0 : i32
        %dma_wait3A_227 = tpu.memref_slice %dma_wait3A_224[%dma_wait3A_219, %dma_wait3A_225, %dma_wait3A_226] : memref<164x2x128xi32, #tpu.memory_space<hbm>> -> memref<1x2x128xi32, #tpu.memory_space<hbm>>
        %dma_wait3A_228 = tpu.memref_squeeze %dma_wait3A_227 : memref<1x2x128xi32, #tpu.memory_space<hbm>> -> memref<2x128xi32, #tpu.memory_space<hbm>>
        %dma_wait3A_229 = arith.constant 0 : i32
        %dma_wait3A_230 = arith.constant 0 : i32
        %dma_wait3A_231 = arith.constant 0 : i32
        %dma_wait3A_232 = tpu.memref_slice %arg2[%add3A, %dma_wait3A_229, %dma_wait3A_230, %dma_wait3A_231] : memref<32x164x2x128xi32, #tpu.memory_space<hbm>> -> memref<1x164x2x128xi32, #tpu.memory_space<hbm>>
        %dma_wait3A_233 = tpu.memref_squeeze %dma_wait3A_232 : memref<1x164x2x128xi32, #tpu.memory_space<hbm>> -> memref<164x2x128xi32, #tpu.memory_space<hbm>>
        %dma_wait3A_234 = arith.constant 0 : i32
        %dma_wait3A_235 = arith.constant 0 : i32
        %dma_wait3A_236 = tpu.memref_slice %dma_wait3A_233[%dma_wait3A_219, %dma_wait3A_234, %dma_wait3A_235] : memref<164x2x128xi32, #tpu.memory_space<hbm>> -> memref<1x2x128xi32, #tpu.memory_space<hbm>>
        %dma_wait3A_237 = tpu.memref_squeeze %dma_wait3A_236 : memref<1x2x128xi32, #tpu.memory_space<hbm>> -> memref<2x128xi32, #tpu.memory_space<hbm>>
        tpu.wait_dma2 semaphore(%arg13 : memref<!tpu.dma_semaphore, #tpu.memory_space<semaphore_mem>>) src(%dma_wait3A_237 : memref<2x128xi32, #tpu.memory_space<hbm>>) dst(%arg6 : memref<2x128xi32, #tpu.memory_space<vmem>>)
        %ge3A = arith.constant 1 : i32
        %ge3A_238 = arith.cmpi sge, %add3A_107, %ge3A : i32
        %convert_element_type3A_239 = arith.extui %ge3A_238 : i1 to i32
        %cond3A_240 = arith.constant 0 : i32
        %cond3A_241 = arith.cmpi ne, %convert_element_type3A_239, %cond3A_240 : i32
        scf.if %cond3A_241 {
          %dma_wait3A_249 = arith.constant 0 : i32
          %dma_wait3A_250 = arith.constant 0 : i32
          %dma_wait3A_251 = tpu.memref_slice %arg11[%dma_wait3A_249, %dma_wait3A_250] : memref<10240x128xf32, #tpu.memory_space<vmem_shared>> -> memref<128x128xf32, #tpu.memory_space<vmem_shared>>
          %dma_wait3A_252 = arith.constant 0 : i32
          %dma_wait3A_253 = arith.constant 0 : i32
          %dma_wait3A_254 = tpu.memref_slice %arg11[%dma_wait3A_252, %dma_wait3A_253] : memref<10240x128xf32, #tpu.memory_space<vmem_shared>> -> memref<128x128xf32, #tpu.memory_space<vmem_shared>>
          tpu.wait_dma2 semaphore(%arg19 : memref<!tpu.dma_semaphore, #tpu.memory_space<semaphore_mem>>) src(%arg10 : memref<128x128xf32, #tpu.memory_space<vmem>>) dst(%dma_wait3A_254 : memref<128x128xf32, #tpu.memory_space<vmem_shared>>)
        } else {
        }
        %dma_start3A_242 = arith.constant 0 : i32
        %dma_start3A_243 = arith.constant 0 : i32
        %dma_start3A_244 = tpu.memref_slice %arg6[%dma_start3A_242, %dma_start3A_243] : memref<2x128xi32, #tpu.memory_space<vmem>> -> memref<1x128xi32, #tpu.memory_space<vmem>>
        %dma_start3A_245 = tpu.memref_squeeze %dma_start3A_244 : memref<1x128xi32, #tpu.memory_space<vmem>> -> memref<128xi32, #tpu.memory_space<vmem>>
        %dma_start3A_246 = arith.constant 0 : i32
        %dma_start3A_247 = arith.constant 0 : i32
        %dma_start3A_248 = tpu.memref_slice %arg3[%dma_start3A_246, %dma_start3A_247] : memref<20480x128xf32, #tpu.memory_space<hbm>> -> memref<20480x128xf32, #tpu.memory_space<hbm>>
        tpu.enqueue_indirect_dma source(%dma_start3A_248 : memref<20480x128xf32, #tpu.memory_space<hbm>>) target(%arg10 : memref<128x128xf32, #tpu.memory_space<vmem>>) offsets(%dma_start3A_245 : memref<128xi32, #tpu.memory_space<vmem>>) semaphore(%arg17 : memref<!tpu.dma_semaphore, #tpu.memory_space<semaphore_mem>>)
      } else {
      }
      %dma_start3A_125 = arith.constant 1 : i32
      %dma_start3A_126 = arith.constant 0 : i32
      %dma_start3A_127 = tpu.memref_slice %arg5[%dma_start3A_125, %dma_start3A_126] : memref<2x128xi32, #tpu.memory_space<vmem>> -> memref<1x128xi32, #tpu.memory_space<vmem>>
      %dma_start3A_128 = tpu.memref_squeeze %dma_start3A_127 : memref<1x128xi32, #tpu.memory_space<vmem>> -> memref<128xi32, #tpu.memory_space<vmem>>
      %dma_start3A_129 = arith.constant 0 : i32
      %dma_start3A_130 = arith.constant 0 : i32
      %dma_start3A_131 = tpu.memref_slice %arg11[%dma_start3A_129, %dma_start3A_130] : memref<10240x128xf32, #tpu.memory_space<vmem_shared>> -> memref<10240x128xf32, #tpu.memory_space<vmem_shared>>
      tpu.enqueue_indirect_dma source(%arg9 : memref<128x128xf32, #tpu.memory_space<vmem>>) target(%dma_start3A_131 : memref<10240x128xf32, #tpu.memory_space<vmem_shared>>) offsets(%dma_start3A_128 : memref<128xi32, #tpu.memory_space<vmem>>) semaphore(%arg18 : memref<!tpu.dma_semaphore, #tpu.memory_space<semaphore_mem>>) {add = true}
      %add3A_132 = arith.constant 1 : i32
      %add3A_133 = arith.addi %mul3A_105, %add3A_132 : i32
      %add3A_134 = arith.constant 2 : i32
      %add3A_135 = arith.addi %add3A_133, %add3A_134 : i32
      %lt3A_136 = arith.constant 164 : i32
      %lt3A_137 = arith.cmpi slt, %add3A_135, %lt3A_136 : i32
      %convert_element_type3A_138 = arith.extui %lt3A_137 : i1 to i32
      %cond3A_139 = arith.constant 0 : i32
      %cond3A_140 = arith.cmpi ne, %convert_element_type3A_138, %cond3A_139 : i32
      scf.if %cond3A_140 {
        %add3A_219 = arith.constant 2 : i32
        %add3A_220 = arith.addi %add3A_133, %add3A_219 : i32
        %dma_start3A_221 = arith.constant 0 : i32
        %dma_start3A_222 = arith.constant 0 : i32
        %dma_start3A_223 = arith.constant 0 : i32
        %dma_start3A_224 = tpu.memref_slice %arg2[%add3A, %dma_start3A_221, %dma_start3A_222, %dma_start3A_223] : memref<32x164x2x128xi32, #tpu.memory_space<hbm>> -> memref<1x164x2x128xi32, #tpu.memory_space<hbm>>
        %dma_start3A_225 = tpu.memref_squeeze %dma_start3A_224 : memref<1x164x2x128xi32, #tpu.memory_space<hbm>> -> memref<164x2x128xi32, #tpu.memory_space<hbm>>
        %dma_start3A_226 = arith.constant 0 : i32
        %dma_start3A_227 = arith.constant 0 : i32
        %dma_start3A_228 = tpu.memref_slice %dma_start3A_225[%add3A_220, %dma_start3A_226, %dma_start3A_227] : memref<164x2x128xi32, #tpu.memory_space<hbm>> -> memref<1x2x128xi32, #tpu.memory_space<hbm>>
        %dma_start3A_229 = tpu.memref_squeeze %dma_start3A_228 : memref<1x2x128xi32, #tpu.memory_space<hbm>> -> memref<2x128xi32, #tpu.memory_space<hbm>>
        %dma_start3A_230 = arith.constant 0 : i32
        %dma_start3A_231 = arith.constant 0 : i32
        %dma_start3A_232 = arith.constant 0 : i32
        %dma_start3A_233 = tpu.memref_slice %arg2[%add3A, %dma_start3A_230, %dma_start3A_231, %dma_start3A_232] : memref<32x164x2x128xi32, #tpu.memory_space<hbm>> -> memref<1x164x2x128xi32, #tpu.memory_space<hbm>>
        %dma_start3A_234 = tpu.memref_squeeze %dma_start3A_233 : memref<1x164x2x128xi32, #tpu.memory_space<hbm>> -> memref<164x2x128xi32, #tpu.memory_space<hbm>>
        %dma_start3A_235 = arith.constant 0 : i32
        %dma_start3A_236 = arith.constant 0 : i32
        %dma_start3A_237 = tpu.memref_slice %dma_start3A_234[%add3A_220, %dma_start3A_235, %dma_start3A_236] : memref<164x2x128xi32, #tpu.memory_space<hbm>> -> memref<1x2x128xi32, #tpu.memory_space<hbm>>
        %dma_start3A_238 = tpu.memref_squeeze %dma_start3A_237 : memref<1x2x128xi32, #tpu.memory_space<hbm>> -> memref<2x128xi32, #tpu.memory_space<hbm>>
        tpu.enqueue_dma source(%dma_start3A_238 : memref<2x128xi32, #tpu.memory_space<hbm>>) target(%arg8 : memref<2x128xi32, #tpu.memory_space<vmem>>) target_semaphore(%arg15 : memref<!tpu.dma_semaphore, #tpu.memory_space<semaphore_mem>>)
      } else {
      }
      %dma_wait3A_141 = arith.constant 0 : i32
      %dma_wait3A_142 = arith.constant 0 : i32
      %dma_wait3A_143 = tpu.memref_slice %arg3[%dma_wait3A_141, %dma_wait3A_142] : memref<20480x128xf32, #tpu.memory_space<hbm>> -> memref<128x128xf32, #tpu.memory_space<hbm>>
      %dma_wait3A_144 = arith.constant 0 : i32
      %dma_wait3A_145 = arith.constant 0 : i32
      %dma_wait3A_146 = tpu.memref_slice %arg3[%dma_wait3A_144, %dma_wait3A_145] : memref<20480x128xf32, #tpu.memory_space<hbm>> -> memref<128x128xf32, #tpu.memory_space<hbm>>
      tpu.wait_dma2 semaphore(%arg17 : memref<!tpu.dma_semaphore, #tpu.memory_space<semaphore_mem>>) src(%dma_wait3A_146 : memref<128x128xf32, #tpu.memory_space<hbm>>) dst(%arg10 : memref<128x128xf32, #tpu.memory_space<vmem>>)
      %add3A_147 = arith.constant 1 : i32
      %add3A_148 = arith.addi %add3A_133, %add3A_147 : i32
      %lt3A_149 = arith.constant 164 : i32
      %lt3A_150 = arith.cmpi slt, %add3A_148, %lt3A_149 : i32
      %convert_element_type3A_151 = arith.extui %lt3A_150 : i1 to i32
      %cond3A_152 = arith.constant 0 : i32
      %cond3A_153 = arith.cmpi ne, %convert_element_type3A_151, %cond3A_152 : i32
      scf.if %cond3A_153 {
        %dma_wait3A_219 = arith.constant 0 : i32
        %dma_wait3A_220 = arith.constant 0 : i32
        %dma_wait3A_221 = arith.constant 0 : i32
        %dma_wait3A_222 = arith.constant 0 : i32
        %dma_wait3A_223 = tpu.memref_slice %arg2[%add3A, %dma_wait3A_220, %dma_wait3A_221, %dma_wait3A_222] : memref<32x164x2x128xi32, #tpu.memory_space<hbm>> -> memref<1x164x2x128xi32, #tpu.memory_space<hbm>>
        %dma_wait3A_224 = tpu.memref_squeeze %dma_wait3A_223 : memref<1x164x2x128xi32, #tpu.memory_space<hbm>> -> memref<164x2x128xi32, #tpu.memory_space<hbm>>
        %dma_wait3A_225 = arith.constant 0 : i32
        %dma_wait3A_226 = arith.constant 0 : i32
        %dma_wait3A_227 = tpu.memref_slice %dma_wait3A_224[%dma_wait3A_219, %dma_wait3A_225, %dma_wait3A_226] : memref<164x2x128xi32, #tpu.memory_space<hbm>> -> memref<1x2x128xi32, #tpu.memory_space<hbm>>
        %dma_wait3A_228 = tpu.memref_squeeze %dma_wait3A_227 : memref<1x2x128xi32, #tpu.memory_space<hbm>> -> memref<2x128xi32, #tpu.memory_space<hbm>>
        %dma_wait3A_229 = arith.constant 0 : i32
        %dma_wait3A_230 = arith.constant 0 : i32
        %dma_wait3A_231 = arith.constant 0 : i32
        %dma_wait3A_232 = tpu.memref_slice %arg2[%add3A, %dma_wait3A_229, %dma_wait3A_230, %dma_wait3A_231] : memref<32x164x2x128xi32, #tpu.memory_space<hbm>> -> memref<1x164x2x128xi32, #tpu.memory_space<hbm>>
        %dma_wait3A_233 = tpu.memref_squeeze %dma_wait3A_232 : memref<1x164x2x128xi32, #tpu.memory_space<hbm>> -> memref<164x2x128xi32, #tpu.memory_space<hbm>>
        %dma_wait3A_234 = arith.constant 0 : i32
        %dma_wait3A_235 = arith.constant 0 : i32
        %dma_wait3A_236 = tpu.memref_slice %dma_wait3A_233[%dma_wait3A_219, %dma_wait3A_234, %dma_wait3A_235] : memref<164x2x128xi32, #tpu.memory_space<hbm>> -> memref<1x2x128xi32, #tpu.memory_space<hbm>>
        %dma_wait3A_237 = tpu.memref_squeeze %dma_wait3A_236 : memref<1x2x128xi32, #tpu.memory_space<hbm>> -> memref<2x128xi32, #tpu.memory_space<hbm>>
        tpu.wait_dma2 semaphore(%arg14 : memref<!tpu.dma_semaphore, #tpu.memory_space<semaphore_mem>>) src(%dma_wait3A_237 : memref<2x128xi32, #tpu.memory_space<hbm>>) dst(%arg7 : memref<2x128xi32, #tpu.memory_space<vmem>>)
        %ge3A = arith.constant 1 : i32
        %ge3A_238 = arith.cmpi sge, %add3A_133, %ge3A : i32
        %convert_element_type3A_239 = arith.extui %ge3A_238 : i1 to i32
        %cond3A_240 = arith.constant 0 : i32
        %cond3A_241 = arith.cmpi ne, %convert_element_type3A_239, %cond3A_240 : i32
        scf.if %cond3A_241 {
          %dma_wait3A_249 = arith.constant 0 : i32
          %dma_wait3A_250 = arith.constant 0 : i32
          %dma_wait3A_251 = tpu.memref_slice %arg11[%dma_wait3A_249, %dma_wait3A_250] : memref<10240x128xf32, #tpu.memory_space<vmem_shared>> -> memref<128x128xf32, #tpu.memory_space<vmem_shared>>
          %dma_wait3A_252 = arith.constant 0 : i32
          %dma_wait3A_253 = arith.constant 0 : i32
          %dma_wait3A_254 = tpu.memref_slice %arg11[%dma_wait3A_252, %dma_wait3A_253] : memref<10240x128xf32, #tpu.memory_space<vmem_shared>> -> memref<128x128xf32, #tpu.memory_space<vmem_shared>>
          tpu.wait_dma2 semaphore(%arg18 : memref<!tpu.dma_semaphore, #tpu.memory_space<semaphore_mem>>) src(%arg9 : memref<128x128xf32, #tpu.memory_space<vmem>>) dst(%dma_wait3A_254 : memref<128x128xf32, #tpu.memory_space<vmem_shared>>)
        } else {
        }
        %dma_start3A_242 = arith.constant 0 : i32
        %dma_start3A_243 = arith.constant 0 : i32
        %dma_start3A_244 = tpu.memref_slice %arg7[%dma_start3A_242, %dma_start3A_243] : memref<2x128xi32, #tpu.memory_space<vmem>> -> memref<1x128xi32, #tpu.memory_space<vmem>>
        %dma_start3A_245 = tpu.memref_squeeze %dma_start3A_244 : memref<1x128xi32, #tpu.memory_space<vmem>> -> memref<128xi32, #tpu.memory_space<vmem>>
        %dma_start3A_246 = arith.constant 0 : i32
        %dma_start3A_247 = arith.constant 0 : i32
        %dma_start3A_248 = tpu.memref_slice %arg3[%dma_start3A_246, %dma_start3A_247] : memref<20480x128xf32, #tpu.memory_space<hbm>> -> memref<20480x128xf32, #tpu.memory_space<hbm>>
        tpu.enqueue_indirect_dma source(%dma_start3A_248 : memref<20480x128xf32, #tpu.memory_space<hbm>>) target(%arg9 : memref<128x128xf32, #tpu.memory_space<vmem>>) offsets(%dma_start3A_245 : memref<128xi32, #tpu.memory_space<vmem>>) semaphore(%arg16 : memref<!tpu.dma_semaphore, #tpu.memory_space<semaphore_mem>>)
      } else {
      }
      %dma_start3A_154 = arith.constant 1 : i32
      %dma_start3A_155 = arith.constant 0 : i32
      %dma_start3A_156 = tpu.memref_slice %arg6[%dma_start3A_154, %dma_start3A_155] : memref<2x128xi32, #tpu.memory_space<vmem>> -> memref<1x128xi32, #tpu.memory_space<vmem>>
      %dma_start3A_157 = tpu.memref_squeeze %dma_start3A_156 : memref<1x128xi32, #tpu.memory_space<vmem>> -> memref<128xi32, #tpu.memory_space<vmem>>
      %dma_start3A_158 = arith.constant 0 : i32
      %dma_start3A_159 = arith.constant 0 : i32
      %dma_start3A_160 = tpu.memref_slice %arg11[%dma_start3A_158, %dma_start3A_159] : memref<10240x128xf32, #tpu.memory_space<vmem_shared>> -> memref<10240x128xf32, #tpu.memory_space<vmem_shared>>
      tpu.enqueue_indirect_dma source(%arg10 : memref<128x128xf32, #tpu.memory_space<vmem>>) target(%dma_start3A_160 : memref<10240x128xf32, #tpu.memory_space<vmem_shared>>) offsets(%dma_start3A_157 : memref<128xi32, #tpu.memory_space<vmem>>) semaphore(%arg19 : memref<!tpu.dma_semaphore, #tpu.memory_space<semaphore_mem>>) {add = true}
      %add3A_161 = arith.constant 2 : i32
      %add3A_162 = arith.addi %mul3A_105, %add3A_161 : i32
      %add3A_163 = arith.constant 2 : i32
      %add3A_164 = arith.addi %add3A_162, %add3A_163 : i32
      %lt3A_165 = arith.constant 164 : i32
      %lt3A_166 = arith.cmpi slt, %add3A_164, %lt3A_165 : i32
      %convert_element_type3A_167 = arith.extui %lt3A_166 : i1 to i32
      %cond3A_168 = arith.constant 0 : i32
      %cond3A_169 = arith.cmpi ne, %convert_element_type3A_167, %cond3A_168 : i32
      scf.if %cond3A_169 {
        %add3A_219 = arith.constant 2 : i32
        %add3A_220 = arith.addi %add3A_162, %add3A_219 : i32
        %dma_start3A_221 = arith.constant 0 : i32
        %dma_start3A_222 = arith.constant 0 : i32
        %dma_start3A_223 = arith.constant 0 : i32
        %dma_start3A_224 = tpu.memref_slice %arg2[%add3A, %dma_start3A_221, %dma_start3A_222, %dma_start3A_223] : memref<32x164x2x128xi32, #tpu.memory_space<hbm>> -> memref<1x164x2x128xi32, #tpu.memory_space<hbm>>
        %dma_start3A_225 = tpu.memref_squeeze %dma_start3A_224 : memref<1x164x2x128xi32, #tpu.memory_space<hbm>> -> memref<164x2x128xi32, #tpu.memory_space<hbm>>
        %dma_start3A_226 = arith.constant 0 : i32
        %dma_start3A_227 = arith.constant 0 : i32
        %dma_start3A_228 = tpu.memref_slice %dma_start3A_225[%add3A_220, %dma_start3A_226, %dma_start3A_227] : memref<164x2x128xi32, #tpu.memory_space<hbm>> -> memref<1x2x128xi32, #tpu.memory_space<hbm>>
        %dma_start3A_229 = tpu.memref_squeeze %dma_start3A_228 : memref<1x2x128xi32, #tpu.memory_space<hbm>> -> memref<2x128xi32, #tpu.memory_space<hbm>>
        %dma_start3A_230 = arith.constant 0 : i32
        %dma_start3A_231 = arith.constant 0 : i32
        %dma_start3A_232 = arith.constant 0 : i32
        %dma_start3A_233 = tpu.memref_slice %arg2[%add3A, %dma_start3A_230, %dma_start3A_231, %dma_start3A_232] : memref<32x164x2x128xi32, #tpu.memory_space<hbm>> -> memref<1x164x2x128xi32, #tpu.memory_space<hbm>>
        %dma_start3A_234 = tpu.memref_squeeze %dma_start3A_233 : memref<1x164x2x128xi32, #tpu.memory_space<hbm>> -> memref<164x2x128xi32, #tpu.memory_space<hbm>>
        %dma_start3A_235 = arith.constant 0 : i32
        %dma_start3A_236 = arith.constant 0 : i32
        %dma_start3A_237 = tpu.memref_slice %dma_start3A_234[%add3A_220, %dma_start3A_235, %dma_start3A_236] : memref<164x2x128xi32, #tpu.memory_space<hbm>> -> memref<1x2x128xi32, #tpu.memory_space<hbm>>
        %dma_start3A_238 = tpu.memref_squeeze %dma_start3A_237 : memref<1x2x128xi32, #tpu.memory_space<hbm>> -> memref<2x128xi32, #tpu.memory_space<hbm>>
        tpu.enqueue_dma source(%dma_start3A_238 : memref<2x128xi32, #tpu.memory_space<hbm>>) target(%arg5 : memref<2x128xi32, #tpu.memory_space<vmem>>) target_semaphore(%arg12 : memref<!tpu.dma_semaphore, #tpu.memory_space<semaphore_mem>>)
      } else {
      }
      %dma_wait3A_170 = arith.constant 0 : i32
      %dma_wait3A_171 = arith.constant 0 : i32
      %dma_wait3A_172 = tpu.memref_slice %arg3[%dma_wait3A_170, %dma_wait3A_171] : memref<20480x128xf32, #tpu.memory_space<hbm>> -> memref<128x128xf32, #tpu.memory_space<hbm>>
      %dma_wait3A_173 = arith.constant 0 : i32
      %dma_wait3A_174 = arith.constant 0 : i32
      %dma_wait3A_175 = tpu.memref_slice %arg3[%dma_wait3A_173, %dma_wait3A_174] : memref<20480x128xf32, #tpu.memory_space<hbm>> -> memref<128x128xf32, #tpu.memory_space<hbm>>
      tpu.wait_dma2 semaphore(%arg16 : memref<!tpu.dma_semaphore, #tpu.memory_space<semaphore_mem>>) src(%dma_wait3A_175 : memref<128x128xf32, #tpu.memory_space<hbm>>) dst(%arg9 : memref<128x128xf32, #tpu.memory_space<vmem>>)
      %add3A_176 = arith.constant 1 : i32
      %add3A_177 = arith.addi %add3A_162, %add3A_176 : i32
      %lt3A_178 = arith.constant 164 : i32
      %lt3A_179 = arith.cmpi slt, %add3A_177, %lt3A_178 : i32
      %convert_element_type3A_180 = arith.extui %lt3A_179 : i1 to i32
      %cond3A_181 = arith.constant 0 : i32
      %cond3A_182 = arith.cmpi ne, %convert_element_type3A_180, %cond3A_181 : i32
      scf.if %cond3A_182 {
        %dma_wait3A_219 = arith.constant 0 : i32
        %dma_wait3A_220 = arith.constant 0 : i32
        %dma_wait3A_221 = arith.constant 0 : i32
        %dma_wait3A_222 = arith.constant 0 : i32
        %dma_wait3A_223 = tpu.memref_slice %arg2[%add3A, %dma_wait3A_220, %dma_wait3A_221, %dma_wait3A_222] : memref<32x164x2x128xi32, #tpu.memory_space<hbm>> -> memref<1x164x2x128xi32, #tpu.memory_space<hbm>>
        %dma_wait3A_224 = tpu.memref_squeeze %dma_wait3A_223 : memref<1x164x2x128xi32, #tpu.memory_space<hbm>> -> memref<164x2x128xi32, #tpu.memory_space<hbm>>
        %dma_wait3A_225 = arith.constant 0 : i32
        %dma_wait3A_226 = arith.constant 0 : i32
        %dma_wait3A_227 = tpu.memref_slice %dma_wait3A_224[%dma_wait3A_219, %dma_wait3A_225, %dma_wait3A_226] : memref<164x2x128xi32, #tpu.memory_space<hbm>> -> memref<1x2x128xi32, #tpu.memory_space<hbm>>
        %dma_wait3A_228 = tpu.memref_squeeze %dma_wait3A_227 : memref<1x2x128xi32, #tpu.memory_space<hbm>> -> memref<2x128xi32, #tpu.memory_space<hbm>>
        %dma_wait3A_229 = arith.constant 0 : i32
        %dma_wait3A_230 = arith.constant 0 : i32
        %dma_wait3A_231 = arith.constant 0 : i32
        %dma_wait3A_232 = tpu.memref_slice %arg2[%add3A, %dma_wait3A_229, %dma_wait3A_230, %dma_wait3A_231] : memref<32x164x2x128xi32, #tpu.memory_space<hbm>> -> memref<1x164x2x128xi32, #tpu.memory_space<hbm>>
        %dma_wait3A_233 = tpu.memref_squeeze %dma_wait3A_232 : memref<1x164x2x128xi32, #tpu.memory_space<hbm>> -> memref<164x2x128xi32, #tpu.memory_space<hbm>>
        %dma_wait3A_234 = arith.constant 0 : i32
        %dma_wait3A_235 = arith.constant 0 : i32
        %dma_wait3A_236 = tpu.memref_slice %dma_wait3A_233[%dma_wait3A_219, %dma_wait3A_234, %dma_wait3A_235] : memref<164x2x128xi32, #tpu.memory_space<hbm>> -> memref<1x2x128xi32, #tpu.memory_space<hbm>>
        %dma_wait3A_237 = tpu.memref_squeeze %dma_wait3A_236 : memref<1x2x128xi32, #tpu.memory_space<hbm>> -> memref<2x128xi32, #tpu.memory_space<hbm>>
        tpu.wait_dma2 semaphore(%arg15 : memref<!tpu.dma_semaphore, #tpu.memory_space<semaphore_mem>>) src(%dma_wait3A_237 : memref<2x128xi32, #tpu.memory_space<hbm>>) dst(%arg8 : memref<2x128xi32, #tpu.memory_space<vmem>>)
        %ge3A = arith.constant 1 : i32
        %ge3A_238 = arith.cmpi sge, %add3A_162, %ge3A : i32
        %convert_element_type3A_239 = arith.extui %ge3A_238 : i1 to i32
        %cond3A_240 = arith.constant 0 : i32
        %cond3A_241 = arith.cmpi ne, %convert_element_type3A_239, %cond3A_240 : i32
        scf.if %cond3A_241 {
          %dma_wait3A_249 = arith.constant 0 : i32
          %dma_wait3A_250 = arith.constant 0 : i32
          %dma_wait3A_251 = tpu.memref_slice %arg11[%dma_wait3A_249, %dma_wait3A_250] : memref<10240x128xf32, #tpu.memory_space<vmem_shared>> -> memref<128x128xf32, #tpu.memory_space<vmem_shared>>
          %dma_wait3A_252 = arith.constant 0 : i32
          %dma_wait3A_253 = arith.constant 0 : i32
          %dma_wait3A_254 = tpu.memref_slice %arg11[%dma_wait3A_252, %dma_wait3A_253] : memref<10240x128xf32, #tpu.memory_space<vmem_shared>> -> memref<128x128xf32, #tpu.memory_space<vmem_shared>>
          tpu.wait_dma2 semaphore(%arg19 : memref<!tpu.dma_semaphore, #tpu.memory_space<semaphore_mem>>) src(%arg10 : memref<128x128xf32, #tpu.memory_space<vmem>>) dst(%dma_wait3A_254 : memref<128x128xf32, #tpu.memory_space<vmem_shared>>)
        } else {
        }
        %dma_start3A_242 = arith.constant 0 : i32
        %dma_start3A_243 = arith.constant 0 : i32
        %dma_start3A_244 = tpu.memref_slice %arg8[%dma_start3A_242, %dma_start3A_243] : memref<2x128xi32, #tpu.memory_space<vmem>> -> memref<1x128xi32, #tpu.memory_space<vmem>>
        %dma_start3A_245 = tpu.memref_squeeze %dma_start3A_244 : memref<1x128xi32, #tpu.memory_space<vmem>> -> memref<128xi32, #tpu.memory_space<vmem>>
        %dma_start3A_246 = arith.constant 0 : i32
        %dma_start3A_247 = arith.constant 0 : i32
        %dma_start3A_248 = tpu.memref_slice %arg3[%dma_start3A_246, %dma_start3A_247] : memref<20480x128xf32, #tpu.memory_space<hbm>> -> memref<20480x128xf32, #tpu.memory_space<hbm>>
        tpu.enqueue_indirect_dma source(%dma_start3A_248 : memref<20480x128xf32, #tpu.memory_space<hbm>>) target(%arg10 : memref<128x128xf32, #tpu.memory_space<vmem>>) offsets(%dma_start3A_245 : memref<128xi32, #tpu.memory_space<vmem>>) semaphore(%arg17 : memref<!tpu.dma_semaphore, #tpu.memory_space<semaphore_mem>>)
      } else {
      }
      %dma_start3A_183 = arith.constant 1 : i32
      %dma_start3A_184 = arith.constant 0 : i32
      %dma_start3A_185 = tpu.memref_slice %arg7[%dma_start3A_183, %dma_start3A_184] : memref<2x128xi32, #tpu.memory_space<vmem>> -> memref<1x128xi32, #tpu.memory_space<vmem>>
      %dma_start3A_186 = tpu.memref_squeeze %dma_start3A_185 : memref<1x128xi32, #tpu.memory_space<vmem>> -> memref<128xi32, #tpu.memory_space<vmem>>
      %dma_start3A_187 = arith.constant 0 : i32
      %dma_start3A_188 = arith.constant 0 : i32
      %dma_start3A_189 = tpu.memref_slice %arg11[%dma_start3A_187, %dma_start3A_188] : memref<10240x128xf32, #tpu.memory_space<vmem_shared>> -> memref<10240x128xf32, #tpu.memory_space<vmem_shared>>
      tpu.enqueue_indirect_dma source(%arg9 : memref<128x128xf32, #tpu.memory_space<vmem>>) target(%dma_start3A_189 : memref<10240x128xf32, #tpu.memory_space<vmem_shared>>) offsets(%dma_start3A_186 : memref<128xi32, #tpu.memory_space<vmem>>) semaphore(%arg18 : memref<!tpu.dma_semaphore, #tpu.memory_space<semaphore_mem>>) {add = true}
      %add3A_190 = arith.constant 3 : i32
      %add3A_191 = arith.addi %mul3A_105, %add3A_190 : i32
      %add3A_192 = arith.constant 2 : i32
      %add3A_193 = arith.addi %add3A_191, %add3A_192 : i32
      %lt3A_194 = arith.constant 164 : i32
      %lt3A_195 = arith.cmpi slt, %add3A_193, %lt3A_194 : i32
      %convert_element_type3A_196 = arith.extui %lt3A_195 : i1 to i32
      %cond3A_197 = arith.constant 0 : i32
      %cond3A_198 = arith.cmpi ne, %convert_element_type3A_196, %cond3A_197 : i32
      scf.if %cond3A_198 {
        %add3A_219 = arith.constant 2 : i32
        %add3A_220 = arith.addi %add3A_191, %add3A_219 : i32
        %dma_start3A_221 = arith.constant 0 : i32
        %dma_start3A_222 = arith.constant 0 : i32
        %dma_start3A_223 = arith.constant 0 : i32
        %dma_start3A_224 = tpu.memref_slice %arg2[%add3A, %dma_start3A_221, %dma_start3A_222, %dma_start3A_223] : memref<32x164x2x128xi32, #tpu.memory_space<hbm>> -> memref<1x164x2x128xi32, #tpu.memory_space<hbm>>
        %dma_start3A_225 = tpu.memref_squeeze %dma_start3A_224 : memref<1x164x2x128xi32, #tpu.memory_space<hbm>> -> memref<164x2x128xi32, #tpu.memory_space<hbm>>
        %dma_start3A_226 = arith.constant 0 : i32
        %dma_start3A_227 = arith.constant 0 : i32
        %dma_start3A_228 = tpu.memref_slice %dma_start3A_225[%add3A_220, %dma_start3A_226, %dma_start3A_227] : memref<164x2x128xi32, #tpu.memory_space<hbm>> -> memref<1x2x128xi32, #tpu.memory_space<hbm>>
        %dma_start3A_229 = tpu.memref_squeeze %dma_start3A_228 : memref<1x2x128xi32, #tpu.memory_space<hbm>> -> memref<2x128xi32, #tpu.memory_space<hbm>>
        %dma_start3A_230 = arith.constant 0 : i32
        %dma_start3A_231 = arith.constant 0 : i32
        %dma_start3A_232 = arith.constant 0 : i32
        %dma_start3A_233 = tpu.memref_slice %arg2[%add3A, %dma_start3A_230, %dma_start3A_231, %dma_start3A_232] : memref<32x164x2x128xi32, #tpu.memory_space<hbm>> -> memref<1x164x2x128xi32, #tpu.memory_space<hbm>>
        %dma_start3A_234 = tpu.memref_squeeze %dma_start3A_233 : memref<1x164x2x128xi32, #tpu.memory_space<hbm>> -> memref<164x2x128xi32, #tpu.memory_space<hbm>>
        %dma_start3A_235 = arith.constant 0 : i32
        %dma_start3A_236 = arith.constant 0 : i32
        %dma_start3A_237 = tpu.memref_slice %dma_start3A_234[%add3A_220, %dma_start3A_235, %dma_start3A_236] : memref<164x2x128xi32, #tpu.memory_space<hbm>> -> memref<1x2x128xi32, #tpu.memory_space<hbm>>
        %dma_start3A_238 = tpu.memref_squeeze %dma_start3A_237 : memref<1x2x128xi32, #tpu.memory_space<hbm>> -> memref<2x128xi32, #tpu.memory_space<hbm>>
        tpu.enqueue_dma source(%dma_start3A_238 : memref<2x128xi32, #tpu.memory_space<hbm>>) target(%arg6 : memref<2x128xi32, #tpu.memory_space<vmem>>) target_semaphore(%arg13 : memref<!tpu.dma_semaphore, #tpu.memory_space<semaphore_mem>>)
      } else {
      }
      %dma_wait3A_199 = arith.constant 0 : i32
      %dma_wait3A_200 = arith.constant 0 : i32
      %dma_wait3A_201 = tpu.memref_slice %arg3[%dma_wait3A_199, %dma_wait3A_200] : memref<20480x128xf32, #tpu.memory_space<hbm>> -> memref<128x128xf32, #tpu.memory_space<hbm>>
      %dma_wait3A_202 = arith.constant 0 : i32
      %dma_wait3A_203 = arith.constant 0 : i32
      %dma_wait3A_204 = tpu.memref_slice %arg3[%dma_wait3A_202, %dma_wait3A_203] : memref<20480x128xf32, #tpu.memory_space<hbm>> -> memref<128x128xf32, #tpu.memory_space<hbm>>
      tpu.wait_dma2 semaphore(%arg17 : memref<!tpu.dma_semaphore, #tpu.memory_space<semaphore_mem>>) src(%dma_wait3A_204 : memref<128x128xf32, #tpu.memory_space<hbm>>) dst(%arg10 : memref<128x128xf32, #tpu.memory_space<vmem>>)
      %add3A_205 = arith.constant 1 : i32
      %add3A_206 = arith.addi %add3A_191, %add3A_205 : i32
      %lt3A_207 = arith.constant 164 : i32
      %lt3A_208 = arith.cmpi slt, %add3A_206, %lt3A_207 : i32
      %convert_element_type3A_209 = arith.extui %lt3A_208 : i1 to i32
      %cond3A_210 = arith.constant 0 : i32
      %cond3A_211 = arith.cmpi ne, %convert_element_type3A_209, %cond3A_210 : i32
      scf.if %cond3A_211 {
        %dma_wait3A_219 = arith.constant 0 : i32
        %dma_wait3A_220 = arith.constant 0 : i32
        %dma_wait3A_221 = arith.constant 0 : i32
        %dma_wait3A_222 = arith.constant 0 : i32
        %dma_wait3A_223 = tpu.memref_slice %arg2[%add3A, %dma_wait3A_220, %dma_wait3A_221, %dma_wait3A_222] : memref<32x164x2x128xi32, #tpu.memory_space<hbm>> -> memref<1x164x2x128xi32, #tpu.memory_space<hbm>>
        %dma_wait3A_224 = tpu.memref_squeeze %dma_wait3A_223 : memref<1x164x2x128xi32, #tpu.memory_space<hbm>> -> memref<164x2x128xi32, #tpu.memory_space<hbm>>
        %dma_wait3A_225 = arith.constant 0 : i32
        %dma_wait3A_226 = arith.constant 0 : i32
        %dma_wait3A_227 = tpu.memref_slice %dma_wait3A_224[%dma_wait3A_219, %dma_wait3A_225, %dma_wait3A_226] : memref<164x2x128xi32, #tpu.memory_space<hbm>> -> memref<1x2x128xi32, #tpu.memory_space<hbm>>
        %dma_wait3A_228 = tpu.memref_squeeze %dma_wait3A_227 : memref<1x2x128xi32, #tpu.memory_space<hbm>> -> memref<2x128xi32, #tpu.memory_space<hbm>>
        %dma_wait3A_229 = arith.constant 0 : i32
        %dma_wait3A_230 = arith.constant 0 : i32
        %dma_wait3A_231 = arith.constant 0 : i32
        %dma_wait3A_232 = tpu.memref_slice %arg2[%add3A, %dma_wait3A_229, %dma_wait3A_230, %dma_wait3A_231] : memref<32x164x2x128xi32, #tpu.memory_space<hbm>> -> memref<1x164x2x128xi32, #tpu.memory_space<hbm>>
        %dma_wait3A_233 = tpu.memref_squeeze %dma_wait3A_232 : memref<1x164x2x128xi32, #tpu.memory_space<hbm>> -> memref<164x2x128xi32, #tpu.memory_space<hbm>>
        %dma_wait3A_234 = arith.constant 0 : i32
        %dma_wait3A_235 = arith.constant 0 : i32
        %dma_wait3A_236 = tpu.memref_slice %dma_wait3A_233[%dma_wait3A_219, %dma_wait3A_234, %dma_wait3A_235] : memref<164x2x128xi32, #tpu.memory_space<hbm>> -> memref<1x2x128xi32, #tpu.memory_space<hbm>>
        %dma_wait3A_237 = tpu.memref_squeeze %dma_wait3A_236 : memref<1x2x128xi32, #tpu.memory_space<hbm>> -> memref<2x128xi32, #tpu.memory_space<hbm>>
        tpu.wait_dma2 semaphore(%arg12 : memref<!tpu.dma_semaphore, #tpu.memory_space<semaphore_mem>>) src(%dma_wait3A_237 : memref<2x128xi32, #tpu.memory_space<hbm>>) dst(%arg5 : memref<2x128xi32, #tpu.memory_space<vmem>>)
        %ge3A = arith.constant 1 : i32
        %ge3A_238 = arith.cmpi sge, %add3A_191, %ge3A : i32
        %convert_element_type3A_239 = arith.extui %ge3A_238 : i1 to i32
        %cond3A_240 = arith.constant 0 : i32
        %cond3A_241 = arith.cmpi ne, %convert_element_type3A_239, %cond3A_240 : i32
        scf.if %cond3A_241 {
          %dma_wait3A_249 = arith.constant 0 : i32
          %dma_wait3A_250 = arith.constant 0 : i32
          %dma_wait3A_251 = tpu.memref_slice %arg11[%dma_wait3A_249, %dma_wait3A_250] : memref<10240x128xf32, #tpu.memory_space<vmem_shared>> -> memref<128x128xf32, #tpu.memory_space<vmem_shared>>
          %dma_wait3A_252 = arith.constant 0 : i32
          %dma_wait3A_253 = arith.constant 0 : i32
          %dma_wait3A_254 = tpu.memref_slice %arg11[%dma_wait3A_252, %dma_wait3A_253] : memref<10240x128xf32, #tpu.memory_space<vmem_shared>> -> memref<128x128xf32, #tpu.memory_space<vmem_shared>>
          tpu.wait_dma2 semaphore(%arg18 : memref<!tpu.dma_semaphore, #tpu.memory_space<semaphore_mem>>) src(%arg9 : memref<128x128xf32, #tpu.memory_space<vmem>>) dst(%dma_wait3A_254 : memref<128x128xf32, #tpu.memory_space<vmem_shared>>)
        } else {
        }
        %dma_start3A_242 = arith.constant 0 : i32
        %dma_start3A_243 = arith.constant 0 : i32
        %dma_start3A_244 = tpu.memref_slice %arg5[%dma_start3A_242, %dma_start3A_243] : memref<2x128xi32, #tpu.memory_space<vmem>> -> memref<1x128xi32, #tpu.memory_space<vmem>>
        %dma_start3A_245 = tpu.memref_squeeze %dma_start3A_244 : memref<1x128xi32, #tpu.memory_space<vmem>> -> memref<128xi32, #tpu.memory_space<vmem>>
        %dma_start3A_246 = arith.constant 0 : i32
        %dma_start3A_247 = arith.constant 0 : i32
        %dma_start3A_248 = tpu.memref_slice %arg3[%dma_start3A_246, %dma_start3A_247] : memref<20480x128xf32, #tpu.memory_space<hbm>> -> memref<20480x128xf32, #tpu.memory_space<hbm>>
        tpu.enqueue_indirect_dma source(%dma_start3A_248 : memref<20480x128xf32, #tpu.memory_space<hbm>>) target(%arg9 : memref<128x128xf32, #tpu.memory_space<vmem>>) offsets(%dma_start3A_245 : memref<128xi32, #tpu.memory_space<vmem>>) semaphore(%arg16 : memref<!tpu.dma_semaphore, #tpu.memory_space<semaphore_mem>>)
      } else {
      }
      %dma_start3A_212 = arith.constant 1 : i32
      %dma_start3A_213 = arith.constant 0 : i32
      %dma_start3A_214 = tpu.memref_slice %arg8[%dma_start3A_212, %dma_start3A_213] : memref<2x128xi32, #tpu.memory_space<vmem>> -> memref<1x128xi32, #tpu.memory_space<vmem>>
      %dma_start3A_215 = tpu.memref_squeeze %dma_start3A_214 : memref<1x128xi32, #tpu.memory_space<vmem>> -> memref<128xi32, #tpu.memory_space<vmem>>
      %dma_start3A_216 = arith.constant 0 : i32
      %dma_start3A_217 = arith.constant 0 : i32
      %dma_start3A_218 = tpu.memref_slice %arg11[%dma_start3A_216, %dma_start3A_217] : memref<10240x128xf32, #tpu.memory_space<vmem_shared>> -> memref<10240x128xf32, #tpu.memory_space<vmem_shared>>
      tpu.enqueue_indirect_dma source(%arg10 : memref<128x128xf32, #tpu.memory_space<vmem>>) target(%dma_start3A_218 : memref<10240x128xf32, #tpu.memory_space<vmem_shared>>) offsets(%dma_start3A_215 : memref<128xi32, #tpu.memory_space<vmem>>) semaphore(%arg19 : memref<!tpu.dma_semaphore, #tpu.memory_space<semaphore_mem>>) {add = true}
    }
    %scan3A_86 = arith.constant 41 : i32
    %dma_wait3A_87 = arith.constant 0 : i32
    %dma_wait3A_88 = arith.constant 0 : i32
    %dma_wait3A_89 = tpu.memref_slice %arg11[%dma_wait3A_87, %dma_wait3A_88] : memref<10240x128xf32, #tpu.memory_space<vmem_shared>> -> memref<128x128xf32, #tpu.memory_space<vmem_shared>>
    %dma_wait3A_90 = arith.constant 0 : i32
    %dma_wait3A_91 = arith.constant 0 : i32
    %dma_wait3A_92 = tpu.memref_slice %arg11[%dma_wait3A_90, %dma_wait3A_91] : memref<10240x128xf32, #tpu.memory_space<vmem_shared>> -> memref<128x128xf32, #tpu.memory_space<vmem_shared>>
    tpu.wait_dma2 semaphore(%arg19 : memref<!tpu.dma_semaphore, #tpu.memory_space<semaphore_mem>>) src(%arg10 : memref<128x128xf32, #tpu.memory_space<vmem>>) dst(%dma_wait3A_92 : memref<128x128xf32, #tpu.memory_space<vmem_shared>>)
    %dma_wait3A_93 = arith.constant 0 : i32
    %dma_wait3A_94 = arith.constant 0 : i32
    %dma_wait3A_95 = tpu.memref_slice %arg11[%dma_wait3A_93, %dma_wait3A_94] : memref<10240x128xf32, #tpu.memory_space<vmem_shared>> -> memref<128x128xf32, #tpu.memory_space<vmem_shared>>
    %dma_wait3A_96 = arith.constant 0 : i32
    %dma_wait3A_97 = arith.constant 0 : i32
    %dma_wait3A_98 = tpu.memref_slice %arg11[%dma_wait3A_96, %dma_wait3A_97] : memref<10240x128xf32, #tpu.memory_space<vmem_shared>> -> memref<128x128xf32, #tpu.memory_space<vmem_shared>>
    tpu.wait_dma2 semaphore(%arg18 : memref<!tpu.dma_semaphore, #tpu.memory_space<semaphore_mem>>) src(%arg9 : memref<128x128xf32, #tpu.memory_space<vmem>>) dst(%dma_wait3A_98 : memref<128x128xf32, #tpu.memory_space<vmem_shared>>)
    %barrier3A_99 = arith.constant 0 : index
    tpu.barrier barrier_id(%barrier3A_99)
    %mul3A_100 = arith.constant 10240 : i32
    %mul3A_101 = arith.muli %arg0, %mul3A_100 : i32
    %add3A_102 = arith.addi %mul3A_101, %mul3A_8 : i32
    "tpu.region"() ({
      %run_scoped3A = tpu.sem_alloc : memref<!tpu.dma_semaphore, #tpu.memory_space<semaphore_mem>>
      %dma_start3A_103 = arith.constant 0 : i32
      %dma_start3A_104 = tpu.memref_slice %arg4[%add3A_102, %dma_start3A_103] : memref<20480x128xf32, #tpu.memory_space<hbm>> -> memref<640x128xf32, #tpu.memory_space<hbm>>
      %dma_start3A_105 = arith.constant 0 : i32
      %dma_start3A_106 = tpu.memref_slice %arg11[%mul3A_8, %dma_start3A_105] : memref<10240x128xf32, #tpu.memory_space<vmem_shared>> -> memref<640x128xf32, #tpu.memory_space<vmem_shared>>
      tpu.enqueue_dma source(%dma_start3A_106 : memref<640x128xf32, #tpu.memory_space<vmem_shared>>) target(%dma_start3A_104 : memref<640x128xf32, #tpu.memory_space<hbm>>) target_semaphore(%run_scoped3A : memref<!tpu.dma_semaphore, #tpu.memory_space<semaphore_mem>>)
      %dma_wait3A_107 = arith.constant 0 : i32
      %dma_wait3A_108 = tpu.memref_slice %arg4[%add3A_102, %dma_wait3A_107] : memref<20480x128xf32, #tpu.memory_space<hbm>> -> memref<640x128xf32, #tpu.memory_space<hbm>>
      %dma_wait3A_109 = arith.constant 0 : i32
      %dma_wait3A_110 = tpu.memref_slice %arg11[%mul3A_8, %dma_wait3A_109] : memref<10240x128xf32, #tpu.memory_space<vmem_shared>> -> memref<640x128xf32, #tpu.memory_space<vmem_shared>>
      tpu.wait_dma2 semaphore(%run_scoped3A : memref<!tpu.dma_semaphore, #tpu.memory_space<semaphore_mem>>) src(%dma_wait3A_110 : memref<640x128xf32, #tpu.memory_space<vmem_shared>>) dst(%dma_wait3A_108 : memref<640x128xf32, #tpu.memory_space<hbm>>)
      tpu.yield
    }) : () -> ()
    return
  }
}

#map = affine_map<(d0, d1) -> (0, 0)>
#map1 = affine_map<(d0, d1) -> (0)>
module attributes {stable_mosaic.version = 14 : i64} {
  func.func @pi_kernel(%arg0: i32, %arg1: i32, %arg2: memref<16x20992xi32, #tpu.memory_space<hbm>>, %arg3: memref<16x20992xi32, #tpu.memory_space<hbm>>, %arg4: memref<16xf32, #tpu.memory_space<hbm>>, %arg5: memref<10240xf32, #tpu.memory_space<hbm>>, %arg6: memref<10240xf32, #tpu.memory_space<hbm>>, %arg7: memref<20992xi32, #tpu.memory_space<vmem>>, %arg8: memref<20992xi32, #tpu.memory_space<vmem>>, %arg9: memref<20992xf32, #tpu.memory_space<vmem>>, %arg10: memref<10240xf32, #tpu.memory_space<vmem>>, %arg11: memref<10240xf32, #tpu.memory_space<vmem>>, %arg12: memref<10240xf32, #tpu.memory_space<vmem>>, %arg13: memref<10240xf32, #tpu.memory_space<vmem>>, %arg14: memref<16x640xf32, #tpu.memory_space<vmem>>, %arg15: memref<640xf32, #tpu.memory_space<vmem>>, %arg16: memref<16xf32, #tpu.memory_space<vmem>>, %arg17: memref<16x10240xf32, #tpu.memory_space<vmem_shared>>, %arg18: memref<10240xf32, #tpu.memory_space<vmem_shared>>) attributes {dimension_semantics = [#tpu.dimension_semantics<core_parallel>, #tpu.dimension_semantics<subcore_parallel>], iteration_bounds = array<i64: 2, 16>, scalar_prefetch = 0 : i64, scratch_operands = 12 : i64, tpu.core_type = #tpu.core_type<sc_vector_subcore>, window_params = [{transform_indices = #map}, {transform_indices = #map}, {transform_indices = #map1}, {transform_indices = #map1}, {transform_indices = #map1}]} {
    %iota3A = tpu.iota {dimensions = array<i32: 0>} : vector<16xi32>
    %broadcast_in_dim3A = arith.constant 0.000000e+00 : f32
    %broadcast_in_dim3A_0 = vector.broadcast %broadcast_in_dim3A : f32 to vector<16xf32>
    "tpu.region"() ({
      %run_scoped3A = tpu.sem_alloc : memref<!tpu.dma_semaphore, #tpu.memory_space<semaphore_mem>>
      %dma_start3A = arith.constant 0 : i32
      %dma_start3A_63 = tpu.memref_slice %arg2[%arg1, %dma_start3A] : memref<16x20992xi32, #tpu.memory_space<hbm>> -> memref<1x20992xi32, #tpu.memory_space<hbm>>
      %dma_start3A_64 = tpu.memref_squeeze %dma_start3A_63 : memref<1x20992xi32, #tpu.memory_space<hbm>> -> memref<20992xi32, #tpu.memory_space<hbm>>
      %dma_start3A_65 = arith.constant 0 : i32
      %dma_start3A_66 = tpu.memref_slice %arg2[%arg1, %dma_start3A_65] : memref<16x20992xi32, #tpu.memory_space<hbm>> -> memref<1x20992xi32, #tpu.memory_space<hbm>>
      %dma_start3A_67 = tpu.memref_squeeze %dma_start3A_66 : memref<1x20992xi32, #tpu.memory_space<hbm>> -> memref<20992xi32, #tpu.memory_space<hbm>>
      tpu.enqueue_dma source(%dma_start3A_67 : memref<20992xi32, #tpu.memory_space<hbm>>) target(%arg7 : memref<20992xi32, #tpu.memory_space<vmem>>) target_semaphore(%run_scoped3A : memref<!tpu.dma_semaphore, #tpu.memory_space<semaphore_mem>>)
      %dma_wait3A = arith.constant 0 : i32
      %dma_wait3A_68 = tpu.memref_slice %arg2[%arg1, %dma_wait3A] : memref<16x20992xi32, #tpu.memory_space<hbm>> -> memref<1x20992xi32, #tpu.memory_space<hbm>>
      %dma_wait3A_69 = tpu.memref_squeeze %dma_wait3A_68 : memref<1x20992xi32, #tpu.memory_space<hbm>> -> memref<20992xi32, #tpu.memory_space<hbm>>
      %dma_wait3A_70 = arith.constant 0 : i32
      %dma_wait3A_71 = tpu.memref_slice %arg2[%arg1, %dma_wait3A_70] : memref<16x20992xi32, #tpu.memory_space<hbm>> -> memref<1x20992xi32, #tpu.memory_space<hbm>>
      %dma_wait3A_72 = tpu.memref_squeeze %dma_wait3A_71 : memref<1x20992xi32, #tpu.memory_space<hbm>> -> memref<20992xi32, #tpu.memory_space<hbm>>
      tpu.wait_dma2 semaphore(%run_scoped3A : memref<!tpu.dma_semaphore, #tpu.memory_space<semaphore_mem>>) src(%dma_wait3A_72 : memref<20992xi32, #tpu.memory_space<hbm>>) dst(%arg7 : memref<20992xi32, #tpu.memory_space<vmem>>)
      tpu.yield
    }) : () -> ()
    "tpu.region"() ({
      %run_scoped3A = tpu.sem_alloc : memref<!tpu.dma_semaphore, #tpu.memory_space<semaphore_mem>>
      %dma_start3A = arith.constant 0 : i32
      %dma_start3A_63 = tpu.memref_slice %arg3[%arg1, %dma_start3A] : memref<16x20992xi32, #tpu.memory_space<hbm>> -> memref<1x20992xi32, #tpu.memory_space<hbm>>
      %dma_start3A_64 = tpu.memref_squeeze %dma_start3A_63 : memref<1x20992xi32, #tpu.memory_space<hbm>> -> memref<20992xi32, #tpu.memory_space<hbm>>
      %dma_start3A_65 = arith.constant 0 : i32
      %dma_start3A_66 = tpu.memref_slice %arg3[%arg1, %dma_start3A_65] : memref<16x20992xi32, #tpu.memory_space<hbm>> -> memref<1x20992xi32, #tpu.memory_space<hbm>>
      %dma_start3A_67 = tpu.memref_squeeze %dma_start3A_66 : memref<1x20992xi32, #tpu.memory_space<hbm>> -> memref<20992xi32, #tpu.memory_space<hbm>>
      tpu.enqueue_dma source(%dma_start3A_67 : memref<20992xi32, #tpu.memory_space<hbm>>) target(%arg8 : memref<20992xi32, #tpu.memory_space<vmem>>) target_semaphore(%run_scoped3A : memref<!tpu.dma_semaphore, #tpu.memory_space<semaphore_mem>>)
      %dma_wait3A = arith.constant 0 : i32
      %dma_wait3A_68 = tpu.memref_slice %arg3[%arg1, %dma_wait3A] : memref<16x20992xi32, #tpu.memory_space<hbm>> -> memref<1x20992xi32, #tpu.memory_space<hbm>>
      %dma_wait3A_69 = tpu.memref_squeeze %dma_wait3A_68 : memref<1x20992xi32, #tpu.memory_space<hbm>> -> memref<20992xi32, #tpu.memory_space<hbm>>
      %dma_wait3A_70 = arith.constant 0 : i32
      %dma_wait3A_71 = tpu.memref_slice %arg3[%arg1, %dma_wait3A_70] : memref<16x20992xi32, #tpu.memory_space<hbm>> -> memref<1x20992xi32, #tpu.memory_space<hbm>>
      %dma_wait3A_72 = tpu.memref_squeeze %dma_wait3A_71 : memref<1x20992xi32, #tpu.memory_space<hbm>> -> memref<20992xi32, #tpu.memory_space<hbm>>
      tpu.wait_dma2 semaphore(%run_scoped3A : memref<!tpu.dma_semaphore, #tpu.memory_space<semaphore_mem>>) src(%dma_wait3A_72 : memref<20992xi32, #tpu.memory_space<hbm>>) dst(%arg8 : memref<20992xi32, #tpu.memory_space<vmem>>)
      tpu.yield
    }) : () -> ()
    "tpu.region"() ({
      %run_scoped3A = tpu.sem_alloc : memref<!tpu.dma_semaphore, #tpu.memory_space<semaphore_mem>>
      tpu.enqueue_dma source(%arg4 : memref<16xf32, #tpu.memory_space<hbm>>) target(%arg16 : memref<16xf32, #tpu.memory_space<vmem>>) target_semaphore(%run_scoped3A : memref<!tpu.dma_semaphore, #tpu.memory_space<semaphore_mem>>)
      tpu.wait_dma2 semaphore(%run_scoped3A : memref<!tpu.dma_semaphore, #tpu.memory_space<semaphore_mem>>) src(%arg4 : memref<16xf32, #tpu.memory_space<hbm>>) dst(%arg16 : memref<16xf32, #tpu.memory_space<vmem>>)
      tpu.yield
    }) : () -> ()
    %get3A = arith.constant 0 : index
    %get3A_1 = tpu.vector_load %arg16[%get3A] {strides = array<i32>} : memref<16xf32, #tpu.memory_space<vmem>>, vector<16xf32>,
    %scan3A = arith.constant 0 : i32
    %scan3A_2 = arith.constant 0 : i32
    %scan3A_3 = arith.constant 640 : i32
    %scan3A_4 = arith.addi %scan3A_2, %scan3A_3 : i32
    %scan3A_5 = arith.constant 1 : i32
    scf.for %scan3A_63 = %scan3A_2 to %scan3A_4 step %scan3A_5  : i32 {
      %mul3A_64 = arith.constant 16 : i32
      %mul3A_65 = arith.muli %scan3A_63, %mul3A_64 : i32
      %swap3A = arith.index_cast %mul3A_65 : i32 to index
      %swap3A_66 = tpu.vector_load %arg11[%swap3A] {strides = array<i32>} : memref<10240xf32, #tpu.memory_space<vmem>>, vector<16xf32>,
      tpu.vector_store %arg11[%swap3A], %broadcast_in_dim3A_0 {strides = array<i32>} : memref<10240xf32, #tpu.memory_space<vmem>>, vector<16xf32>,
    }
    %scan3A_6 = arith.constant 640 : i32
    %scan3A_7 = arith.constant 0 : i32
    %scan3A_8 = arith.constant 0 : i32
    %scan3A_9 = arith.constant 1312 : i32
    %scan3A_10 = arith.addi %scan3A_8, %scan3A_9 : i32
    %scan3A_11 = arith.constant 1 : i32
    scf.for %scan3A_63 = %scan3A_8 to %scan3A_10 step %scan3A_11  : i32 {
      %mul3A_64 = arith.constant 20992 : i32
      %mul3A_65 = arith.muli %arg1, %mul3A_64 : i32
      %mul3A_66 = arith.constant 16 : i32
      %mul3A_67 = arith.muli %scan3A_63, %mul3A_66 : i32
      %add3A = arith.addi %mul3A_65, %mul3A_67 : i32
      %add3A_68 = vector.broadcast %add3A : i32 to vector<16xi32>
      %add3A_69 = arith.addi %add3A_68, %iota3A : vector<16xi32>
      %lt3A = arith.constant 330000 : i32
      %lt3A_70 = vector.broadcast %lt3A : i32 to vector<16xi32>
      %lt3A_71 = arith.cmpi slt, %add3A_69, %lt3A_70 : vector<16xi32>
      %jit3A = arith.constant 1.000000e+00 : f32
      %jit3A_72 = arith.constant 0.000000e+00 : f32
      %broadcast_in_dim3A_73 = vector.broadcast %jit3A : f32 to vector<16xf32>
      %broadcast_in_dim3A_74 = vector.broadcast %jit3A_72 : f32 to vector<16xf32>
      %select_n3A = arith.select %lt3A_71, %broadcast_in_dim3A_73, %broadcast_in_dim3A_74 : vector<16xi1>, vector<16xf32>
      %mul3A_75 = arith.constant 16 : i32
      %mul3A_76 = arith.muli %scan3A_63, %mul3A_75 : i32
      %get3A_77 = arith.index_cast %mul3A_76 : i32 to index
      %get3A_78 = tpu.vector_load %arg7[%get3A_77] {strides = array<i32>} : memref<20992xi32, #tpu.memory_space<vmem>>, vector<16xi32>,
      tpu.vector_store_idx %arg11[%get3A_78], %select_n3A {add = true} : memref<10240xf32, #tpu.memory_space<vmem>>[vector<16xi32>], vector<16xf32>,
    }
    %scan3A_12 = arith.constant 1312 : i32
    "tpu.region"() ({
      %run_scoped3A = tpu.sem_alloc : memref<!tpu.dma_semaphore, #tpu.memory_space<semaphore_mem>>
      %dma_start3A = arith.constant 0 : i32
      %dma_start3A_63 = tpu.memref_slice %arg17[%arg1, %dma_start3A] : memref<16x10240xf32, #tpu.memory_space<vmem_shared>> -> memref<1x10240xf32, #tpu.memory_space<vmem_shared>>
      %dma_start3A_64 = tpu.memref_squeeze %dma_start3A_63 : memref<1x10240xf32, #tpu.memory_space<vmem_shared>> -> memref<10240xf32, #tpu.memory_space<vmem_shared>>
      %dma_start3A_65 = arith.constant 0 : i32
      %dma_start3A_66 = tpu.memref_slice %arg17[%arg1, %dma_start3A_65] : memref<16x10240xf32, #tpu.memory_space<vmem_shared>> -> memref<1x10240xf32, #tpu.memory_space<vmem_shared>>
      %dma_start3A_67 = tpu.memref_squeeze %dma_start3A_66 : memref<1x10240xf32, #tpu.memory_space<vmem_shared>> -> memref<10240xf32, #tpu.memory_space<vmem_shared>>
      tpu.enqueue_dma source(%arg11 : memref<10240xf32, #tpu.memory_space<vmem>>) target(%dma_start3A_67 : memref<10240xf32, #tpu.memory_space<vmem_shared>>) target_semaphore(%run_scoped3A : memref<!tpu.dma_semaphore, #tpu.memory_space<semaphore_mem>>)
      %dma_wait3A = arith.constant 0 : i32
      %dma_wait3A_68 = tpu.memref_slice %arg17[%arg1, %dma_wait3A] : memref<16x10240xf32, #tpu.memory_space<vmem_shared>> -> memref<1x10240xf32, #tpu.memory_space<vmem_shared>>
      %dma_wait3A_69 = tpu.memref_squeeze %dma_wait3A_68 : memref<1x10240xf32, #tpu.memory_space<vmem_shared>> -> memref<10240xf32, #tpu.memory_space<vmem_shared>>
      %dma_wait3A_70 = arith.constant 0 : i32
      %dma_wait3A_71 = tpu.memref_slice %arg17[%arg1, %dma_wait3A_70] : memref<16x10240xf32, #tpu.memory_space<vmem_shared>> -> memref<1x10240xf32, #tpu.memory_space<vmem_shared>>
      %dma_wait3A_72 = tpu.memref_squeeze %dma_wait3A_71 : memref<1x10240xf32, #tpu.memory_space<vmem_shared>> -> memref<10240xf32, #tpu.memory_space<vmem_shared>>
      tpu.wait_dma2 semaphore(%run_scoped3A : memref<!tpu.dma_semaphore, #tpu.memory_space<semaphore_mem>>) src(%arg11 : memref<10240xf32, #tpu.memory_space<vmem>>) dst(%dma_wait3A_72 : memref<10240xf32, #tpu.memory_space<vmem_shared>>)
      tpu.yield
    }) : () -> ()
    %barrier3A = arith.constant 0 : index
    tpu.barrier barrier_id(%barrier3A)
    %mul3A = arith.constant 640 : i32
    %mul3A_13 = arith.muli %arg1, %mul3A : i32
    "tpu.region"() ({
      %run_scoped3A = tpu.sem_alloc : memref<!tpu.dma_semaphore, #tpu.memory_space<semaphore_mem>>
      %dma_start3A = arith.constant 0 : i32
      %dma_start3A_63 = tpu.memref_slice %arg17[%dma_start3A, %mul3A_13] : memref<16x10240xf32, #tpu.memory_space<vmem_shared>> -> memref<16x640xf32, #tpu.memory_space<vmem_shared>>
      %dma_start3A_64 = arith.constant 0 : i32
      %dma_start3A_65 = tpu.memref_slice %arg17[%dma_start3A_64, %mul3A_13] : memref<16x10240xf32, #tpu.memory_space<vmem_shared>> -> memref<16x640xf32, #tpu.memory_space<vmem_shared>>
      tpu.enqueue_dma source(%dma_start3A_65 : memref<16x640xf32, #tpu.memory_space<vmem_shared>>) target(%arg14 : memref<16x640xf32, #tpu.memory_space<vmem>>) target_semaphore(%run_scoped3A : memref<!tpu.dma_semaphore, #tpu.memory_space<semaphore_mem>>)
      %dma_wait3A = arith.constant 0 : i32
      %dma_wait3A_66 = tpu.memref_slice %arg17[%dma_wait3A, %mul3A_13] : memref<16x10240xf32, #tpu.memory_space<vmem_shared>> -> memref<16x640xf32, #tpu.memory_space<vmem_shared>>
      %dma_wait3A_67 = arith.constant 0 : i32
      %dma_wait3A_68 = tpu.memref_slice %arg17[%dma_wait3A_67, %mul3A_13] : memref<16x10240xf32, #tpu.memory_space<vmem_shared>> -> memref<16x640xf32, #tpu.memory_space<vmem_shared>>
      tpu.wait_dma2 semaphore(%run_scoped3A : memref<!tpu.dma_semaphore, #tpu.memory_space<semaphore_mem>>) src(%dma_wait3A_68 : memref<16x640xf32, #tpu.memory_space<vmem_shared>>) dst(%arg14 : memref<16x640xf32, #tpu.memory_space<vmem>>)
      tpu.yield
    }) : () -> ()
    %scan3A_14 = arith.constant 0 : i32
    %scan3A_15 = arith.constant 0 : i32
    %scan3A_16 = arith.constant 40 : i32
    %scan3A_17 = arith.addi %scan3A_15, %scan3A_16 : i32
    %scan3A_18 = arith.constant 1 : i32
    scf.for %scan3A_63 = %scan3A_15 to %scan3A_17 step %scan3A_18  : i32 {
      %mul3A_64 = arith.constant 16 : i32
      %mul3A_65 = arith.muli %scan3A_63, %mul3A_64 : i32
      %get3A_66 = arith.constant 0 : i32
      %get3A_67 = arith.index_cast %get3A_66 : i32 to index
      %get3A_68 = arith.index_cast %mul3A_65 : i32 to index
      %get3A_69 = tpu.vector_load %arg14[%get3A_67, %get3A_68] {strides = array<i32>} : memref<16x640xf32, #tpu.memory_space<vmem>>, vector<16xf32>,
      %mul3A_70 = arith.constant 16 : i32
      %mul3A_71 = arith.muli %scan3A_63, %mul3A_70 : i32
      %get3A_72 = arith.constant 1 : i32
      %get3A_73 = arith.index_cast %get3A_72 : i32 to index
      %get3A_74 = arith.index_cast %mul3A_71 : i32 to index
      %get3A_75 = tpu.vector_load %arg14[%get3A_73, %get3A_74] {strides = array<i32>} : memref<16x640xf32, #tpu.memory_space<vmem>>, vector<16xf32>,
      %add3A = arith.addf %get3A_69, %get3A_75 : vector<16xf32>
      %mul3A_76 = arith.constant 16 : i32
      %mul3A_77 = arith.muli %scan3A_63, %mul3A_76 : i32
      %get3A_78 = arith.constant 2 : i32
      %get3A_79 = arith.index_cast %get3A_78 : i32 to index
      %get3A_80 = arith.index_cast %mul3A_77 : i32 to index
      %get3A_81 = tpu.vector_load %arg14[%get3A_79, %get3A_80] {strides = array<i32>} : memref<16x640xf32, #tpu.memory_space<vmem>>, vector<16xf32>,
      %add3A_82 = arith.addf %add3A, %get3A_81 : vector<16xf32>
      %mul3A_83 = arith.constant 16 : i32
      %mul3A_84 = arith.muli %scan3A_63, %mul3A_83 : i32
      %get3A_85 = arith.constant 3 : i32
      %get3A_86 = arith.index_cast %get3A_85 : i32 to index
      %get3A_87 = arith.index_cast %mul3A_84 : i32 to index
      %get3A_88 = tpu.vector_load %arg14[%get3A_86, %get3A_87] {strides = array<i32>} : memref<16x640xf32, #tpu.memory_space<vmem>>, vector<16xf32>,
      %add3A_89 = arith.addf %add3A_82, %get3A_88 : vector<16xf32>
      %mul3A_90 = arith.constant 16 : i32
      %mul3A_91 = arith.muli %scan3A_63, %mul3A_90 : i32
      %get3A_92 = arith.constant 4 : i32
      %get3A_93 = arith.index_cast %get3A_92 : i32 to index
      %get3A_94 = arith.index_cast %mul3A_91 : i32 to index
      %get3A_95 = tpu.vector_load %arg14[%get3A_93, %get3A_94] {strides = array<i32>} : memref<16x640xf32, #tpu.memory_space<vmem>>, vector<16xf32>,
      %add3A_96 = arith.addf %add3A_89, %get3A_95 : vector<16xf32>
      %mul3A_97 = arith.constant 16 : i32
      %mul3A_98 = arith.muli %scan3A_63, %mul3A_97 : i32
      %get3A_99 = arith.constant 5 : i32
      %get3A_100 = arith.index_cast %get3A_99 : i32 to index
      %get3A_101 = arith.index_cast %mul3A_98 : i32 to index
      %get3A_102 = tpu.vector_load %arg14[%get3A_100, %get3A_101] {strides = array<i32>} : memref<16x640xf32, #tpu.memory_space<vmem>>, vector<16xf32>,
      %add3A_103 = arith.addf %add3A_96, %get3A_102 : vector<16xf32>
      %mul3A_104 = arith.constant 16 : i32
      %mul3A_105 = arith.muli %scan3A_63, %mul3A_104 : i32
      %get3A_106 = arith.constant 6 : i32
      %get3A_107 = arith.index_cast %get3A_106 : i32 to index
      %get3A_108 = arith.index_cast %mul3A_105 : i32 to index
      %get3A_109 = tpu.vector_load %arg14[%get3A_107, %get3A_108] {strides = array<i32>} : memref<16x640xf32, #tpu.memory_space<vmem>>, vector<16xf32>,
      %add3A_110 = arith.addf %add3A_103, %get3A_109 : vector<16xf32>
      %mul3A_111 = arith.constant 16 : i32
      %mul3A_112 = arith.muli %scan3A_63, %mul3A_111 : i32
      %get3A_113 = arith.constant 7 : i32
      %get3A_114 = arith.index_cast %get3A_113 : i32 to index
      %get3A_115 = arith.index_cast %mul3A_112 : i32 to index
      %get3A_116 = tpu.vector_load %arg14[%get3A_114, %get3A_115] {strides = array<i32>} : memref<16x640xf32, #tpu.memory_space<vmem>>, vector<16xf32>,
      %add3A_117 = arith.addf %add3A_110, %get3A_116 : vector<16xf32>
      %mul3A_118 = arith.constant 16 : i32
      %mul3A_119 = arith.muli %scan3A_63, %mul3A_118 : i32
      %get3A_120 = arith.constant 8 : i32
      %get3A_121 = arith.index_cast %get3A_120 : i32 to index
      %get3A_122 = arith.index_cast %mul3A_119 : i32 to index
      %get3A_123 = tpu.vector_load %arg14[%get3A_121, %get3A_122] {strides = array<i32>} : memref<16x640xf32, #tpu.memory_space<vmem>>, vector<16xf32>,
      %add3A_124 = arith.addf %add3A_117, %get3A_123 : vector<16xf32>
      %mul3A_125 = arith.constant 16 : i32
      %mul3A_126 = arith.muli %scan3A_63, %mul3A_125 : i32
      %get3A_127 = arith.constant 9 : i32
      %get3A_128 = arith.index_cast %get3A_127 : i32 to index
      %get3A_129 = arith.index_cast %mul3A_126 : i32 to index
      %get3A_130 = tpu.vector_load %arg14[%get3A_128, %get3A_129] {strides = array<i32>} : memref<16x640xf32, #tpu.memory_space<vmem>>, vector<16xf32>,
      %add3A_131 = arith.addf %add3A_124, %get3A_130 : vector<16xf32>
      %mul3A_132 = arith.constant 16 : i32
      %mul3A_133 = arith.muli %scan3A_63, %mul3A_132 : i32
      %get3A_134 = arith.constant 10 : i32
      %get3A_135 = arith.index_cast %get3A_134 : i32 to index
      %get3A_136 = arith.index_cast %mul3A_133 : i32 to index
      %get3A_137 = tpu.vector_load %arg14[%get3A_135, %get3A_136] {strides = array<i32>} : memref<16x640xf32, #tpu.memory_space<vmem>>, vector<16xf32>,
      %add3A_138 = arith.addf %add3A_131, %get3A_137 : vector<16xf32>
      %mul3A_139 = arith.constant 16 : i32
      %mul3A_140 = arith.muli %scan3A_63, %mul3A_139 : i32
      %get3A_141 = arith.constant 11 : i32
      %get3A_142 = arith.index_cast %get3A_141 : i32 to index
      %get3A_143 = arith.index_cast %mul3A_140 : i32 to index
      %get3A_144 = tpu.vector_load %arg14[%get3A_142, %get3A_143] {strides = array<i32>} : memref<16x640xf32, #tpu.memory_space<vmem>>, vector<16xf32>,
      %add3A_145 = arith.addf %add3A_138, %get3A_144 : vector<16xf32>
      %mul3A_146 = arith.constant 16 : i32
      %mul3A_147 = arith.muli %scan3A_63, %mul3A_146 : i32
      %get3A_148 = arith.constant 12 : i32
      %get3A_149 = arith.index_cast %get3A_148 : i32 to index
      %get3A_150 = arith.index_cast %mul3A_147 : i32 to index
      %get3A_151 = tpu.vector_load %arg14[%get3A_149, %get3A_150] {strides = array<i32>} : memref<16x640xf32, #tpu.memory_space<vmem>>, vector<16xf32>,
      %add3A_152 = arith.addf %add3A_145, %get3A_151 : vector<16xf32>
      %mul3A_153 = arith.constant 16 : i32
      %mul3A_154 = arith.muli %scan3A_63, %mul3A_153 : i32
      %get3A_155 = arith.constant 13 : i32
      %get3A_156 = arith.index_cast %get3A_155 : i32 to index
      %get3A_157 = arith.index_cast %mul3A_154 : i32 to index
      %get3A_158 = tpu.vector_load %arg14[%get3A_156, %get3A_157] {strides = array<i32>} : memref<16x640xf32, #tpu.memory_space<vmem>>, vector<16xf32>,
      %add3A_159 = arith.addf %add3A_152, %get3A_158 : vector<16xf32>
      %mul3A_160 = arith.constant 16 : i32
      %mul3A_161 = arith.muli %scan3A_63, %mul3A_160 : i32
      %get3A_162 = arith.constant 14 : i32
      %get3A_163 = arith.index_cast %get3A_162 : i32 to index
      %get3A_164 = arith.index_cast %mul3A_161 : i32 to index
      %get3A_165 = tpu.vector_load %arg14[%get3A_163, %get3A_164] {strides = array<i32>} : memref<16x640xf32, #tpu.memory_space<vmem>>, vector<16xf32>,
      %add3A_166 = arith.addf %add3A_159, %get3A_165 : vector<16xf32>
      %mul3A_167 = arith.constant 16 : i32
      %mul3A_168 = arith.muli %scan3A_63, %mul3A_167 : i32
      %get3A_169 = arith.constant 15 : i32
      %get3A_170 = arith.index_cast %get3A_169 : i32 to index
      %get3A_171 = arith.index_cast %mul3A_168 : i32 to index
      %get3A_172 = tpu.vector_load %arg14[%get3A_170, %get3A_171] {strides = array<i32>} : memref<16x640xf32, #tpu.memory_space<vmem>>, vector<16xf32>,
      %add3A_173 = arith.addf %add3A_166, %get3A_172 : vector<16xf32>
      %mul3A_174 = arith.constant 16 : i32
      %mul3A_175 = arith.muli %scan3A_63, %mul3A_174 : i32
      %swap3A = arith.index_cast %mul3A_175 : i32 to index
      %swap3A_176 = tpu.vector_load %arg15[%swap3A] {strides = array<i32>} : memref<640xf32, #tpu.memory_space<vmem>>, vector<16xf32>,
      tpu.vector_store %arg15[%swap3A], %add3A_173 {strides = array<i32>} : memref<640xf32, #tpu.memory_space<vmem>>, vector<16xf32>,
    }
    %scan3A_19 = arith.constant 40 : i32
    %mul3A_20 = arith.constant 640 : i32
    %mul3A_21 = arith.muli %arg1, %mul3A_20 : i32
    "tpu.region"() ({
      %run_scoped3A = tpu.sem_alloc : memref<!tpu.dma_semaphore, #tpu.memory_space<semaphore_mem>>
      %dma_start3A = tpu.memref_slice %arg18[%mul3A_21] : memref<10240xf32, #tpu.memory_space<vmem_shared>> -> memref<640xf32, #tpu.memory_space<vmem_shared>>
      %dma_start3A_63 = tpu.memref_slice %arg18[%mul3A_21] : memref<10240xf32, #tpu.memory_space<vmem_shared>> -> memref<640xf32, #tpu.memory_space<vmem_shared>>
      tpu.enqueue_dma source(%arg15 : memref<640xf32, #tpu.memory_space<vmem>>) target(%dma_start3A_63 : memref<640xf32, #tpu.memory_space<vmem_shared>>) target_semaphore(%run_scoped3A : memref<!tpu.dma_semaphore, #tpu.memory_space<semaphore_mem>>)
      %dma_wait3A = tpu.memref_slice %arg18[%mul3A_21] : memref<10240xf32, #tpu.memory_space<vmem_shared>> -> memref<640xf32, #tpu.memory_space<vmem_shared>>
      %dma_wait3A_64 = tpu.memref_slice %arg18[%mul3A_21] : memref<10240xf32, #tpu.memory_space<vmem_shared>> -> memref<640xf32, #tpu.memory_space<vmem_shared>>
      tpu.wait_dma2 semaphore(%run_scoped3A : memref<!tpu.dma_semaphore, #tpu.memory_space<semaphore_mem>>) src(%arg15 : memref<640xf32, #tpu.memory_space<vmem>>) dst(%dma_wait3A_64 : memref<640xf32, #tpu.memory_space<vmem_shared>>)
      tpu.yield
    }) : () -> ()
    %barrier3A_22 = arith.constant 0 : index
    tpu.barrier barrier_id(%barrier3A_22)
    "tpu.region"() ({
      %run_scoped3A = tpu.sem_alloc : memref<!tpu.dma_semaphore, #tpu.memory_space<semaphore_mem>>
      tpu.enqueue_dma source(%arg18 : memref<10240xf32, #tpu.memory_space<vmem_shared>>) target(%arg10 : memref<10240xf32, #tpu.memory_space<vmem>>) target_semaphore(%run_scoped3A : memref<!tpu.dma_semaphore, #tpu.memory_space<semaphore_mem>>)
      tpu.wait_dma2 semaphore(%run_scoped3A : memref<!tpu.dma_semaphore, #tpu.memory_space<semaphore_mem>>) src(%arg18 : memref<10240xf32, #tpu.memory_space<vmem_shared>>) dst(%arg10 : memref<10240xf32, #tpu.memory_space<vmem>>)
      tpu.yield
    }) : () -> ()
    %scan3A_23 = arith.constant 0 : i32
    %scan3A_24 = arith.constant 0 : i32
    %scan3A_25 = arith.constant 640 : i32
    %scan3A_26 = arith.addi %scan3A_24, %scan3A_25 : i32
    %scan3A_27 = arith.constant 1 : i32
    scf.for %scan3A_63 = %scan3A_24 to %scan3A_26 step %scan3A_27  : i32 {
      %mul3A_64 = arith.constant 16 : i32
      %mul3A_65 = arith.muli %scan3A_63, %mul3A_64 : i32
      %get3A_66 = arith.index_cast %mul3A_65 : i32 to index
      %get3A_67 = tpu.vector_load %arg10[%get3A_66] {strides = array<i32>} : memref<10240xf32, #tpu.memory_space<vmem>>, vector<16xf32>,
      %gt3A = arith.constant 0.000000e+00 : f32
      %gt3A_68 = vector.broadcast %gt3A : f32 to vector<16xf32>
      %gt3A_69 = arith.cmpf ogt, %get3A_67, %gt3A_68 : vector<16xf32>
      %max3A = arith.constant 1.000000e-30 : f32
      %max3A_70 = vector.broadcast %max3A : f32 to vector<16xf32>
      %max3A_71 = arith.maximumf %get3A_67, %max3A_70 : vector<16xf32>
      %div3A = arith.constant 1.000000e+00 : f32
      %div3A_72 = vector.broadcast %div3A : f32 to vector<16xf32>
      %div3A_73 = arith.divf %div3A_72, %max3A_71 : vector<16xf32>
      %jit3A = arith.constant 0.000000e+00 : f32
      %broadcast_in_dim3A_74 = vector.broadcast %jit3A : f32 to vector<16xf32>
      %select_n3A = arith.select %gt3A_69, %div3A_73, %broadcast_in_dim3A_74 : vector<16xi1>, vector<16xf32>
      %mul3A_75 = arith.constant 16 : i32
      %mul3A_76 = arith.muli %scan3A_63, %mul3A_75 : i32
      %swap3A = arith.index_cast %mul3A_76 : i32 to index
      %swap3A_77 = tpu.vector_load %arg13[%swap3A] {strides = array<i32>} : memref<10240xf32, #tpu.memory_space<vmem>>, vector<16xf32>,
      tpu.vector_store %arg13[%swap3A], %select_n3A {strides = array<i32>} : memref<10240xf32, #tpu.memory_space<vmem>>, vector<16xf32>,
    }
    %scan3A_28 = arith.constant 640 : i32
    %scan3A_29 = arith.constant 0 : i32
    %scan3A_30 = arith.constant 0 : i32
    %scan3A_31 = arith.constant 1312 : i32
    %scan3A_32 = arith.addi %scan3A_30, %scan3A_31 : i32
    %scan3A_33 = arith.constant 1 : i32
    scf.for %scan3A_63 = %scan3A_30 to %scan3A_32 step %scan3A_33  : i32 {
      %mul3A_64 = arith.constant 20992 : i32
      %mul3A_65 = arith.muli %arg1, %mul3A_64 : i32
      %mul3A_66 = arith.constant 16 : i32
      %mul3A_67 = arith.muli %scan3A_63, %mul3A_66 : i32
      %add3A = arith.addi %mul3A_65, %mul3A_67 : i32
      %add3A_68 = vector.broadcast %add3A : i32 to vector<16xi32>
      %add3A_69 = arith.addi %add3A_68, %iota3A : vector<16xi32>
      %lt3A = arith.constant 330000 : i32
      %lt3A_70 = vector.broadcast %lt3A : i32 to vector<16xi32>
      %lt3A_71 = arith.cmpi slt, %add3A_69, %lt3A_70 : vector<16xi32>
      %jit3A = arith.constant 1.000000e+00 : f32
      %jit3A_72 = arith.constant 0.000000e+00 : f32
      %broadcast_in_dim3A_73 = vector.broadcast %jit3A : f32 to vector<16xf32>
      %broadcast_in_dim3A_74 = vector.broadcast %jit3A_72 : f32 to vector<16xf32>
      %select_n3A = arith.select %lt3A_71, %broadcast_in_dim3A_73, %broadcast_in_dim3A_74 : vector<16xi1>, vector<16xf32>
      %mul3A_75 = arith.constant 16 : i32
      %mul3A_76 = arith.muli %scan3A_63, %mul3A_75 : i32
      %get3A_77 = arith.index_cast %mul3A_76 : i32 to index
      %get3A_78 = tpu.vector_load %arg7[%get3A_77] {strides = array<i32>} : memref<20992xi32, #tpu.memory_space<vmem>>, vector<16xi32>,
      %gather3A = tpu.vector_load_idx %arg13[%get3A_78] : memref<10240xf32, #tpu.memory_space<vmem>>[vector<16xi32>], vector<16xf32>,
      %mul3A_79 = arith.mulf %select_n3A, %gather3A : vector<16xf32>
      %mul3A_80 = arith.constant 16 : i32
      %mul3A_81 = arith.muli %scan3A_63, %mul3A_80 : i32
      %swap3A = arith.index_cast %mul3A_81 : i32 to index
      %swap3A_82 = tpu.vector_load %arg9[%swap3A] {strides = array<i32>} : memref<20992xf32, #tpu.memory_space<vmem>>, vector<16xf32>,
      tpu.vector_store %arg9[%swap3A], %mul3A_79 {strides = array<i32>} : memref<20992xf32, #tpu.memory_space<vmem>>, vector<16xf32>,
    }
    %scan3A_34 = arith.constant 1312 : i32
    %scan3A_35 = arith.constant 0 : i32
    %scan3A_36 = arith.constant 9.99999974E-5 : f32
    %scan3A_37 = arith.constant 0 : i32
    %scan3A_38 = arith.constant 640 : i32
    %scan3A_39 = arith.addi %scan3A_37, %scan3A_38 : i32
    %scan3A_40 = arith.constant 1 : i32
    scf.for %scan3A_63 = %scan3A_37 to %scan3A_39 step %scan3A_40  : i32 {
      %broadcast_in_dim3A_64 = vector.broadcast %scan3A_36 : f32 to vector<16xf32>
      %mul3A_65 = arith.constant 16 : i32
      %mul3A_66 = arith.muli %scan3A_63, %mul3A_65 : i32
      %swap3A = arith.index_cast %mul3A_66 : i32 to index
      %swap3A_67 = tpu.vector_load %arg10[%swap3A] {strides = array<i32>} : memref<10240xf32, #tpu.memory_space<vmem>>, vector<16xf32>,
      tpu.vector_store %arg10[%swap3A], %broadcast_in_dim3A_64 {strides = array<i32>} : memref<10240xf32, #tpu.memory_space<vmem>>, vector<16xf32>,
    }
    %scan3A_41 = arith.constant 640 : i32
    %scan3A_42 = arith.constant 0 : i32
    %scan3A_43 = arith.constant 9.99999974E-5 : f32
    %scan3A_44 = arith.constant 0 : i32
    %scan3A_45 = arith.constant 20 : i32
    %scan3A_46 = arith.addi %scan3A_44, %scan3A_45 : i32
    %scan3A_47 = arith.constant 1 : i32
    scf.for %scan3A_63 = %scan3A_44 to %scan3A_46 step %scan3A_47  : i32 {
      %scan3A_64 = arith.constant 0 : i32
      %scan3A_65 = arith.constant 0 : i32
      %scan3A_66 = arith.constant 640 : i32
      %scan3A_67 = arith.addi %scan3A_65, %scan3A_66 : i32
      %scan3A_68 = arith.constant 1 : i32
      scf.for %scan3A_103 = %scan3A_65 to %scan3A_67 step %scan3A_68  : i32 {
        %mul3A_104 = arith.constant 16 : i32
        %mul3A_105 = arith.muli %scan3A_103, %mul3A_104 : i32
        %swap3A = arith.index_cast %mul3A_105 : i32 to index
        %swap3A_106 = tpu.vector_load %arg11[%swap3A] {strides = array<i32>} : memref<10240xf32, #tpu.memory_space<vmem>>, vector<16xf32>,
        tpu.vector_store %arg11[%swap3A], %broadcast_in_dim3A_0 {strides = array<i32>} : memref<10240xf32, #tpu.memory_space<vmem>>, vector<16xf32>,
      }
      %scan3A_69 = arith.constant 640 : i32
      %scan3A_70 = arith.constant 0 : i32
      %scan3A_71 = arith.constant 0 : i32
      %scan3A_72 = arith.constant 1312 : i32
      %scan3A_73 = arith.addi %scan3A_71, %scan3A_72 : i32
      %scan3A_74 = arith.constant 1 : i32
      scf.for %scan3A_103 = %scan3A_71 to %scan3A_73 step %scan3A_74  : i32 {
        %mul3A_104 = arith.constant 16 : i32
        %mul3A_105 = arith.muli %scan3A_103, %mul3A_104 : i32
        %get3A_106 = arith.index_cast %mul3A_105 : i32 to index
        %get3A_107 = tpu.vector_load %arg7[%get3A_106] {strides = array<i32>} : memref<20992xi32, #tpu.memory_space<vmem>>, vector<16xi32>,
        %gather3A = tpu.vector_load_idx %arg10[%get3A_107] : memref<10240xf32, #tpu.memory_space<vmem>>[vector<16xi32>], vector<16xf32>,
        %mul3A_108 = arith.constant 16 : i32
        %mul3A_109 = arith.muli %scan3A_103, %mul3A_108 : i32
        %get3A_110 = arith.index_cast %mul3A_109 : i32 to index
        %get3A_111 = tpu.vector_load %arg9[%get3A_110] {strides = array<i32>} : memref<20992xf32, #tpu.memory_space<vmem>>, vector<16xf32>,
        %mul3A_112 = arith.mulf %gather3A, %get3A_111 : vector<16xf32>
        %mul3A_113 = arith.constant 16 : i32
        %mul3A_114 = arith.muli %scan3A_103, %mul3A_113 : i32
        %get3A_115 = arith.index_cast %mul3A_114 : i32 to index
        %get3A_116 = tpu.vector_load %arg8[%get3A_115] {strides = array<i32>} : memref<20992xi32, #tpu.memory_space<vmem>>, vector<16xi32>,
        tpu.vector_store_idx %arg11[%get3A_116], %mul3A_112 {add = true} : memref<10240xf32, #tpu.memory_space<vmem>>[vector<16xi32>], vector<16xf32>,
      }
      %scan3A_75 = arith.constant 1312 : i32
      "tpu.region"() ({
        %run_scoped3A = tpu.sem_alloc : memref<!tpu.dma_semaphore, #tpu.memory_space<semaphore_mem>>
        %dma_start3A = arith.constant 0 : i32
        %dma_start3A_103 = tpu.memref_slice %arg17[%arg1, %dma_start3A] : memref<16x10240xf32, #tpu.memory_space<vmem_shared>> -> memref<1x10240xf32, #tpu.memory_space<vmem_shared>>
        %dma_start3A_104 = tpu.memref_squeeze %dma_start3A_103 : memref<1x10240xf32, #tpu.memory_space<vmem_shared>> -> memref<10240xf32, #tpu.memory_space<vmem_shared>>
        %dma_start3A_105 = arith.constant 0 : i32
        %dma_start3A_106 = tpu.memref_slice %arg17[%arg1, %dma_start3A_105] : memref<16x10240xf32, #tpu.memory_space<vmem_shared>> -> memref<1x10240xf32, #tpu.memory_space<vmem_shared>>
        %dma_start3A_107 = tpu.memref_squeeze %dma_start3A_106 : memref<1x10240xf32, #tpu.memory_space<vmem_shared>> -> memref<10240xf32, #tpu.memory_space<vmem_shared>>
        tpu.enqueue_dma source(%arg11 : memref<10240xf32, #tpu.memory_space<vmem>>) target(%dma_start3A_107 : memref<10240xf32, #tpu.memory_space<vmem_shared>>) target_semaphore(%run_scoped3A : memref<!tpu.dma_semaphore, #tpu.memory_space<semaphore_mem>>)
        %dma_wait3A = arith.constant 0 : i32
        %dma_wait3A_108 = tpu.memref_slice %arg17[%arg1, %dma_wait3A] : memref<16x10240xf32, #tpu.memory_space<vmem_shared>> -> memref<1x10240xf32, #tpu.memory_space<vmem_shared>>
        %dma_wait3A_109 = tpu.memref_squeeze %dma_wait3A_108 : memref<1x10240xf32, #tpu.memory_space<vmem_shared>> -> memref<10240xf32, #tpu.memory_space<vmem_shared>>
        %dma_wait3A_110 = arith.constant 0 : i32
        %dma_wait3A_111 = tpu.memref_slice %arg17[%arg1, %dma_wait3A_110] : memref<16x10240xf32, #tpu.memory_space<vmem_shared>> -> memref<1x10240xf32, #tpu.memory_space<vmem_shared>>
        %dma_wait3A_112 = tpu.memref_squeeze %dma_wait3A_111 : memref<1x10240xf32, #tpu.memory_space<vmem_shared>> -> memref<10240xf32, #tpu.memory_space<vmem_shared>>
        tpu.wait_dma2 semaphore(%run_scoped3A : memref<!tpu.dma_semaphore, #tpu.memory_space<semaphore_mem>>) src(%arg11 : memref<10240xf32, #tpu.memory_space<vmem>>) dst(%dma_wait3A_112 : memref<10240xf32, #tpu.memory_space<vmem_shared>>)
        tpu.yield
      }) : () -> ()
      %barrier3A_76 = arith.constant 0 : index
      tpu.barrier barrier_id(%barrier3A_76)
      %mul3A_77 = arith.constant 640 : i32
      %mul3A_78 = arith.muli %arg1, %mul3A_77 : i32
      "tpu.region"() ({
        %run_scoped3A = tpu.sem_alloc : memref<!tpu.dma_semaphore, #tpu.memory_space<semaphore_mem>>
        %dma_start3A = arith.constant 0 : i32
        %dma_start3A_103 = tpu.memref_slice %arg17[%dma_start3A, %mul3A_78] : memref<16x10240xf32, #tpu.memory_space<vmem_shared>> -> memref<16x640xf32, #tpu.memory_space<vmem_shared>>
        %dma_start3A_104 = arith.constant 0 : i32
        %dma_start3A_105 = tpu.memref_slice %arg17[%dma_start3A_104, %mul3A_78] : memref<16x10240xf32, #tpu.memory_space<vmem_shared>> -> memref<16x640xf32, #tpu.memory_space<vmem_shared>>
        tpu.enqueue_dma source(%dma_start3A_105 : memref<16x640xf32, #tpu.memory_space<vmem_shared>>) target(%arg14 : memref<16x640xf32, #tpu.memory_space<vmem>>) target_semaphore(%run_scoped3A : memref<!tpu.dma_semaphore, #tpu.memory_space<semaphore_mem>>)
        %dma_wait3A = arith.constant 0 : i32
        %dma_wait3A_106 = tpu.memref_slice %arg17[%dma_wait3A, %mul3A_78] : memref<16x10240xf32, #tpu.memory_space<vmem_shared>> -> memref<16x640xf32, #tpu.memory_space<vmem_shared>>
        %dma_wait3A_107 = arith.constant 0 : i32
        %dma_wait3A_108 = tpu.memref_slice %arg17[%dma_wait3A_107, %mul3A_78] : memref<16x10240xf32, #tpu.memory_space<vmem_shared>> -> memref<16x640xf32, #tpu.memory_space<vmem_shared>>
        tpu.wait_dma2 semaphore(%run_scoped3A : memref<!tpu.dma_semaphore, #tpu.memory_space<semaphore_mem>>) src(%dma_wait3A_108 : memref<16x640xf32, #tpu.memory_space<vmem_shared>>) dst(%arg14 : memref<16x640xf32, #tpu.memory_space<vmem>>)
        tpu.yield
      }) : () -> ()
      %scan3A_79 = arith.constant 0 : i32
      %scan3A_80 = arith.constant 0 : i32
      %scan3A_81 = arith.constant 40 : i32
      %scan3A_82 = arith.addi %scan3A_80, %scan3A_81 : i32
      %scan3A_83 = arith.constant 1 : i32
      scf.for %scan3A_103 = %scan3A_80 to %scan3A_82 step %scan3A_83  : i32 {
        %mul3A_104 = arith.constant 16 : i32
        %mul3A_105 = arith.muli %scan3A_103, %mul3A_104 : i32
        %get3A_106 = arith.constant 0 : i32
        %get3A_107 = arith.index_cast %get3A_106 : i32 to index
        %get3A_108 = arith.index_cast %mul3A_105 : i32 to index
        %get3A_109 = tpu.vector_load %arg14[%get3A_107, %get3A_108] {strides = array<i32>} : memref<16x640xf32, #tpu.memory_space<vmem>>, vector<16xf32>,
        %mul3A_110 = arith.constant 16 : i32
        %mul3A_111 = arith.muli %scan3A_103, %mul3A_110 : i32
        %get3A_112 = arith.constant 1 : i32
        %get3A_113 = arith.index_cast %get3A_112 : i32 to index
        %get3A_114 = arith.index_cast %mul3A_111 : i32 to index
        %get3A_115 = tpu.vector_load %arg14[%get3A_113, %get3A_114] {strides = array<i32>} : memref<16x640xf32, #tpu.memory_space<vmem>>, vector<16xf32>,
        %add3A = arith.addf %get3A_109, %get3A_115 : vector<16xf32>
        %mul3A_116 = arith.constant 16 : i32
        %mul3A_117 = arith.muli %scan3A_103, %mul3A_116 : i32
        %get3A_118 = arith.constant 2 : i32
        %get3A_119 = arith.index_cast %get3A_118 : i32 to index
        %get3A_120 = arith.index_cast %mul3A_117 : i32 to index
        %get3A_121 = tpu.vector_load %arg14[%get3A_119, %get3A_120] {strides = array<i32>} : memref<16x640xf32, #tpu.memory_space<vmem>>, vector<16xf32>,
        %add3A_122 = arith.addf %add3A, %get3A_121 : vector<16xf32>
        %mul3A_123 = arith.constant 16 : i32
        %mul3A_124 = arith.muli %scan3A_103, %mul3A_123 : i32
        %get3A_125 = arith.constant 3 : i32
        %get3A_126 = arith.index_cast %get3A_125 : i32 to index
        %get3A_127 = arith.index_cast %mul3A_124 : i32 to index
        %get3A_128 = tpu.vector_load %arg14[%get3A_126, %get3A_127] {strides = array<i32>} : memref<16x640xf32, #tpu.memory_space<vmem>>, vector<16xf32>,
        %add3A_129 = arith.addf %add3A_122, %get3A_128 : vector<16xf32>
        %mul3A_130 = arith.constant 16 : i32
        %mul3A_131 = arith.muli %scan3A_103, %mul3A_130 : i32
        %get3A_132 = arith.constant 4 : i32
        %get3A_133 = arith.index_cast %get3A_132 : i32 to index
        %get3A_134 = arith.index_cast %mul3A_131 : i32 to index
        %get3A_135 = tpu.vector_load %arg14[%get3A_133, %get3A_134] {strides = array<i32>} : memref<16x640xf32, #tpu.memory_space<vmem>>, vector<16xf32>,
        %add3A_136 = arith.addf %add3A_129, %get3A_135 : vector<16xf32>
        %mul3A_137 = arith.constant 16 : i32
        %mul3A_138 = arith.muli %scan3A_103, %mul3A_137 : i32
        %get3A_139 = arith.constant 5 : i32
        %get3A_140 = arith.index_cast %get3A_139 : i32 to index
        %get3A_141 = arith.index_cast %mul3A_138 : i32 to index
        %get3A_142 = tpu.vector_load %arg14[%get3A_140, %get3A_141] {strides = array<i32>} : memref<16x640xf32, #tpu.memory_space<vmem>>, vector<16xf32>,
        %add3A_143 = arith.addf %add3A_136, %get3A_142 : vector<16xf32>
        %mul3A_144 = arith.constant 16 : i32
        %mul3A_145 = arith.muli %scan3A_103, %mul3A_144 : i32
        %get3A_146 = arith.constant 6 : i32
        %get3A_147 = arith.index_cast %get3A_146 : i32 to index
        %get3A_148 = arith.index_cast %mul3A_145 : i32 to index
        %get3A_149 = tpu.vector_load %arg14[%get3A_147, %get3A_148] {strides = array<i32>} : memref<16x640xf32, #tpu.memory_space<vmem>>, vector<16xf32>,
        %add3A_150 = arith.addf %add3A_143, %get3A_149 : vector<16xf32>
        %mul3A_151 = arith.constant 16 : i32
        %mul3A_152 = arith.muli %scan3A_103, %mul3A_151 : i32
        %get3A_153 = arith.constant 7 : i32
        %get3A_154 = arith.index_cast %get3A_153 : i32 to index
        %get3A_155 = arith.index_cast %mul3A_152 : i32 to index
        %get3A_156 = tpu.vector_load %arg14[%get3A_154, %get3A_155] {strides = array<i32>} : memref<16x640xf32, #tpu.memory_space<vmem>>, vector<16xf32>,
        %add3A_157 = arith.addf %add3A_150, %get3A_156 : vector<16xf32>
        %mul3A_158 = arith.constant 16 : i32
        %mul3A_159 = arith.muli %scan3A_103, %mul3A_158 : i32
        %get3A_160 = arith.constant 8 : i32
        %get3A_161 = arith.index_cast %get3A_160 : i32 to index
        %get3A_162 = arith.index_cast %mul3A_159 : i32 to index
        %get3A_163 = tpu.vector_load %arg14[%get3A_161, %get3A_162] {strides = array<i32>} : memref<16x640xf32, #tpu.memory_space<vmem>>, vector<16xf32>,
        %add3A_164 = arith.addf %add3A_157, %get3A_163 : vector<16xf32>
        %mul3A_165 = arith.constant 16 : i32
        %mul3A_166 = arith.muli %scan3A_103, %mul3A_165 : i32
        %get3A_167 = arith.constant 9 : i32
        %get3A_168 = arith.index_cast %get3A_167 : i32 to index
        %get3A_169 = arith.index_cast %mul3A_166 : i32 to index
        %get3A_170 = tpu.vector_load %arg14[%get3A_168, %get3A_169] {strides = array<i32>} : memref<16x640xf32, #tpu.memory_space<vmem>>, vector<16xf32>,
        %add3A_171 = arith.addf %add3A_164, %get3A_170 : vector<16xf32>
        %mul3A_172 = arith.constant 16 : i32
        %mul3A_173 = arith.muli %scan3A_103, %mul3A_172 : i32
        %get3A_174 = arith.constant 10 : i32
        %get3A_175 = arith.index_cast %get3A_174 : i32 to index
        %get3A_176 = arith.index_cast %mul3A_173 : i32 to index
        %get3A_177 = tpu.vector_load %arg14[%get3A_175, %get3A_176] {strides = array<i32>} : memref<16x640xf32, #tpu.memory_space<vmem>>, vector<16xf32>,
        %add3A_178 = arith.addf %add3A_171, %get3A_177 : vector<16xf32>
        %mul3A_179 = arith.constant 16 : i32
        %mul3A_180 = arith.muli %scan3A_103, %mul3A_179 : i32
        %get3A_181 = arith.constant 11 : i32
        %get3A_182 = arith.index_cast %get3A_181 : i32 to index
        %get3A_183 = arith.index_cast %mul3A_180 : i32 to index
        %get3A_184 = tpu.vector_load %arg14[%get3A_182, %get3A_183] {strides = array<i32>} : memref<16x640xf32, #tpu.memory_space<vmem>>, vector<16xf32>,
        %add3A_185 = arith.addf %add3A_178, %get3A_184 : vector<16xf32>
        %mul3A_186 = arith.constant 16 : i32
        %mul3A_187 = arith.muli %scan3A_103, %mul3A_186 : i32
        %get3A_188 = arith.constant 12 : i32
        %get3A_189 = arith.index_cast %get3A_188 : i32 to index
        %get3A_190 = arith.index_cast %mul3A_187 : i32 to index
        %get3A_191 = tpu.vector_load %arg14[%get3A_189, %get3A_190] {strides = array<i32>} : memref<16x640xf32, #tpu.memory_space<vmem>>, vector<16xf32>,
        %add3A_192 = arith.addf %add3A_185, %get3A_191 : vector<16xf32>
        %mul3A_193 = arith.constant 16 : i32
        %mul3A_194 = arith.muli %scan3A_103, %mul3A_193 : i32
        %get3A_195 = arith.constant 13 : i32
        %get3A_196 = arith.index_cast %get3A_195 : i32 to index
        %get3A_197 = arith.index_cast %mul3A_194 : i32 to index
        %get3A_198 = tpu.vector_load %arg14[%get3A_196, %get3A_197] {strides = array<i32>} : memref<16x640xf32, #tpu.memory_space<vmem>>, vector<16xf32>,
        %add3A_199 = arith.addf %add3A_192, %get3A_198 : vector<16xf32>
        %mul3A_200 = arith.constant 16 : i32
        %mul3A_201 = arith.muli %scan3A_103, %mul3A_200 : i32
        %get3A_202 = arith.constant 14 : i32
        %get3A_203 = arith.index_cast %get3A_202 : i32 to index
        %get3A_204 = arith.index_cast %mul3A_201 : i32 to index
        %get3A_205 = tpu.vector_load %arg14[%get3A_203, %get3A_204] {strides = array<i32>} : memref<16x640xf32, #tpu.memory_space<vmem>>, vector<16xf32>,
        %add3A_206 = arith.addf %add3A_199, %get3A_205 : vector<16xf32>
        %mul3A_207 = arith.constant 16 : i32
        %mul3A_208 = arith.muli %scan3A_103, %mul3A_207 : i32
        %get3A_209 = arith.constant 15 : i32
        %get3A_210 = arith.index_cast %get3A_209 : i32 to index
        %get3A_211 = arith.index_cast %mul3A_208 : i32 to index
        %get3A_212 = tpu.vector_load %arg14[%get3A_210, %get3A_211] {strides = array<i32>} : memref<16x640xf32, #tpu.memory_space<vmem>>, vector<16xf32>,
        %add3A_213 = arith.addf %add3A_206, %get3A_212 : vector<16xf32>
        %mul3A_214 = arith.constant 16 : i32
        %mul3A_215 = arith.muli %scan3A_103, %mul3A_214 : i32
        %swap3A = arith.index_cast %mul3A_215 : i32 to index
        %swap3A_216 = tpu.vector_load %arg15[%swap3A] {strides = array<i32>} : memref<640xf32, #tpu.memory_space<vmem>>, vector<16xf32>,
        tpu.vector_store %arg15[%swap3A], %add3A_213 {strides = array<i32>} : memref<640xf32, #tpu.memory_space<vmem>>, vector<16xf32>,
      }
      %scan3A_84 = arith.constant 40 : i32
      %mul3A_85 = arith.constant 640 : i32
      %mul3A_86 = arith.muli %arg1, %mul3A_85 : i32
      "tpu.region"() ({
        %run_scoped3A = tpu.sem_alloc : memref<!tpu.dma_semaphore, #tpu.memory_space<semaphore_mem>>
        %dma_start3A = tpu.memref_slice %arg18[%mul3A_86] : memref<10240xf32, #tpu.memory_space<vmem_shared>> -> memref<640xf32, #tpu.memory_space<vmem_shared>>
        %dma_start3A_103 = tpu.memref_slice %arg18[%mul3A_86] : memref<10240xf32, #tpu.memory_space<vmem_shared>> -> memref<640xf32, #tpu.memory_space<vmem_shared>>
        tpu.enqueue_dma source(%arg15 : memref<640xf32, #tpu.memory_space<vmem>>) target(%dma_start3A_103 : memref<640xf32, #tpu.memory_space<vmem_shared>>) target_semaphore(%run_scoped3A : memref<!tpu.dma_semaphore, #tpu.memory_space<semaphore_mem>>)
        %dma_wait3A = tpu.memref_slice %arg18[%mul3A_86] : memref<10240xf32, #tpu.memory_space<vmem_shared>> -> memref<640xf32, #tpu.memory_space<vmem_shared>>
        %dma_wait3A_104 = tpu.memref_slice %arg18[%mul3A_86] : memref<10240xf32, #tpu.memory_space<vmem_shared>> -> memref<640xf32, #tpu.memory_space<vmem_shared>>
        tpu.wait_dma2 semaphore(%run_scoped3A : memref<!tpu.dma_semaphore, #tpu.memory_space<semaphore_mem>>) src(%arg15 : memref<640xf32, #tpu.memory_space<vmem>>) dst(%dma_wait3A_104 : memref<640xf32, #tpu.memory_space<vmem_shared>>)
        tpu.yield
      }) : () -> ()
      %barrier3A_87 = arith.constant 0 : index
      tpu.barrier barrier_id(%barrier3A_87)
      "tpu.region"() ({
        %run_scoped3A = tpu.sem_alloc : memref<!tpu.dma_semaphore, #tpu.memory_space<semaphore_mem>>
        tpu.enqueue_dma source(%arg18 : memref<10240xf32, #tpu.memory_space<vmem_shared>>) target(%arg10 : memref<10240xf32, #tpu.memory_space<vmem>>) target_semaphore(%run_scoped3A : memref<!tpu.dma_semaphore, #tpu.memory_space<semaphore_mem>>)
        tpu.wait_dma2 semaphore(%run_scoped3A : memref<!tpu.dma_semaphore, #tpu.memory_space<semaphore_mem>>) src(%arg18 : memref<10240xf32, #tpu.memory_space<vmem_shared>>) dst(%arg10 : memref<10240xf32, #tpu.memory_space<vmem>>)
        tpu.yield
      }) : () -> ()
      %scan3A_88 = arith.constant 0 : i32
      %scan3A_89 = arith.constant 625 : i32
      %scan3A_90 = arith.addi %scan3A_88, %scan3A_89 : i32
      %scan3A_91 = arith.constant 1 : i32
      %scan3A_92 = scf.for %scan3A_103 = %scan3A_88 to %scan3A_90 step %scan3A_91 iter_args(%scan3A_104 = %broadcast_in_dim3A_0) -> (vector<16xf32>)  : i32 {
        %mul3A_105 = arith.constant 16 : i32
        %mul3A_106 = arith.muli %scan3A_103, %mul3A_105 : i32
        %get3A_107 = arith.index_cast %mul3A_106 : i32 to index
        %get3A_108 = tpu.vector_load %arg10[%get3A_107] {strides = array<i32>} : memref<10240xf32, #tpu.memory_space<vmem>>, vector<16xf32>,
        %sub3A = arith.constant 1.000000e+00 : f32
        %sub3A_109 = vector.broadcast %sub3A : f32 to vector<16xf32>
        %sub3A_110 = arith.subf %sub3A_109, %get3A_1 : vector<16xf32>
        %mul3A_111 = arith.mulf %sub3A_110, %get3A_108 : vector<16xf32>
        %mul3A_112 = vector.broadcast %scan3A_43 : f32 to vector<16xf32>
        %mul3A_113 = arith.mulf %get3A_1, %mul3A_112 : vector<16xf32>
        %add3A = arith.addf %mul3A_111, %mul3A_113 : vector<16xf32>
        %mul3A_114 = arith.constant 16 : i32
        %mul3A_115 = arith.muli %scan3A_103, %mul3A_114 : i32
        %swap3A = arith.index_cast %mul3A_115 : i32 to index
        %swap3A_116 = tpu.vector_load %arg10[%swap3A] {strides = array<i32>} : memref<10240xf32, #tpu.memory_space<vmem>>, vector<16xf32>,
        tpu.vector_store %arg10[%swap3A], %add3A {strides = array<i32>} : memref<10240xf32, #tpu.memory_space<vmem>>, vector<16xf32>,
        %add3A_117 = arith.addf %scan3A_104, %add3A : vector<16xf32>
        scf.yield %add3A_117 : vector<16xf32>
      }
      %scan3A_93 = arith.constant 625 : i32
      %reduce_sum3A = arith.constant true
      %reduce_sum3A_94 = vector.broadcast %reduce_sum3A : i1 to vector<16xi1>
      %reduce_sum3A_95 = tpu.scan <sum>, %scan3A_92 masked %reduce_sum3A_94 : vector<16xf32>, vector<16xi1> -> vector<16xf32>
      %reduce_sum3A_96 = vector.extract %reduce_sum3A_95[15] : f32 from vector<16xf32>
      %scan3A_97 = arith.constant 0 : i32
      %scan3A_98 = arith.constant 0 : i32
      %scan3A_99 = arith.constant 625 : i32
      %scan3A_100 = arith.addi %scan3A_98, %scan3A_99 : i32
      %scan3A_101 = arith.constant 1 : i32
      scf.for %scan3A_103 = %scan3A_98 to %scan3A_100 step %scan3A_101  : i32 {
        %mul3A_104 = arith.constant 16 : i32
        %mul3A_105 = arith.muli %scan3A_103, %mul3A_104 : i32
        %get3A_106 = arith.index_cast %mul3A_105 : i32 to index
        %get3A_107 = tpu.vector_load %arg10[%get3A_106] {strides = array<i32>} : memref<10240xf32, #tpu.memory_space<vmem>>, vector<16xf32>,
        %div3A = vector.broadcast %reduce_sum3A_96 : f32 to vector<16xf32>
        %div3A_108 = arith.divf %get3A_107, %div3A : vector<16xf32>
        %mul3A_109 = arith.constant 16 : i32
        %mul3A_110 = arith.muli %scan3A_103, %mul3A_109 : i32
        %swap3A = arith.index_cast %mul3A_110 : i32 to index
        %swap3A_111 = tpu.vector_load %arg10[%swap3A] {strides = array<i32>} : memref<10240xf32, #tpu.memory_space<vmem>>, vector<16xf32>,
        tpu.vector_store %arg10[%swap3A], %div3A_108 {strides = array<i32>} : memref<10240xf32, #tpu.memory_space<vmem>>, vector<16xf32>,
      }
      %scan3A_102 = arith.constant 625 : i32
    }
    %scan3A_48 = arith.constant 20 : i32
    %scan3A_49 = arith.constant 0 : i32
    %scan3A_50 = arith.constant 0 : i32
    %scan3A_51 = arith.constant 640 : i32
    %scan3A_52 = arith.addi %scan3A_50, %scan3A_51 : i32
    %scan3A_53 = arith.constant 1 : i32
    scf.for %scan3A_63 = %scan3A_50 to %scan3A_52 step %scan3A_53  : i32 {
      %mul3A_64 = arith.constant 16 : i32
      %mul3A_65 = arith.muli %scan3A_63, %mul3A_64 : i32
      %get3A_66 = arith.index_cast %mul3A_65 : i32 to index
      %get3A_67 = tpu.vector_load %arg10[%get3A_66] {strides = array<i32>} : memref<10240xf32, #tpu.memory_space<vmem>>, vector<16xf32>,
      %max3A = arith.constant 9.99999996E-13 : f32
      %max3A_68 = vector.broadcast %max3A : f32 to vector<16xf32>
      %max3A_69 = arith.maximumf %get3A_67, %max3A_68 : vector<16xf32>
      %bitcast3A = vector.bitcast %max3A_69 : vector<16xf32> to vector<16xi32>
      %shift_right_arithmetic3A = arith.constant 1 : i32
      %shift_right_arithmetic3A_70 = vector.broadcast %shift_right_arithmetic3A : i32 to vector<16xi32>
      %shift_right_arithmetic3A_71 = arith.shrsi %bitcast3A, %shift_right_arithmetic3A_70 : vector<16xi32>
      %sub3A = arith.constant 1597463007 : i32
      %sub3A_72 = vector.broadcast %sub3A : i32 to vector<16xi32>
      %sub3A_73 = arith.subi %sub3A_72, %shift_right_arithmetic3A_71 : vector<16xi32>
      %bitcast3A_74 = vector.bitcast %sub3A_73 : vector<16xi32> to vector<16xf32>
      %mul3A_75 = arith.constant 5.000000e-01 : f32
      %mul3A_76 = vector.broadcast %mul3A_75 : f32 to vector<16xf32>
      %mul3A_77 = arith.mulf %mul3A_76, %max3A_69 : vector<16xf32>
      %mul3A_78 = arith.mulf %mul3A_77, %bitcast3A_74 : vector<16xf32>
      %mul3A_79 = arith.mulf %mul3A_78, %bitcast3A_74 : vector<16xf32>
      %sub3A_80 = arith.constant 1.500000e+00 : f32
      %sub3A_81 = vector.broadcast %sub3A_80 : f32 to vector<16xf32>
      %sub3A_82 = arith.subf %sub3A_81, %mul3A_79 : vector<16xf32>
      %mul3A_83 = arith.mulf %bitcast3A_74, %sub3A_82 : vector<16xf32>
      %mul3A_84 = arith.constant 5.000000e-01 : f32
      %mul3A_85 = vector.broadcast %mul3A_84 : f32 to vector<16xf32>
      %mul3A_86 = arith.mulf %mul3A_85, %max3A_69 : vector<16xf32>
      %mul3A_87 = arith.mulf %mul3A_86, %mul3A_83 : vector<16xf32>
      %mul3A_88 = arith.mulf %mul3A_87, %mul3A_83 : vector<16xf32>
      %sub3A_89 = arith.constant 1.500000e+00 : f32
      %sub3A_90 = vector.broadcast %sub3A_89 : f32 to vector<16xf32>
      %sub3A_91 = arith.subf %sub3A_90, %mul3A_88 : vector<16xf32>
      %mul3A_92 = arith.mulf %mul3A_83, %sub3A_91 : vector<16xf32>
      %mul3A_93 = arith.constant 5.000000e-01 : f32
      %mul3A_94 = vector.broadcast %mul3A_93 : f32 to vector<16xf32>
      %mul3A_95 = arith.mulf %mul3A_94, %max3A_69 : vector<16xf32>
      %mul3A_96 = arith.mulf %mul3A_95, %mul3A_92 : vector<16xf32>
      %mul3A_97 = arith.mulf %mul3A_96, %mul3A_92 : vector<16xf32>
      %sub3A_98 = arith.constant 1.500000e+00 : f32
      %sub3A_99 = vector.broadcast %sub3A_98 : f32 to vector<16xf32>
      %sub3A_100 = arith.subf %sub3A_99, %mul3A_97 : vector<16xf32>
      %mul3A_101 = arith.mulf %mul3A_92, %sub3A_100 : vector<16xf32>
      %mul3A_102 = arith.constant 16 : i32
      %mul3A_103 = arith.muli %scan3A_63, %mul3A_102 : i32
      %swap3A = arith.index_cast %mul3A_103 : i32 to index
      %swap3A_104 = tpu.vector_load %arg12[%swap3A] {strides = array<i32>} : memref<10240xf32, #tpu.memory_space<vmem>>, vector<16xf32>,
      tpu.vector_store %arg12[%swap3A], %mul3A_101 {strides = array<i32>} : memref<10240xf32, #tpu.memory_space<vmem>>, vector<16xf32>,
      %mul3A_105 = arith.mulf %max3A_69, %mul3A_101 : vector<16xf32>
      %mul3A_106 = arith.constant 16 : i32
      %mul3A_107 = arith.muli %scan3A_63, %mul3A_106 : i32
      %swap3A_108 = arith.index_cast %mul3A_107 : i32 to index
      %swap3A_109 = tpu.vector_load %arg10[%swap3A_108] {strides = array<i32>} : memref<10240xf32, #tpu.memory_space<vmem>>, vector<16xf32>,
      tpu.vector_store %arg10[%swap3A_108], %mul3A_105 {strides = array<i32>} : memref<10240xf32, #tpu.memory_space<vmem>>, vector<16xf32>,
    }
    %scan3A_54 = arith.constant 640 : i32
    %scan3A_55 = arith.constant 0 : i32
    %scan3A_56 = arith.constant 0 : i32
    %scan3A_57 = arith.constant 40 : i32
    %scan3A_58 = arith.addi %scan3A_56, %scan3A_57 : i32
    %scan3A_59 = arith.constant 1 : i32
    scf.for %scan3A_63 = %scan3A_56 to %scan3A_58 step %scan3A_59  : i32 {
      %mul3A_64 = arith.constant 640 : i32
      %mul3A_65 = arith.muli %arg1, %mul3A_64 : i32
      %mul3A_66 = arith.constant 16 : i32
      %mul3A_67 = arith.muli %scan3A_63, %mul3A_66 : i32
      %add3A = arith.addi %mul3A_65, %mul3A_67 : i32
      %get3A_68 = arith.index_cast %add3A : i32 to index
      %get3A_69 = tpu.vector_load %arg10[%get3A_68] {strides = array<i32>} : memref<10240xf32, #tpu.memory_space<vmem>>, vector<16xf32>,
      %mul3A_70 = arith.constant 5.000000e-01 : f32
      %mul3A_71 = vector.broadcast %mul3A_70 : f32 to vector<16xf32>
      %mul3A_72 = arith.mulf %mul3A_71, %get3A_69 : vector<16xf32>
      %get3A_73 = arith.index_cast %add3A : i32 to index
      %get3A_74 = tpu.vector_load %arg13[%get3A_73] {strides = array<i32>} : memref<10240xf32, #tpu.memory_space<vmem>>, vector<16xf32>,
      %mul3A_75 = arith.mulf %mul3A_72, %get3A_74 : vector<16xf32>
      %mul3A_76 = arith.constant 16 : i32
      %mul3A_77 = arith.muli %scan3A_63, %mul3A_76 : i32
      %swap3A = arith.index_cast %mul3A_77 : i32 to index
      %swap3A_78 = tpu.vector_load %arg15[%swap3A] {strides = array<i32>} : memref<640xf32, #tpu.memory_space<vmem>>, vector<16xf32>,
      tpu.vector_store %arg15[%swap3A], %mul3A_75 {strides = array<i32>} : memref<640xf32, #tpu.memory_space<vmem>>, vector<16xf32>,
    }
    %scan3A_60 = arith.constant 40 : i32
    %eq3A = arith.constant 0 : i32
    %eq3A_61 = arith.cmpi eq, %arg0, %eq3A : i32
    %convert_element_type3A = arith.extui %eq3A_61 : i1 to i32
    %cond3A = arith.constant 0 : i32
    %cond3A_62 = arith.cmpi ne, %convert_element_type3A, %cond3A : i32
    scf.if %cond3A_62 {
      %mul3A_63 = arith.constant 640 : i32
      %mul3A_64 = arith.muli %arg1, %mul3A_63 : i32
      "tpu.region"() ({
        %run_scoped3A = tpu.sem_alloc : memref<!tpu.dma_semaphore, #tpu.memory_space<semaphore_mem>>
        %dma_start3A = tpu.memref_slice %arg5[%mul3A_64] : memref<10240xf32, #tpu.memory_space<hbm>> -> memref<640xf32, #tpu.memory_space<hbm>>
        %dma_start3A_69 = tpu.memref_slice %arg5[%mul3A_64] : memref<10240xf32, #tpu.memory_space<hbm>> -> memref<640xf32, #tpu.memory_space<hbm>>
        tpu.enqueue_dma source(%arg15 : memref<640xf32, #tpu.memory_space<vmem>>) target(%dma_start3A_69 : memref<640xf32, #tpu.memory_space<hbm>>) target_semaphore(%run_scoped3A : memref<!tpu.dma_semaphore, #tpu.memory_space<semaphore_mem>>)
        %dma_wait3A = tpu.memref_slice %arg5[%mul3A_64] : memref<10240xf32, #tpu.memory_space<hbm>> -> memref<640xf32, #tpu.memory_space<hbm>>
        %dma_wait3A_70 = tpu.memref_slice %arg5[%mul3A_64] : memref<10240xf32, #tpu.memory_space<hbm>> -> memref<640xf32, #tpu.memory_space<hbm>>
        tpu.wait_dma2 semaphore(%run_scoped3A : memref<!tpu.dma_semaphore, #tpu.memory_space<semaphore_mem>>) src(%arg15 : memref<640xf32, #tpu.memory_space<vmem>>) dst(%dma_wait3A_70 : memref<640xf32, #tpu.memory_space<hbm>>)
        tpu.yield
      }) : () -> ()
      %mul3A_65 = arith.constant 640 : i32
      %mul3A_66 = arith.muli %arg1, %mul3A_65 : i32
      %mul3A_67 = arith.constant 640 : i32
      %mul3A_68 = arith.muli %arg1, %mul3A_67 : i32
      "tpu.region"() ({
        %run_scoped3A = tpu.sem_alloc : memref<!tpu.dma_semaphore, #tpu.memory_space<semaphore_mem>>
        %dma_start3A = tpu.memref_slice %arg12[%mul3A_66] : memref<10240xf32, #tpu.memory_space<vmem>> -> memref<640xf32, #tpu.memory_space<vmem>>
        %dma_start3A_69 = tpu.memref_slice %arg6[%mul3A_68] : memref<10240xf32, #tpu.memory_space<hbm>> -> memref<640xf32, #tpu.memory_space<hbm>>
        %dma_start3A_70 = tpu.memref_slice %arg6[%mul3A_68] : memref<10240xf32, #tpu.memory_space<hbm>> -> memref<640xf32, #tpu.memory_space<hbm>>
        %dma_start3A_71 = tpu.memref_slice %arg12[%mul3A_66] : memref<10240xf32, #tpu.memory_space<vmem>> -> memref<640xf32, #tpu.memory_space<vmem>>
        tpu.enqueue_dma source(%dma_start3A_71 : memref<640xf32, #tpu.memory_space<vmem>>) target(%dma_start3A_70 : memref<640xf32, #tpu.memory_space<hbm>>) target_semaphore(%run_scoped3A : memref<!tpu.dma_semaphore, #tpu.memory_space<semaphore_mem>>)
        %dma_wait3A = tpu.memref_slice %arg12[%mul3A_66] : memref<10240xf32, #tpu.memory_space<vmem>> -> memref<640xf32, #tpu.memory_space<vmem>>
        %dma_wait3A_72 = tpu.memref_slice %arg6[%mul3A_68] : memref<10240xf32, #tpu.memory_space<hbm>> -> memref<640xf32, #tpu.memory_space<hbm>>
        %dma_wait3A_73 = tpu.memref_slice %arg6[%mul3A_68] : memref<10240xf32, #tpu.memory_space<hbm>> -> memref<640xf32, #tpu.memory_space<hbm>>
        %dma_wait3A_74 = tpu.memref_slice %arg12[%mul3A_66] : memref<10240xf32, #tpu.memory_space<vmem>> -> memref<640xf32, #tpu.memory_space<vmem>>
        tpu.wait_dma2 semaphore(%run_scoped3A : memref<!tpu.dma_semaphore, #tpu.memory_space<semaphore_mem>>) src(%dma_wait3A_74 : memref<640xf32, #tpu.memory_space<vmem>>) dst(%dma_wait3A_73 : memref<640xf32, #tpu.memory_space<hbm>>)
        tpu.yield
      }) : () -> ()
    } else {
    }
    return
  }
}

#map = affine_map<(d0, d1) -> (0, 0, 0, 0)>
#map1 = affine_map<(d0, d1) -> (0, 0)>
module attributes {stable_mosaic.version = 14 : i64} {
  func.func @prop_kernel(%arg0: i32, %arg1: i32, %arg2: memref<32x164x2x128xi32, #tpu.memory_space<hbm>>, %arg3: memref<20480x128xf32, #tpu.memory_space<hbm>>, %arg4: memref<20480x128xf32, #tpu.memory_space<hbm>>, %arg5: memref<2x128xi32, #tpu.memory_space<vmem>>, %arg6: memref<2x128xi32, #tpu.memory_space<vmem>>, %arg7: memref<2x128xi32, #tpu.memory_space<vmem>>, %arg8: memref<2x128xi32, #tpu.memory_space<vmem>>, %arg9: memref<128x128xf32, #tpu.memory_space<vmem>>, %arg10: memref<128x128xf32, #tpu.memory_space<vmem>>, %arg11: memref<10240x128xf32, #tpu.memory_space<vmem_shared>>, %arg12: memref<!tpu.dma_semaphore, #tpu.memory_space<semaphore_mem>>, %arg13: memref<!tpu.dma_semaphore, #tpu.memory_space<semaphore_mem>>, %arg14: memref<!tpu.dma_semaphore, #tpu.memory_space<semaphore_mem>>, %arg15: memref<!tpu.dma_semaphore, #tpu.memory_space<semaphore_mem>>, %arg16: memref<!tpu.dma_semaphore, #tpu.memory_space<semaphore_mem>>, %arg17: memref<!tpu.dma_semaphore, #tpu.memory_space<semaphore_mem>>, %arg18: memref<!tpu.dma_semaphore, #tpu.memory_space<semaphore_mem>>, %arg19: memref<!tpu.dma_semaphore, #tpu.memory_space<semaphore_mem>>) attributes {dimension_semantics = [#tpu.dimension_semantics<core_parallel>, #tpu.dimension_semantics<subcore_parallel>], iteration_bounds = array<i64: 2, 16>, scalar_prefetch = 0 : i64, scratch_operands = 15 : i64, tpu.core_type = #tpu.core_type<sc_vector_subcore>, window_params = [{transform_indices = #map}, {transform_indices = #map1}, {transform_indices = #map1}]} {
    %mul3A = arith.constant 16 : i32
    %mul3A_0 = arith.muli %arg0, %mul3A : i32
    %add3A = arith.addi %mul3A_0, %arg1 : i32
    %broadcast_in_dim3A = arith.constant 0.000000e+00 : f32
    %broadcast_in_dim3A_1 = vector.broadcast %broadcast_in_dim3A : f32 to vector<16xf32>
    %scan3A = arith.constant 0 : i32
    %scan3A_2 = arith.constant 0 : i32
    %scan3A_3 = arith.constant 128 : i32
    %scan3A_4 = arith.addi %scan3A_2, %scan3A_3 : i32
    %scan3A_5 = arith.constant 1 : i32
    scf.for %scan3A_103 = %scan3A_2 to %scan3A_4 step %scan3A_5  : i32 {
      %swap3A = arith.index_cast %scan3A_103 : i32 to index
      %swap3A_104 = arith.constant 0 : index
      %swap3A_105 = tpu.vector_load %arg9[%swap3A, %swap3A_104] {strides = array<i32>} : memref<128x128xf32, #tpu.memory_space<vmem>>, vector<16xf32>,
      tpu.vector_store %arg9[%swap3A, %swap3A_104], %broadcast_in_dim3A_1 {strides = array<i32>} : memref<128x128xf32, #tpu.memory_space<vmem>>, vector<16xf32>,
      %swap3A_106 = arith.index_cast %scan3A_103 : i32 to index
      %swap3A_107 = arith.constant 16 : index
      %swap3A_108 = tpu.vector_load %arg9[%swap3A_106, %swap3A_107] {strides = array<i32>} : memref<128x128xf32, #tpu.memory_space<vmem>>, vector<16xf32>,
      tpu.vector_store %arg9[%swap3A_106, %swap3A_107], %broadcast_in_dim3A_1 {strides = array<i32>} : memref<128x128xf32, #tpu.memory_space<vmem>>, vector<16xf32>,
      %swap3A_109 = arith.index_cast %scan3A_103 : i32 to index
      %swap3A_110 = arith.constant 32 : index
      %swap3A_111 = tpu.vector_load %arg9[%swap3A_109, %swap3A_110] {strides = array<i32>} : memref<128x128xf32, #tpu.memory_space<vmem>>, vector<16xf32>,
      tpu.vector_store %arg9[%swap3A_109, %swap3A_110], %broadcast_in_dim3A_1 {strides = array<i32>} : memref<128x128xf32, #tpu.memory_space<vmem>>, vector<16xf32>,
      %swap3A_112 = arith.index_cast %scan3A_103 : i32 to index
      %swap3A_113 = arith.constant 48 : index
      %swap3A_114 = tpu.vector_load %arg9[%swap3A_112, %swap3A_113] {strides = array<i32>} : memref<128x128xf32, #tpu.memory_space<vmem>>, vector<16xf32>,
      tpu.vector_store %arg9[%swap3A_112, %swap3A_113], %broadcast_in_dim3A_1 {strides = array<i32>} : memref<128x128xf32, #tpu.memory_space<vmem>>, vector<16xf32>,
      %swap3A_115 = arith.index_cast %scan3A_103 : i32 to index
      %swap3A_116 = arith.constant 64 : index
      %swap3A_117 = tpu.vector_load %arg9[%swap3A_115, %swap3A_116] {strides = array<i32>} : memref<128x128xf32, #tpu.memory_space<vmem>>, vector<16xf32>,
      tpu.vector_store %arg9[%swap3A_115, %swap3A_116], %broadcast_in_dim3A_1 {strides = array<i32>} : memref<128x128xf32, #tpu.memory_space<vmem>>, vector<16xf32>,
      %swap3A_118 = arith.index_cast %scan3A_103 : i32 to index
      %swap3A_119 = arith.constant 80 : index
      %swap3A_120 = tpu.vector_load %arg9[%swap3A_118, %swap3A_119] {strides = array<i32>} : memref<128x128xf32, #tpu.memory_space<vmem>>, vector<16xf32>,
      tpu.vector_store %arg9[%swap3A_118, %swap3A_119], %broadcast_in_dim3A_1 {strides = array<i32>} : memref<128x128xf32, #tpu.memory_space<vmem>>, vector<16xf32>,
      %swap3A_121 = arith.index_cast %scan3A_103 : i32 to index
      %swap3A_122 = arith.constant 96 : index
      %swap3A_123 = tpu.vector_load %arg9[%swap3A_121, %swap3A_122] {strides = array<i32>} : memref<128x128xf32, #tpu.memory_space<vmem>>, vector<16xf32>,
      tpu.vector_store %arg9[%swap3A_121, %swap3A_122], %broadcast_in_dim3A_1 {strides = array<i32>} : memref<128x128xf32, #tpu.memory_space<vmem>>, vector<16xf32>,
      %swap3A_124 = arith.index_cast %scan3A_103 : i32 to index
      %swap3A_125 = arith.constant 112 : index
      %swap3A_126 = tpu.vector_load %arg9[%swap3A_124, %swap3A_125] {strides = array<i32>} : memref<128x128xf32, #tpu.memory_space<vmem>>, vector<16xf32>,
      tpu.vector_store %arg9[%swap3A_124, %swap3A_125], %broadcast_in_dim3A_1 {strides = array<i32>} : memref<128x128xf32, #tpu.memory_space<vmem>>, vector<16xf32>,
    }
    %scan3A_6 = arith.constant 128 : i32
    %mul3A_7 = arith.constant 640 : i32
    %mul3A_8 = arith.muli %arg1, %mul3A_7 : i32
    %add3A_9 = arith.constant 0 : i32
    %add3A_10 = arith.addi %mul3A_8, %add3A_9 : i32
    "tpu.region"() ({
      %run_scoped3A = tpu.sem_alloc : memref<!tpu.dma_semaphore, #tpu.memory_space<semaphore_mem>>
      %dma_start3A_103 = arith.constant 0 : i32
      %dma_start3A_104 = tpu.memref_slice %arg11[%add3A_10, %dma_start3A_103] : memref<10240x128xf32, #tpu.memory_space<vmem_shared>> -> memref<128x128xf32, #tpu.memory_space<vmem_shared>>
      %dma_start3A_105 = arith.constant 0 : i32
      %dma_start3A_106 = tpu.memref_slice %arg11[%add3A_10, %dma_start3A_105] : memref<10240x128xf32, #tpu.memory_space<vmem_shared>> -> memref<128x128xf32, #tpu.memory_space<vmem_shared>>
      tpu.enqueue_dma source(%arg9 : memref<128x128xf32, #tpu.memory_space<vmem>>) target(%dma_start3A_106 : memref<128x128xf32, #tpu.memory_space<vmem_shared>>) target_semaphore(%run_scoped3A : memref<!tpu.dma_semaphore, #tpu.memory_space<semaphore_mem>>)
      %dma_wait3A_107 = arith.constant 0 : i32
      %dma_wait3A_108 = tpu.memref_slice %arg11[%add3A_10, %dma_wait3A_107] : memref<10240x128xf32, #tpu.memory_space<vmem_shared>> -> memref<128x128xf32, #tpu.memory_space<vmem_shared>>
      %dma_wait3A_109 = arith.constant 0 : i32
      %dma_wait3A_110 = tpu.memref_slice %arg11[%add3A_10, %dma_wait3A_109] : memref<10240x128xf32, #tpu.memory_space<vmem_shared>> -> memref<128x128xf32, #tpu.memory_space<vmem_shared>>
      tpu.wait_dma2 semaphore(%run_scoped3A : memref<!tpu.dma_semaphore, #tpu.memory_space<semaphore_mem>>) src(%arg9 : memref<128x128xf32, #tpu.memory_space<vmem>>) dst(%dma_wait3A_110 : memref<128x128xf32, #tpu.memory_space<vmem_shared>>)
      tpu.yield
    }) : () -> ()
    %add3A_11 = arith.constant 128 : i32
    %add3A_12 = arith.addi %mul3A_8, %add3A_11 : i32
    "tpu.region"() ({
      %run_scoped3A = tpu.sem_alloc : memref<!tpu.dma_semaphore, #tpu.memory_space<semaphore_mem>>
      %dma_start3A_103 = arith.constant 0 : i32
      %dma_start3A_104 = tpu.memref_slice %arg11[%add3A_12, %dma_start3A_103] : memref<10240x128xf32, #tpu.memory_space<vmem_shared>> -> memref<128x128xf32, #tpu.memory_space<vmem_shared>>
      %dma_start3A_105 = arith.constant 0 : i32
      %dma_start3A_106 = tpu.memref_slice %arg11[%add3A_12, %dma_start3A_105] : memref<10240x128xf32, #tpu.memory_space<vmem_shared>> -> memref<128x128xf32, #tpu.memory_space<vmem_shared>>
      tpu.enqueue_dma source(%arg9 : memref<128x128xf32, #tpu.memory_space<vmem>>) target(%dma_start3A_106 : memref<128x128xf32, #tpu.memory_space<vmem_shared>>) target_semaphore(%run_scoped3A : memref<!tpu.dma_semaphore, #tpu.memory_space<semaphore_mem>>)
      %dma_wait3A_107 = arith.constant 0 : i32
      %dma_wait3A_108 = tpu.memref_slice %arg11[%add3A_12, %dma_wait3A_107] : memref<10240x128xf32, #tpu.memory_space<vmem_shared>> -> memref<128x128xf32, #tpu.memory_space<vmem_shared>>
      %dma_wait3A_109 = arith.constant 0 : i32
      %dma_wait3A_110 = tpu.memref_slice %arg11[%add3A_12, %dma_wait3A_109] : memref<10240x128xf32, #tpu.memory_space<vmem_shared>> -> memref<128x128xf32, #tpu.memory_space<vmem_shared>>
      tpu.wait_dma2 semaphore(%run_scoped3A : memref<!tpu.dma_semaphore, #tpu.memory_space<semaphore_mem>>) src(%arg9 : memref<128x128xf32, #tpu.memory_space<vmem>>) dst(%dma_wait3A_110 : memref<128x128xf32, #tpu.memory_space<vmem_shared>>)
      tpu.yield
    }) : () -> ()
    %add3A_13 = arith.constant 256 : i32
    %add3A_14 = arith.addi %mul3A_8, %add3A_13 : i32
    "tpu.region"() ({
      %run_scoped3A = tpu.sem_alloc : memref<!tpu.dma_semaphore, #tpu.memory_space<semaphore_mem>>
      %dma_start3A_103 = arith.constant 0 : i32
      %dma_start3A_104 = tpu.memref_slice %arg11[%add3A_14, %dma_start3A_103] : memref<10240x128xf32, #tpu.memory_space<vmem_shared>> -> memref<128x128xf32, #tpu.memory_space<vmem_shared>>
      %dma_start3A_105 = arith.constant 0 : i32
      %dma_start3A_106 = tpu.memref_slice %arg11[%add3A_14, %dma_start3A_105] : memref<10240x128xf32, #tpu.memory_space<vmem_shared>> -> memref<128x128xf32, #tpu.memory_space<vmem_shared>>
      tpu.enqueue_dma source(%arg9 : memref<128x128xf32, #tpu.memory_space<vmem>>) target(%dma_start3A_106 : memref<128x128xf32, #tpu.memory_space<vmem_shared>>) target_semaphore(%run_scoped3A : memref<!tpu.dma_semaphore, #tpu.memory_space<semaphore_mem>>)
      %dma_wait3A_107 = arith.constant 0 : i32
      %dma_wait3A_108 = tpu.memref_slice %arg11[%add3A_14, %dma_wait3A_107] : memref<10240x128xf32, #tpu.memory_space<vmem_shared>> -> memref<128x128xf32, #tpu.memory_space<vmem_shared>>
      %dma_wait3A_109 = arith.constant 0 : i32
      %dma_wait3A_110 = tpu.memref_slice %arg11[%add3A_14, %dma_wait3A_109] : memref<10240x128xf32, #tpu.memory_space<vmem_shared>> -> memref<128x128xf32, #tpu.memory_space<vmem_shared>>
      tpu.wait_dma2 semaphore(%run_scoped3A : memref<!tpu.dma_semaphore, #tpu.memory_space<semaphore_mem>>) src(%arg9 : memref<128x128xf32, #tpu.memory_space<vmem>>) dst(%dma_wait3A_110 : memref<128x128xf32, #tpu.memory_space<vmem_shared>>)
      tpu.yield
    }) : () -> ()
    %add3A_15 = arith.constant 384 : i32
    %add3A_16 = arith.addi %mul3A_8, %add3A_15 : i32
    "tpu.region"() ({
      %run_scoped3A = tpu.sem_alloc : memref<!tpu.dma_semaphore, #tpu.memory_space<semaphore_mem>>
      %dma_start3A_103 = arith.constant 0 : i32
      %dma_start3A_104 = tpu.memref_slice %arg11[%add3A_16, %dma_start3A_103] : memref<10240x128xf32, #tpu.memory_space<vmem_shared>> -> memref<128x128xf32, #tpu.memory_space<vmem_shared>>
      %dma_start3A_105 = arith.constant 0 : i32
      %dma_start3A_106 = tpu.memref_slice %arg11[%add3A_16, %dma_start3A_105] : memref<10240x128xf32, #tpu.memory_space<vmem_shared>> -> memref<128x128xf32, #tpu.memory_space<vmem_shared>>
      tpu.enqueue_dma source(%arg9 : memref<128x128xf32, #tpu.memory_space<vmem>>) target(%dma_start3A_106 : memref<128x128xf32, #tpu.memory_space<vmem_shared>>) target_semaphore(%run_scoped3A : memref<!tpu.dma_semaphore, #tpu.memory_space<semaphore_mem>>)
      %dma_wait3A_107 = arith.constant 0 : i32
      %dma_wait3A_108 = tpu.memref_slice %arg11[%add3A_16, %dma_wait3A_107] : memref<10240x128xf32, #tpu.memory_space<vmem_shared>> -> memref<128x128xf32, #tpu.memory_space<vmem_shared>>
      %dma_wait3A_109 = arith.constant 0 : i32
      %dma_wait3A_110 = tpu.memref_slice %arg11[%add3A_16, %dma_wait3A_109] : memref<10240x128xf32, #tpu.memory_space<vmem_shared>> -> memref<128x128xf32, #tpu.memory_space<vmem_shared>>
      tpu.wait_dma2 semaphore(%run_scoped3A : memref<!tpu.dma_semaphore, #tpu.memory_space<semaphore_mem>>) src(%arg9 : memref<128x128xf32, #tpu.memory_space<vmem>>) dst(%dma_wait3A_110 : memref<128x128xf32, #tpu.memory_space<vmem_shared>>)
      tpu.yield
    }) : () -> ()
    %add3A_17 = arith.constant 512 : i32
    %add3A_18 = arith.addi %mul3A_8, %add3A_17 : i32
    "tpu.region"() ({
      %run_scoped3A = tpu.sem_alloc : memref<!tpu.dma_semaphore, #tpu.memory_space<semaphore_mem>>
      %dma_start3A_103 = arith.constant 0 : i32
      %dma_start3A_104 = tpu.memref_slice %arg11[%add3A_18, %dma_start3A_103] : memref<10240x128xf32, #tpu.memory_space<vmem_shared>> -> memref<128x128xf32, #tpu.memory_space<vmem_shared>>
      %dma_start3A_105 = arith.constant 0 : i32
      %dma_start3A_106 = tpu.memref_slice %arg11[%add3A_18, %dma_start3A_105] : memref<10240x128xf32, #tpu.memory_space<vmem_shared>> -> memref<128x128xf32, #tpu.memory_space<vmem_shared>>
      tpu.enqueue_dma source(%arg9 : memref<128x128xf32, #tpu.memory_space<vmem>>) target(%dma_start3A_106 : memref<128x128xf32, #tpu.memory_space<vmem_shared>>) target_semaphore(%run_scoped3A : memref<!tpu.dma_semaphore, #tpu.memory_space<semaphore_mem>>)
      %dma_wait3A_107 = arith.constant 0 : i32
      %dma_wait3A_108 = tpu.memref_slice %arg11[%add3A_18, %dma_wait3A_107] : memref<10240x128xf32, #tpu.memory_space<vmem_shared>> -> memref<128x128xf32, #tpu.memory_space<vmem_shared>>
      %dma_wait3A_109 = arith.constant 0 : i32
      %dma_wait3A_110 = tpu.memref_slice %arg11[%add3A_18, %dma_wait3A_109] : memref<10240x128xf32, #tpu.memory_space<vmem_shared>> -> memref<128x128xf32, #tpu.memory_space<vmem_shared>>
      tpu.wait_dma2 semaphore(%run_scoped3A : memref<!tpu.dma_semaphore, #tpu.memory_space<semaphore_mem>>) src(%arg9 : memref<128x128xf32, #tpu.memory_space<vmem>>) dst(%dma_wait3A_110 : memref<128x128xf32, #tpu.memory_space<vmem_shared>>)
      tpu.yield
    }) : () -> ()
    %barrier3A = arith.constant 0 : index
    tpu.barrier barrier_id(%barrier3A)
    %dma_start3A = arith.constant 0 : i32
    %dma_start3A_19 = arith.constant 0 : i32
    %dma_start3A_20 = arith.constant 0 : i32
    %dma_start3A_21 = arith.constant 0 : i32
    %dma_start3A_22 = tpu.memref_slice %arg2[%add3A, %dma_start3A_19, %dma_start3A_20, %dma_start3A_21] : memref<32x164x2x128xi32, #tpu.memory_space<hbm>> -> memref<1x164x2x128xi32, #tpu.memory_space<hbm>>
    %dma_start3A_23 = tpu.memref_squeeze %dma_start3A_22 : memref<1x164x2x128xi32, #tpu.memory_space<hbm>> -> memref<164x2x128xi32, #tpu.memory_space<hbm>>
    %dma_start3A_24 = arith.constant 0 : i32
    %dma_start3A_25 = arith.constant 0 : i32
    %dma_start3A_26 = tpu.memref_slice %dma_start3A_23[%dma_start3A, %dma_start3A_24, %dma_start3A_25] : memref<164x2x128xi32, #tpu.memory_space<hbm>> -> memref<1x2x128xi32, #tpu.memory_space<hbm>>
    %dma_start3A_27 = tpu.memref_squeeze %dma_start3A_26 : memref<1x2x128xi32, #tpu.memory_space<hbm>> -> memref<2x128xi32, #tpu.memory_space<hbm>>
    %dma_start3A_28 = arith.constant 0 : i32
    %dma_start3A_29 = arith.constant 0 : i32
    %dma_start3A_30 = arith.constant 0 : i32
    %dma_start3A_31 = tpu.memref_slice %arg2[%add3A, %dma_start3A_28, %dma_start3A_29, %dma_start3A_30] : memref<32x164x2x128xi32, #tpu.memory_space<hbm>> -> memref<1x164x2x128xi32, #tpu.memory_space<hbm>>
    %dma_start3A_32 = tpu.memref_squeeze %dma_start3A_31 : memref<1x164x2x128xi32, #tpu.memory_space<hbm>> -> memref<164x2x128xi32, #tpu.memory_space<hbm>>
    %dma_start3A_33 = arith.constant 0 : i32
    %dma_start3A_34 = arith.constant 0 : i32
    %dma_start3A_35 = tpu.memref_slice %dma_start3A_32[%dma_start3A, %dma_start3A_33, %dma_start3A_34] : memref<164x2x128xi32, #tpu.memory_space<hbm>> -> memref<1x2x128xi32, #tpu.memory_space<hbm>>
    %dma_start3A_36 = tpu.memref_squeeze %dma_start3A_35 : memref<1x2x128xi32, #tpu.memory_space<hbm>> -> memref<2x128xi32, #tpu.memory_space<hbm>>
    tpu.enqueue_dma source(%dma_start3A_36 : memref<2x128xi32, #tpu.memory_space<hbm>>) target(%arg5 : memref<2x128xi32, #tpu.memory_space<vmem>>) target_semaphore(%arg12 : memref<!tpu.dma_semaphore, #tpu.memory_space<semaphore_mem>>)
    %dma_wait3A = arith.constant 0 : i32
    %dma_wait3A_37 = arith.constant 0 : i32
    %dma_wait3A_38 = arith.constant 0 : i32
    %dma_wait3A_39 = arith.constant 0 : i32
    %dma_wait3A_40 = tpu.memref_slice %arg2[%add3A, %dma_wait3A_37, %dma_wait3A_38, %dma_wait3A_39] : memref<32x164x2x128xi32, #tpu.memory_space<hbm>> -> memref<1x164x2x128xi32, #tpu.memory_space<hbm>>
    %dma_wait3A_41 = tpu.memref_squeeze %dma_wait3A_40 : memref<1x164x2x128xi32, #tpu.memory_space<hbm>> -> memref<164x2x128xi32, #tpu.memory_space<hbm>>
    %dma_wait3A_42 = arith.constant 0 : i32
    %dma_wait3A_43 = arith.constant 0 : i32
    %dma_wait3A_44 = tpu.memref_slice %dma_wait3A_41[%dma_wait3A, %dma_wait3A_42, %dma_wait3A_43] : memref<164x2x128xi32, #tpu.memory_space<hbm>> -> memref<1x2x128xi32, #tpu.memory_space<hbm>>
    %dma_wait3A_45 = tpu.memref_squeeze %dma_wait3A_44 : memref<1x2x128xi32, #tpu.memory_space<hbm>> -> memref<2x128xi32, #tpu.memory_space<hbm>>
    %dma_wait3A_46 = arith.constant 0 : i32
    %dma_wait3A_47 = arith.constant 0 : i32
    %dma_wait3A_48 = arith.constant 0 : i32
    %dma_wait3A_49 = tpu.memref_slice %arg2[%add3A, %dma_wait3A_46, %dma_wait3A_47, %dma_wait3A_48] : memref<32x164x2x128xi32, #tpu.memory_space<hbm>> -> memref<1x164x2x128xi32, #tpu.memory_space<hbm>>
    %dma_wait3A_50 = tpu.memref_squeeze %dma_wait3A_49 : memref<1x164x2x128xi32, #tpu.memory_space<hbm>> -> memref<164x2x128xi32, #tpu.memory_space<hbm>>
    %dma_wait3A_51 = arith.constant 0 : i32
    %dma_wait3A_52 = arith.constant 0 : i32
    %dma_wait3A_53 = tpu.memref_slice %dma_wait3A_50[%dma_wait3A, %dma_wait3A_51, %dma_wait3A_52] : memref<164x2x128xi32, #tpu.memory_space<hbm>> -> memref<1x2x128xi32, #tpu.memory_space<hbm>>
    %dma_wait3A_54 = tpu.memref_squeeze %dma_wait3A_53 : memref<1x2x128xi32, #tpu.memory_space<hbm>> -> memref<2x128xi32, #tpu.memory_space<hbm>>
    tpu.wait_dma2 semaphore(%arg12 : memref<!tpu.dma_semaphore, #tpu.memory_space<semaphore_mem>>) src(%dma_wait3A_54 : memref<2x128xi32, #tpu.memory_space<hbm>>) dst(%arg5 : memref<2x128xi32, #tpu.memory_space<vmem>>)
    %dma_start3A_55 = arith.constant 1 : i32
    %dma_start3A_56 = arith.constant 0 : i32
    %dma_start3A_57 = arith.constant 0 : i32
    %dma_start3A_58 = arith.constant 0 : i32
    %dma_start3A_59 = tpu.memref_slice %arg2[%add3A, %dma_start3A_56, %dma_start3A_57, %dma_start3A_58] : memref<32x164x2x128xi32, #tpu.memory_space<hbm>> -> memref<1x164x2x128xi32, #tpu.memory_space<hbm>>
    %dma_start3A_60 = tpu.memref_squeeze %dma_start3A_59 : memref<1x164x2x128xi32, #tpu.memory_space<hbm>> -> memref<164x2x128xi32, #tpu.memory_space<hbm>>
    %dma_start3A_61 = arith.constant 0 : i32
    %dma_start3A_62 = arith.constant 0 : i32
    %dma_start3A_63 = tpu.memref_slice %dma_start3A_60[%dma_start3A_55, %dma_start3A_61, %dma_start3A_62] : memref<164x2x128xi32, #tpu.memory_space<hbm>> -> memref<1x2x128xi32, #tpu.memory_space<hbm>>
    %dma_start3A_64 = tpu.memref_squeeze %dma_start3A_63 : memref<1x2x128xi32, #tpu.memory_space<hbm>> -> memref<2x128xi32, #tpu.memory_space<hbm>>
    %dma_start3A_65 = arith.constant 0 : i32
    %dma_start3A_66 = arith.constant 0 : i32
    %dma_start3A_67 = arith.constant 0 : i32
    %dma_start3A_68 = tpu.memref_slice %arg2[%add3A, %dma_start3A_65, %dma_start3A_66, %dma_start3A_67] : memref<32x164x2x128xi32, #tpu.memory_space<hbm>> -> memref<1x164x2x128xi32, #tpu.memory_space<hbm>>
    %dma_start3A_69 = tpu.memref_squeeze %dma_start3A_68 : memref<1x164x2x128xi32, #tpu.memory_space<hbm>> -> memref<164x2x128xi32, #tpu.memory_space<hbm>>
    %dma_start3A_70 = arith.constant 0 : i32
    %dma_start3A_71 = arith.constant 0 : i32
    %dma_start3A_72 = tpu.memref_slice %dma_start3A_69[%dma_start3A_55, %dma_start3A_70, %dma_start3A_71] : memref<164x2x128xi32, #tpu.memory_space<hbm>> -> memref<1x2x128xi32, #tpu.memory_space<hbm>>
    %dma_start3A_73 = tpu.memref_squeeze %dma_start3A_72 : memref<1x2x128xi32, #tpu.memory_space<hbm>> -> memref<2x128xi32, #tpu.memory_space<hbm>>
    tpu.enqueue_dma source(%dma_start3A_73 : memref<2x128xi32, #tpu.memory_space<hbm>>) target(%arg6 : memref<2x128xi32, #tpu.memory_space<vmem>>) target_semaphore(%arg13 : memref<!tpu.dma_semaphore, #tpu.memory_space<semaphore_mem>>)
    %dma_start3A_74 = arith.constant 0 : i32
    %dma_start3A_75 = arith.constant 0 : i32
    %dma_start3A_76 = tpu.memref_slice %arg5[%dma_start3A_74, %dma_start3A_75] : memref<2x128xi32, #tpu.memory_space<vmem>> -> memref<1x128xi32, #tpu.memory_space<vmem>>
    %dma_start3A_77 = tpu.memref_squeeze %dma_start3A_76 : memref<1x128xi32, #tpu.memory_space<vmem>> -> memref<128xi32, #tpu.memory_space<vmem>>
    %dma_start3A_78 = arith.constant 0 : i32
    %dma_start3A_79 = arith.constant 0 : i32
    %dma_start3A_80 = tpu.memref_slice %arg3[%dma_start3A_78, %dma_start3A_79] : memref<20480x128xf32, #tpu.memory_space<hbm>> -> memref<20480x128xf32, #tpu.memory_space<hbm>>
    tpu.enqueue_indirect_dma source(%dma_start3A_80 : memref<20480x128xf32, #tpu.memory_space<hbm>>) target(%arg9 : memref<128x128xf32, #tpu.memory_space<vmem>>) offsets(%dma_start3A_77 : memref<128xi32, #tpu.memory_space<vmem>>) semaphore(%arg16 : memref<!tpu.dma_semaphore, #tpu.memory_space<semaphore_mem>>)
    %scan3A_81 = arith.constant 0 : i32
    %scan3A_82 = arith.constant 0 : i32
    %scan3A_83 = arith.constant 41 : i32
    %scan3A_84 = arith.addi %scan3A_82, %scan3A_83 : i32
    %scan3A_85 = arith.constant 1 : i32
    scf.for %scan3A_103 = %scan3A_82 to %scan3A_84 step %scan3A_85  : i32 {
      %mul3A_104 = arith.constant 4 : i32
      %mul3A_105 = arith.muli %scan3A_103, %mul3A_104 : i32
      %add3A_106 = arith.constant 0 : i32
      %add3A_107 = arith.addi %mul3A_105, %add3A_106 : i32
      %add3A_108 = arith.constant 2 : i32
      %add3A_109 = arith.addi %add3A_107, %add3A_108 : i32
      %lt3A = arith.constant 164 : i32
      %lt3A_110 = arith.cmpi slt, %add3A_109, %lt3A : i32
      %convert_element_type3A = arith.extui %lt3A_110 : i1 to i32
      %cond3A = arith.constant 0 : i32
      %cond3A_111 = arith.cmpi ne, %convert_element_type3A, %cond3A : i32
      scf.if %cond3A_111 {
        %add3A_219 = arith.constant 2 : i32
        %add3A_220 = arith.addi %add3A_107, %add3A_219 : i32
        %dma_start3A_221 = arith.constant 0 : i32
        %dma_start3A_222 = arith.constant 0 : i32
        %dma_start3A_223 = arith.constant 0 : i32
        %dma_start3A_224 = tpu.memref_slice %arg2[%add3A, %dma_start3A_221, %dma_start3A_222, %dma_start3A_223] : memref<32x164x2x128xi32, #tpu.memory_space<hbm>> -> memref<1x164x2x128xi32, #tpu.memory_space<hbm>>
        %dma_start3A_225 = tpu.memref_squeeze %dma_start3A_224 : memref<1x164x2x128xi32, #tpu.memory_space<hbm>> -> memref<164x2x128xi32, #tpu.memory_space<hbm>>
        %dma_start3A_226 = arith.constant 0 : i32
        %dma_start3A_227 = arith.constant 0 : i32
        %dma_start3A_228 = tpu.memref_slice %dma_start3A_225[%add3A_220, %dma_start3A_226, %dma_start3A_227] : memref<164x2x128xi32, #tpu.memory_space<hbm>> -> memref<1x2x128xi32, #tpu.memory_space<hbm>>
        %dma_start3A_229 = tpu.memref_squeeze %dma_start3A_228 : memref<1x2x128xi32, #tpu.memory_space<hbm>> -> memref<2x128xi32, #tpu.memory_space<hbm>>
        %dma_start3A_230 = arith.constant 0 : i32
        %dma_start3A_231 = arith.constant 0 : i32
        %dma_start3A_232 = arith.constant 0 : i32
        %dma_start3A_233 = tpu.memref_slice %arg2[%add3A, %dma_start3A_230, %dma_start3A_231, %dma_start3A_232] : memref<32x164x2x128xi32, #tpu.memory_space<hbm>> -> memref<1x164x2x128xi32, #tpu.memory_space<hbm>>
        %dma_start3A_234 = tpu.memref_squeeze %dma_start3A_233 : memref<1x164x2x128xi32, #tpu.memory_space<hbm>> -> memref<164x2x128xi32, #tpu.memory_space<hbm>>
        %dma_start3A_235 = arith.constant 0 : i32
        %dma_start3A_236 = arith.constant 0 : i32
        %dma_start3A_237 = tpu.memref_slice %dma_start3A_234[%add3A_220, %dma_start3A_235, %dma_start3A_236] : memref<164x2x128xi32, #tpu.memory_space<hbm>> -> memref<1x2x128xi32, #tpu.memory_space<hbm>>
        %dma_start3A_238 = tpu.memref_squeeze %dma_start3A_237 : memref<1x2x128xi32, #tpu.memory_space<hbm>> -> memref<2x128xi32, #tpu.memory_space<hbm>>
        tpu.enqueue_dma source(%dma_start3A_238 : memref<2x128xi32, #tpu.memory_space<hbm>>) target(%arg7 : memref<2x128xi32, #tpu.memory_space<vmem>>) target_semaphore(%arg14 : memref<!tpu.dma_semaphore, #tpu.memory_space<semaphore_mem>>)
      } else {
      }
      %dma_wait3A_112 = arith.constant 0 : i32
      %dma_wait3A_113 = arith.constant 0 : i32
      %dma_wait3A_114 = tpu.memref_slice %arg3[%dma_wait3A_112, %dma_wait3A_113] : memref<20480x128xf32, #tpu.memory_space<hbm>> -> memref<128x128xf32, #tpu.memory_space<hbm>>
      %dma_wait3A_115 = arith.constant 0 : i32
      %dma_wait3A_116 = arith.constant 0 : i32
      %dma_wait3A_117 = tpu.memref_slice %arg3[%dma_wait3A_115, %dma_wait3A_116] : memref<20480x128xf32, #tpu.memory_space<hbm>> -> memref<128x128xf32, #tpu.memory_space<hbm>>
      tpu.wait_dma2 semaphore(%arg16 : memref<!tpu.dma_semaphore, #tpu.memory_space<semaphore_mem>>) src(%dma_wait3A_117 : memref<128x128xf32, #tpu.memory_space<hbm>>) dst(%arg9 : memref<128x128xf32, #tpu.memory_space<vmem>>)
      %add3A_118 = arith.constant 1 : i32
      %add3A_119 = arith.addi %add3A_107, %add3A_118 : i32
      %lt3A_120 = arith.constant 164 : i32
      %lt3A_121 = arith.cmpi slt, %add3A_119, %lt3A_120 : i32
      %convert_element_type3A_122 = arith.extui %lt3A_121 : i1 to i32
      %cond3A_123 = arith.constant 0 : i32
      %cond3A_124 = arith.cmpi ne, %convert_element_type3A_122, %cond3A_123 : i32
      scf.if %cond3A_124 {
        %dma_wait3A_219 = arith.constant 0 : i32
        %dma_wait3A_220 = arith.constant 0 : i32
        %dma_wait3A_221 = arith.constant 0 : i32
        %dma_wait3A_222 = arith.constant 0 : i32
        %dma_wait3A_223 = tpu.memref_slice %arg2[%add3A, %dma_wait3A_220, %dma_wait3A_221, %dma_wait3A_222] : memref<32x164x2x128xi32, #tpu.memory_space<hbm>> -> memref<1x164x2x128xi32, #tpu.memory_space<hbm>>
        %dma_wait3A_224 = tpu.memref_squeeze %dma_wait3A_223 : memref<1x164x2x128xi32, #tpu.memory_space<hbm>> -> memref<164x2x128xi32, #tpu.memory_space<hbm>>
        %dma_wait3A_225 = arith.constant 0 : i32
        %dma_wait3A_226 = arith.constant 0 : i32
        %dma_wait3A_227 = tpu.memref_slice %dma_wait3A_224[%dma_wait3A_219, %dma_wait3A_225, %dma_wait3A_226] : memref<164x2x128xi32, #tpu.memory_space<hbm>> -> memref<1x2x128xi32, #tpu.memory_space<hbm>>
        %dma_wait3A_228 = tpu.memref_squeeze %dma_wait3A_227 : memref<1x2x128xi32, #tpu.memory_space<hbm>> -> memref<2x128xi32, #tpu.memory_space<hbm>>
        %dma_wait3A_229 = arith.constant 0 : i32
        %dma_wait3A_230 = arith.constant 0 : i32
        %dma_wait3A_231 = arith.constant 0 : i32
        %dma_wait3A_232 = tpu.memref_slice %arg2[%add3A, %dma_wait3A_229, %dma_wait3A_230, %dma_wait3A_231] : memref<32x164x2x128xi32, #tpu.memory_space<hbm>> -> memref<1x164x2x128xi32, #tpu.memory_space<hbm>>
        %dma_wait3A_233 = tpu.memref_squeeze %dma_wait3A_232 : memref<1x164x2x128xi32, #tpu.memory_space<hbm>> -> memref<164x2x128xi32, #tpu.memory_space<hbm>>
        %dma_wait3A_234 = arith.constant 0 : i32
        %dma_wait3A_235 = arith.constant 0 : i32
        %dma_wait3A_236 = tpu.memref_slice %dma_wait3A_233[%dma_wait3A_219, %dma_wait3A_234, %dma_wait3A_235] : memref<164x2x128xi32, #tpu.memory_space<hbm>> -> memref<1x2x128xi32, #tpu.memory_space<hbm>>
        %dma_wait3A_237 = tpu.memref_squeeze %dma_wait3A_236 : memref<1x2x128xi32, #tpu.memory_space<hbm>> -> memref<2x128xi32, #tpu.memory_space<hbm>>
        tpu.wait_dma2 semaphore(%arg13 : memref<!tpu.dma_semaphore, #tpu.memory_space<semaphore_mem>>) src(%dma_wait3A_237 : memref<2x128xi32, #tpu.memory_space<hbm>>) dst(%arg6 : memref<2x128xi32, #tpu.memory_space<vmem>>)
        %ge3A = arith.constant 1 : i32
        %ge3A_238 = arith.cmpi sge, %add3A_107, %ge3A : i32
        %convert_element_type3A_239 = arith.extui %ge3A_238 : i1 to i32
        %cond3A_240 = arith.constant 0 : i32
        %cond3A_241 = arith.cmpi ne, %convert_element_type3A_239, %cond3A_240 : i32
        scf.if %cond3A_241 {
          %dma_wait3A_249 = arith.constant 0 : i32
          %dma_wait3A_250 = arith.constant 0 : i32
          %dma_wait3A_251 = tpu.memref_slice %arg11[%dma_wait3A_249, %dma_wait3A_250] : memref<10240x128xf32, #tpu.memory_space<vmem_shared>> -> memref<128x128xf32, #tpu.memory_space<vmem_shared>>
          %dma_wait3A_252 = arith.constant 0 : i32
          %dma_wait3A_253 = arith.constant 0 : i32
          %dma_wait3A_254 = tpu.memref_slice %arg11[%dma_wait3A_252, %dma_wait3A_253] : memref<10240x128xf32, #tpu.memory_space<vmem_shared>> -> memref<128x128xf32, #tpu.memory_space<vmem_shared>>
          tpu.wait_dma2 semaphore(%arg19 : memref<!tpu.dma_semaphore, #tpu.memory_space<semaphore_mem>>) src(%arg10 : memref<128x128xf32, #tpu.memory_space<vmem>>) dst(%dma_wait3A_254 : memref<128x128xf32, #tpu.memory_space<vmem_shared>>)
        } else {
        }
        %dma_start3A_242 = arith.constant 0 : i32
        %dma_start3A_243 = arith.constant 0 : i32
        %dma_start3A_244 = tpu.memref_slice %arg6[%dma_start3A_242, %dma_start3A_243] : memref<2x128xi32, #tpu.memory_space<vmem>> -> memref<1x128xi32, #tpu.memory_space<vmem>>
        %dma_start3A_245 = tpu.memref_squeeze %dma_start3A_244 : memref<1x128xi32, #tpu.memory_space<vmem>> -> memref<128xi32, #tpu.memory_space<vmem>>
        %dma_start3A_246 = arith.constant 0 : i32
        %dma_start3A_247 = arith.constant 0 : i32
        %dma_start3A_248 = tpu.memref_slice %arg3[%dma_start3A_246, %dma_start3A_247] : memref<20480x128xf32, #tpu.memory_space<hbm>> -> memref<20480x128xf32, #tpu.memory_space<hbm>>
        tpu.enqueue_indirect_dma source(%dma_start3A_248 : memref<20480x128xf32, #tpu.memory_space<hbm>>) target(%arg10 : memref<128x128xf32, #tpu.memory_space<vmem>>) offsets(%dma_start3A_245 : memref<128xi32, #tpu.memory_space<vmem>>) semaphore(%arg17 : memref<!tpu.dma_semaphore, #tpu.memory_space<semaphore_mem>>)
      } else {
      }
      %dma_start3A_125 = arith.constant 1 : i32
      %dma_start3A_126 = arith.constant 0 : i32
      %dma_start3A_127 = tpu.memref_slice %arg5[%dma_start3A_125, %dma_start3A_126] : memref<2x128xi32, #tpu.memory_space<vmem>> -> memref<1x128xi32, #tpu.memory_space<vmem>>
      %dma_start3A_128 = tpu.memref_squeeze %dma_start3A_127 : memref<1x128xi32, #tpu.memory_space<vmem>> -> memref<128xi32, #tpu.memory_space<vmem>>
      %dma_start3A_129 = arith.constant 0 : i32
      %dma_start3A_130 = arith.constant 0 : i32
      %dma_start3A_131 = tpu.memref_slice %arg11[%dma_start3A_129, %dma_start3A_130] : memref<10240x128xf32, #tpu.memory_space<vmem_shared>> -> memref<10240x128xf32, #tpu.memory_space<vmem_shared>>
      tpu.enqueue_indirect_dma source(%arg9 : memref<128x128xf32, #tpu.memory_space<vmem>>) target(%dma_start3A_131 : memref<10240x128xf32, #tpu.memory_space<vmem_shared>>) offsets(%dma_start3A_128 : memref<128xi32, #tpu.memory_space<vmem>>) semaphore(%arg18 : memref<!tpu.dma_semaphore, #tpu.memory_space<semaphore_mem>>) {add = true}
      %add3A_132 = arith.constant 1 : i32
      %add3A_133 = arith.addi %mul3A_105, %add3A_132 : i32
      %add3A_134 = arith.constant 2 : i32
      %add3A_135 = arith.addi %add3A_133, %add3A_134 : i32
      %lt3A_136 = arith.constant 164 : i32
      %lt3A_137 = arith.cmpi slt, %add3A_135, %lt3A_136 : i32
      %convert_element_type3A_138 = arith.extui %lt3A_137 : i1 to i32
      %cond3A_139 = arith.constant 0 : i32
      %cond3A_140 = arith.cmpi ne, %convert_element_type3A_138, %cond3A_139 : i32
      scf.if %cond3A_140 {
        %add3A_219 = arith.constant 2 : i32
        %add3A_220 = arith.addi %add3A_133, %add3A_219 : i32
        %dma_start3A_221 = arith.constant 0 : i32
        %dma_start3A_222 = arith.constant 0 : i32
        %dma_start3A_223 = arith.constant 0 : i32
        %dma_start3A_224 = tpu.memref_slice %arg2[%add3A, %dma_start3A_221, %dma_start3A_222, %dma_start3A_223] : memref<32x164x2x128xi32, #tpu.memory_space<hbm>> -> memref<1x164x2x128xi32, #tpu.memory_space<hbm>>
        %dma_start3A_225 = tpu.memref_squeeze %dma_start3A_224 : memref<1x164x2x128xi32, #tpu.memory_space<hbm>> -> memref<164x2x128xi32, #tpu.memory_space<hbm>>
        %dma_start3A_226 = arith.constant 0 : i32
        %dma_start3A_227 = arith.constant 0 : i32
        %dma_start3A_228 = tpu.memref_slice %dma_start3A_225[%add3A_220, %dma_start3A_226, %dma_start3A_227] : memref<164x2x128xi32, #tpu.memory_space<hbm>> -> memref<1x2x128xi32, #tpu.memory_space<hbm>>
        %dma_start3A_229 = tpu.memref_squeeze %dma_start3A_228 : memref<1x2x128xi32, #tpu.memory_space<hbm>> -> memref<2x128xi32, #tpu.memory_space<hbm>>
        %dma_start3A_230 = arith.constant 0 : i32
        %dma_start3A_231 = arith.constant 0 : i32
        %dma_start3A_232 = arith.constant 0 : i32
        %dma_start3A_233 = tpu.memref_slice %arg2[%add3A, %dma_start3A_230, %dma_start3A_231, %dma_start3A_232] : memref<32x164x2x128xi32, #tpu.memory_space<hbm>> -> memref<1x164x2x128xi32, #tpu.memory_space<hbm>>
        %dma_start3A_234 = tpu.memref_squeeze %dma_start3A_233 : memref<1x164x2x128xi32, #tpu.memory_space<hbm>> -> memref<164x2x128xi32, #tpu.memory_space<hbm>>
        %dma_start3A_235 = arith.constant 0 : i32
        %dma_start3A_236 = arith.constant 0 : i32
        %dma_start3A_237 = tpu.memref_slice %dma_start3A_234[%add3A_220, %dma_start3A_235, %dma_start3A_236] : memref<164x2x128xi32, #tpu.memory_space<hbm>> -> memref<1x2x128xi32, #tpu.memory_space<hbm>>
        %dma_start3A_238 = tpu.memref_squeeze %dma_start3A_237 : memref<1x2x128xi32, #tpu.memory_space<hbm>> -> memref<2x128xi32, #tpu.memory_space<hbm>>
        tpu.enqueue_dma source(%dma_start3A_238 : memref<2x128xi32, #tpu.memory_space<hbm>>) target(%arg8 : memref<2x128xi32, #tpu.memory_space<vmem>>) target_semaphore(%arg15 : memref<!tpu.dma_semaphore, #tpu.memory_space<semaphore_mem>>)
      } else {
      }
      %dma_wait3A_141 = arith.constant 0 : i32
      %dma_wait3A_142 = arith.constant 0 : i32
      %dma_wait3A_143 = tpu.memref_slice %arg3[%dma_wait3A_141, %dma_wait3A_142] : memref<20480x128xf32, #tpu.memory_space<hbm>> -> memref<128x128xf32, #tpu.memory_space<hbm>>
      %dma_wait3A_144 = arith.constant 0 : i32
      %dma_wait3A_145 = arith.constant 0 : i32
      %dma_wait3A_146 = tpu.memref_slice %arg3[%dma_wait3A_144, %dma_wait3A_145] : memref<20480x128xf32, #tpu.memory_space<hbm>> -> memref<128x128xf32, #tpu.memory_space<hbm>>
      tpu.wait_dma2 semaphore(%arg17 : memref<!tpu.dma_semaphore, #tpu.memory_space<semaphore_mem>>) src(%dma_wait3A_146 : memref<128x128xf32, #tpu.memory_space<hbm>>) dst(%arg10 : memref<128x128xf32, #tpu.memory_space<vmem>>)
      %add3A_147 = arith.constant 1 : i32
      %add3A_148 = arith.addi %add3A_133, %add3A_147 : i32
      %lt3A_149 = arith.constant 164 : i32
      %lt3A_150 = arith.cmpi slt, %add3A_148, %lt3A_149 : i32
      %convert_element_type3A_151 = arith.extui %lt3A_150 : i1 to i32
      %cond3A_152 = arith.constant 0 : i32
      %cond3A_153 = arith.cmpi ne, %convert_element_type3A_151, %cond3A_152 : i32
      scf.if %cond3A_153 {
        %dma_wait3A_219 = arith.constant 0 : i32
        %dma_wait3A_220 = arith.constant 0 : i32
        %dma_wait3A_221 = arith.constant 0 : i32
        %dma_wait3A_222 = arith.constant 0 : i32
        %dma_wait3A_223 = tpu.memref_slice %arg2[%add3A, %dma_wait3A_220, %dma_wait3A_221, %dma_wait3A_222] : memref<32x164x2x128xi32, #tpu.memory_space<hbm>> -> memref<1x164x2x128xi32, #tpu.memory_space<hbm>>
        %dma_wait3A_224 = tpu.memref_squeeze %dma_wait3A_223 : memref<1x164x2x128xi32, #tpu.memory_space<hbm>> -> memref<164x2x128xi32, #tpu.memory_space<hbm>>
        %dma_wait3A_225 = arith.constant 0 : i32
        %dma_wait3A_226 = arith.constant 0 : i32
        %dma_wait3A_227 = tpu.memref_slice %dma_wait3A_224[%dma_wait3A_219, %dma_wait3A_225, %dma_wait3A_226] : memref<164x2x128xi32, #tpu.memory_space<hbm>> -> memref<1x2x128xi32, #tpu.memory_space<hbm>>
        %dma_wait3A_228 = tpu.memref_squeeze %dma_wait3A_227 : memref<1x2x128xi32, #tpu.memory_space<hbm>> -> memref<2x128xi32, #tpu.memory_space<hbm>>
        %dma_wait3A_229 = arith.constant 0 : i32
        %dma_wait3A_230 = arith.constant 0 : i32
        %dma_wait3A_231 = arith.constant 0 : i32
        %dma_wait3A_232 = tpu.memref_slice %arg2[%add3A, %dma_wait3A_229, %dma_wait3A_230, %dma_wait3A_231] : memref<32x164x2x128xi32, #tpu.memory_space<hbm>> -> memref<1x164x2x128xi32, #tpu.memory_space<hbm>>
        %dma_wait3A_233 = tpu.memref_squeeze %dma_wait3A_232 : memref<1x164x2x128xi32, #tpu.memory_space<hbm>> -> memref<164x2x128xi32, #tpu.memory_space<hbm>>
        %dma_wait3A_234 = arith.constant 0 : i32
        %dma_wait3A_235 = arith.constant 0 : i32
        %dma_wait3A_236 = tpu.memref_slice %dma_wait3A_233[%dma_wait3A_219, %dma_wait3A_234, %dma_wait3A_235] : memref<164x2x128xi32, #tpu.memory_space<hbm>> -> memref<1x2x128xi32, #tpu.memory_space<hbm>>
        %dma_wait3A_237 = tpu.memref_squeeze %dma_wait3A_236 : memref<1x2x128xi32, #tpu.memory_space<hbm>> -> memref<2x128xi32, #tpu.memory_space<hbm>>
        tpu.wait_dma2 semaphore(%arg14 : memref<!tpu.dma_semaphore, #tpu.memory_space<semaphore_mem>>) src(%dma_wait3A_237 : memref<2x128xi32, #tpu.memory_space<hbm>>) dst(%arg7 : memref<2x128xi32, #tpu.memory_space<vmem>>)
        %ge3A = arith.constant 1 : i32
        %ge3A_238 = arith.cmpi sge, %add3A_133, %ge3A : i32
        %convert_element_type3A_239 = arith.extui %ge3A_238 : i1 to i32
        %cond3A_240 = arith.constant 0 : i32
        %cond3A_241 = arith.cmpi ne, %convert_element_type3A_239, %cond3A_240 : i32
        scf.if %cond3A_241 {
          %dma_wait3A_249 = arith.constant 0 : i32
          %dma_wait3A_250 = arith.constant 0 : i32
          %dma_wait3A_251 = tpu.memref_slice %arg11[%dma_wait3A_249, %dma_wait3A_250] : memref<10240x128xf32, #tpu.memory_space<vmem_shared>> -> memref<128x128xf32, #tpu.memory_space<vmem_shared>>
          %dma_wait3A_252 = arith.constant 0 : i32
          %dma_wait3A_253 = arith.constant 0 : i32
          %dma_wait3A_254 = tpu.memref_slice %arg11[%dma_wait3A_252, %dma_wait3A_253] : memref<10240x128xf32, #tpu.memory_space<vmem_shared>> -> memref<128x128xf32, #tpu.memory_space<vmem_shared>>
          tpu.wait_dma2 semaphore(%arg18 : memref<!tpu.dma_semaphore, #tpu.memory_space<semaphore_mem>>) src(%arg9 : memref<128x128xf32, #tpu.memory_space<vmem>>) dst(%dma_wait3A_254 : memref<128x128xf32, #tpu.memory_space<vmem_shared>>)
        } else {
        }
        %dma_start3A_242 = arith.constant 0 : i32
        %dma_start3A_243 = arith.constant 0 : i32
        %dma_start3A_244 = tpu.memref_slice %arg7[%dma_start3A_242, %dma_start3A_243] : memref<2x128xi32, #tpu.memory_space<vmem>> -> memref<1x128xi32, #tpu.memory_space<vmem>>
        %dma_start3A_245 = tpu.memref_squeeze %dma_start3A_244 : memref<1x128xi32, #tpu.memory_space<vmem>> -> memref<128xi32, #tpu.memory_space<vmem>>
        %dma_start3A_246 = arith.constant 0 : i32
        %dma_start3A_247 = arith.constant 0 : i32
        %dma_start3A_248 = tpu.memref_slice %arg3[%dma_start3A_246, %dma_start3A_247] : memref<20480x128xf32, #tpu.memory_space<hbm>> -> memref<20480x128xf32, #tpu.memory_space<hbm>>
        tpu.enqueue_indirect_dma source(%dma_start3A_248 : memref<20480x128xf32, #tpu.memory_space<hbm>>) target(%arg9 : memref<128x128xf32, #tpu.memory_space<vmem>>) offsets(%dma_start3A_245 : memref<128xi32, #tpu.memory_space<vmem>>) semaphore(%arg16 : memref<!tpu.dma_semaphore, #tpu.memory_space<semaphore_mem>>)
      } else {
      }
      %dma_start3A_154 = arith.constant 1 : i32
      %dma_start3A_155 = arith.constant 0 : i32
      %dma_start3A_156 = tpu.memref_slice %arg6[%dma_start3A_154, %dma_start3A_155] : memref<2x128xi32, #tpu.memory_space<vmem>> -> memref<1x128xi32, #tpu.memory_space<vmem>>
      %dma_start3A_157 = tpu.memref_squeeze %dma_start3A_156 : memref<1x128xi32, #tpu.memory_space<vmem>> -> memref<128xi32, #tpu.memory_space<vmem>>
      %dma_start3A_158 = arith.constant 0 : i32
      %dma_start3A_159 = arith.constant 0 : i32
      %dma_start3A_160 = tpu.memref_slice %arg11[%dma_start3A_158, %dma_start3A_159] : memref<10240x128xf32, #tpu.memory_space<vmem_shared>> -> memref<10240x128xf32, #tpu.memory_space<vmem_shared>>
      tpu.enqueue_indirect_dma source(%arg10 : memref<128x128xf32, #tpu.memory_space<vmem>>) target(%dma_start3A_160 : memref<10240x128xf32, #tpu.memory_space<vmem_shared>>) offsets(%dma_start3A_157 : memref<128xi32, #tpu.memory_space<vmem>>) semaphore(%arg19 : memref<!tpu.dma_semaphore, #tpu.memory_space<semaphore_mem>>) {add = true}
      %add3A_161 = arith.constant 2 : i32
      %add3A_162 = arith.addi %mul3A_105, %add3A_161 : i32
      %add3A_163 = arith.constant 2 : i32
      %add3A_164 = arith.addi %add3A_162, %add3A_163 : i32
      %lt3A_165 = arith.constant 164 : i32
      %lt3A_166 = arith.cmpi slt, %add3A_164, %lt3A_165 : i32
      %convert_element_type3A_167 = arith.extui %lt3A_166 : i1 to i32
      %cond3A_168 = arith.constant 0 : i32
      %cond3A_169 = arith.cmpi ne, %convert_element_type3A_167, %cond3A_168 : i32
      scf.if %cond3A_169 {
        %add3A_219 = arith.constant 2 : i32
        %add3A_220 = arith.addi %add3A_162, %add3A_219 : i32
        %dma_start3A_221 = arith.constant 0 : i32
        %dma_start3A_222 = arith.constant 0 : i32
        %dma_start3A_223 = arith.constant 0 : i32
        %dma_start3A_224 = tpu.memref_slice %arg2[%add3A, %dma_start3A_221, %dma_start3A_222, %dma_start3A_223] : memref<32x164x2x128xi32, #tpu.memory_space<hbm>> -> memref<1x164x2x128xi32, #tpu.memory_space<hbm>>
        %dma_start3A_225 = tpu.memref_squeeze %dma_start3A_224 : memref<1x164x2x128xi32, #tpu.memory_space<hbm>> -> memref<164x2x128xi32, #tpu.memory_space<hbm>>
        %dma_start3A_226 = arith.constant 0 : i32
        %dma_start3A_227 = arith.constant 0 : i32
        %dma_start3A_228 = tpu.memref_slice %dma_start3A_225[%add3A_220, %dma_start3A_226, %dma_start3A_227] : memref<164x2x128xi32, #tpu.memory_space<hbm>> -> memref<1x2x128xi32, #tpu.memory_space<hbm>>
        %dma_start3A_229 = tpu.memref_squeeze %dma_start3A_228 : memref<1x2x128xi32, #tpu.memory_space<hbm>> -> memref<2x128xi32, #tpu.memory_space<hbm>>
        %dma_start3A_230 = arith.constant 0 : i32
        %dma_start3A_231 = arith.constant 0 : i32
        %dma_start3A_232 = arith.constant 0 : i32
        %dma_start3A_233 = tpu.memref_slice %arg2[%add3A, %dma_start3A_230, %dma_start3A_231, %dma_start3A_232] : memref<32x164x2x128xi32, #tpu.memory_space<hbm>> -> memref<1x164x2x128xi32, #tpu.memory_space<hbm>>
        %dma_start3A_234 = tpu.memref_squeeze %dma_start3A_233 : memref<1x164x2x128xi32, #tpu.memory_space<hbm>> -> memref<164x2x128xi32, #tpu.memory_space<hbm>>
        %dma_start3A_235 = arith.constant 0 : i32
        %dma_start3A_236 = arith.constant 0 : i32
        %dma_start3A_237 = tpu.memref_slice %dma_start3A_234[%add3A_220, %dma_start3A_235, %dma_start3A_236] : memref<164x2x128xi32, #tpu.memory_space<hbm>> -> memref<1x2x128xi32, #tpu.memory_space<hbm>>
        %dma_start3A_238 = tpu.memref_squeeze %dma_start3A_237 : memref<1x2x128xi32, #tpu.memory_space<hbm>> -> memref<2x128xi32, #tpu.memory_space<hbm>>
        tpu.enqueue_dma source(%dma_start3A_238 : memref<2x128xi32, #tpu.memory_space<hbm>>) target(%arg5 : memref<2x128xi32, #tpu.memory_space<vmem>>) target_semaphore(%arg12 : memref<!tpu.dma_semaphore, #tpu.memory_space<semaphore_mem>>)
      } else {
      }
      %dma_wait3A_170 = arith.constant 0 : i32
      %dma_wait3A_171 = arith.constant 0 : i32
      %dma_wait3A_172 = tpu.memref_slice %arg3[%dma_wait3A_170, %dma_wait3A_171] : memref<20480x128xf32, #tpu.memory_space<hbm>> -> memref<128x128xf32, #tpu.memory_space<hbm>>
      %dma_wait3A_173 = arith.constant 0 : i32
      %dma_wait3A_174 = arith.constant 0 : i32
      %dma_wait3A_175 = tpu.memref_slice %arg3[%dma_wait3A_173, %dma_wait3A_174] : memref<20480x128xf32, #tpu.memory_space<hbm>> -> memref<128x128xf32, #tpu.memory_space<hbm>>
      tpu.wait_dma2 semaphore(%arg16 : memref<!tpu.dma_semaphore, #tpu.memory_space<semaphore_mem>>) src(%dma_wait3A_175 : memref<128x128xf32, #tpu.memory_space<hbm>>) dst(%arg9 : memref<128x128xf32, #tpu.memory_space<vmem>>)
      %add3A_176 = arith.constant 1 : i32
      %add3A_177 = arith.addi %add3A_162, %add3A_176 : i32
      %lt3A_178 = arith.constant 164 : i32
      %lt3A_179 = arith.cmpi slt, %add3A_177, %lt3A_178 : i32
      %convert_element_type3A_180 = arith.extui %lt3A_179 : i1 to i32
      %cond3A_181 = arith.constant 0 : i32
      %cond3A_182 = arith.cmpi ne, %convert_element_type3A_180, %cond3A_181 : i32
      scf.if %cond3A_182 {
        %dma_wait3A_219 = arith.constant 0 : i32
        %dma_wait3A_220 = arith.constant 0 : i32
        %dma_wait3A_221 = arith.constant 0 : i32
        %dma_wait3A_222 = arith.constant 0 : i32
        %dma_wait3A_223 = tpu.memref_slice %arg2[%add3A, %dma_wait3A_220, %dma_wait3A_221, %dma_wait3A_222] : memref<32x164x2x128xi32, #tpu.memory_space<hbm>> -> memref<1x164x2x128xi32, #tpu.memory_space<hbm>>
        %dma_wait3A_224 = tpu.memref_squeeze %dma_wait3A_223 : memref<1x164x2x128xi32, #tpu.memory_space<hbm>> -> memref<164x2x128xi32, #tpu.memory_space<hbm>>
        %dma_wait3A_225 = arith.constant 0 : i32
        %dma_wait3A_226 = arith.constant 0 : i32
        %dma_wait3A_227 = tpu.memref_slice %dma_wait3A_224[%dma_wait3A_219, %dma_wait3A_225, %dma_wait3A_226] : memref<164x2x128xi32, #tpu.memory_space<hbm>> -> memref<1x2x128xi32, #tpu.memory_space<hbm>>
        %dma_wait3A_228 = tpu.memref_squeeze %dma_wait3A_227 : memref<1x2x128xi32, #tpu.memory_space<hbm>> -> memref<2x128xi32, #tpu.memory_space<hbm>>
        %dma_wait3A_229 = arith.constant 0 : i32
        %dma_wait3A_230 = arith.constant 0 : i32
        %dma_wait3A_231 = arith.constant 0 : i32
        %dma_wait3A_232 = tpu.memref_slice %arg2[%add3A, %dma_wait3A_229, %dma_wait3A_230, %dma_wait3A_231] : memref<32x164x2x128xi32, #tpu.memory_space<hbm>> -> memref<1x164x2x128xi32, #tpu.memory_space<hbm>>
        %dma_wait3A_233 = tpu.memref_squeeze %dma_wait3A_232 : memref<1x164x2x128xi32, #tpu.memory_space<hbm>> -> memref<164x2x128xi32, #tpu.memory_space<hbm>>
        %dma_wait3A_234 = arith.constant 0 : i32
        %dma_wait3A_235 = arith.constant 0 : i32
        %dma_wait3A_236 = tpu.memref_slice %dma_wait3A_233[%dma_wait3A_219, %dma_wait3A_234, %dma_wait3A_235] : memref<164x2x128xi32, #tpu.memory_space<hbm>> -> memref<1x2x128xi32, #tpu.memory_space<hbm>>
        %dma_wait3A_237 = tpu.memref_squeeze %dma_wait3A_236 : memref<1x2x128xi32, #tpu.memory_space<hbm>> -> memref<2x128xi32, #tpu.memory_space<hbm>>
        tpu.wait_dma2 semaphore(%arg15 : memref<!tpu.dma_semaphore, #tpu.memory_space<semaphore_mem>>) src(%dma_wait3A_237 : memref<2x128xi32, #tpu.memory_space<hbm>>) dst(%arg8 : memref<2x128xi32, #tpu.memory_space<vmem>>)
        %ge3A = arith.constant 1 : i32
        %ge3A_238 = arith.cmpi sge, %add3A_162, %ge3A : i32
        %convert_element_type3A_239 = arith.extui %ge3A_238 : i1 to i32
        %cond3A_240 = arith.constant 0 : i32
        %cond3A_241 = arith.cmpi ne, %convert_element_type3A_239, %cond3A_240 : i32
        scf.if %cond3A_241 {
          %dma_wait3A_249 = arith.constant 0 : i32
          %dma_wait3A_250 = arith.constant 0 : i32
          %dma_wait3A_251 = tpu.memref_slice %arg11[%dma_wait3A_249, %dma_wait3A_250] : memref<10240x128xf32, #tpu.memory_space<vmem_shared>> -> memref<128x128xf32, #tpu.memory_space<vmem_shared>>
          %dma_wait3A_252 = arith.constant 0 : i32
          %dma_wait3A_253 = arith.constant 0 : i32
          %dma_wait3A_254 = tpu.memref_slice %arg11[%dma_wait3A_252, %dma_wait3A_253] : memref<10240x128xf32, #tpu.memory_space<vmem_shared>> -> memref<128x128xf32, #tpu.memory_space<vmem_shared>>
          tpu.wait_dma2 semaphore(%arg19 : memref<!tpu.dma_semaphore, #tpu.memory_space<semaphore_mem>>) src(%arg10 : memref<128x128xf32, #tpu.memory_space<vmem>>) dst(%dma_wait3A_254 : memref<128x128xf32, #tpu.memory_space<vmem_shared>>)
        } else {
        }
        %dma_start3A_242 = arith.constant 0 : i32
        %dma_start3A_243 = arith.constant 0 : i32
        %dma_start3A_244 = tpu.memref_slice %arg8[%dma_start3A_242, %dma_start3A_243] : memref<2x128xi32, #tpu.memory_space<vmem>> -> memref<1x128xi32, #tpu.memory_space<vmem>>
        %dma_start3A_245 = tpu.memref_squeeze %dma_start3A_244 : memref<1x128xi32, #tpu.memory_space<vmem>> -> memref<128xi32, #tpu.memory_space<vmem>>
        %dma_start3A_246 = arith.constant 0 : i32
        %dma_start3A_247 = arith.constant 0 : i32
        %dma_start3A_248 = tpu.memref_slice %arg3[%dma_start3A_246, %dma_start3A_247] : memref<20480x128xf32, #tpu.memory_space<hbm>> -> memref<20480x128xf32, #tpu.memory_space<hbm>>
        tpu.enqueue_indirect_dma source(%dma_start3A_248 : memref<20480x128xf32, #tpu.memory_space<hbm>>) target(%arg10 : memref<128x128xf32, #tpu.memory_space<vmem>>) offsets(%dma_start3A_245 : memref<128xi32, #tpu.memory_space<vmem>>) semaphore(%arg17 : memref<!tpu.dma_semaphore, #tpu.memory_space<semaphore_mem>>)
      } else {
      }
      %dma_start3A_183 = arith.constant 1 : i32
      %dma_start3A_184 = arith.constant 0 : i32
      %dma_start3A_185 = tpu.memref_slice %arg7[%dma_start3A_183, %dma_start3A_184] : memref<2x128xi32, #tpu.memory_space<vmem>> -> memref<1x128xi32, #tpu.memory_space<vmem>>
      %dma_start3A_186 = tpu.memref_squeeze %dma_start3A_185 : memref<1x128xi32, #tpu.memory_space<vmem>> -> memref<128xi32, #tpu.memory_space<vmem>>
      %dma_start3A_187 = arith.constant 0 : i32
      %dma_start3A_188 = arith.constant 0 : i32
      %dma_start3A_189 = tpu.memref_slice %arg11[%dma_start3A_187, %dma_start3A_188] : memref<10240x128xf32, #tpu.memory_space<vmem_shared>> -> memref<10240x128xf32, #tpu.memory_space<vmem_shared>>
      tpu.enqueue_indirect_dma source(%arg9 : memref<128x128xf32, #tpu.memory_space<vmem>>) target(%dma_start3A_189 : memref<10240x128xf32, #tpu.memory_space<vmem_shared>>) offsets(%dma_start3A_186 : memref<128xi32, #tpu.memory_space<vmem>>) semaphore(%arg18 : memref<!tpu.dma_semaphore, #tpu.memory_space<semaphore_mem>>) {add = true}
      %add3A_190 = arith.constant 3 : i32
      %add3A_191 = arith.addi %mul3A_105, %add3A_190 : i32
      %add3A_192 = arith.constant 2 : i32
      %add3A_193 = arith.addi %add3A_191, %add3A_192 : i32
      %lt3A_194 = arith.constant 164 : i32
      %lt3A_195 = arith.cmpi slt, %add3A_193, %lt3A_194 : i32
      %convert_element_type3A_196 = arith.extui %lt3A_195 : i1 to i32
      %cond3A_197 = arith.constant 0 : i32
      %cond3A_198 = arith.cmpi ne, %convert_element_type3A_196, %cond3A_197 : i32
      scf.if %cond3A_198 {
        %add3A_219 = arith.constant 2 : i32
        %add3A_220 = arith.addi %add3A_191, %add3A_219 : i32
        %dma_start3A_221 = arith.constant 0 : i32
        %dma_start3A_222 = arith.constant 0 : i32
        %dma_start3A_223 = arith.constant 0 : i32
        %dma_start3A_224 = tpu.memref_slice %arg2[%add3A, %dma_start3A_221, %dma_start3A_222, %dma_start3A_223] : memref<32x164x2x128xi32, #tpu.memory_space<hbm>> -> memref<1x164x2x128xi32, #tpu.memory_space<hbm>>
        %dma_start3A_225 = tpu.memref_squeeze %dma_start3A_224 : memref<1x164x2x128xi32, #tpu.memory_space<hbm>> -> memref<164x2x128xi32, #tpu.memory_space<hbm>>
        %dma_start3A_226 = arith.constant 0 : i32
        %dma_start3A_227 = arith.constant 0 : i32
        %dma_start3A_228 = tpu.memref_slice %dma_start3A_225[%add3A_220, %dma_start3A_226, %dma_start3A_227] : memref<164x2x128xi32, #tpu.memory_space<hbm>> -> memref<1x2x128xi32, #tpu.memory_space<hbm>>
        %dma_start3A_229 = tpu.memref_squeeze %dma_start3A_228 : memref<1x2x128xi32, #tpu.memory_space<hbm>> -> memref<2x128xi32, #tpu.memory_space<hbm>>
        %dma_start3A_230 = arith.constant 0 : i32
        %dma_start3A_231 = arith.constant 0 : i32
        %dma_start3A_232 = arith.constant 0 : i32
        %dma_start3A_233 = tpu.memref_slice %arg2[%add3A, %dma_start3A_230, %dma_start3A_231, %dma_start3A_232] : memref<32x164x2x128xi32, #tpu.memory_space<hbm>> -> memref<1x164x2x128xi32, #tpu.memory_space<hbm>>
        %dma_start3A_234 = tpu.memref_squeeze %dma_start3A_233 : memref<1x164x2x128xi32, #tpu.memory_space<hbm>> -> memref<164x2x128xi32, #tpu.memory_space<hbm>>
        %dma_start3A_235 = arith.constant 0 : i32
        %dma_start3A_236 = arith.constant 0 : i32
        %dma_start3A_237 = tpu.memref_slice %dma_start3A_234[%add3A_220, %dma_start3A_235, %dma_start3A_236] : memref<164x2x128xi32, #tpu.memory_space<hbm>> -> memref<1x2x128xi32, #tpu.memory_space<hbm>>
        %dma_start3A_238 = tpu.memref_squeeze %dma_start3A_237 : memref<1x2x128xi32, #tpu.memory_space<hbm>> -> memref<2x128xi32, #tpu.memory_space<hbm>>
        tpu.enqueue_dma source(%dma_start3A_238 : memref<2x128xi32, #tpu.memory_space<hbm>>) target(%arg6 : memref<2x128xi32, #tpu.memory_space<vmem>>) target_semaphore(%arg13 : memref<!tpu.dma_semaphore, #tpu.memory_space<semaphore_mem>>)
      } else {
      }
      %dma_wait3A_199 = arith.constant 0 : i32
      %dma_wait3A_200 = arith.constant 0 : i32
      %dma_wait3A_201 = tpu.memref_slice %arg3[%dma_wait3A_199, %dma_wait3A_200] : memref<20480x128xf32, #tpu.memory_space<hbm>> -> memref<128x128xf32, #tpu.memory_space<hbm>>
      %dma_wait3A_202 = arith.constant 0 : i32
      %dma_wait3A_203 = arith.constant 0 : i32
      %dma_wait3A_204 = tpu.memref_slice %arg3[%dma_wait3A_202, %dma_wait3A_203] : memref<20480x128xf32, #tpu.memory_space<hbm>> -> memref<128x128xf32, #tpu.memory_space<hbm>>
      tpu.wait_dma2 semaphore(%arg17 : memref<!tpu.dma_semaphore, #tpu.memory_space<semaphore_mem>>) src(%dma_wait3A_204 : memref<128x128xf32, #tpu.memory_space<hbm>>) dst(%arg10 : memref<128x128xf32, #tpu.memory_space<vmem>>)
      %add3A_205 = arith.constant 1 : i32
      %add3A_206 = arith.addi %add3A_191, %add3A_205 : i32
      %lt3A_207 = arith.constant 164 : i32
      %lt3A_208 = arith.cmpi slt, %add3A_206, %lt3A_207 : i32
      %convert_element_type3A_209 = arith.extui %lt3A_208 : i1 to i32
      %cond3A_210 = arith.constant 0 : i32
      %cond3A_211 = arith.cmpi ne, %convert_element_type3A_209, %cond3A_210 : i32
      scf.if %cond3A_211 {
        %dma_wait3A_219 = arith.constant 0 : i32
        %dma_wait3A_220 = arith.constant 0 : i32
        %dma_wait3A_221 = arith.constant 0 : i32
        %dma_wait3A_222 = arith.constant 0 : i32
        %dma_wait3A_223 = tpu.memref_slice %arg2[%add3A, %dma_wait3A_220, %dma_wait3A_221, %dma_wait3A_222] : memref<32x164x2x128xi32, #tpu.memory_space<hbm>> -> memref<1x164x2x128xi32, #tpu.memory_space<hbm>>
        %dma_wait3A_224 = tpu.memref_squeeze %dma_wait3A_223 : memref<1x164x2x128xi32, #tpu.memory_space<hbm>> -> memref<164x2x128xi32, #tpu.memory_space<hbm>>
        %dma_wait3A_225 = arith.constant 0 : i32
        %dma_wait3A_226 = arith.constant 0 : i32
        %dma_wait3A_227 = tpu.memref_slice %dma_wait3A_224[%dma_wait3A_219, %dma_wait3A_225, %dma_wait3A_226] : memref<164x2x128xi32, #tpu.memory_space<hbm>> -> memref<1x2x128xi32, #tpu.memory_space<hbm>>
        %dma_wait3A_228 = tpu.memref_squeeze %dma_wait3A_227 : memref<1x2x128xi32, #tpu.memory_space<hbm>> -> memref<2x128xi32, #tpu.memory_space<hbm>>
        %dma_wait3A_229 = arith.constant 0 : i32
        %dma_wait3A_230 = arith.constant 0 : i32
        %dma_wait3A_231 = arith.constant 0 : i32
        %dma_wait3A_232 = tpu.memref_slice %arg2[%add3A, %dma_wait3A_229, %dma_wait3A_230, %dma_wait3A_231] : memref<32x164x2x128xi32, #tpu.memory_space<hbm>> -> memref<1x164x2x128xi32, #tpu.memory_space<hbm>>
        %dma_wait3A_233 = tpu.memref_squeeze %dma_wait3A_232 : memref<1x164x2x128xi32, #tpu.memory_space<hbm>> -> memref<164x2x128xi32, #tpu.memory_space<hbm>>
        %dma_wait3A_234 = arith.constant 0 : i32
        %dma_wait3A_235 = arith.constant 0 : i32
        %dma_wait3A_236 = tpu.memref_slice %dma_wait3A_233[%dma_wait3A_219, %dma_wait3A_234, %dma_wait3A_235] : memref<164x2x128xi32, #tpu.memory_space<hbm>> -> memref<1x2x128xi32, #tpu.memory_space<hbm>>
        %dma_wait3A_237 = tpu.memref_squeeze %dma_wait3A_236 : memref<1x2x128xi32, #tpu.memory_space<hbm>> -> memref<2x128xi32, #tpu.memory_space<hbm>>
        tpu.wait_dma2 semaphore(%arg12 : memref<!tpu.dma_semaphore, #tpu.memory_space<semaphore_mem>>) src(%dma_wait3A_237 : memref<2x128xi32, #tpu.memory_space<hbm>>) dst(%arg5 : memref<2x128xi32, #tpu.memory_space<vmem>>)
        %ge3A = arith.constant 1 : i32
        %ge3A_238 = arith.cmpi sge, %add3A_191, %ge3A : i32
        %convert_element_type3A_239 = arith.extui %ge3A_238 : i1 to i32
        %cond3A_240 = arith.constant 0 : i32
        %cond3A_241 = arith.cmpi ne, %convert_element_type3A_239, %cond3A_240 : i32
        scf.if %cond3A_241 {
          %dma_wait3A_249 = arith.constant 0 : i32
          %dma_wait3A_250 = arith.constant 0 : i32
          %dma_wait3A_251 = tpu.memref_slice %arg11[%dma_wait3A_249, %dma_wait3A_250] : memref<10240x128xf32, #tpu.memory_space<vmem_shared>> -> memref<128x128xf32, #tpu.memory_space<vmem_shared>>
          %dma_wait3A_252 = arith.constant 0 : i32
          %dma_wait3A_253 = arith.constant 0 : i32
          %dma_wait3A_254 = tpu.memref_slice %arg11[%dma_wait3A_252, %dma_wait3A_253] : memref<10240x128xf32, #tpu.memory_space<vmem_shared>> -> memref<128x128xf32, #tpu.memory_space<vmem_shared>>
          tpu.wait_dma2 semaphore(%arg18 : memref<!tpu.dma_semaphore, #tpu.memory_space<semaphore_mem>>) src(%arg9 : memref<128x128xf32, #tpu.memory_space<vmem>>) dst(%dma_wait3A_254 : memref<128x128xf32, #tpu.memory_space<vmem_shared>>)
        } else {
        }
        %dma_start3A_242 = arith.constant 0 : i32
        %dma_start3A_243 = arith.constant 0 : i32
        %dma_start3A_244 = tpu.memref_slice %arg5[%dma_start3A_242, %dma_start3A_243] : memref<2x128xi32, #tpu.memory_space<vmem>> -> memref<1x128xi32, #tpu.memory_space<vmem>>
        %dma_start3A_245 = tpu.memref_squeeze %dma_start3A_244 : memref<1x128xi32, #tpu.memory_space<vmem>> -> memref<128xi32, #tpu.memory_space<vmem>>
        %dma_start3A_246 = arith.constant 0 : i32
        %dma_start3A_247 = arith.constant 0 : i32
        %dma_start3A_248 = tpu.memref_slice %arg3[%dma_start3A_246, %dma_start3A_247] : memref<20480x128xf32, #tpu.memory_space<hbm>> -> memref<20480x128xf32, #tpu.memory_space<hbm>>
        tpu.enqueue_indirect_dma source(%dma_start3A_248 : memref<20480x128xf32, #tpu.memory_space<hbm>>) target(%arg9 : memref<128x128xf32, #tpu.memory_space<vmem>>) offsets(%dma_start3A_245 : memref<128xi32, #tpu.memory_space<vmem>>) semaphore(%arg16 : memref<!tpu.dma_semaphore, #tpu.memory_space<semaphore_mem>>)
      } else {
      }
      %dma_start3A_212 = arith.constant 1 : i32
      %dma_start3A_213 = arith.constant 0 : i32
      %dma_start3A_214 = tpu.memref_slice %arg8[%dma_start3A_212, %dma_start3A_213] : memref<2x128xi32, #tpu.memory_space<vmem>> -> memref<1x128xi32, #tpu.memory_space<vmem>>
      %dma_start3A_215 = tpu.memref_squeeze %dma_start3A_214 : memref<1x128xi32, #tpu.memory_space<vmem>> -> memref<128xi32, #tpu.memory_space<vmem>>
      %dma_start3A_216 = arith.constant 0 : i32
      %dma_start3A_217 = arith.constant 0 : i32
      %dma_start3A_218 = tpu.memref_slice %arg11[%dma_start3A_216, %dma_start3A_217] : memref<10240x128xf32, #tpu.memory_space<vmem_shared>> -> memref<10240x128xf32, #tpu.memory_space<vmem_shared>>
      tpu.enqueue_indirect_dma source(%arg10 : memref<128x128xf32, #tpu.memory_space<vmem>>) target(%dma_start3A_218 : memref<10240x128xf32, #tpu.memory_space<vmem_shared>>) offsets(%dma_start3A_215 : memref<128xi32, #tpu.memory_space<vmem>>) semaphore(%arg19 : memref<!tpu.dma_semaphore, #tpu.memory_space<semaphore_mem>>) {add = true}
    }
    %scan3A_86 = arith.constant 41 : i32
    %dma_wait3A_87 = arith.constant 0 : i32
    %dma_wait3A_88 = arith.constant 0 : i32
    %dma_wait3A_89 = tpu.memref_slice %arg11[%dma_wait3A_87, %dma_wait3A_88] : memref<10240x128xf32, #tpu.memory_space<vmem_shared>> -> memref<128x128xf32, #tpu.memory_space<vmem_shared>>
    %dma_wait3A_90 = arith.constant 0 : i32
    %dma_wait3A_91 = arith.constant 0 : i32
    %dma_wait3A_92 = tpu.memref_slice %arg11[%dma_wait3A_90, %dma_wait3A_91] : memref<10240x128xf32, #tpu.memory_space<vmem_shared>> -> memref<128x128xf32, #tpu.memory_space<vmem_shared>>
    tpu.wait_dma2 semaphore(%arg19 : memref<!tpu.dma_semaphore, #tpu.memory_space<semaphore_mem>>) src(%arg10 : memref<128x128xf32, #tpu.memory_space<vmem>>) dst(%dma_wait3A_92 : memref<128x128xf32, #tpu.memory_space<vmem_shared>>)
    %dma_wait3A_93 = arith.constant 0 : i32
    %dma_wait3A_94 = arith.constant 0 : i32
    %dma_wait3A_95 = tpu.memref_slice %arg11[%dma_wait3A_93, %dma_wait3A_94] : memref<10240x128xf32, #tpu.memory_space<vmem_shared>> -> memref<128x128xf32, #tpu.memory_space<vmem_shared>>
    %dma_wait3A_96 = arith.constant 0 : i32
    %dma_wait3A_97 = arith.constant 0 : i32
    %dma_wait3A_98 = tpu.memref_slice %arg11[%dma_wait3A_96, %dma_wait3A_97] : memref<10240x128xf32, #tpu.memory_space<vmem_shared>> -> memref<128x128xf32, #tpu.memory_space<vmem_shared>>
    tpu.wait_dma2 semaphore(%arg18 : memref<!tpu.dma_semaphore, #tpu.memory_space<semaphore_mem>>) src(%arg9 : memref<128x128xf32, #tpu.memory_space<vmem>>) dst(%dma_wait3A_98 : memref<128x128xf32, #tpu.memory_space<vmem_shared>>)
    %barrier3A_99 = arith.constant 0 : index
    tpu.barrier barrier_id(%barrier3A_99)
    %mul3A_100 = arith.constant 10240 : i32
    %mul3A_101 = arith.muli %arg0, %mul3A_100 : i32
    %add3A_102 = arith.addi %mul3A_101, %mul3A_8 : i32
    "tpu.region"() ({
      %run_scoped3A = tpu.sem_alloc : memref<!tpu.dma_semaphore, #tpu.memory_space<semaphore_mem>>
      %dma_start3A_103 = arith.constant 0 : i32
      %dma_start3A_104 = tpu.memref_slice %arg4[%add3A_102, %dma_start3A_103] : memref<20480x128xf32, #tpu.memory_space<hbm>> -> memref<640x128xf32, #tpu.memory_space<hbm>>
      %dma_start3A_105 = arith.constant 0 : i32
      %dma_start3A_106 = tpu.memref_slice %arg11[%mul3A_8, %dma_start3A_105] : memref<10240x128xf32, #tpu.memory_space<vmem_shared>> -> memref<640x128xf32, #tpu.memory_space<vmem_shared>>
      tpu.enqueue_dma source(%dma_start3A_106 : memref<640x128xf32, #tpu.memory_space<vmem_shared>>) target(%dma_start3A_104 : memref<640x128xf32, #tpu.memory_space<hbm>>) target_semaphore(%run_scoped3A : memref<!tpu.dma_semaphore, #tpu.memory_space<semaphore_mem>>)
      %dma_wait3A_107 = arith.constant 0 : i32
      %dma_wait3A_108 = tpu.memref_slice %arg4[%add3A_102, %dma_wait3A_107] : memref<20480x128xf32, #tpu.memory_space<hbm>> -> memref<640x128xf32, #tpu.memory_space<hbm>>
      %dma_wait3A_109 = arith.constant 0 : i32
      %dma_wait3A_110 = tpu.memref_slice %arg11[%mul3A_8, %dma_wait3A_109] : memref<10240x128xf32, #tpu.memory_space<vmem_shared>> -> memref<640x128xf32, #tpu.memory_space<vmem_shared>>
      tpu.wait_dma2 semaphore(%run_scoped3A : memref<!tpu.dma_semaphore, #tpu.memory_space<semaphore_mem>>) src(%dma_wait3A_110 : memref<640x128xf32, #tpu.memory_space<vmem_shared>>) dst(%dma_wait3A_108 : memref<640x128xf32, #tpu.memory_space<hbm>>)
      tpu.yield
    }) : () -> ()
    return
  }
}

#map = affine_map<(d0, d1) -> (0, 0, 0, 0)>
#map1 = affine_map<(d0, d1) -> (0, 0)>
module attributes {stable_mosaic.version = 14 : i64} {
  func.func @prop_kernel(%arg0: i32, %arg1: i32, %arg2: memref<32x164x2x128xi32, #tpu.memory_space<hbm>>, %arg3: memref<20480x128xf32, #tpu.memory_space<hbm>>, %arg4: memref<20480x128xf32, #tpu.memory_space<hbm>>, %arg5: memref<2x128xi32, #tpu.memory_space<vmem>>, %arg6: memref<2x128xi32, #tpu.memory_space<vmem>>, %arg7: memref<2x128xi32, #tpu.memory_space<vmem>>, %arg8: memref<2x128xi32, #tpu.memory_space<vmem>>, %arg9: memref<128x128xf32, #tpu.memory_space<vmem>>, %arg10: memref<128x128xf32, #tpu.memory_space<vmem>>, %arg11: memref<10240x128xf32, #tpu.memory_space<vmem_shared>>, %arg12: memref<!tpu.dma_semaphore, #tpu.memory_space<semaphore_mem>>, %arg13: memref<!tpu.dma_semaphore, #tpu.memory_space<semaphore_mem>>, %arg14: memref<!tpu.dma_semaphore, #tpu.memory_space<semaphore_mem>>, %arg15: memref<!tpu.dma_semaphore, #tpu.memory_space<semaphore_mem>>, %arg16: memref<!tpu.dma_semaphore, #tpu.memory_space<semaphore_mem>>, %arg17: memref<!tpu.dma_semaphore, #tpu.memory_space<semaphore_mem>>, %arg18: memref<!tpu.dma_semaphore, #tpu.memory_space<semaphore_mem>>, %arg19: memref<!tpu.dma_semaphore, #tpu.memory_space<semaphore_mem>>) attributes {dimension_semantics = [#tpu.dimension_semantics<core_parallel>, #tpu.dimension_semantics<subcore_parallel>], iteration_bounds = array<i64: 2, 16>, scalar_prefetch = 0 : i64, scratch_operands = 15 : i64, tpu.core_type = #tpu.core_type<sc_vector_subcore>, window_params = [{transform_indices = #map}, {transform_indices = #map1}, {transform_indices = #map1}]} {
    %mul3A = arith.constant 16 : i32
    %mul3A_0 = arith.muli %arg0, %mul3A : i32
    %add3A = arith.addi %mul3A_0, %arg1 : i32
    %broadcast_in_dim3A = arith.constant 0.000000e+00 : f32
    %broadcast_in_dim3A_1 = vector.broadcast %broadcast_in_dim3A : f32 to vector<16xf32>
    %scan3A = arith.constant 0 : i32
    %scan3A_2 = arith.constant 0 : i32
    %scan3A_3 = arith.constant 128 : i32
    %scan3A_4 = arith.addi %scan3A_2, %scan3A_3 : i32
    %scan3A_5 = arith.constant 1 : i32
    scf.for %scan3A_103 = %scan3A_2 to %scan3A_4 step %scan3A_5  : i32 {
      %swap3A = arith.index_cast %scan3A_103 : i32 to index
      %swap3A_104 = arith.constant 0 : index
      %swap3A_105 = tpu.vector_load %arg9[%swap3A, %swap3A_104] {strides = array<i32>} : memref<128x128xf32, #tpu.memory_space<vmem>>, vector<16xf32>,
      tpu.vector_store %arg9[%swap3A, %swap3A_104], %broadcast_in_dim3A_1 {strides = array<i32>} : memref<128x128xf32, #tpu.memory_space<vmem>>, vector<16xf32>,
      %swap3A_106 = arith.index_cast %scan3A_103 : i32 to index
      %swap3A_107 = arith.constant 16 : index
      %swap3A_108 = tpu.vector_load %arg9[%swap3A_106, %swap3A_107] {strides = array<i32>} : memref<128x128xf32, #tpu.memory_space<vmem>>, vector<16xf32>,
      tpu.vector_store %arg9[%swap3A_106, %swap3A_107], %broadcast_in_dim3A_1 {strides = array<i32>} : memref<128x128xf32, #tpu.memory_space<vmem>>, vector<16xf32>,
      %swap3A_109 = arith.index_cast %scan3A_103 : i32 to index
      %swap3A_110 = arith.constant 32 : index
      %swap3A_111 = tpu.vector_load %arg9[%swap3A_109, %swap3A_110] {strides = array<i32>} : memref<128x128xf32, #tpu.memory_space<vmem>>, vector<16xf32>,
      tpu.vector_store %arg9[%swap3A_109, %swap3A_110], %broadcast_in_dim3A_1 {strides = array<i32>} : memref<128x128xf32, #tpu.memory_space<vmem>>, vector<16xf32>,
      %swap3A_112 = arith.index_cast %scan3A_103 : i32 to index
      %swap3A_113 = arith.constant 48 : index
      %swap3A_114 = tpu.vector_load %arg9[%swap3A_112, %swap3A_113] {strides = array<i32>} : memref<128x128xf32, #tpu.memory_space<vmem>>, vector<16xf32>,
      tpu.vector_store %arg9[%swap3A_112, %swap3A_113], %broadcast_in_dim3A_1 {strides = array<i32>} : memref<128x128xf32, #tpu.memory_space<vmem>>, vector<16xf32>,
      %swap3A_115 = arith.index_cast %scan3A_103 : i32 to index
      %swap3A_116 = arith.constant 64 : index
      %swap3A_117 = tpu.vector_load %arg9[%swap3A_115, %swap3A_116] {strides = array<i32>} : memref<128x128xf32, #tpu.memory_space<vmem>>, vector<16xf32>,
      tpu.vector_store %arg9[%swap3A_115, %swap3A_116], %broadcast_in_dim3A_1 {strides = array<i32>} : memref<128x128xf32, #tpu.memory_space<vmem>>, vector<16xf32>,
      %swap3A_118 = arith.index_cast %scan3A_103 : i32 to index
      %swap3A_119 = arith.constant 80 : index
      %swap3A_120 = tpu.vector_load %arg9[%swap3A_118, %swap3A_119] {strides = array<i32>} : memref<128x128xf32, #tpu.memory_space<vmem>>, vector<16xf32>,
      tpu.vector_store %arg9[%swap3A_118, %swap3A_119], %broadcast_in_dim3A_1 {strides = array<i32>} : memref<128x128xf32, #tpu.memory_space<vmem>>, vector<16xf32>,
      %swap3A_121 = arith.index_cast %scan3A_103 : i32 to index
      %swap3A_122 = arith.constant 96 : index
      %swap3A_123 = tpu.vector_load %arg9[%swap3A_121, %swap3A_122] {strides = array<i32>} : memref<128x128xf32, #tpu.memory_space<vmem>>, vector<16xf32>,
      tpu.vector_store %arg9[%swap3A_121, %swap3A_122], %broadcast_in_dim3A_1 {strides = array<i32>} : memref<128x128xf32, #tpu.memory_space<vmem>>, vector<16xf32>,
      %swap3A_124 = arith.index_cast %scan3A_103 : i32 to index
      %swap3A_125 = arith.constant 112 : index
      %swap3A_126 = tpu.vector_load %arg9[%swap3A_124, %swap3A_125] {strides = array<i32>} : memref<128x128xf32, #tpu.memory_space<vmem>>, vector<16xf32>,
      tpu.vector_store %arg9[%swap3A_124, %swap3A_125], %broadcast_in_dim3A_1 {strides = array<i32>} : memref<128x128xf32, #tpu.memory_space<vmem>>, vector<16xf32>,
    }
    %scan3A_6 = arith.constant 128 : i32
    %mul3A_7 = arith.constant 640 : i32
    %mul3A_8 = arith.muli %arg1, %mul3A_7 : i32
    %add3A_9 = arith.constant 0 : i32
    %add3A_10 = arith.addi %mul3A_8, %add3A_9 : i32
    "tpu.region"() ({
      %run_scoped3A = tpu.sem_alloc : memref<!tpu.dma_semaphore, #tpu.memory_space<semaphore_mem>>
      %dma_start3A_103 = arith.constant 0 : i32
      %dma_start3A_104 = tpu.memref_slice %arg11[%add3A_10, %dma_start3A_103] : memref<10240x128xf32, #tpu.memory_space<vmem_shared>> -> memref<128x128xf32, #tpu.memory_space<vmem_shared>>
      %dma_start3A_105 = arith.constant 0 : i32
      %dma_start3A_106 = tpu.memref_slice %arg11[%add3A_10, %dma_start3A_105] : memref<10240x128xf32, #tpu.memory_space<vmem_shared>> -> memref<128x128xf32, #tpu.memory_space<vmem_shared>>
      tpu.enqueue_dma source(%arg9 : memref<128x128xf32, #tpu.memory_space<vmem>>) target(%dma_start3A_106 : memref<128x128xf32, #tpu.memory_space<vmem_shared>>) target_semaphore(%run_scoped3A : memref<!tpu.dma_semaphore, #tpu.memory_space<semaphore_mem>>)
      %dma_wait3A_107 = arith.constant 0 : i32
      %dma_wait3A_108 = tpu.memref_slice %arg11[%add3A_10, %dma_wait3A_107] : memref<10240x128xf32, #tpu.memory_space<vmem_shared>> -> memref<128x128xf32, #tpu.memory_space<vmem_shared>>
      %dma_wait3A_109 = arith.constant 0 : i32
      %dma_wait3A_110 = tpu.memref_slice %arg11[%add3A_10, %dma_wait3A_109] : memref<10240x128xf32, #tpu.memory_space<vmem_shared>> -> memref<128x128xf32, #tpu.memory_space<vmem_shared>>
      tpu.wait_dma2 semaphore(%run_scoped3A : memref<!tpu.dma_semaphore, #tpu.memory_space<semaphore_mem>>) src(%arg9 : memref<128x128xf32, #tpu.memory_space<vmem>>) dst(%dma_wait3A_110 : memref<128x128xf32, #tpu.memory_space<vmem_shared>>)
      tpu.yield
    }) : () -> ()
    %add3A_11 = arith.constant 128 : i32
    %add3A_12 = arith.addi %mul3A_8, %add3A_11 : i32
    "tpu.region"() ({
      %run_scoped3A = tpu.sem_alloc : memref<!tpu.dma_semaphore, #tpu.memory_space<semaphore_mem>>
      %dma_start3A_103 = arith.constant 0 : i32
      %dma_start3A_104 = tpu.memref_slice %arg11[%add3A_12, %dma_start3A_103] : memref<10240x128xf32, #tpu.memory_space<vmem_shared>> -> memref<128x128xf32, #tpu.memory_space<vmem_shared>>
      %dma_start3A_105 = arith.constant 0 : i32
      %dma_start3A_106 = tpu.memref_slice %arg11[%add3A_12, %dma_start3A_105] : memref<10240x128xf32, #tpu.memory_space<vmem_shared>> -> memref<128x128xf32, #tpu.memory_space<vmem_shared>>
      tpu.enqueue_dma source(%arg9 : memref<128x128xf32, #tpu.memory_space<vmem>>) target(%dma_start3A_106 : memref<128x128xf32, #tpu.memory_space<vmem_shared>>) target_semaphore(%run_scoped3A : memref<!tpu.dma_semaphore, #tpu.memory_space<semaphore_mem>>)
      %dma_wait3A_107 = arith.constant 0 : i32
      %dma_wait3A_108 = tpu.memref_slice %arg11[%add3A_12, %dma_wait3A_107] : memref<10240x128xf32, #tpu.memory_space<vmem_shared>> -> memref<128x128xf32, #tpu.memory_space<vmem_shared>>
      %dma_wait3A_109 = arith.constant 0 : i32
      %dma_wait3A_110 = tpu.memref_slice %arg11[%add3A_12, %dma_wait3A_109] : memref<10240x128xf32, #tpu.memory_space<vmem_shared>> -> memref<128x128xf32, #tpu.memory_space<vmem_shared>>
      tpu.wait_dma2 semaphore(%run_scoped3A : memref<!tpu.dma_semaphore, #tpu.memory_space<semaphore_mem>>) src(%arg9 : memref<128x128xf32, #tpu.memory_space<vmem>>) dst(%dma_wait3A_110 : memref<128x128xf32, #tpu.memory_space<vmem_shared>>)
      tpu.yield
    }) : () -> ()
    %add3A_13 = arith.constant 256 : i32
    %add3A_14 = arith.addi %mul3A_8, %add3A_13 : i32
    "tpu.region"() ({
      %run_scoped3A = tpu.sem_alloc : memref<!tpu.dma_semaphore, #tpu.memory_space<semaphore_mem>>
      %dma_start3A_103 = arith.constant 0 : i32
      %dma_start3A_104 = tpu.memref_slice %arg11[%add3A_14, %dma_start3A_103] : memref<10240x128xf32, #tpu.memory_space<vmem_shared>> -> memref<128x128xf32, #tpu.memory_space<vmem_shared>>
      %dma_start3A_105 = arith.constant 0 : i32
      %dma_start3A_106 = tpu.memref_slice %arg11[%add3A_14, %dma_start3A_105] : memref<10240x128xf32, #tpu.memory_space<vmem_shared>> -> memref<128x128xf32, #tpu.memory_space<vmem_shared>>
      tpu.enqueue_dma source(%arg9 : memref<128x128xf32, #tpu.memory_space<vmem>>) target(%dma_start3A_106 : memref<128x128xf32, #tpu.memory_space<vmem_shared>>) target_semaphore(%run_scoped3A : memref<!tpu.dma_semaphore, #tpu.memory_space<semaphore_mem>>)
      %dma_wait3A_107 = arith.constant 0 : i32
      %dma_wait3A_108 = tpu.memref_slice %arg11[%add3A_14, %dma_wait3A_107] : memref<10240x128xf32, #tpu.memory_space<vmem_shared>> -> memref<128x128xf32, #tpu.memory_space<vmem_shared>>
      %dma_wait3A_109 = arith.constant 0 : i32
      %dma_wait3A_110 = tpu.memref_slice %arg11[%add3A_14, %dma_wait3A_109] : memref<10240x128xf32, #tpu.memory_space<vmem_shared>> -> memref<128x128xf32, #tpu.memory_space<vmem_shared>>
      tpu.wait_dma2 semaphore(%run_scoped3A : memref<!tpu.dma_semaphore, #tpu.memory_space<semaphore_mem>>) src(%arg9 : memref<128x128xf32, #tpu.memory_space<vmem>>) dst(%dma_wait3A_110 : memref<128x128xf32, #tpu.memory_space<vmem_shared>>)
      tpu.yield
    }) : () -> ()
    %add3A_15 = arith.constant 384 : i32
    %add3A_16 = arith.addi %mul3A_8, %add3A_15 : i32
    "tpu.region"() ({
      %run_scoped3A = tpu.sem_alloc : memref<!tpu.dma_semaphore, #tpu.memory_space<semaphore_mem>>
      %dma_start3A_103 = arith.constant 0 : i32
      %dma_start3A_104 = tpu.memref_slice %arg11[%add3A_16, %dma_start3A_103] : memref<10240x128xf32, #tpu.memory_space<vmem_shared>> -> memref<128x128xf32, #tpu.memory_space<vmem_shared>>
      %dma_start3A_105 = arith.constant 0 : i32
      %dma_start3A_106 = tpu.memref_slice %arg11[%add3A_16, %dma_start3A_105] : memref<10240x128xf32, #tpu.memory_space<vmem_shared>> -> memref<128x128xf32, #tpu.memory_space<vmem_shared>>
      tpu.enqueue_dma source(%arg9 : memref<128x128xf32, #tpu.memory_space<vmem>>) target(%dma_start3A_106 : memref<128x128xf32, #tpu.memory_space<vmem_shared>>) target_semaphore(%run_scoped3A : memref<!tpu.dma_semaphore, #tpu.memory_space<semaphore_mem>>)
      %dma_wait3A_107 = arith.constant 0 : i32
      %dma_wait3A_108 = tpu.memref_slice %arg11[%add3A_16, %dma_wait3A_107] : memref<10240x128xf32, #tpu.memory_space<vmem_shared>> -> memref<128x128xf32, #tpu.memory_space<vmem_shared>>
      %dma_wait3A_109 = arith.constant 0 : i32
      %dma_wait3A_110 = tpu.memref_slice %arg11[%add3A_16, %dma_wait3A_109] : memref<10240x128xf32, #tpu.memory_space<vmem_shared>> -> memref<128x128xf32, #tpu.memory_space<vmem_shared>>
      tpu.wait_dma2 semaphore(%run_scoped3A : memref<!tpu.dma_semaphore, #tpu.memory_space<semaphore_mem>>) src(%arg9 : memref<128x128xf32, #tpu.memory_space<vmem>>) dst(%dma_wait3A_110 : memref<128x128xf32, #tpu.memory_space<vmem_shared>>)
      tpu.yield
    }) : () -> ()
    %add3A_17 = arith.constant 512 : i32
    %add3A_18 = arith.addi %mul3A_8, %add3A_17 : i32
    "tpu.region"() ({
      %run_scoped3A = tpu.sem_alloc : memref<!tpu.dma_semaphore, #tpu.memory_space<semaphore_mem>>
      %dma_start3A_103 = arith.constant 0 : i32
      %dma_start3A_104 = tpu.memref_slice %arg11[%add3A_18, %dma_start3A_103] : memref<10240x128xf32, #tpu.memory_space<vmem_shared>> -> memref<128x128xf32, #tpu.memory_space<vmem_shared>>
      %dma_start3A_105 = arith.constant 0 : i32
      %dma_start3A_106 = tpu.memref_slice %arg11[%add3A_18, %dma_start3A_105] : memref<10240x128xf32, #tpu.memory_space<vmem_shared>> -> memref<128x128xf32, #tpu.memory_space<vmem_shared>>
      tpu.enqueue_dma source(%arg9 : memref<128x128xf32, #tpu.memory_space<vmem>>) target(%dma_start3A_106 : memref<128x128xf32, #tpu.memory_space<vmem_shared>>) target_semaphore(%run_scoped3A : memref<!tpu.dma_semaphore, #tpu.memory_space<semaphore_mem>>)
      %dma_wait3A_107 = arith.constant 0 : i32
      %dma_wait3A_108 = tpu.memref_slice %arg11[%add3A_18, %dma_wait3A_107] : memref<10240x128xf32, #tpu.memory_space<vmem_shared>> -> memref<128x128xf32, #tpu.memory_space<vmem_shared>>
      %dma_wait3A_109 = arith.constant 0 : i32
      %dma_wait3A_110 = tpu.memref_slice %arg11[%add3A_18, %dma_wait3A_109] : memref<10240x128xf32, #tpu.memory_space<vmem_shared>> -> memref<128x128xf32, #tpu.memory_space<vmem_shared>>
      tpu.wait_dma2 semaphore(%run_scoped3A : memref<!tpu.dma_semaphore, #tpu.memory_space<semaphore_mem>>) src(%arg9 : memref<128x128xf32, #tpu.memory_space<vmem>>) dst(%dma_wait3A_110 : memref<128x128xf32, #tpu.memory_space<vmem_shared>>)
      tpu.yield
    }) : () -> ()
    %barrier3A = arith.constant 0 : index
    tpu.barrier barrier_id(%barrier3A)
    %dma_start3A = arith.constant 0 : i32
    %dma_start3A_19 = arith.constant 0 : i32
    %dma_start3A_20 = arith.constant 0 : i32
    %dma_start3A_21 = arith.constant 0 : i32
    %dma_start3A_22 = tpu.memref_slice %arg2[%add3A, %dma_start3A_19, %dma_start3A_20, %dma_start3A_21] : memref<32x164x2x128xi32, #tpu.memory_space<hbm>> -> memref<1x164x2x128xi32, #tpu.memory_space<hbm>>
    %dma_start3A_23 = tpu.memref_squeeze %dma_start3A_22 : memref<1x164x2x128xi32, #tpu.memory_space<hbm>> -> memref<164x2x128xi32, #tpu.memory_space<hbm>>
    %dma_start3A_24 = arith.constant 0 : i32
    %dma_start3A_25 = arith.constant 0 : i32
    %dma_start3A_26 = tpu.memref_slice %dma_start3A_23[%dma_start3A, %dma_start3A_24, %dma_start3A_25] : memref<164x2x128xi32, #tpu.memory_space<hbm>> -> memref<1x2x128xi32, #tpu.memory_space<hbm>>
    %dma_start3A_27 = tpu.memref_squeeze %dma_start3A_26 : memref<1x2x128xi32, #tpu.memory_space<hbm>> -> memref<2x128xi32, #tpu.memory_space<hbm>>
    %dma_start3A_28 = arith.constant 0 : i32
    %dma_start3A_29 = arith.constant 0 : i32
    %dma_start3A_30 = arith.constant 0 : i32
    %dma_start3A_31 = tpu.memref_slice %arg2[%add3A, %dma_start3A_28, %dma_start3A_29, %dma_start3A_30] : memref<32x164x2x128xi32, #tpu.memory_space<hbm>> -> memref<1x164x2x128xi32, #tpu.memory_space<hbm>>
    %dma_start3A_32 = tpu.memref_squeeze %dma_start3A_31 : memref<1x164x2x128xi32, #tpu.memory_space<hbm>> -> memref<164x2x128xi32, #tpu.memory_space<hbm>>
    %dma_start3A_33 = arith.constant 0 : i32
    %dma_start3A_34 = arith.constant 0 : i32
    %dma_start3A_35 = tpu.memref_slice %dma_start3A_32[%dma_start3A, %dma_start3A_33, %dma_start3A_34] : memref<164x2x128xi32, #tpu.memory_space<hbm>> -> memref<1x2x128xi32, #tpu.memory_space<hbm>>
    %dma_start3A_36 = tpu.memref_squeeze %dma_start3A_35 : memref<1x2x128xi32, #tpu.memory_space<hbm>> -> memref<2x128xi32, #tpu.memory_space<hbm>>
    tpu.enqueue_dma source(%dma_start3A_36 : memref<2x128xi32, #tpu.memory_space<hbm>>) target(%arg5 : memref<2x128xi32, #tpu.memory_space<vmem>>) target_semaphore(%arg12 : memref<!tpu.dma_semaphore, #tpu.memory_space<semaphore_mem>>)
    %dma_wait3A = arith.constant 0 : i32
    %dma_wait3A_37 = arith.constant 0 : i32
    %dma_wait3A_38 = arith.constant 0 : i32
    %dma_wait3A_39 = arith.constant 0 : i32
    %dma_wait3A_40 = tpu.memref_slice %arg2[%add3A, %dma_wait3A_37, %dma_wait3A_38, %dma_wait3A_39] : memref<32x164x2x128xi32, #tpu.memory_space<hbm>> -> memref<1x164x2x128xi32, #tpu.memory_space<hbm>>
    %dma_wait3A_41 = tpu.memref_squeeze %dma_wait3A_40 : memref<1x164x2x128xi32, #tpu.memory_space<hbm>> -> memref<164x2x128xi32, #tpu.memory_space<hbm>>
    %dma_wait3A_42 = arith.constant 0 : i32
    %dma_wait3A_43 = arith.constant 0 : i32
    %dma_wait3A_44 = tpu.memref_slice %dma_wait3A_41[%dma_wait3A, %dma_wait3A_42, %dma_wait3A_43] : memref<164x2x128xi32, #tpu.memory_space<hbm>> -> memref<1x2x128xi32, #tpu.memory_space<hbm>>
    %dma_wait3A_45 = tpu.memref_squeeze %dma_wait3A_44 : memref<1x2x128xi32, #tpu.memory_space<hbm>> -> memref<2x128xi32, #tpu.memory_space<hbm>>
    %dma_wait3A_46 = arith.constant 0 : i32
    %dma_wait3A_47 = arith.constant 0 : i32
    %dma_wait3A_48 = arith.constant 0 : i32
    %dma_wait3A_49 = tpu.memref_slice %arg2[%add3A, %dma_wait3A_46, %dma_wait3A_47, %dma_wait3A_48] : memref<32x164x2x128xi32, #tpu.memory_space<hbm>> -> memref<1x164x2x128xi32, #tpu.memory_space<hbm>>
    %dma_wait3A_50 = tpu.memref_squeeze %dma_wait3A_49 : memref<1x164x2x128xi32, #tpu.memory_space<hbm>> -> memref<164x2x128xi32, #tpu.memory_space<hbm>>
    %dma_wait3A_51 = arith.constant 0 : i32
    %dma_wait3A_52 = arith.constant 0 : i32
    %dma_wait3A_53 = tpu.memref_slice %dma_wait3A_50[%dma_wait3A, %dma_wait3A_51, %dma_wait3A_52] : memref<164x2x128xi32, #tpu.memory_space<hbm>> -> memref<1x2x128xi32, #tpu.memory_space<hbm>>
    %dma_wait3A_54 = tpu.memref_squeeze %dma_wait3A_53 : memref<1x2x128xi32, #tpu.memory_space<hbm>> -> memref<2x128xi32, #tpu.memory_space<hbm>>
    tpu.wait_dma2 semaphore(%arg12 : memref<!tpu.dma_semaphore, #tpu.memory_space<semaphore_mem>>) src(%dma_wait3A_54 : memref<2x128xi32, #tpu.memory_space<hbm>>) dst(%arg5 : memref<2x128xi32, #tpu.memory_space<vmem>>)
    %dma_start3A_55 = arith.constant 1 : i32
    %dma_start3A_56 = arith.constant 0 : i32
    %dma_start3A_57 = arith.constant 0 : i32
    %dma_start3A_58 = arith.constant 0 : i32
    %dma_start3A_59 = tpu.memref_slice %arg2[%add3A, %dma_start3A_56, %dma_start3A_57, %dma_start3A_58] : memref<32x164x2x128xi32, #tpu.memory_space<hbm>> -> memref<1x164x2x128xi32, #tpu.memory_space<hbm>>
    %dma_start3A_60 = tpu.memref_squeeze %dma_start3A_59 : memref<1x164x2x128xi32, #tpu.memory_space<hbm>> -> memref<164x2x128xi32, #tpu.memory_space<hbm>>
    %dma_start3A_61 = arith.constant 0 : i32
    %dma_start3A_62 = arith.constant 0 : i32
    %dma_start3A_63 = tpu.memref_slice %dma_start3A_60[%dma_start3A_55, %dma_start3A_61, %dma_start3A_62] : memref<164x2x128xi32, #tpu.memory_space<hbm>> -> memref<1x2x128xi32, #tpu.memory_space<hbm>>
    %dma_start3A_64 = tpu.memref_squeeze %dma_start3A_63 : memref<1x2x128xi32, #tpu.memory_space<hbm>> -> memref<2x128xi32, #tpu.memory_space<hbm>>
    %dma_start3A_65 = arith.constant 0 : i32
    %dma_start3A_66 = arith.constant 0 : i32
    %dma_start3A_67 = arith.constant 0 : i32
    %dma_start3A_68 = tpu.memref_slice %arg2[%add3A, %dma_start3A_65, %dma_start3A_66, %dma_start3A_67] : memref<32x164x2x128xi32, #tpu.memory_space<hbm>> -> memref<1x164x2x128xi32, #tpu.memory_space<hbm>>
    %dma_start3A_69 = tpu.memref_squeeze %dma_start3A_68 : memref<1x164x2x128xi32, #tpu.memory_space<hbm>> -> memref<164x2x128xi32, #tpu.memory_space<hbm>>
    %dma_start3A_70 = arith.constant 0 : i32
    %dma_start3A_71 = arith.constant 0 : i32
    %dma_start3A_72 = tpu.memref_slice %dma_start3A_69[%dma_start3A_55, %dma_start3A_70, %dma_start3A_71] : memref<164x2x128xi32, #tpu.memory_space<hbm>> -> memref<1x2x128xi32, #tpu.memory_space<hbm>>
    %dma_start3A_73 = tpu.memref_squeeze %dma_start3A_72 : memref<1x2x128xi32, #tpu.memory_space<hbm>> -> memref<2x128xi32, #tpu.memory_space<hbm>>
    tpu.enqueue_dma source(%dma_start3A_73 : memref<2x128xi32, #tpu.memory_space<hbm>>) target(%arg6 : memref<2x128xi32, #tpu.memory_space<vmem>>) target_semaphore(%arg13 : memref<!tpu.dma_semaphore, #tpu.memory_space<semaphore_mem>>)
    %dma_start3A_74 = arith.constant 0 : i32
    %dma_start3A_75 = arith.constant 0 : i32
    %dma_start3A_76 = tpu.memref_slice %arg5[%dma_start3A_74, %dma_start3A_75] : memref<2x128xi32, #tpu.memory_space<vmem>> -> memref<1x128xi32, #tpu.memory_space<vmem>>
    %dma_start3A_77 = tpu.memref_squeeze %dma_start3A_76 : memref<1x128xi32, #tpu.memory_space<vmem>> -> memref<128xi32, #tpu.memory_space<vmem>>
    %dma_start3A_78 = arith.constant 0 : i32
    %dma_start3A_79 = arith.constant 0 : i32
    %dma_start3A_80 = tpu.memref_slice %arg3[%dma_start3A_78, %dma_start3A_79] : memref<20480x128xf32, #tpu.memory_space<hbm>> -> memref<20480x128xf32, #tpu.memory_space<hbm>>
    tpu.enqueue_indirect_dma source(%dma_start3A_80 : memref<20480x128xf32, #tpu.memory_space<hbm>>) target(%arg9 : memref<128x128xf32, #tpu.memory_space<vmem>>) offsets(%dma_start3A_77 : memref<128xi32, #tpu.memory_space<vmem>>) semaphore(%arg16 : memref<!tpu.dma_semaphore, #tpu.memory_space<semaphore_mem>>)
    %scan3A_81 = arith.constant 0 : i32
    %scan3A_82 = arith.constant 0 : i32
    %scan3A_83 = arith.constant 41 : i32
    %scan3A_84 = arith.addi %scan3A_82, %scan3A_83 : i32
    %scan3A_85 = arith.constant 1 : i32
    scf.for %scan3A_103 = %scan3A_82 to %scan3A_84 step %scan3A_85  : i32 {
      %mul3A_104 = arith.constant 4 : i32
      %mul3A_105 = arith.muli %scan3A_103, %mul3A_104 : i32
      %add3A_106 = arith.constant 0 : i32
      %add3A_107 = arith.addi %mul3A_105, %add3A_106 : i32
      %add3A_108 = arith.constant 2 : i32
      %add3A_109 = arith.addi %add3A_107, %add3A_108 : i32
      %lt3A = arith.constant 164 : i32
      %lt3A_110 = arith.cmpi slt, %add3A_109, %lt3A : i32
      %convert_element_type3A = arith.extui %lt3A_110 : i1 to i32
      %cond3A = arith.constant 0 : i32
      %cond3A_111 = arith.cmpi ne, %convert_element_type3A, %cond3A : i32
      scf.if %cond3A_111 {
        %add3A_219 = arith.constant 2 : i32
        %add3A_220 = arith.addi %add3A_107, %add3A_219 : i32
        %dma_start3A_221 = arith.constant 0 : i32
        %dma_start3A_222 = arith.constant 0 : i32
        %dma_start3A_223 = arith.constant 0 : i32
        %dma_start3A_224 = tpu.memref_slice %arg2[%add3A, %dma_start3A_221, %dma_start3A_222, %dma_start3A_223] : memref<32x164x2x128xi32, #tpu.memory_space<hbm>> -> memref<1x164x2x128xi32, #tpu.memory_space<hbm>>
        %dma_start3A_225 = tpu.memref_squeeze %dma_start3A_224 : memref<1x164x2x128xi32, #tpu.memory_space<hbm>> -> memref<164x2x128xi32, #tpu.memory_space<hbm>>
        %dma_start3A_226 = arith.constant 0 : i32
        %dma_start3A_227 = arith.constant 0 : i32
        %dma_start3A_228 = tpu.memref_slice %dma_start3A_225[%add3A_220, %dma_start3A_226, %dma_start3A_227] : memref<164x2x128xi32, #tpu.memory_space<hbm>> -> memref<1x2x128xi32, #tpu.memory_space<hbm>>
        %dma_start3A_229 = tpu.memref_squeeze %dma_start3A_228 : memref<1x2x128xi32, #tpu.memory_space<hbm>> -> memref<2x128xi32, #tpu.memory_space<hbm>>
        %dma_start3A_230 = arith.constant 0 : i32
        %dma_start3A_231 = arith.constant 0 : i32
        %dma_start3A_232 = arith.constant 0 : i32
        %dma_start3A_233 = tpu.memref_slice %arg2[%add3A, %dma_start3A_230, %dma_start3A_231, %dma_start3A_232] : memref<32x164x2x128xi32, #tpu.memory_space<hbm>> -> memref<1x164x2x128xi32, #tpu.memory_space<hbm>>
        %dma_start3A_234 = tpu.memref_squeeze %dma_start3A_233 : memref<1x164x2x128xi32, #tpu.memory_space<hbm>> -> memref<164x2x128xi32, #tpu.memory_space<hbm>>
        %dma_start3A_235 = arith.constant 0 : i32
        %dma_start3A_236 = arith.constant 0 : i32
        %dma_start3A_237 = tpu.memref_slice %dma_start3A_234[%add3A_220, %dma_start3A_235, %dma_start3A_236] : memref<164x2x128xi32, #tpu.memory_space<hbm>> -> memref<1x2x128xi32, #tpu.memory_space<hbm>>
        %dma_start3A_238 = tpu.memref_squeeze %dma_start3A_237 : memref<1x2x128xi32, #tpu.memory_space<hbm>> -> memref<2x128xi32, #tpu.memory_space<hbm>>
        tpu.enqueue_dma source(%dma_start3A_238 : memref<2x128xi32, #tpu.memory_space<hbm>>) target(%arg7 : memref<2x128xi32, #tpu.memory_space<vmem>>) target_semaphore(%arg14 : memref<!tpu.dma_semaphore, #tpu.memory_space<semaphore_mem>>)
      } else {
      }
      %dma_wait3A_112 = arith.constant 0 : i32
      %dma_wait3A_113 = arith.constant 0 : i32
      %dma_wait3A_114 = tpu.memref_slice %arg3[%dma_wait3A_112, %dma_wait3A_113] : memref<20480x128xf32, #tpu.memory_space<hbm>> -> memref<128x128xf32, #tpu.memory_space<hbm>>
      %dma_wait3A_115 = arith.constant 0 : i32
      %dma_wait3A_116 = arith.constant 0 : i32
      %dma_wait3A_117 = tpu.memref_slice %arg3[%dma_wait3A_115, %dma_wait3A_116] : memref<20480x128xf32, #tpu.memory_space<hbm>> -> memref<128x128xf32, #tpu.memory_space<hbm>>
      tpu.wait_dma2 semaphore(%arg16 : memref<!tpu.dma_semaphore, #tpu.memory_space<semaphore_mem>>) src(%dma_wait3A_117 : memref<128x128xf32, #tpu.memory_space<hbm>>) dst(%arg9 : memref<128x128xf32, #tpu.memory_space<vmem>>)
      %add3A_118 = arith.constant 1 : i32
      %add3A_119 = arith.addi %add3A_107, %add3A_118 : i32
      %lt3A_120 = arith.constant 164 : i32
      %lt3A_121 = arith.cmpi slt, %add3A_119, %lt3A_120 : i32
      %convert_element_type3A_122 = arith.extui %lt3A_121 : i1 to i32
      %cond3A_123 = arith.constant 0 : i32
      %cond3A_124 = arith.cmpi ne, %convert_element_type3A_122, %cond3A_123 : i32
      scf.if %cond3A_124 {
        %dma_wait3A_219 = arith.constant 0 : i32
        %dma_wait3A_220 = arith.constant 0 : i32
        %dma_wait3A_221 = arith.constant 0 : i32
        %dma_wait3A_222 = arith.constant 0 : i32
        %dma_wait3A_223 = tpu.memref_slice %arg2[%add3A, %dma_wait3A_220, %dma_wait3A_221, %dma_wait3A_222] : memref<32x164x2x128xi32, #tpu.memory_space<hbm>> -> memref<1x164x2x128xi32, #tpu.memory_space<hbm>>
        %dma_wait3A_224 = tpu.memref_squeeze %dma_wait3A_223 : memref<1x164x2x128xi32, #tpu.memory_space<hbm>> -> memref<164x2x128xi32, #tpu.memory_space<hbm>>
        %dma_wait3A_225 = arith.constant 0 : i32
        %dma_wait3A_226 = arith.constant 0 : i32
        %dma_wait3A_227 = tpu.memref_slice %dma_wait3A_224[%dma_wait3A_219, %dma_wait3A_225, %dma_wait3A_226] : memref<164x2x128xi32, #tpu.memory_space<hbm>> -> memref<1x2x128xi32, #tpu.memory_space<hbm>>
        %dma_wait3A_228 = tpu.memref_squeeze %dma_wait3A_227 : memref<1x2x128xi32, #tpu.memory_space<hbm>> -> memref<2x128xi32, #tpu.memory_space<hbm>>
        %dma_wait3A_229 = arith.constant 0 : i32
        %dma_wait3A_230 = arith.constant 0 : i32
        %dma_wait3A_231 = arith.constant 0 : i32
        %dma_wait3A_232 = tpu.memref_slice %arg2[%add3A, %dma_wait3A_229, %dma_wait3A_230, %dma_wait3A_231] : memref<32x164x2x128xi32, #tpu.memory_space<hbm>> -> memref<1x164x2x128xi32, #tpu.memory_space<hbm>>
        %dma_wait3A_233 = tpu.memref_squeeze %dma_wait3A_232 : memref<1x164x2x128xi32, #tpu.memory_space<hbm>> -> memref<164x2x128xi32, #tpu.memory_space<hbm>>
        %dma_wait3A_234 = arith.constant 0 : i32
        %dma_wait3A_235 = arith.constant 0 : i32
        %dma_wait3A_236 = tpu.memref_slice %dma_wait3A_233[%dma_wait3A_219, %dma_wait3A_234, %dma_wait3A_235] : memref<164x2x128xi32, #tpu.memory_space<hbm>> -> memref<1x2x128xi32, #tpu.memory_space<hbm>>
        %dma_wait3A_237 = tpu.memref_squeeze %dma_wait3A_236 : memref<1x2x128xi32, #tpu.memory_space<hbm>> -> memref<2x128xi32, #tpu.memory_space<hbm>>
        tpu.wait_dma2 semaphore(%arg13 : memref<!tpu.dma_semaphore, #tpu.memory_space<semaphore_mem>>) src(%dma_wait3A_237 : memref<2x128xi32, #tpu.memory_space<hbm>>) dst(%arg6 : memref<2x128xi32, #tpu.memory_space<vmem>>)
        %ge3A = arith.constant 1 : i32
        %ge3A_238 = arith.cmpi sge, %add3A_107, %ge3A : i32
        %convert_element_type3A_239 = arith.extui %ge3A_238 : i1 to i32
        %cond3A_240 = arith.constant 0 : i32
        %cond3A_241 = arith.cmpi ne, %convert_element_type3A_239, %cond3A_240 : i32
        scf.if %cond3A_241 {
          %dma_wait3A_249 = arith.constant 0 : i32
          %dma_wait3A_250 = arith.constant 0 : i32
          %dma_wait3A_251 = tpu.memref_slice %arg11[%dma_wait3A_249, %dma_wait3A_250] : memref<10240x128xf32, #tpu.memory_space<vmem_shared>> -> memref<128x128xf32, #tpu.memory_space<vmem_shared>>
          %dma_wait3A_252 = arith.constant 0 : i32
          %dma_wait3A_253 = arith.constant 0 : i32
          %dma_wait3A_254 = tpu.memref_slice %arg11[%dma_wait3A_252, %dma_wait3A_253] : memref<10240x128xf32, #tpu.memory_space<vmem_shared>> -> memref<128x128xf32, #tpu.memory_space<vmem_shared>>
          tpu.wait_dma2 semaphore(%arg19 : memref<!tpu.dma_semaphore, #tpu.memory_space<semaphore_mem>>) src(%arg10 : memref<128x128xf32, #tpu.memory_space<vmem>>) dst(%dma_wait3A_254 : memref<128x128xf32, #tpu.memory_space<vmem_shared>>)
        } else {
        }
        %dma_start3A_242 = arith.constant 0 : i32
        %dma_start3A_243 = arith.constant 0 : i32
        %dma_start3A_244 = tpu.memref_slice %arg6[%dma_start3A_242, %dma_start3A_243] : memref<2x128xi32, #tpu.memory_space<vmem>> -> memref<1x128xi32, #tpu.memory_space<vmem>>
        %dma_start3A_245 = tpu.memref_squeeze %dma_start3A_244 : memref<1x128xi32, #tpu.memory_space<vmem>> -> memref<128xi32, #tpu.memory_space<vmem>>
        %dma_start3A_246 = arith.constant 0 : i32
        %dma_start3A_247 = arith.constant 0 : i32
        %dma_start3A_248 = tpu.memref_slice %arg3[%dma_start3A_246, %dma_start3A_247] : memref<20480x128xf32, #tpu.memory_space<hbm>> -> memref<20480x128xf32, #tpu.memory_space<hbm>>
        tpu.enqueue_indirect_dma source(%dma_start3A_248 : memref<20480x128xf32, #tpu.memory_space<hbm>>) target(%arg10 : memref<128x128xf32, #tpu.memory_space<vmem>>) offsets(%dma_start3A_245 : memref<128xi32, #tpu.memory_space<vmem>>) semaphore(%arg17 : memref<!tpu.dma_semaphore, #tpu.memory_space<semaphore_mem>>)
      } else {
      }
      %dma_start3A_125 = arith.constant 1 : i32
      %dma_start3A_126 = arith.constant 0 : i32
      %dma_start3A_127 = tpu.memref_slice %arg5[%dma_start3A_125, %dma_start3A_126] : memref<2x128xi32, #tpu.memory_space<vmem>> -> memref<1x128xi32, #tpu.memory_space<vmem>>
      %dma_start3A_128 = tpu.memref_squeeze %dma_start3A_127 : memref<1x128xi32, #tpu.memory_space<vmem>> -> memref<128xi32, #tpu.memory_space<vmem>>
      %dma_start3A_129 = arith.constant 0 : i32
      %dma_start3A_130 = arith.constant 0 : i32
      %dma_start3A_131 = tpu.memref_slice %arg11[%dma_start3A_129, %dma_start3A_130] : memref<10240x128xf32, #tpu.memory_space<vmem_shared>> -> memref<10240x128xf32, #tpu.memory_space<vmem_shared>>
      tpu.enqueue_indirect_dma source(%arg9 : memref<128x128xf32, #tpu.memory_space<vmem>>) target(%dma_start3A_131 : memref<10240x128xf32, #tpu.memory_space<vmem_shared>>) offsets(%dma_start3A_128 : memref<128xi32, #tpu.memory_space<vmem>>) semaphore(%arg18 : memref<!tpu.dma_semaphore, #tpu.memory_space<semaphore_mem>>) {add = true}
      %add3A_132 = arith.constant 1 : i32
      %add3A_133 = arith.addi %mul3A_105, %add3A_132 : i32
      %add3A_134 = arith.constant 2 : i32
      %add3A_135 = arith.addi %add3A_133, %add3A_134 : i32
      %lt3A_136 = arith.constant 164 : i32
      %lt3A_137 = arith.cmpi slt, %add3A_135, %lt3A_136 : i32
      %convert_element_type3A_138 = arith.extui %lt3A_137 : i1 to i32
      %cond3A_139 = arith.constant 0 : i32
      %cond3A_140 = arith.cmpi ne, %convert_element_type3A_138, %cond3A_139 : i32
      scf.if %cond3A_140 {
        %add3A_219 = arith.constant 2 : i32
        %add3A_220 = arith.addi %add3A_133, %add3A_219 : i32
        %dma_start3A_221 = arith.constant 0 : i32
        %dma_start3A_222 = arith.constant 0 : i32
        %dma_start3A_223 = arith.constant 0 : i32
        %dma_start3A_224 = tpu.memref_slice %arg2[%add3A, %dma_start3A_221, %dma_start3A_222, %dma_start3A_223] : memref<32x164x2x128xi32, #tpu.memory_space<hbm>> -> memref<1x164x2x128xi32, #tpu.memory_space<hbm>>
        %dma_start3A_225 = tpu.memref_squeeze %dma_start3A_224 : memref<1x164x2x128xi32, #tpu.memory_space<hbm>> -> memref<164x2x128xi32, #tpu.memory_space<hbm>>
        %dma_start3A_226 = arith.constant 0 : i32
        %dma_start3A_227 = arith.constant 0 : i32
        %dma_start3A_228 = tpu.memref_slice %dma_start3A_225[%add3A_220, %dma_start3A_226, %dma_start3A_227] : memref<164x2x128xi32, #tpu.memory_space<hbm>> -> memref<1x2x128xi32, #tpu.memory_space<hbm>>
        %dma_start3A_229 = tpu.memref_squeeze %dma_start3A_228 : memref<1x2x128xi32, #tpu.memory_space<hbm>> -> memref<2x128xi32, #tpu.memory_space<hbm>>
        %dma_start3A_230 = arith.constant 0 : i32
        %dma_start3A_231 = arith.constant 0 : i32
        %dma_start3A_232 = arith.constant 0 : i32
        %dma_start3A_233 = tpu.memref_slice %arg2[%add3A, %dma_start3A_230, %dma_start3A_231, %dma_start3A_232] : memref<32x164x2x128xi32, #tpu.memory_space<hbm>> -> memref<1x164x2x128xi32, #tpu.memory_space<hbm>>
        %dma_start3A_234 = tpu.memref_squeeze %dma_start3A_233 : memref<1x164x2x128xi32, #tpu.memory_space<hbm>> -> memref<164x2x128xi32, #tpu.memory_space<hbm>>
        %dma_start3A_235 = arith.constant 0 : i32
        %dma_start3A_236 = arith.constant 0 : i32
        %dma_start3A_237 = tpu.memref_slice %dma_start3A_234[%add3A_220, %dma_start3A_235, %dma_start3A_236] : memref<164x2x128xi32, #tpu.memory_space<hbm>> -> memref<1x2x128xi32, #tpu.memory_space<hbm>>
        %dma_start3A_238 = tpu.memref_squeeze %dma_start3A_237 : memref<1x2x128xi32, #tpu.memory_space<hbm>> -> memref<2x128xi32, #tpu.memory_space<hbm>>
        tpu.enqueue_dma source(%dma_start3A_238 : memref<2x128xi32, #tpu.memory_space<hbm>>) target(%arg8 : memref<2x128xi32, #tpu.memory_space<vmem>>) target_semaphore(%arg15 : memref<!tpu.dma_semaphore, #tpu.memory_space<semaphore_mem>>)
      } else {
      }
      %dma_wait3A_141 = arith.constant 0 : i32
      %dma_wait3A_142 = arith.constant 0 : i32
      %dma_wait3A_143 = tpu.memref_slice %arg3[%dma_wait3A_141, %dma_wait3A_142] : memref<20480x128xf32, #tpu.memory_space<hbm>> -> memref<128x128xf32, #tpu.memory_space<hbm>>
      %dma_wait3A_144 = arith.constant 0 : i32
      %dma_wait3A_145 = arith.constant 0 : i32
      %dma_wait3A_146 = tpu.memref_slice %arg3[%dma_wait3A_144, %dma_wait3A_145] : memref<20480x128xf32, #tpu.memory_space<hbm>> -> memref<128x128xf32, #tpu.memory_space<hbm>>
      tpu.wait_dma2 semaphore(%arg17 : memref<!tpu.dma_semaphore, #tpu.memory_space<semaphore_mem>>) src(%dma_wait3A_146 : memref<128x128xf32, #tpu.memory_space<hbm>>) dst(%arg10 : memref<128x128xf32, #tpu.memory_space<vmem>>)
      %add3A_147 = arith.constant 1 : i32
      %add3A_148 = arith.addi %add3A_133, %add3A_147 : i32
      %lt3A_149 = arith.constant 164 : i32
      %lt3A_150 = arith.cmpi slt, %add3A_148, %lt3A_149 : i32
      %convert_element_type3A_151 = arith.extui %lt3A_150 : i1 to i32
      %cond3A_152 = arith.constant 0 : i32
      %cond3A_153 = arith.cmpi ne, %convert_element_type3A_151, %cond3A_152 : i32
      scf.if %cond3A_153 {
        %dma_wait3A_219 = arith.constant 0 : i32
        %dma_wait3A_220 = arith.constant 0 : i32
        %dma_wait3A_221 = arith.constant 0 : i32
        %dma_wait3A_222 = arith.constant 0 : i32
        %dma_wait3A_223 = tpu.memref_slice %arg2[%add3A, %dma_wait3A_220, %dma_wait3A_221, %dma_wait3A_222] : memref<32x164x2x128xi32, #tpu.memory_space<hbm>> -> memref<1x164x2x128xi32, #tpu.memory_space<hbm>>
        %dma_wait3A_224 = tpu.memref_squeeze %dma_wait3A_223 : memref<1x164x2x128xi32, #tpu.memory_space<hbm>> -> memref<164x2x128xi32, #tpu.memory_space<hbm>>
        %dma_wait3A_225 = arith.constant 0 : i32
        %dma_wait3A_226 = arith.constant 0 : i32
        %dma_wait3A_227 = tpu.memref_slice %dma_wait3A_224[%dma_wait3A_219, %dma_wait3A_225, %dma_wait3A_226] : memref<164x2x128xi32, #tpu.memory_space<hbm>> -> memref<1x2x128xi32, #tpu.memory_space<hbm>>
        %dma_wait3A_228 = tpu.memref_squeeze %dma_wait3A_227 : memref<1x2x128xi32, #tpu.memory_space<hbm>> -> memref<2x128xi32, #tpu.memory_space<hbm>>
        %dma_wait3A_229 = arith.constant 0 : i32
        %dma_wait3A_230 = arith.constant 0 : i32
        %dma_wait3A_231 = arith.constant 0 : i32
        %dma_wait3A_232 = tpu.memref_slice %arg2[%add3A, %dma_wait3A_229, %dma_wait3A_230, %dma_wait3A_231] : memref<32x164x2x128xi32, #tpu.memory_space<hbm>> -> memref<1x164x2x128xi32, #tpu.memory_space<hbm>>
        %dma_wait3A_233 = tpu.memref_squeeze %dma_wait3A_232 : memref<1x164x2x128xi32, #tpu.memory_space<hbm>> -> memref<164x2x128xi32, #tpu.memory_space<hbm>>
        %dma_wait3A_234 = arith.constant 0 : i32
        %dma_wait3A_235 = arith.constant 0 : i32
        %dma_wait3A_236 = tpu.memref_slice %dma_wait3A_233[%dma_wait3A_219, %dma_wait3A_234, %dma_wait3A_235] : memref<164x2x128xi32, #tpu.memory_space<hbm>> -> memref<1x2x128xi32, #tpu.memory_space<hbm>>
        %dma_wait3A_237 = tpu.memref_squeeze %dma_wait3A_236 : memref<1x2x128xi32, #tpu.memory_space<hbm>> -> memref<2x128xi32, #tpu.memory_space<hbm>>
        tpu.wait_dma2 semaphore(%arg14 : memref<!tpu.dma_semaphore, #tpu.memory_space<semaphore_mem>>) src(%dma_wait3A_237 : memref<2x128xi32, #tpu.memory_space<hbm>>) dst(%arg7 : memref<2x128xi32, #tpu.memory_space<vmem>>)
        %ge3A = arith.constant 1 : i32
        %ge3A_238 = arith.cmpi sge, %add3A_133, %ge3A : i32
        %convert_element_type3A_239 = arith.extui %ge3A_238 : i1 to i32
        %cond3A_240 = arith.constant 0 : i32
        %cond3A_241 = arith.cmpi ne, %convert_element_type3A_239, %cond3A_240 : i32
        scf.if %cond3A_241 {
          %dma_wait3A_249 = arith.constant 0 : i32
          %dma_wait3A_250 = arith.constant 0 : i32
          %dma_wait3A_251 = tpu.memref_slice %arg11[%dma_wait3A_249, %dma_wait3A_250] : memref<10240x128xf32, #tpu.memory_space<vmem_shared>> -> memref<128x128xf32, #tpu.memory_space<vmem_shared>>
          %dma_wait3A_252 = arith.constant 0 : i32
          %dma_wait3A_253 = arith.constant 0 : i32
          %dma_wait3A_254 = tpu.memref_slice %arg11[%dma_wait3A_252, %dma_wait3A_253] : memref<10240x128xf32, #tpu.memory_space<vmem_shared>> -> memref<128x128xf32, #tpu.memory_space<vmem_shared>>
          tpu.wait_dma2 semaphore(%arg18 : memref<!tpu.dma_semaphore, #tpu.memory_space<semaphore_mem>>) src(%arg9 : memref<128x128xf32, #tpu.memory_space<vmem>>) dst(%dma_wait3A_254 : memref<128x128xf32, #tpu.memory_space<vmem_shared>>)
        } else {
        }
        %dma_start3A_242 = arith.constant 0 : i32
        %dma_start3A_243 = arith.constant 0 : i32
        %dma_start3A_244 = tpu.memref_slice %arg7[%dma_start3A_242, %dma_start3A_243] : memref<2x128xi32, #tpu.memory_space<vmem>> -> memref<1x128xi32, #tpu.memory_space<vmem>>
        %dma_start3A_245 = tpu.memref_squeeze %dma_start3A_244 : memref<1x128xi32, #tpu.memory_space<vmem>> -> memref<128xi32, #tpu.memory_space<vmem>>
        %dma_start3A_246 = arith.constant 0 : i32
        %dma_start3A_247 = arith.constant 0 : i32
        %dma_start3A_248 = tpu.memref_slice %arg3[%dma_start3A_246, %dma_start3A_247] : memref<20480x128xf32, #tpu.memory_space<hbm>> -> memref<20480x128xf32, #tpu.memory_space<hbm>>
        tpu.enqueue_indirect_dma source(%dma_start3A_248 : memref<20480x128xf32, #tpu.memory_space<hbm>>) target(%arg9 : memref<128x128xf32, #tpu.memory_space<vmem>>) offsets(%dma_start3A_245 : memref<128xi32, #tpu.memory_space<vmem>>) semaphore(%arg16 : memref<!tpu.dma_semaphore, #tpu.memory_space<semaphore_mem>>)
      } else {
      }
      %dma_start3A_154 = arith.constant 1 : i32
      %dma_start3A_155 = arith.constant 0 : i32
      %dma_start3A_156 = tpu.memref_slice %arg6[%dma_start3A_154, %dma_start3A_155] : memref<2x128xi32, #tpu.memory_space<vmem>> -> memref<1x128xi32, #tpu.memory_space<vmem>>
      %dma_start3A_157 = tpu.memref_squeeze %dma_start3A_156 : memref<1x128xi32, #tpu.memory_space<vmem>> -> memref<128xi32, #tpu.memory_space<vmem>>
      %dma_start3A_158 = arith.constant 0 : i32
      %dma_start3A_159 = arith.constant 0 : i32
      %dma_start3A_160 = tpu.memref_slice %arg11[%dma_start3A_158, %dma_start3A_159] : memref<10240x128xf32, #tpu.memory_space<vmem_shared>> -> memref<10240x128xf32, #tpu.memory_space<vmem_shared>>
      tpu.enqueue_indirect_dma source(%arg10 : memref<128x128xf32, #tpu.memory_space<vmem>>) target(%dma_start3A_160 : memref<10240x128xf32, #tpu.memory_space<vmem_shared>>) offsets(%dma_start3A_157 : memref<128xi32, #tpu.memory_space<vmem>>) semaphore(%arg19 : memref<!tpu.dma_semaphore, #tpu.memory_space<semaphore_mem>>) {add = true}
      %add3A_161 = arith.constant 2 : i32
      %add3A_162 = arith.addi %mul3A_105, %add3A_161 : i32
      %add3A_163 = arith.constant 2 : i32
      %add3A_164 = arith.addi %add3A_162, %add3A_163 : i32
      %lt3A_165 = arith.constant 164 : i32
      %lt3A_166 = arith.cmpi slt, %add3A_164, %lt3A_165 : i32
      %convert_element_type3A_167 = arith.extui %lt3A_166 : i1 to i32
      %cond3A_168 = arith.constant 0 : i32
      %cond3A_169 = arith.cmpi ne, %convert_element_type3A_167, %cond3A_168 : i32
      scf.if %cond3A_169 {
        %add3A_219 = arith.constant 2 : i32
        %add3A_220 = arith.addi %add3A_162, %add3A_219 : i32
        %dma_start3A_221 = arith.constant 0 : i32
        %dma_start3A_222 = arith.constant 0 : i32
        %dma_start3A_223 = arith.constant 0 : i32
        %dma_start3A_224 = tpu.memref_slice %arg2[%add3A, %dma_start3A_221, %dma_start3A_222, %dma_start3A_223] : memref<32x164x2x128xi32, #tpu.memory_space<hbm>> -> memref<1x164x2x128xi32, #tpu.memory_space<hbm>>
        %dma_start3A_225 = tpu.memref_squeeze %dma_start3A_224 : memref<1x164x2x128xi32, #tpu.memory_space<hbm>> -> memref<164x2x128xi32, #tpu.memory_space<hbm>>
        %dma_start3A_226 = arith.constant 0 : i32
        %dma_start3A_227 = arith.constant 0 : i32
        %dma_start3A_228 = tpu.memref_slice %dma_start3A_225[%add3A_220, %dma_start3A_226, %dma_start3A_227] : memref<164x2x128xi32, #tpu.memory_space<hbm>> -> memref<1x2x128xi32, #tpu.memory_space<hbm>>
        %dma_start3A_229 = tpu.memref_squeeze %dma_start3A_228 : memref<1x2x128xi32, #tpu.memory_space<hbm>> -> memref<2x128xi32, #tpu.memory_space<hbm>>
        %dma_start3A_230 = arith.constant 0 : i32
        %dma_start3A_231 = arith.constant 0 : i32
        %dma_start3A_232 = arith.constant 0 : i32
        %dma_start3A_233 = tpu.memref_slice %arg2[%add3A, %dma_start3A_230, %dma_start3A_231, %dma_start3A_232] : memref<32x164x2x128xi32, #tpu.memory_space<hbm>> -> memref<1x164x2x128xi32, #tpu.memory_space<hbm>>
        %dma_start3A_234 = tpu.memref_squeeze %dma_start3A_233 : memref<1x164x2x128xi32, #tpu.memory_space<hbm>> -> memref<164x2x128xi32, #tpu.memory_space<hbm>>
        %dma_start3A_235 = arith.constant 0 : i32
        %dma_start3A_236 = arith.constant 0 : i32
        %dma_start3A_237 = tpu.memref_slice %dma_start3A_234[%add3A_220, %dma_start3A_235, %dma_start3A_236] : memref<164x2x128xi32, #tpu.memory_space<hbm>> -> memref<1x2x128xi32, #tpu.memory_space<hbm>>
        %dma_start3A_238 = tpu.memref_squeeze %dma_start3A_237 : memref<1x2x128xi32, #tpu.memory_space<hbm>> -> memref<2x128xi32, #tpu.memory_space<hbm>>
        tpu.enqueue_dma source(%dma_start3A_238 : memref<2x128xi32, #tpu.memory_space<hbm>>) target(%arg5 : memref<2x128xi32, #tpu.memory_space<vmem>>) target_semaphore(%arg12 : memref<!tpu.dma_semaphore, #tpu.memory_space<semaphore_mem>>)
      } else {
      }
      %dma_wait3A_170 = arith.constant 0 : i32
      %dma_wait3A_171 = arith.constant 0 : i32
      %dma_wait3A_172 = tpu.memref_slice %arg3[%dma_wait3A_170, %dma_wait3A_171] : memref<20480x128xf32, #tpu.memory_space<hbm>> -> memref<128x128xf32, #tpu.memory_space<hbm>>
      %dma_wait3A_173 = arith.constant 0 : i32
      %dma_wait3A_174 = arith.constant 0 : i32
      %dma_wait3A_175 = tpu.memref_slice %arg3[%dma_wait3A_173, %dma_wait3A_174] : memref<20480x128xf32, #tpu.memory_space<hbm>> -> memref<128x128xf32, #tpu.memory_space<hbm>>
      tpu.wait_dma2 semaphore(%arg16 : memref<!tpu.dma_semaphore, #tpu.memory_space<semaphore_mem>>) src(%dma_wait3A_175 : memref<128x128xf32, #tpu.memory_space<hbm>>) dst(%arg9 : memref<128x128xf32, #tpu.memory_space<vmem>>)
      %add3A_176 = arith.constant 1 : i32
      %add3A_177 = arith.addi %add3A_162, %add3A_176 : i32
      %lt3A_178 = arith.constant 164 : i32
      %lt3A_179 = arith.cmpi slt, %add3A_177, %lt3A_178 : i32
      %convert_element_type3A_180 = arith.extui %lt3A_179 : i1 to i32
      %cond3A_181 = arith.constant 0 : i32
      %cond3A_182 = arith.cmpi ne, %convert_element_type3A_180, %cond3A_181 : i32
      scf.if %cond3A_182 {
        %dma_wait3A_219 = arith.constant 0 : i32
        %dma_wait3A_220 = arith.constant 0 : i32
        %dma_wait3A_221 = arith.constant 0 : i32
        %dma_wait3A_222 = arith.constant 0 : i32
        %dma_wait3A_223 = tpu.memref_slice %arg2[%add3A, %dma_wait3A_220, %dma_wait3A_221, %dma_wait3A_222] : memref<32x164x2x128xi32, #tpu.memory_space<hbm>> -> memref<1x164x2x128xi32, #tpu.memory_space<hbm>>
        %dma_wait3A_224 = tpu.memref_squeeze %dma_wait3A_223 : memref<1x164x2x128xi32, #tpu.memory_space<hbm>> -> memref<164x2x128xi32, #tpu.memory_space<hbm>>
        %dma_wait3A_225 = arith.constant 0 : i32
        %dma_wait3A_226 = arith.constant 0 : i32
        %dma_wait3A_227 = tpu.memref_slice %dma_wait3A_224[%dma_wait3A_219, %dma_wait3A_225, %dma_wait3A_226] : memref<164x2x128xi32, #tpu.memory_space<hbm>> -> memref<1x2x128xi32, #tpu.memory_space<hbm>>
        %dma_wait3A_228 = tpu.memref_squeeze %dma_wait3A_227 : memref<1x2x128xi32, #tpu.memory_space<hbm>> -> memref<2x128xi32, #tpu.memory_space<hbm>>
        %dma_wait3A_229 = arith.constant 0 : i32
        %dma_wait3A_230 = arith.constant 0 : i32
        %dma_wait3A_231 = arith.constant 0 : i32
        %dma_wait3A_232 = tpu.memref_slice %arg2[%add3A, %dma_wait3A_229, %dma_wait3A_230, %dma_wait3A_231] : memref<32x164x2x128xi32, #tpu.memory_space<hbm>> -> memref<1x164x2x128xi32, #tpu.memory_space<hbm>>
        %dma_wait3A_233 = tpu.memref_squeeze %dma_wait3A_232 : memref<1x164x2x128xi32, #tpu.memory_space<hbm>> -> memref<164x2x128xi32, #tpu.memory_space<hbm>>
        %dma_wait3A_234 = arith.constant 0 : i32
        %dma_wait3A_235 = arith.constant 0 : i32
        %dma_wait3A_236 = tpu.memref_slice %dma_wait3A_233[%dma_wait3A_219, %dma_wait3A_234, %dma_wait3A_235] : memref<164x2x128xi32, #tpu.memory_space<hbm>> -> memref<1x2x128xi32, #tpu.memory_space<hbm>>
        %dma_wait3A_237 = tpu.memref_squeeze %dma_wait3A_236 : memref<1x2x128xi32, #tpu.memory_space<hbm>> -> memref<2x128xi32, #tpu.memory_space<hbm>>
        tpu.wait_dma2 semaphore(%arg15 : memref<!tpu.dma_semaphore, #tpu.memory_space<semaphore_mem>>) src(%dma_wait3A_237 : memref<2x128xi32, #tpu.memory_space<hbm>>) dst(%arg8 : memref<2x128xi32, #tpu.memory_space<vmem>>)
        %ge3A = arith.constant 1 : i32
        %ge3A_238 = arith.cmpi sge, %add3A_162, %ge3A : i32
        %convert_element_type3A_239 = arith.extui %ge3A_238 : i1 to i32
        %cond3A_240 = arith.constant 0 : i32
        %cond3A_241 = arith.cmpi ne, %convert_element_type3A_239, %cond3A_240 : i32
        scf.if %cond3A_241 {
          %dma_wait3A_249 = arith.constant 0 : i32
          %dma_wait3A_250 = arith.constant 0 : i32
          %dma_wait3A_251 = tpu.memref_slice %arg11[%dma_wait3A_249, %dma_wait3A_250] : memref<10240x128xf32, #tpu.memory_space<vmem_shared>> -> memref<128x128xf32, #tpu.memory_space<vmem_shared>>
          %dma_wait3A_252 = arith.constant 0 : i32
          %dma_wait3A_253 = arith.constant 0 : i32
          %dma_wait3A_254 = tpu.memref_slice %arg11[%dma_wait3A_252, %dma_wait3A_253] : memref<10240x128xf32, #tpu.memory_space<vmem_shared>> -> memref<128x128xf32, #tpu.memory_space<vmem_shared>>
          tpu.wait_dma2 semaphore(%arg19 : memref<!tpu.dma_semaphore, #tpu.memory_space<semaphore_mem>>) src(%arg10 : memref<128x128xf32, #tpu.memory_space<vmem>>) dst(%dma_wait3A_254 : memref<128x128xf32, #tpu.memory_space<vmem_shared>>)
        } else {
        }
        %dma_start3A_242 = arith.constant 0 : i32
        %dma_start3A_243 = arith.constant 0 : i32
        %dma_start3A_244 = tpu.memref_slice %arg8[%dma_start3A_242, %dma_start3A_243] : memref<2x128xi32, #tpu.memory_space<vmem>> -> memref<1x128xi32, #tpu.memory_space<vmem>>
        %dma_start3A_245 = tpu.memref_squeeze %dma_start3A_244 : memref<1x128xi32, #tpu.memory_space<vmem>> -> memref<128xi32, #tpu.memory_space<vmem>>
        %dma_start3A_246 = arith.constant 0 : i32
        %dma_start3A_247 = arith.constant 0 : i32
        %dma_start3A_248 = tpu.memref_slice %arg3[%dma_start3A_246, %dma_start3A_247] : memref<20480x128xf32, #tpu.memory_space<hbm>> -> memref<20480x128xf32, #tpu.memory_space<hbm>>
        tpu.enqueue_indirect_dma source(%dma_start3A_248 : memref<20480x128xf32, #tpu.memory_space<hbm>>) target(%arg10 : memref<128x128xf32, #tpu.memory_space<vmem>>) offsets(%dma_start3A_245 : memref<128xi32, #tpu.memory_space<vmem>>) semaphore(%arg17 : memref<!tpu.dma_semaphore, #tpu.memory_space<semaphore_mem>>)
      } else {
      }
      %dma_start3A_183 = arith.constant 1 : i32
      %dma_start3A_184 = arith.constant 0 : i32
      %dma_start3A_185 = tpu.memref_slice %arg7[%dma_start3A_183, %dma_start3A_184] : memref<2x128xi32, #tpu.memory_space<vmem>> -> memref<1x128xi32, #tpu.memory_space<vmem>>
      %dma_start3A_186 = tpu.memref_squeeze %dma_start3A_185 : memref<1x128xi32, #tpu.memory_space<vmem>> -> memref<128xi32, #tpu.memory_space<vmem>>
      %dma_start3A_187 = arith.constant 0 : i32
      %dma_start3A_188 = arith.constant 0 : i32
      %dma_start3A_189 = tpu.memref_slice %arg11[%dma_start3A_187, %dma_start3A_188] : memref<10240x128xf32, #tpu.memory_space<vmem_shared>> -> memref<10240x128xf32, #tpu.memory_space<vmem_shared>>
      tpu.enqueue_indirect_dma source(%arg9 : memref<128x128xf32, #tpu.memory_space<vmem>>) target(%dma_start3A_189 : memref<10240x128xf32, #tpu.memory_space<vmem_shared>>) offsets(%dma_start3A_186 : memref<128xi32, #tpu.memory_space<vmem>>) semaphore(%arg18 : memref<!tpu.dma_semaphore, #tpu.memory_space<semaphore_mem>>) {add = true}
      %add3A_190 = arith.constant 3 : i32
      %add3A_191 = arith.addi %mul3A_105, %add3A_190 : i32
      %add3A_192 = arith.constant 2 : i32
      %add3A_193 = arith.addi %add3A_191, %add3A_192 : i32
      %lt3A_194 = arith.constant 164 : i32
      %lt3A_195 = arith.cmpi slt, %add3A_193, %lt3A_194 : i32
      %convert_element_type3A_196 = arith.extui %lt3A_195 : i1 to i32
      %cond3A_197 = arith.constant 0 : i32
      %cond3A_198 = arith.cmpi ne, %convert_element_type3A_196, %cond3A_197 : i32
      scf.if %cond3A_198 {
        %add3A_219 = arith.constant 2 : i32
        %add3A_220 = arith.addi %add3A_191, %add3A_219 : i32
        %dma_start3A_221 = arith.constant 0 : i32
        %dma_start3A_222 = arith.constant 0 : i32
        %dma_start3A_223 = arith.constant 0 : i32
        %dma_start3A_224 = tpu.memref_slice %arg2[%add3A, %dma_start3A_221, %dma_start3A_222, %dma_start3A_223] : memref<32x164x2x128xi32, #tpu.memory_space<hbm>> -> memref<1x164x2x128xi32, #tpu.memory_space<hbm>>
        %dma_start3A_225 = tpu.memref_squeeze %dma_start3A_224 : memref<1x164x2x128xi32, #tpu.memory_space<hbm>> -> memref<164x2x128xi32, #tpu.memory_space<hbm>>
        %dma_start3A_226 = arith.constant 0 : i32
        %dma_start3A_227 = arith.constant 0 : i32
        %dma_start3A_228 = tpu.memref_slice %dma_start3A_225[%add3A_220, %dma_start3A_226, %dma_start3A_227] : memref<164x2x128xi32, #tpu.memory_space<hbm>> -> memref<1x2x128xi32, #tpu.memory_space<hbm>>
        %dma_start3A_229 = tpu.memref_squeeze %dma_start3A_228 : memref<1x2x128xi32, #tpu.memory_space<hbm>> -> memref<2x128xi32, #tpu.memory_space<hbm>>
        %dma_start3A_230 = arith.constant 0 : i32
        %dma_start3A_231 = arith.constant 0 : i32
        %dma_start3A_232 = arith.constant 0 : i32
        %dma_start3A_233 = tpu.memref_slice %arg2[%add3A, %dma_start3A_230, %dma_start3A_231, %dma_start3A_232] : memref<32x164x2x128xi32, #tpu.memory_space<hbm>> -> memref<1x164x2x128xi32, #tpu.memory_space<hbm>>
        %dma_start3A_234 = tpu.memref_squeeze %dma_start3A_233 : memref<1x164x2x128xi32, #tpu.memory_space<hbm>> -> memref<164x2x128xi32, #tpu.memory_space<hbm>>
        %dma_start3A_235 = arith.constant 0 : i32
        %dma_start3A_236 = arith.constant 0 : i32
        %dma_start3A_237 = tpu.memref_slice %dma_start3A_234[%add3A_220, %dma_start3A_235, %dma_start3A_236] : memref<164x2x128xi32, #tpu.memory_space<hbm>> -> memref<1x2x128xi32, #tpu.memory_space<hbm>>
        %dma_start3A_238 = tpu.memref_squeeze %dma_start3A_237 : memref<1x2x128xi32, #tpu.memory_space<hbm>> -> memref<2x128xi32, #tpu.memory_space<hbm>>
        tpu.enqueue_dma source(%dma_start3A_238 : memref<2x128xi32, #tpu.memory_space<hbm>>) target(%arg6 : memref<2x128xi32, #tpu.memory_space<vmem>>) target_semaphore(%arg13 : memref<!tpu.dma_semaphore, #tpu.memory_space<semaphore_mem>>)
      } else {
      }
      %dma_wait3A_199 = arith.constant 0 : i32
      %dma_wait3A_200 = arith.constant 0 : i32
      %dma_wait3A_201 = tpu.memref_slice %arg3[%dma_wait3A_199, %dma_wait3A_200] : memref<20480x128xf32, #tpu.memory_space<hbm>> -> memref<128x128xf32, #tpu.memory_space<hbm>>
      %dma_wait3A_202 = arith.constant 0 : i32
      %dma_wait3A_203 = arith.constant 0 : i32
      %dma_wait3A_204 = tpu.memref_slice %arg3[%dma_wait3A_202, %dma_wait3A_203] : memref<20480x128xf32, #tpu.memory_space<hbm>> -> memref<128x128xf32, #tpu.memory_space<hbm>>
      tpu.wait_dma2 semaphore(%arg17 : memref<!tpu.dma_semaphore, #tpu.memory_space<semaphore_mem>>) src(%dma_wait3A_204 : memref<128x128xf32, #tpu.memory_space<hbm>>) dst(%arg10 : memref<128x128xf32, #tpu.memory_space<vmem>>)
      %add3A_205 = arith.constant 1 : i32
      %add3A_206 = arith.addi %add3A_191, %add3A_205 : i32
      %lt3A_207 = arith.constant 164 : i32
      %lt3A_208 = arith.cmpi slt, %add3A_206, %lt3A_207 : i32
      %convert_element_type3A_209 = arith.extui %lt3A_208 : i1 to i32
      %cond3A_210 = arith.constant 0 : i32
      %cond3A_211 = arith.cmpi ne, %convert_element_type3A_209, %cond3A_210 : i32
      scf.if %cond3A_211 {
        %dma_wait3A_219 = arith.constant 0 : i32
        %dma_wait3A_220 = arith.constant 0 : i32
        %dma_wait3A_221 = arith.constant 0 : i32
        %dma_wait3A_222 = arith.constant 0 : i32
        %dma_wait3A_223 = tpu.memref_slice %arg2[%add3A, %dma_wait3A_220, %dma_wait3A_221, %dma_wait3A_222] : memref<32x164x2x128xi32, #tpu.memory_space<hbm>> -> memref<1x164x2x128xi32, #tpu.memory_space<hbm>>
        %dma_wait3A_224 = tpu.memref_squeeze %dma_wait3A_223 : memref<1x164x2x128xi32, #tpu.memory_space<hbm>> -> memref<164x2x128xi32, #tpu.memory_space<hbm>>
        %dma_wait3A_225 = arith.constant 0 : i32
        %dma_wait3A_226 = arith.constant 0 : i32
        %dma_wait3A_227 = tpu.memref_slice %dma_wait3A_224[%dma_wait3A_219, %dma_wait3A_225, %dma_wait3A_226] : memref<164x2x128xi32, #tpu.memory_space<hbm>> -> memref<1x2x128xi32, #tpu.memory_space<hbm>>
        %dma_wait3A_228 = tpu.memref_squeeze %dma_wait3A_227 : memref<1x2x128xi32, #tpu.memory_space<hbm>> -> memref<2x128xi32, #tpu.memory_space<hbm>>
        %dma_wait3A_229 = arith.constant 0 : i32
        %dma_wait3A_230 = arith.constant 0 : i32
        %dma_wait3A_231 = arith.constant 0 : i32
        %dma_wait3A_232 = tpu.memref_slice %arg2[%add3A, %dma_wait3A_229, %dma_wait3A_230, %dma_wait3A_231] : memref<32x164x2x128xi32, #tpu.memory_space<hbm>> -> memref<1x164x2x128xi32, #tpu.memory_space<hbm>>
        %dma_wait3A_233 = tpu.memref_squeeze %dma_wait3A_232 : memref<1x164x2x128xi32, #tpu.memory_space<hbm>> -> memref<164x2x128xi32, #tpu.memory_space<hbm>>
        %dma_wait3A_234 = arith.constant 0 : i32
        %dma_wait3A_235 = arith.constant 0 : i32
        %dma_wait3A_236 = tpu.memref_slice %dma_wait3A_233[%dma_wait3A_219, %dma_wait3A_234, %dma_wait3A_235] : memref<164x2x128xi32, #tpu.memory_space<hbm>> -> memref<1x2x128xi32, #tpu.memory_space<hbm>>
        %dma_wait3A_237 = tpu.memref_squeeze %dma_wait3A_236 : memref<1x2x128xi32, #tpu.memory_space<hbm>> -> memref<2x128xi32, #tpu.memory_space<hbm>>
        tpu.wait_dma2 semaphore(%arg12 : memref<!tpu.dma_semaphore, #tpu.memory_space<semaphore_mem>>) src(%dma_wait3A_237 : memref<2x128xi32, #tpu.memory_space<hbm>>) dst(%arg5 : memref<2x128xi32, #tpu.memory_space<vmem>>)
        %ge3A = arith.constant 1 : i32
        %ge3A_238 = arith.cmpi sge, %add3A_191, %ge3A : i32
        %convert_element_type3A_239 = arith.extui %ge3A_238 : i1 to i32
        %cond3A_240 = arith.constant 0 : i32
        %cond3A_241 = arith.cmpi ne, %convert_element_type3A_239, %cond3A_240 : i32
        scf.if %cond3A_241 {
          %dma_wait3A_249 = arith.constant 0 : i32
          %dma_wait3A_250 = arith.constant 0 : i32
          %dma_wait3A_251 = tpu.memref_slice %arg11[%dma_wait3A_249, %dma_wait3A_250] : memref<10240x128xf32, #tpu.memory_space<vmem_shared>> -> memref<128x128xf32, #tpu.memory_space<vmem_shared>>
          %dma_wait3A_252 = arith.constant 0 : i32
          %dma_wait3A_253 = arith.constant 0 : i32
          %dma_wait3A_254 = tpu.memref_slice %arg11[%dma_wait3A_252, %dma_wait3A_253] : memref<10240x128xf32, #tpu.memory_space<vmem_shared>> -> memref<128x128xf32, #tpu.memory_space<vmem_shared>>
          tpu.wait_dma2 semaphore(%arg18 : memref<!tpu.dma_semaphore, #tpu.memory_space<semaphore_mem>>) src(%arg9 : memref<128x128xf32, #tpu.memory_space<vmem>>) dst(%dma_wait3A_254 : memref<128x128xf32, #tpu.memory_space<vmem_shared>>)
        } else {
        }
        %dma_start3A_242 = arith.constant 0 : i32
        %dma_start3A_243 = arith.constant 0 : i32
        %dma_start3A_244 = tpu.memref_slice %arg5[%dma_start3A_242, %dma_start3A_243] : memref<2x128xi32, #tpu.memory_space<vmem>> -> memref<1x128xi32, #tpu.memory_space<vmem>>
        %dma_start3A_245 = tpu.memref_squeeze %dma_start3A_244 : memref<1x128xi32, #tpu.memory_space<vmem>> -> memref<128xi32, #tpu.memory_space<vmem>>
        %dma_start3A_246 = arith.constant 0 : i32
        %dma_start3A_247 = arith.constant 0 : i32
        %dma_start3A_248 = tpu.memref_slice %arg3[%dma_start3A_246, %dma_start3A_247] : memref<20480x128xf32, #tpu.memory_space<hbm>> -> memref<20480x128xf32, #tpu.memory_space<hbm>>
        tpu.enqueue_indirect_dma source(%dma_start3A_248 : memref<20480x128xf32, #tpu.memory_space<hbm>>) target(%arg9 : memref<128x128xf32, #tpu.memory_space<vmem>>) offsets(%dma_start3A_245 : memref<128xi32, #tpu.memory_space<vmem>>) semaphore(%arg16 : memref<!tpu.dma_semaphore, #tpu.memory_space<semaphore_mem>>)
      } else {
      }
      %dma_start3A_212 = arith.constant 1 : i32
      %dma_start3A_213 = arith.constant 0 : i32
      %dma_start3A_214 = tpu.memref_slice %arg8[%dma_start3A_212, %dma_start3A_213] : memref<2x128xi32, #tpu.memory_space<vmem>> -> memref<1x128xi32, #tpu.memory_space<vmem>>
      %dma_start3A_215 = tpu.memref_squeeze %dma_start3A_214 : memref<1x128xi32, #tpu.memory_space<vmem>> -> memref<128xi32, #tpu.memory_space<vmem>>
      %dma_start3A_216 = arith.constant 0 : i32
      %dma_start3A_217 = arith.constant 0 : i32
      %dma_start3A_218 = tpu.memref_slice %arg11[%dma_start3A_216, %dma_start3A_217] : memref<10240x128xf32, #tpu.memory_space<vmem_shared>> -> memref<10240x128xf32, #tpu.memory_space<vmem_shared>>
      tpu.enqueue_indirect_dma source(%arg10 : memref<128x128xf32, #tpu.memory_space<vmem>>) target(%dma_start3A_218 : memref<10240x128xf32, #tpu.memory_space<vmem_shared>>) offsets(%dma_start3A_215 : memref<128xi32, #tpu.memory_space<vmem>>) semaphore(%arg19 : memref<!tpu.dma_semaphore, #tpu.memory_space<semaphore_mem>>) {add = true}
    }
    %scan3A_86 = arith.constant 41 : i32
    %dma_wait3A_87 = arith.constant 0 : i32
    %dma_wait3A_88 = arith.constant 0 : i32
    %dma_wait3A_89 = tpu.memref_slice %arg11[%dma_wait3A_87, %dma_wait3A_88] : memref<10240x128xf32, #tpu.memory_space<vmem_shared>> -> memref<128x128xf32, #tpu.memory_space<vmem_shared>>
    %dma_wait3A_90 = arith.constant 0 : i32
    %dma_wait3A_91 = arith.constant 0 : i32
    %dma_wait3A_92 = tpu.memref_slice %arg11[%dma_wait3A_90, %dma_wait3A_91] : memref<10240x128xf32, #tpu.memory_space<vmem_shared>> -> memref<128x128xf32, #tpu.memory_space<vmem_shared>>
    tpu.wait_dma2 semaphore(%arg19 : memref<!tpu.dma_semaphore, #tpu.memory_space<semaphore_mem>>) src(%arg10 : memref<128x128xf32, #tpu.memory_space<vmem>>) dst(%dma_wait3A_92 : memref<128x128xf32, #tpu.memory_space<vmem_shared>>)
    %dma_wait3A_93 = arith.constant 0 : i32
    %dma_wait3A_94 = arith.constant 0 : i32
    %dma_wait3A_95 = tpu.memref_slice %arg11[%dma_wait3A_93, %dma_wait3A_94] : memref<10240x128xf32, #tpu.memory_space<vmem_shared>> -> memref<128x128xf32, #tpu.memory_space<vmem_shared>>
    %dma_wait3A_96 = arith.constant 0 : i32
    %dma_wait3A_97 = arith.constant 0 : i32
    %dma_wait3A_98 = tpu.memref_slice %arg11[%dma_wait3A_96, %dma_wait3A_97] : memref<10240x128xf32, #tpu.memory_space<vmem_shared>> -> memref<128x128xf32, #tpu.memory_space<vmem_shared>>
    tpu.wait_dma2 semaphore(%arg18 : memref<!tpu.dma_semaphore, #tpu.memory_space<semaphore_mem>>) src(%arg9 : memref<128x128xf32, #tpu.memory_space<vmem>>) dst(%dma_wait3A_98 : memref<128x128xf32, #tpu.memory_space<vmem_shared>>)
    %barrier3A_99 = arith.constant 0 : index
    tpu.barrier barrier_id(%barrier3A_99)
    %mul3A_100 = arith.constant 10240 : i32
    %mul3A_101 = arith.muli %arg0, %mul3A_100 : i32
    %add3A_102 = arith.addi %mul3A_101, %mul3A_8 : i32
    "tpu.region"() ({
      %run_scoped3A = tpu.sem_alloc : memref<!tpu.dma_semaphore, #tpu.memory_space<semaphore_mem>>
      %dma_start3A_103 = arith.constant 0 : i32
      %dma_start3A_104 = tpu.memref_slice %arg4[%add3A_102, %dma_start3A_103] : memref<20480x128xf32, #tpu.memory_space<hbm>> -> memref<640x128xf32, #tpu.memory_space<hbm>>
      %dma_start3A_105 = arith.constant 0 : i32
      %dma_start3A_106 = tpu.memref_slice %arg11[%mul3A_8, %dma_start3A_105] : memref<10240x128xf32, #tpu.memory_space<vmem_shared>> -> memref<640x128xf32, #tpu.memory_space<vmem_shared>>
      tpu.enqueue_dma source(%dma_start3A_106 : memref<640x128xf32, #tpu.memory_space<vmem_shared>>) target(%dma_start3A_104 : memref<640x128xf32, #tpu.memory_space<hbm>>) target_semaphore(%run_scoped3A : memref<!tpu.dma_semaphore, #tpu.memory_space<semaphore_mem>>)
      %dma_wait3A_107 = arith.constant 0 : i32
      %dma_wait3A_108 = tpu.memref_slice %arg4[%add3A_102, %dma_wait3A_107] : memref<20480x128xf32, #tpu.memory_space<hbm>> -> memref<640x128xf32, #tpu.memory_space<hbm>>
      %dma_wait3A_109 = arith.constant 0 : i32
      %dma_wait3A_110 = tpu.memref_slice %arg11[%mul3A_8, %dma_wait3A_109] : memref<10240x128xf32, #tpu.memory_space<vmem_shared>> -> memref<640x128xf32, #tpu.memory_space<vmem_shared>>
      tpu.wait_dma2 semaphore(%run_scoped3A : memref<!tpu.dma_semaphore, #tpu.memory_space<semaphore_mem>>) src(%dma_wait3A_110 : memref<640x128xf32, #tpu.memory_space<vmem_shared>>) dst(%dma_wait3A_108 : memref<640x128xf32, #tpu.memory_space<hbm>>)
      tpu.yield
    }) : () -> ()
    return
  }
}

module attributes {stable_mosaic.version = 14 : i64} {
  func.func @_zmid_body(%arg0: i32, %arg1: memref<1000x128xf32, #tpu.memory_space<vmem>>, %arg2: memref<128x128xf32, #tpu.memory_space<vmem>>, %arg3: memref<2x1000x128xf32, #tpu.memory_space<vmem>>, %arg4: memref<1000x1xf32, #tpu.memory_space<vmem>>, %arg5: memref<1000x1xf32, #tpu.memory_space<vmem>>, %arg6: memref<2x1000x128xf32, #tpu.memory_space<vmem>>) attributes {dimension_semantics = [#tpu.dimension_semantics<arbitrary>], iteration_bounds = array<i64: 10>, scalar_prefetch = 0 : i64, scratch_operands = 0 : i64, tpu.core_type = #tpu.core_type<tc>, window_params = [{transform_indices = @transform_0, window_bounds = array<i64: 1000, 128>}, {pipeline_mode = #tpu.pipeline_mode<synchronous>, transform_indices = @transform_1, window_bounds = array<i64: 128, 128>}, {transform_indices = @transform_2, window_bounds = array<i64: 2, 1000, 128>}, {transform_indices = @transform_3, window_bounds = array<i64: 1000, 1>}, {transform_indices = @transform_4, window_bounds = array<i64: 1000, 1>}, {transform_indices = @transform_5, window_bounds = array<i64: 2, 1000, 128>}]} {
    %get3A = arith.constant 0 : index
    %get3A_0 = arith.constant 0 : index
    %get3A_1 = vector.load %arg4[%get3A, %get3A_0] : memref<1000x1xf32, #tpu.memory_space<vmem>>, vector<1000x1xf32>
    %get3A_2 = arith.constant 0 : index
    %get3A_3 = arith.constant 0 : index
    %get3A_4 = vector.load %arg5[%get3A_2, %get3A_3] : memref<1000x1xf32, #tpu.memory_space<vmem>>, vector<1000x1xf32>
    %get3A_5 = arith.constant 0 : index
    %get3A_6 = arith.constant 0 : index
    %get3A_7 = vector.load %arg1[%get3A_5, %get3A_6] : memref<1000x128xf32, #tpu.memory_space<vmem>>, vector<1000x128xf32>
    %get3A_8 = arith.constant 0 : index
    %get3A_9 = arith.constant 0 : index
    %get3A_10 = vector.load %arg2[%get3A_8, %get3A_9] : memref<128x128xf32, #tpu.memory_space<vmem>>, vector<128x128xf32>
    %dot_general3A = arith.constant dense<0.000000e+00> : vector<1000x128xf32>
    %dot_general3A_11 = tpu.matmul %get3A_7, %get3A_10, %dot_general3A {dimension_numbers = #tpu.dot_dimension_numbers<[1], [0], [0], [1], [0, 0, 1, 1], [], []>, transpose_lhs_hint = false} : vector<1000x128xf32>, vector<128x128xf32>, vector<1000x128xf32> -> vector<1000x128xf32>
    %get3A_12 = arith.constant 0 : index
    %get3A_13 = arith.constant 0 : index
    %get3A_14 = arith.constant 0 : index
    %get3A_15 = vector.load %arg3[%get3A_12, %get3A_13, %get3A_14] : memref<2x1000x128xf32, #tpu.memory_space<vmem>>, vector<1x1000x128xf32>
    %get3A_16 = vector.shape_cast %get3A_15 : vector<1x1000x128xf32> to vector<1000x128xf32>
    %mul3A = vector.broadcast %get3A_4 : vector<1000x1xf32> to vector<1000x128xf32>
    %mul3A_17 = arith.mulf %mul3A, %get3A_16 : vector<1000x128xf32>
    %add3A = arith.addf %dot_general3A_11, %mul3A_17 : vector<1000x128xf32>
    %get3A_18 = arith.constant 1 : index
    %get3A_19 = arith.constant 0 : index
    %get3A_20 = arith.constant 0 : index
    %get3A_21 = vector.load %arg3[%get3A_18, %get3A_19, %get3A_20] : memref<2x1000x128xf32, #tpu.memory_space<vmem>>, vector<1x1000x128xf32>
    %get3A_22 = vector.shape_cast %get3A_21 : vector<1x1000x128xf32> to vector<1000x128xf32>
    %mul3A_23 = vector.broadcast %get3A_1 : vector<1000x1xf32> to vector<1000x128xf32>
    %mul3A_24 = arith.mulf %mul3A_23, %get3A_22 : vector<1000x128xf32>
    %add3A_25 = arith.addf %add3A, %mul3A_24 : vector<1000x128xf32>
    %mul3A_26 = vector.broadcast %get3A_1 : vector<1000x1xf32> to vector<1000x128xf32>
    %mul3A_27 = arith.mulf %add3A_25, %mul3A_26 : vector<1000x128xf32>
    %swap3A = arith.constant 0 : index
    %swap3A_28 = arith.constant 0 : index
    %swap3A_29 = arith.constant 0 : index
    %swap3A_30 = vector.load %arg6[%swap3A, %swap3A_28, %swap3A_29] : memref<2x1000x128xf32, #tpu.memory_space<vmem>>, vector<1x1000x128xf32>
    %swap3A_31 = vector.shape_cast %swap3A_30 : vector<1x1000x128xf32> to vector<1000x128xf32>
    %swap3A_32 = vector.shape_cast %mul3A_27 : vector<1000x128xf32> to vector<1x1000x128xf32>
    tpu.vector_store %arg6[%swap3A, %swap3A_28, %swap3A_29], %swap3A_32 {strides = array<i32>} : memref<2x1000x128xf32, #tpu.memory_space<vmem>>, vector<1x1000x128xf32>,
    %mul3A_33 = vector.broadcast %get3A_4 : vector<1000x1xf32> to vector<1000x128xf32>
    %mul3A_34 = arith.mulf %add3A_25, %mul3A_33 : vector<1000x128xf32>
    %swap3A_35 = arith.constant 1 : index
    %swap3A_36 = arith.constant 0 : index
    %swap3A_37 = arith.constant 0 : index
    %swap3A_38 = vector.load %arg6[%swap3A_35, %swap3A_36, %swap3A_37] : memref<2x1000x128xf32, #tpu.memory_space<vmem>>, vector<1x1000x128xf32>
    %swap3A_39 = vector.shape_cast %swap3A_38 : vector<1x1000x128xf32> to vector<1000x128xf32>
    %swap3A_40 = vector.shape_cast %mul3A_34 : vector<1000x128xf32> to vector<1x1000x128xf32>
    tpu.vector_store %arg6[%swap3A_35, %swap3A_36, %swap3A_37], %swap3A_40 {strides = array<i32>} : memref<2x1000x128xf32, #tpu.memory_space<vmem>>, vector<1x1000x128xf32>,
    return
  }
  func.func @transform_0(%arg0: i32) -> (i32, i32) {
    %c0_i32 = arith.constant 0 : i32
    %c0_i32_0 = arith.constant 0 : i32
    return %arg0, %c0_i32 : i32, i32
  }
  func.func @transform_1(%arg0: i32) -> (i32, i32) {
    %c0_i32 = arith.constant 0 : i32
    %c0_i32_0 = arith.constant 0 : i32
    %c0_i32_1 = arith.constant 0 : i32
    return %c0_i32, %c0_i32_0 : i32, i32
  }
  func.func @transform_2(%arg0: i32) -> (i32, i32, i32) {
    %c0_i32 = arith.constant 0 : i32
    %c0_i32_0 = arith.constant 0 : i32
    %c0_i32_1 = arith.constant 0 : i32
    return %c0_i32, %arg0, %c0_i32_0 : i32, i32, i32
  }
  func.func @transform_3(%arg0: i32) -> (i32, i32) {
    %c0_i32 = arith.constant 0 : i32
    %c0_i32_0 = arith.constant 0 : i32
    return %arg0, %c0_i32 : i32, i32
  }
  func.func @transform_4(%arg0: i32) -> (i32, i32) {
    %c0_i32 = arith.constant 0 : i32
    %c0_i32_0 = arith.constant 0 : i32
    return %arg0, %c0_i32 : i32, i32
  }
  func.func @transform_5(%arg0: i32) -> (i32, i32, i32) {
    %c0_i32 = arith.constant 0 : i32
    %c0_i32_0 = arith.constant 0 : i32
    %c0_i32_1 = arith.constant 0 : i32
    return %c0_i32, %arg0, %c0_i32_0 : i32, i32, i32
  }
}

module attributes {stable_mosaic.version = 14 : i64} {
  func.func @_mm2_body(%arg0: i32, %arg1: memref<1000x128xf32, #tpu.memory_space<vmem>>, %arg2: memref<128x128xf32, #tpu.memory_space<vmem>>, %arg3: memref<128x128xf32, #tpu.memory_space<vmem>>, %arg4: memref<1x128xf32, #tpu.memory_space<vmem>>, %arg5: memref<1000x1xf32, #tpu.memory_space<vmem>>, %arg6: memref<1000x1xf32, #tpu.memory_space<vmem>>, %arg7: memref<2x1000x128xf32, #tpu.memory_space<vmem>>, %arg8: memref<1000x128xf32, #tpu.memory_space<vmem>>) attributes {dimension_semantics = [#tpu.dimension_semantics<arbitrary>], iteration_bounds = array<i64: 10>, scalar_prefetch = 0 : i64, scratch_operands = 0 : i64, tpu.core_type = #tpu.core_type<tc>, window_params = [{transform_indices = @transform_0, window_bounds = array<i64: 1000, 128>}, {pipeline_mode = #tpu.pipeline_mode<synchronous>, transform_indices = @transform_1, window_bounds = array<i64: 128, 128>}, {pipeline_mode = #tpu.pipeline_mode<synchronous>, transform_indices = @transform_2, window_bounds = array<i64: 128, 128>}, {pipeline_mode = #tpu.pipeline_mode<synchronous>, transform_indices = @transform_3, window_bounds = array<i64: 1, 128>}, {transform_indices = @transform_4, window_bounds = array<i64: 1000, 1>}, {transform_indices = @transform_5, window_bounds = array<i64: 1000, 1>}, {transform_indices = @transform_6, window_bounds = array<i64: 2, 1000, 128>}, {transform_indices = @transform_7, window_bounds = array<i64: 1000, 128>}]} {
    %get3A = arith.constant 0 : index
    %get3A_0 = arith.constant 0 : index
    %get3A_1 = vector.load %arg1[%get3A, %get3A_0] : memref<1000x128xf32, #tpu.memory_space<vmem>>, vector<1000x128xf32>
    %get3A_2 = arith.constant 0 : index
    %get3A_3 = arith.constant 0 : index
    %get3A_4 = vector.load %arg5[%get3A_2, %get3A_3] : memref<1000x1xf32, #tpu.memory_space<vmem>>, vector<1000x1xf32>
    %get3A_5 = arith.constant 0 : index
    %get3A_6 = arith.constant 0 : index
    %get3A_7 = vector.load %arg6[%get3A_5, %get3A_6] : memref<1000x1xf32, #tpu.memory_space<vmem>>, vector<1000x1xf32>
    %get3A_8 = arith.constant 0 : index
    %get3A_9 = arith.constant 0 : index
    %get3A_10 = vector.load %arg2[%get3A_8, %get3A_9] : memref<128x128xf32, #tpu.memory_space<vmem>>, vector<128x128xf32>
    %dot_general3A = arith.constant dense<0.000000e+00> : vector<1000x128xf32>
    %dot_general3A_11 = tpu.matmul %get3A_1, %get3A_10, %dot_general3A {dimension_numbers = #tpu.dot_dimension_numbers<[1], [0], [0], [1], [0, 0, 1, 1], [], []>, transpose_lhs_hint = false} : vector<1000x128xf32>, vector<128x128xf32>, vector<1000x128xf32> -> vector<1000x128xf32>
    %mul3A = vector.broadcast %get3A_4 : vector<1000x1xf32> to vector<1000x128xf32>
    %mul3A_12 = arith.mulf %dot_general3A_11, %mul3A : vector<1000x128xf32>
    %swap3A = arith.constant 0 : index
    %swap3A_13 = arith.constant 0 : index
    %swap3A_14 = arith.constant 0 : index
    %swap3A_15 = vector.load %arg7[%swap3A, %swap3A_13, %swap3A_14] : memref<2x1000x128xf32, #tpu.memory_space<vmem>>, vector<1x1000x128xf32>
    %swap3A_16 = vector.shape_cast %swap3A_15 : vector<1x1000x128xf32> to vector<1000x128xf32>
    %swap3A_17 = vector.shape_cast %mul3A_12 : vector<1000x128xf32> to vector<1x1000x128xf32>
    tpu.vector_store %arg7[%swap3A, %swap3A_13, %swap3A_14], %swap3A_17 {strides = array<i32>} : memref<2x1000x128xf32, #tpu.memory_space<vmem>>, vector<1x1000x128xf32>,
    %mul3A_18 = vector.broadcast %get3A_7 : vector<1000x1xf32> to vector<1000x128xf32>
    %mul3A_19 = arith.mulf %dot_general3A_11, %mul3A_18 : vector<1000x128xf32>
    %swap3A_20 = arith.constant 1 : index
    %swap3A_21 = arith.constant 0 : index
    %swap3A_22 = arith.constant 0 : index
    %swap3A_23 = vector.load %arg7[%swap3A_20, %swap3A_21, %swap3A_22] : memref<2x1000x128xf32, #tpu.memory_space<vmem>>, vector<1x1000x128xf32>
    %swap3A_24 = vector.shape_cast %swap3A_23 : vector<1x1000x128xf32> to vector<1000x128xf32>
    %swap3A_25 = vector.shape_cast %mul3A_19 : vector<1000x128xf32> to vector<1x1000x128xf32>
    tpu.vector_store %arg7[%swap3A_20, %swap3A_21, %swap3A_22], %swap3A_25 {strides = array<i32>} : memref<2x1000x128xf32, #tpu.memory_space<vmem>>, vector<1x1000x128xf32>,
    %get3A_26 = arith.constant 0 : index
    %get3A_27 = arith.constant 0 : index
    %get3A_28 = vector.load %arg3[%get3A_26, %get3A_27] : memref<128x128xf32, #tpu.memory_space<vmem>>, vector<128x128xf32>
    %dot_general3A_29 = arith.constant dense<0.000000e+00> : vector<1000x128xf32>
    %dot_general3A_30 = tpu.matmul %get3A_1, %get3A_28, %dot_general3A_29 {dimension_numbers = #tpu.dot_dimension_numbers<[1], [1], [0], [0], [0, 0, 1, 0], [], []>, transpose_lhs_hint = false} : vector<1000x128xf32>, vector<128x128xf32>, vector<1000x128xf32> -> vector<1000x128xf32>
    %get3A_31 = arith.constant 0 : index
    %get3A_32 = arith.constant 0 : index
    %get3A_33 = vector.load %arg4[%get3A_31, %get3A_32] : memref<1x128xf32, #tpu.memory_space<vmem>>, vector<1x128xf32>
    %add3A = vector.broadcast %get3A_33 : vector<1x128xf32> to vector<1000x128xf32>
    %add3A_34 = arith.addf %dot_general3A_30, %add3A : vector<1000x128xf32>
    %swap3A_35 = arith.constant 0 : index
    %swap3A_36 = arith.constant 0 : index
    %swap3A_37 = vector.load %arg8[%swap3A_35, %swap3A_36] : memref<1000x128xf32, #tpu.memory_space<vmem>>, vector<1000x128xf32>
    tpu.vector_store %arg8[%swap3A_35, %swap3A_36], %add3A_34 {strides = array<i32>} : memref<1000x128xf32, #tpu.memory_space<vmem>>, vector<1000x128xf32>,
    return
  }
  func.func @transform_0(%arg0: i32) -> (i32, i32) {
    %c0_i32 = arith.constant 0 : i32
    %c0_i32_0 = arith.constant 0 : i32
    return %arg0, %c0_i32 : i32, i32
  }
  func.func @transform_1(%arg0: i32) -> (i32, i32) {
    %c0_i32 = arith.constant 0 : i32
    %c0_i32_0 = arith.constant 0 : i32
    %c0_i32_1 = arith.constant 0 : i32
    return %c0_i32, %c0_i32_0 : i32, i32
  }
  func.func @transform_2(%arg0: i32) -> (i32, i32) {
    %c0_i32 = arith.constant 0 : i32
    %c0_i32_0 = arith.constant 0 : i32
    %c0_i32_1 = arith.constant 0 : i32
    return %c0_i32, %c0_i32_0 : i32, i32
  }
  func.func @transform_3(%arg0: i32) -> (i32, i32) {
    %c0_i32 = arith.constant 0 : i32
    %c0_i32_0 = arith.constant 0 : i32
    %c0_i32_1 = arith.constant 0 : i32
    return %c0_i32, %c0_i32_0 : i32, i32
  }
  func.func @transform_4(%arg0: i32) -> (i32, i32) {
    %c0_i32 = arith.constant 0 : i32
    %c0_i32_0 = arith.constant 0 : i32
    return %arg0, %c0_i32 : i32, i32
  }
  func.func @transform_5(%arg0: i32) -> (i32, i32) {
    %c0_i32 = arith.constant 0 : i32
    %c0_i32_0 = arith.constant 0 : i32
    return %arg0, %c0_i32 : i32, i32
  }
  func.func @transform_6(%arg0: i32) -> (i32, i32, i32) {
    %c0_i32 = arith.constant 0 : i32
    %c0_i32_0 = arith.constant 0 : i32
    %c0_i32_1 = arith.constant 0 : i32
    return %c0_i32, %arg0, %c0_i32_0 : i32, i32, i32
  }
  func.func @transform_7(%arg0: i32) -> (i32, i32) {
    %c0_i32 = arith.constant 0 : i32
    %c0_i32_0 = arith.constant 0 : i32
    return %arg0, %c0_i32 : i32, i32
  }
}

module attributes {stable_mosaic.version = 14 : i64} {
  func.func @_fin_body(%arg0: i32, %arg1: memref<1000x128xf32, #tpu.memory_space<vmem>>, %arg2: memref<2x1000x128xf32, #tpu.memory_space<vmem>>, %arg3: memref<1000x1xf32, #tpu.memory_space<vmem>>, %arg4: memref<1000x1xf32, #tpu.memory_space<vmem>>, %arg5: memref<1x128xf32, #tpu.memory_space<vmem>>, %arg6: memref<1x128xf32, #tpu.memory_space<vmem>>, %arg7: memref<1000x128xf32, #tpu.memory_space<vmem>>) attributes {dimension_semantics = [#tpu.dimension_semantics<arbitrary>], iteration_bounds = array<i64: 10>, scalar_prefetch = 0 : i64, scratch_operands = 0 : i64, tpu.core_type = #tpu.core_type<tc>, window_params = [{transform_indices = @transform_0, window_bounds = array<i64: 1000, 128>}, {transform_indices = @transform_1, window_bounds = array<i64: 2, 1000, 128>}, {transform_indices = @transform_2, window_bounds = array<i64: 1000, 1>}, {transform_indices = @transform_3, window_bounds = array<i64: 1000, 1>}, {pipeline_mode = #tpu.pipeline_mode<synchronous>, transform_indices = @transform_4, window_bounds = array<i64: 1, 128>}, {pipeline_mode = #tpu.pipeline_mode<synchronous>, transform_indices = @transform_5, window_bounds = array<i64: 1, 128>}, {transform_indices = @transform_6, window_bounds = array<i64: 1000, 128>}]} {
    %get3A = arith.constant 0 : index
    %get3A_0 = arith.constant 0 : index
    %get3A_1 = vector.load %arg1[%get3A, %get3A_0] : memref<1000x128xf32, #tpu.memory_space<vmem>>, vector<1000x128xf32>
    %get3A_2 = arith.constant 0 : index
    %get3A_3 = arith.constant 0 : index
    %get3A_4 = vector.load %arg4[%get3A_2, %get3A_3] : memref<1000x1xf32, #tpu.memory_space<vmem>>, vector<1000x1xf32>
    %get3A_5 = arith.constant 0 : index
    %get3A_6 = arith.constant 0 : index
    %get3A_7 = arith.constant 0 : index
    %get3A_8 = vector.load %arg2[%get3A_5, %get3A_6, %get3A_7] : memref<2x1000x128xf32, #tpu.memory_space<vmem>>, vector<1x1000x128xf32>
    %get3A_9 = vector.shape_cast %get3A_8 : vector<1x1000x128xf32> to vector<1000x128xf32>
    %mul3A = vector.broadcast %get3A_4 : vector<1000x1xf32> to vector<1000x128xf32>
    %mul3A_10 = arith.mulf %mul3A, %get3A_9 : vector<1000x128xf32>
    %add3A = arith.addf %get3A_1, %mul3A_10 : vector<1000x128xf32>
    %get3A_11 = arith.constant 0 : index
    %get3A_12 = arith.constant 0 : index
    %get3A_13 = vector.load %arg3[%get3A_11, %get3A_12] : memref<1000x1xf32, #tpu.memory_space<vmem>>, vector<1000x1xf32>
    %get3A_14 = arith.constant 1 : index
    %get3A_15 = arith.constant 0 : index
    %get3A_16 = arith.constant 0 : index
    %get3A_17 = vector.load %arg2[%get3A_14, %get3A_15, %get3A_16] : memref<2x1000x128xf32, #tpu.memory_space<vmem>>, vector<1x1000x128xf32>
    %get3A_18 = vector.shape_cast %get3A_17 : vector<1x1000x128xf32> to vector<1000x128xf32>
    %mul3A_19 = vector.broadcast %get3A_13 : vector<1000x1xf32> to vector<1000x128xf32>
    %mul3A_20 = arith.mulf %mul3A_19, %get3A_18 : vector<1000x128xf32>
    %add3A_21 = arith.addf %add3A, %mul3A_20 : vector<1000x128xf32>
    %get3A_22 = arith.constant 0 : index
    %get3A_23 = arith.constant 0 : index
    %get3A_24 = vector.load %arg5[%get3A_22, %get3A_23] : memref<1x128xf32, #tpu.memory_space<vmem>>, vector<1x128xf32>
    %add3A_25 = vector.broadcast %get3A_24 : vector<1x128xf32> to vector<1000x128xf32>
    %add3A_26 = arith.addf %add3A_21, %add3A_25 : vector<1000x128xf32>
    %get3A_27 = arith.constant 0 : index
    %get3A_28 = arith.constant 0 : index
    %get3A_29 = vector.load %arg6[%get3A_27, %get3A_28] : memref<1x128xf32, #tpu.memory_space<vmem>>, vector<1x128xf32>
    %add3A_30 = vector.broadcast %get3A_29 : vector<1x128xf32> to vector<1000x128xf32>
    %add3A_31 = arith.addf %add3A_26, %add3A_30 : vector<1000x128xf32>
    %swap3A = arith.constant 0 : index
    %swap3A_32 = arith.constant 0 : index
    %swap3A_33 = vector.load %arg7[%swap3A, %swap3A_32] : memref<1000x128xf32, #tpu.memory_space<vmem>>, vector<1000x128xf32>
    tpu.vector_store %arg7[%swap3A, %swap3A_32], %add3A_31 {strides = array<i32>} : memref<1000x128xf32, #tpu.memory_space<vmem>>, vector<1000x128xf32>,
    return
  }
  func.func @transform_0(%arg0: i32) -> (i32, i32) {
    %c0_i32 = arith.constant 0 : i32
    %c0_i32_0 = arith.constant 0 : i32
    return %arg0, %c0_i32 : i32, i32
  }
  func.func @transform_1(%arg0: i32) -> (i32, i32, i32) {
    %c0_i32 = arith.constant 0 : i32
    %c0_i32_0 = arith.constant 0 : i32
    %c0_i32_1 = arith.constant 0 : i32
    return %c0_i32, %arg0, %c0_i32_0 : i32, i32, i32
  }
  func.func @transform_2(%arg0: i32) -> (i32, i32) {
    %c0_i32 = arith.constant 0 : i32
    %c0_i32_0 = arith.constant 0 : i32
    return %arg0, %c0_i32 : i32, i32
  }
  func.func @transform_3(%arg0: i32) -> (i32, i32) {
    %c0_i32 = arith.constant 0 : i32
    %c0_i32_0 = arith.constant 0 : i32
    return %arg0, %c0_i32 : i32, i32
  }
  func.func @transform_4(%arg0: i32) -> (i32, i32) {
    %c0_i32 = arith.constant 0 : i32
    %c0_i32_0 = arith.constant 0 : i32
    %c0_i32_1 = arith.constant 0 : i32
    return %c0_i32, %c0_i32_0 : i32, i32
  }
  func.func @transform_5(%arg0: i32) -> (i32, i32) {
    %c0_i32 = arith.constant 0 : i32
    %c0_i32_0 = arith.constant 0 : i32
    %c0_i32_1 = arith.constant 0 : i32
    return %c0_i32, %c0_i32_0 : i32, i32
  }
  func.func @transform_6(%arg0: i32) -> (i32, i32) {
    %c0_i32 = arith.constant 0 : i32
    %c0_i32_0 = arith.constant 0 : i32
    return %arg0, %c0_i32 : i32, i32
  }
}

module attributes {stable_mosaic.version = 14 : i64} {
  func.func @_fin_body(%arg0: i32, %arg1: memref<1000x128xf32, #tpu.memory_space<vmem>>, %arg2: memref<2x1000x128xf32, #tpu.memory_space<vmem>>, %arg3: memref<1000x1xf32, #tpu.memory_space<vmem>>, %arg4: memref<1000x1xf32, #tpu.memory_space<vmem>>, %arg5: memref<1x128xf32, #tpu.memory_space<vmem>>, %arg6: memref<1x128xf32, #tpu.memory_space<vmem>>, %arg7: memref<1000x128xf32, #tpu.memory_space<vmem>>) attributes {dimension_semantics = [#tpu.dimension_semantics<arbitrary>], iteration_bounds = array<i64: 10>, scalar_prefetch = 0 : i64, scratch_operands = 0 : i64, tpu.core_type = #tpu.core_type<tc>, window_params = [{transform_indices = @transform_0, window_bounds = array<i64: 1000, 128>}, {transform_indices = @transform_1, window_bounds = array<i64: 2, 1000, 128>}, {transform_indices = @transform_2, window_bounds = array<i64: 1000, 1>}, {transform_indices = @transform_3, window_bounds = array<i64: 1000, 1>}, {pipeline_mode = #tpu.pipeline_mode<synchronous>, transform_indices = @transform_4, window_bounds = array<i64: 1, 128>}, {pipeline_mode = #tpu.pipeline_mode<synchronous>, transform_indices = @transform_5, window_bounds = array<i64: 1, 128>}, {transform_indices = @transform_6, window_bounds = array<i64: 1000, 128>}]} {
    %get3A = arith.constant 0 : index
    %get3A_0 = arith.constant 0 : index
    %get3A_1 = vector.load %arg1[%get3A, %get3A_0] : memref<1000x128xf32, #tpu.memory_space<vmem>>, vector<1000x128xf32>
    %get3A_2 = arith.constant 0 : index
    %get3A_3 = arith.constant 0 : index
    %get3A_4 = vector.load %arg4[%get3A_2, %get3A_3] : memref<1000x1xf32, #tpu.memory_space<vmem>>, vector<1000x1xf32>
    %get3A_5 = arith.constant 0 : index
    %get3A_6 = arith.constant 0 : index
    %get3A_7 = arith.constant 0 : index
    %get3A_8 = vector.load %arg2[%get3A_5, %get3A_6, %get3A_7] : memref<2x1000x128xf32, #tpu.memory_space<vmem>>, vector<1x1000x128xf32>
    %get3A_9 = vector.shape_cast %get3A_8 : vector<1x1000x128xf32> to vector<1000x128xf32>
    %mul3A = vector.broadcast %get3A_4 : vector<1000x1xf32> to vector<1000x128xf32>
    %mul3A_10 = arith.mulf %mul3A, %get3A_9 : vector<1000x128xf32>
    %add3A = arith.addf %get3A_1, %mul3A_10 : vector<1000x128xf32>
    %get3A_11 = arith.constant 0 : index
    %get3A_12 = arith.constant 0 : index
    %get3A_13 = vector.load %arg3[%get3A_11, %get3A_12] : memref<1000x1xf32, #tpu.memory_space<vmem>>, vector<1000x1xf32>
    %get3A_14 = arith.constant 1 : index
    %get3A_15 = arith.constant 0 : index
    %get3A_16 = arith.constant 0 : index
    %get3A_17 = vector.load %arg2[%get3A_14, %get3A_15, %get3A_16] : memref<2x1000x128xf32, #tpu.memory_space<vmem>>, vector<1x1000x128xf32>
    %get3A_18 = vector.shape_cast %get3A_17 : vector<1x1000x128xf32> to vector<1000x128xf32>
    %mul3A_19 = vector.broadcast %get3A_13 : vector<1000x1xf32> to vector<1000x128xf32>
    %mul3A_20 = arith.mulf %mul3A_19, %get3A_18 : vector<1000x128xf32>
    %add3A_21 = arith.addf %add3A, %mul3A_20 : vector<1000x128xf32>
    %get3A_22 = arith.constant 0 : index
    %get3A_23 = arith.constant 0 : index
    %get3A_24 = vector.load %arg5[%get3A_22, %get3A_23] : memref<1x128xf32, #tpu.memory_space<vmem>>, vector<1x128xf32>
    %add3A_25 = vector.broadcast %get3A_24 : vector<1x128xf32> to vector<1000x128xf32>
    %add3A_26 = arith.addf %add3A_21, %add3A_25 : vector<1000x128xf32>
    %get3A_27 = arith.constant 0 : index
    %get3A_28 = arith.constant 0 : index
    %get3A_29 = vector.load %arg6[%get3A_27, %get3A_28] : memref<1x128xf32, #tpu.memory_space<vmem>>, vector<1x128xf32>
    %add3A_30 = vector.broadcast %get3A_29 : vector<1x128xf32> to vector<1000x128xf32>
    %add3A_31 = arith.addf %add3A_26, %add3A_30 : vector<1000x128xf32>
    %swap3A = arith.constant 0 : index
    %swap3A_32 = arith.constant 0 : index
    %swap3A_33 = vector.load %arg7[%swap3A, %swap3A_32] : memref<1000x128xf32, #tpu.memory_space<vmem>>, vector<1000x128xf32>
    tpu.vector_store %arg7[%swap3A, %swap3A_32], %add3A_31 {strides = array<i32>} : memref<1000x128xf32, #tpu.memory_space<vmem>>, vector<1000x128xf32>,
    return
  }
  func.func @transform_0(%arg0: i32) -> (i32, i32) {
    %c0_i32 = arith.constant 0 : i32
    %c0_i32_0 = arith.constant 0 : i32
    return %arg0, %c0_i32 : i32, i32
  }
  func.func @transform_1(%arg0: i32) -> (i32, i32, i32) {
    %c0_i32 = arith.constant 0 : i32
    %c0_i32_0 = arith.constant 0 : i32
    %c0_i32_1 = arith.constant 0 : i32
    return %c0_i32, %arg0, %c0_i32_0 : i32, i32, i32
  }
  func.func @transform_2(%arg0: i32) -> (i32, i32) {
    %c0_i32 = arith.constant 0 : i32
    %c0_i32_0 = arith.constant 0 : i32
    return %arg0, %c0_i32 : i32, i32
  }
  func.func @transform_3(%arg0: i32) -> (i32, i32) {
    %c0_i32 = arith.constant 0 : i32
    %c0_i32_0 = arith.constant 0 : i32
    return %arg0, %c0_i32 : i32, i32
  }
  func.func @transform_4(%arg0: i32) -> (i32, i32) {
    %c0_i32 = arith.constant 0 : i32
    %c0_i32_0 = arith.constant 0 : i32
    %c0_i32_1 = arith.constant 0 : i32
    return %c0_i32, %c0_i32_0 : i32, i32
  }
  func.func @transform_5(%arg0: i32) -> (i32, i32) {
    %c0_i32 = arith.constant 0 : i32
    %c0_i32_0 = arith.constant 0 : i32
    %c0_i32_1 = arith.constant 0 : i32
    return %c0_i32, %c0_i32_0 : i32, i32
  }
  func.func @transform_6(%arg0: i32) -> (i32, i32) {
    %c0_i32 = arith.constant 0 : i32
    %c0_i32_0 = arith.constant 0 : i32
    return %arg0, %c0_i32 : i32, i32
  }
}

</mosaic_0001>

<sc_bundles>
// kernel: kernel.13.cloned.1.call-start
scs
__scs_entry_jumppad:
0x0: {  	(pc) =	sbr.rel $0x88, $3  }
0x1: {  	(tag) =	ssettag $0x0;
	lr =	simm.s32 $0x1  }
0x2: {  	[smem:$0x3F98] =	sst lr;
	_ =	strace $0xD0000000  }
0x3: {  	_ = 	snop  }
0x4: {  	_ = 	snop  }
0x5: {  	_ = 	snop  }
0x6: {  	_ = 	snop  }
0x7: {  	_ = 	snop  }
__scs_overlays_trampoline_lowered:
0x8: {  	[smem:$0x3FA7] =	sst s0  }
0x9: {  	[smem:$0x3FA8] =	sst s1  }
0xa: {  	[smem:$0x3FA9] =	sst s2  }
0xb: {  	[smem:$0x3FAA] =	sst s3  }
0xc: {  	[smem:$0x3FAB] =	sst s4  }
0xd: {  	[smem:$0x3FAC] =	sst s5  }
0xe: {  	[smem:$0x3FAD] =	sst s6  }
0xf: {  	[smem:$0x3FAE] =	sst s7  }
0x10: {  	[smem:$0x3FAF] =	sst s8  }
0x11: {  	[smem:$0x3FB0] =	sst s9;
	s0 =	simm.s32 @!p0 $0x0  }
0x12: {  	s1 =	sld [smem:$0x3F96];
	s0 =	simm.s32 @p0 $0x1  }
0x13: {  	[smem:$0x3FB1] =	sst s0;
	s0 =	simm.s32 @!p1 $0x0  }
0x14: {  	s2 =	sld [smem:$0x3F95];
	s0 =	simm.s32 @p1 $0x1  }
0x15: {  	[smem:$0x3FB2] =	sst s0;
	s0 =	simm.s32 @!p2 $0x0  }
0x16: {  	s3 =	sld [smem:$0x3FDB];
	s0 =	simm.s32 @p2 $0x1  }
0x17: {  	s4 =	simm.s32 $0x1BF5;
	[smem:$0x3FB4] =	sst s0  }
0x18: {  	s0 =	sld [smem:$0x3F97];
	_ =	swait.ge [sflag:s4], $0x0  }
0x19: {  	s7 =	sld [smem:$0x3F98]  }
0x1a: {  	s8 =	sadd.s32 $0xFFFFE003, lr  }
0x1b: {  	s9 =	sadd.s32 $0xFFFFFEF7, lr;
	s5 =	simm.s32 $0xFFFFFFFF;
	p2 =	slt.u32 s8, $0xFFFFF086  }
0x1c: {  	p1 =	slt.u32 s9, $0xF7A;
	s5 =	simm.s32 @!p2 $0x0  }
0x1d: {  	s5 =	simm.s32 @p1 $0x1;
	p0 =	seq.s32 s7, s2  }
0x1e: {  	s7 =	smul.u32 @!p0 $0xF7A, s2;
	p2 =	seq.s32 @!p0 s5, $0x0  }
0x1f: {  	s9 =	smul.u32 $0xF7A, s1;
	s8 =	simm.s32 @!p0 $0x1BF5;
	p2 =	por !p2, p0  }
0x20: {  	[sflag:s8] =	ssyncset.s32 @!p0 $0xFFFFF086;
	s6 =	sadd.s32 @!p0 s3, s7;
	s7 =	simm.s32 @!p0 $0x108  }
0x21: {  	s3 =	sadd.s32 s3, s9;
	s6 =	sadd.s32 @!p0 $0x88, s6;
	s7 =	simm.s32 @p2 $0x1082  }
0x22: {  	[simem:s7], [sflag:s8] =	dma.local @!p0 [hbm:s6], $0xF7A  }
0x23: {  	s9 =	sor.u32 $0xD0000000, s2;
	s6 =	simm.s32 $0x108;
	_ =	swait.ge @!p0 [sflag:s8], $0x0  }
0x24: {  	s3 =	sadd.s32 $0x88, s3;
	s6 =	simm.s32 @!p1 $0x1082;
	[sflag:s4] =	ssyncset.s32 $0xFFFFF086  }
0x25: {  	[simem:s6], [sflag:s4] =	dma.local [hbm:s3], $0xF7A  }
0x26: {  	[smem:$0x3F98] =	sst s1;
	(tag) =	ssettag s2;
	_ =	strace s9  }
0x27: {  	s1 =	sld [smem:$0x3FA8]  }
0x28: {  	s2 =	sld [smem:$0x3FA9]  }
0x29: {  	s4 =	sld [smem:$0x3FAB]  }
0x2a: {  	p0 =	seq.s32 s5, $0x0;
	s5 =	sld [smem:$0x3FAC]  }
0x2b: {  	s6 =	sld [smem:$0x3FAD]  }
0x2c: {  	s7 =	sld [smem:$0x3FAE]  }
0x2d: {  	s3 =	simm.s32 $0x108;
	s8 =	sld [smem:$0x3FAF]  }
0x2e: {  	s3 =	simm.s32 @!p0 $0x1082;
	s9 =	sld [smem:$0x3FB0]  }
0x2f: {  	lr =	sadd.s32 s0, s3;
	s0 =	sld [smem:$0x3FA7]  }
0x30: {  	s3 =	sld [smem:$0x3FAA]  }
0x31: {  	[smem:$0x3FB3] =	sst s10  }
0x32: {  	s10 =	sld [smem:$0x3FB1];
	_ =	sdelay $0x3  }
0x33: {  	p0 =	seq.s32 s10, $0x1;
	s10 =	sld [smem:$0x3FB3];
	_ =	sdelay $0x3  }
0x34: {  	[smem:$0x3FB3] =	sst s10  }
0x35: {  	s10 =	sld [smem:$0x3FB2];
	_ =	sdelay $0x3  }
0x36: {  	p1 =	seq.s32 s10, $0x1;
	s10 =	sld [smem:$0x3FB3];
	_ =	sdelay $0x3  }
0x37: {  	[smem:$0x3FB3] =	sst s10  }
0x38: {  	s10 =	sld [smem:$0x3FB4]  }
0x39: {  	_ = 	snop;
	(pc) =	sbr.ind lr, $3  }
0x3a: {  	_ = 	snop  }
0x3b: {  	_ = 	snop  }
0x3c: {  	p2 =	seq.s32 s10, $0x1;
	s10 =	sld [smem:$0x3FB3]  }
0x3d: {  	_ =	shalt  }
0x3e: {  	_ =	shalt  }
0x3f: {  	_ =	shalt  }
0x40: {  	_ =	shalt  }
0x41: {  	_ =	shalt  }
0x42: {  	_ =	shalt  }
0x43: {  	_ =	shalt  }
0x44: {  	_ =	shalt  }
0x45: {  	_ =	shalt  }
0x46: {  	_ =	shalt  }
0x47: {  	_ =	shalt  }
0x48: {  	_ =	shalt  }
0x49: {  	_ =	shalt  }
0x4a: {  	_ =	shalt  }
0x4b: {  	_ =	shalt  }
0x4c: {  	_ =	shalt  }
0x4d: {  	_ =	shalt  }
0x4e: {  	_ =	shalt  }
0x4f: {  	_ =	shalt  }
0x50: {  	_ =	shalt  }
0x51: {  	_ =	shalt  }
0x52: {  	_ =	shalt  }
0x53: {  	_ =	shalt  }
0x54: {  	_ =	shalt  }
0x55: {  	_ =	shalt  }
0x56: {  	_ =	shalt  }
0x57: {  	_ =	shalt  }
0x58: {  	_ =	shalt  }
0x59: {  	_ =	shalt  }
0x5a: {  	_ =	shalt  }
0x5b: {  	_ =	shalt  }
0x5c: {  	_ =	shalt  }
0x5d: {  	_ =	shalt  }
0x5e: {  	_ =	shalt  }
0x5f: {  	_ =	shalt  }
0x60: {  	_ =	shalt  }
0x61: {  	_ =	shalt  }
0x62: {  	_ =	shalt  }
0x63: {  	_ =	shalt  }
0x64: {  	_ =	shalt  }
0x65: {  	_ =	shalt  }
0x66: {  	_ =	shalt  }
0x67: {  	_ =	shalt  }
0x68: {  	_ =	shalt  }
0x69: {  	_ =	shalt  }
0x6a: {  	_ =	shalt  }
0x6b: {  	_ =	shalt  }
0x6c: {  	_ =	shalt  }
0x6d: {  	_ =	shalt  }
0x6e: {  	_ =	shalt  }
0x6f: {  	_ =	shalt  }
0x70: {  	_ =	shalt  }
0x71: {  	_ =	shalt  }
0x72: {  	_ =	shalt  }
0x73: {  	_ =	shalt  }
0x74: {  	_ =	shalt  }
0x75: {  	_ =	shalt  }
0x76: {  	_ =	shalt  }
0x77: {  	_ =	shalt  }
0x78: {  	_ =	shalt  }
0x79: {  	_ =	shalt  }
0x7a: {  	_ =	shalt  }
0x7b: {  	_ =	shalt  }
0x7c: {  	_ =	shalt  }
0x7d: {  	_ =	shalt  }
0x7e: {  	_ =	shalt  }
0x7f: {  	_ =	shalt  }
0x80: {  	_ =	shalt  }
0x81: {  	_ =	shalt  }
0x82: {  	_ =	shalt  }
0x83: {  	_ =	shalt  }
0x84: {  	_ =	shalt  }
0x85: {  	_ =	shalt  }
0x86: {  	_ =	shalt  }
0x87: {  	_ =	shalt  }
.Lfunc_end0:
.L_simem_size_0:
called_computation_lowered:
.L_overlay_start_0:
0x88: {  	s2 =	sld [smem:$0x3FD9]  }
0x89: {  	s3 =	sld [smem:$0x3FFE];
	_ =	sdelay $0x1  }
0x8a: {  	s1 =	srdreg.scid  }
0x8b: {  	s0 =	sand.u32 $0x1, s1  }
0x8c: {  	s17 =	sshll.u32 s0, $0xA;
	s2 =	sadd.s32 s3, s2  }
0x8d: {  	s2 =	sadd.s32 s2, s17  }
0x8e: {  	[smem:$0x3FBF] =	sst s2  }
0x8f: {  	_ = 	snop  }
0x90: {  	s2 =	sld [smem:$0x3FD0];
	(tm) =	ssettm $0x1  }
0x91: {  	s18 =	sld [smem:$0x3FFB];
	_ =	sdelay $0x3  }
0x92: {  	_ =	strace s18  }
0x93: {  	s3 =	sld [smem:$0x3FFC];
	_ =	sdelay $0x3  }
0x94: {  	_ =	strace s3  }
0x95: {  	s3 =	sld [smem:$0x3FFD];
	_ =	sdelay $0x3  }
0x96: {  	_ =	strace s3  }
0x97: {  	_ =	strace $0x8FFFFFFF  }
0x98: {  	s19 =	sld [smem:$0x3FDB];
	_ =	sdelay $0x1  }
0x99: {  	s4 =	simm.s32 $_scs_section_size  }
0x9a: {  	s5 =	simm.s32 $_size__tile_overlayer_lowered;
	s6 =	simm.s32 $_tile_overlayer_lowered  }
0x9b: {  	s22 =	simm.s32 $0x1BFF;
	s21 =	sshll.u32 s6, $0x1;
	s3 =	sadd.s32 s4, s19  }
0x9c: {  	s7 =	simm.s32 $0x0;
	s20 =	sshll.u32 s5, $0x1;
	s5 =	sadd.s32 s21, s3  }
0x9d: {  	[timem:s7], [sflag:s22] =	dma.local [hbm:s5], s20  }
0x9e: {  	_ =	swait.ge [sflag:s22], s20  }
0x9f: {  	s4 =	ssub.s32 $0x0, s20;
	[sflag:s22] =	ssyncset.done $0x0  }
0xa0: {  	[sflag:s22] =	ssyncadd.s32 s4;
	_ =	sdelay $0x1  }
0xa1: {  	s23 =	simm.s32 $0x1B8B  }
0xa2: {  	_ =	swait.ge [sflag:s23], $0x1  }
0xa3: {  	[sflag:s23] =	ssyncset.done $0x0  }
0xa4: {  	s25 =	simm.s32 $0x1B8E;
	s24 =	sld [smem:$0x3FFE];
	[sflag:s23] =	ssyncadd.s32 $0xFFFFFFFF  }
0xa5: {  	s26 =	simm.s32 $execute0_lowered;
	[smem:$0x3FD2] =	sst s25  }
0xa6: {  	s5 =	sshll.u32 s26, $0x1;
	_ =	strace $0x80000046;
	[dreg:$0x1] =	wrdreg $0xFFFFFFFF  }
0xa7: {  	s28 =	simm.s32 $_size_execute0_lowered;
	s3 =	sadd.s32 s3, s5;
	[dreg:$0x0] =	wrdreg $0x0  }
0xa8: {  	s5 =	sshll.u32 s28, $0x1;
	[dreg:$0x2] =	wrdreg s3  }
0xa9: {  	[dreg:$0x3] =	wrdreg s5  }
0xaa: {  	[dreg:$0x4] =	wrdreg $0xC0  }
0xab: {  	_ =	task [dreg:s7], $0x5FFFF  }
0xac: {  	[dreg:$0x1] =	wrdreg $0xFFFFFFFF  }
0xad: {  	[dreg:$0x0] =	wrdreg $0x60  }
0xae: {  	[dreg:$0x2] =	wrdreg s2  }
0xaf: {  	[dreg:$0x3] =	wrdreg s24  }
0xb0: {  	[dreg:$0x4] =	wrdreg $0x1C1000  }
0xb1: {  	[dreg:$0x5] =	wrdreg $0x1E9000  }
0xb2: {  	[dreg:$0x6] =	wrdreg $0x9  }
0xb3: {  	_ =	task.clear_ibuf [dreg:s7], $0x7FFFF;
	_ =	strace $0x90000046  }
0xb4: {  	s29 =	simm.s32 $0x9;
	_ =	strace $0x80000048  }
0xb5: {  	_ =	swait.ge [sflag:s29], $0x1  }
0xb6: {  	[sflag:s29] =	ssyncadd.s32 $0xFFFFFFFF  }
0xb7: {  	_ =	strace $0x90000048  }
0xb8: {  	_ =	sfence  }
0xb9: {  	s30 =	sld [smem:$0x0];
	_ =	sdelay $0x2  }
0xba: {  	s31 =	sshll.u32 s1, $0xD;
	s1 =	sshrl.u32 s1, $0x2  }
0xbb: {  	s3 =	sand.u32 $0x4000, s31;
	s1 =	sadd.s32 s1, s30  }
0xbc: {  	s0 =	sor.u32 s3, s0;
	s1 =	sshll.u32 s1, $0x11  }
0xbd: {  	s0 =	sor.u32 s1, s0  }
0xbe: {  	s0 =	sadd.s32 $0x8F2B, s0  }
0xbf: {  	[sflag:s0] =	ssyncadd.remote.s32 $0x1  }
0xc0: {  	_ =	sfence.sel $0xFFFF  }
0xc1: {  	[dreg:$0x0] =	wrdreg $0xFFFFFFFF;
	(pc) =	sbr.abs _section_cstart, $3  }
0xc2: {  	[dreg:$0x1] =	wrdreg $0xFFFFFFFF  }
0xc3: {  	_ =	task.clear_ibuf [dreg:s7], $0x2FFFF;
	_ =	strace $0x9FFFFFFF  }
0xc4: {  	(tm) =	ssettm $0x7FFFFFFF  }
0xc5: {  	_ =	shalt  }
tec
execute0_lowered:
.L_overlay_start_1:
0x0: {  	(tag) =	ssettag $0x1  }
0x1: {  	s0 =	rddreg [dreg:$0x0]  }
0x2: {  	s1 =	rddreg [dreg:$0x1]  }
0x3: {  	s3 =	rddreg [dreg:$0x2]  }
0x4: {  	s2 =	rddreg [dreg:$0x3]  }
0x5: {  	s14 =	stileid.u32;
	s7 =	simm.s32 $0x0;
	s24 =	srdreg.scid  }
0x6: {  	s16 =	simm.s32 $0x80;
	s17 =	simm.s32 $0x400;
	s18 =	simm.s32 $0x1  }
0x7: {  	s21 =	simm.s32 $0x11E00;
	s22 =	simm.s32 $0x1400;
	s23 =	simm.s32 $0x14000  }
0x8: {  	s28 =	simm.s32 $0x16E00;
	s29 =	simm.s32 $0x0;
	s6 =	sshrl.u32 s14, $0x3  }
0x9: {  	s4 =	sshll.u32 s14, $0x7;
	[smem:$0x7FF] =	sst s7;
	s19 =	sand.u32 $0x1, s24  }
0xa: {  	s26 =	sadd.s32 $0xD200, s1;
	s30 =	smul.u32 $0x5000, s14;
	s24 =	simm.s32 $0x19600  }
0xb: {  	s5 =	smul.u32 $0x29000, s6;
	s9 =	sand.u32 $0x380, s4;
	_ =	strace $0x80000047  }
0xc: {  	[dreg:$0x5] =	wrdreg s26;
	s10 =	ssub.s32 $0x2, s19;
	s13 =	smul.u32 $0x50000, s6  }
0xd: {  	p0 =	sne.s32 s19, $0x0;
	s26 =	simm.s32 $0xF600;
	s12 =	sshrl.u32 s10, $0x1  }
0xe: {  	s4 =	sor.u32 s9, s5;
	s15 =	ssub.s32 s10, s12;
	s31 =	sshrl.u32 s13, $0x2  }
0xf: {  	s10 =	sshrl.u32 s30, $0x2;
	s25 =	sshrl.u32 s4, $0x3;
	s4 =	smul.u32 $0x280, s14  }
0x10: {  	s10 =	sadd.s32 s10, s3;
	s15 =	smax.u32 s15, $0x1;
	s8 =	sadd.s32 s25, s1  }
0x11: {  	s6 =	sadd.s32 s0, s25;
	s0 =	sadd.s32 s31, s3;
	s25 =	simm.s32 $0x1BE00  }
0x12: {  	s11 =	sshrl.u32 s4, $0x3;
	s7 =	sadd.s32 $0x2E00, s8;
	s8 =	smul.u32 $0x5200, s14  }
0x13: {  	s9 =	sadd.s32 s9, s0;
	s14 =	sadd.s32 $0x14600, s4;
	s1 =	sadd.s32 s11, s1  }
0x14: {  	v0 =	vimm.f32 $0.0e+00;
	v1 =	vimm.f32 $1.000000000e+00;
	v2 =	vimm.f32 $9.999999740e-05;
	s11 =	sadd.s32 s4, s2;
	s12 =	sadd.s32 $0xDA00, s1;
	s13 =	sadd.s32 $0xD400, s1  }
.LBB2_1:
0x15: {  	s0 =	simm.s32 $0x0  }
0x16: {  	[tilespmem:s0], [sflag:$0x1] =	stream.strided.gather [hbm4b:s6+s16], $0x5200, s17, s16, $0x38;
	[tilespmem:$0x1EB80] =	vst v63  }
0x17: {  	_ =	swait.ge [sflag:s18], $0x5200  }
0x18: {  	[sflag:s18] =	ssyncset.done $0x0  }
0x19: {  	s1 =	simm.s32 $0x5200;
	[sflag:s18] =	ssyncadd.s32 $0xFFFFAE00  }
0x1a: {  	[tilespmem:s1], [sflag:$0x1] =	stream.strided.gather [hbm4b:s7+s16], $0x5200, s17, s16, $0x38;
	[tilespmem:$0x1EB80] =	vst v63  }
0x1b: {  	_ =	swait.ge [sflag:s18], $0x5200  }
0x1c: {  	[sflag:s18] =	ssyncset.done $0x0  }
0x1d: {  	s3 =	simm.s32 $0x1C080;
	s31 =	rddreg [dreg:$0x5];
	[sflag:s18] =	ssyncadd.s32 $0xFFFFAE00  }
0x1e: {  	[tilespmem:s3], [sflag:$0x1] =	stream.linear.gather [hbm4b:s31+s0], $0x80, $0x38;
	[tilespmem:$0x1EB80] =	vst v63  }
0x1f: {  	_ =	swait.ge [sflag:s18], $0x80  }
0x20: {  	[sflag:s18] =	ssyncset.done $0x0  }
0x21: {  	[sflag:s18] =	ssyncadd.s32 $0xFFFFFF80  }
0x22: {  	s0 =	simm.s32 $0x0;
	v3 =	vld [tilespmem:$0x1C080]  }
.LBB2_2:
0x23: {  	p1 =	sne.s32 s0, $0x9FC0  }
.Ltmp0:
0x24: {  	_ = 	snop;
	(pc) =	sbr.rel @p1 .LBB2_2-.Ltmp0, $3  }
0x25: {  	_ =	sdelay $0x1  }
0x26: {  	s1 =	sshra.s32 s0, $0x2  }
0x27: {  	s0 =	sadd.s32 $0x40, s0;
	[tilespmem:s1+$0x11E00] =	vst v0  }
0x28: {  	s0 =	simm.s32 $0x0  }
0x29: {  	v5 =	vld [tilespmem:s0+$0x0];
	_ =	sdelay $0x5  }
0x2a: {  	p1 =	slt.u32 s8, $0x50910  }
0x2b: {  	v4 =	vpsel !p1, $0x0, v1  }
0x2c: {  	s3 =	simm.s32 $0x10;
	s1 =	simm.s32 $0x80;
	s0 =	smov.u32 s8;
	[tilespmem:v5+s21+$0x0] =	vst.idx.add.f32.msk $0xffff, v4  }
.LBB2_4:
0x2d: {  	p1 =	sne.s32 s1, $0x147C0;
	v5 =	vld [tilespmem:s3+$0x0];
	_ =	sdelay $0x3  }
.Ltmp1:
0x2e: {  	(pc) =	sbr.rel @p1 .LBB2_4-.Ltmp1, $4  }
0x2f: {  	s0 =	sadd.s32 $0x10, s0  }
0x30: {  	p2 =	slt.u32 s0, $0x50910  }
0x31: {  	v6 =	vpsel !p2, $0x0, v1  }
0x32: {  	s3 =	sshra.s32 s1, $0x2;
	s1 =	sadd.s32 $0x40, s1;
	[tilespmem:v5+s21+$0x0] =	vst.idx.add.f32.msk $0xffff, v6  }
0x33: {  	v5 =	vld [tilespmem:s3+$0x0];
	_ =	sdelay $0x4  }
0x34: {  	s0 =	sadd.s32 $0x10, s0  }
0x35: {  	p1 =	slt.u32 s0, $0x50910  }
0x36: {  	v6 =	vpsel !p1, $0x0, v1  }
0x37: {  	[tilespmem:v5+s21+$0x0] =	vst.idx.add.f32.msk $0xffff, v6  }
0x38: {  	[spmem:s9] =	stream.strided.scatter [tilespmem:s21], [sflag:$0x1], $0x2800, s17, s16, $0x38;
	[tilespmem:$0x1EB80] =	vst v63  }
0x39: {  	_ =	swait.ge [sflag:s18], $0x2800  }
0x3a: {  	[sflag:s18] =	ssyncset.done $0x0  }
0x3b: {  	[sflag:s18] =	ssyncadd.s32 $0xFFFFD800  }
0x3c: {  	s5 =	simm.s32 $0x0;
	[bflag:$0x0] =	sbarrier.arrive $0xFFFF  }
0x3d: {  	[tilespmem:s24], [sflag:$0x1] =	stream.strided.gather [spmem:s10], $0x2800, s23, s22, $0x38;
	[tilespmem:$0x1EB80] =	vst v63  }
0x3e: {  	s1 =	sand.u32 $0x70, s5;
	s0 =	sand.u32 $0x1C00, s5;
	_ =	swait.ge [sflag:s18], $0x2800  }
0x3f: {  	s0 =	sor.u32 s1, s0;
	[sflag:s18] =	ssyncset.done $0x0  }
0x40: {  	s1 =	sadd.s32 $0x19600, s0;
	[sflag:s18] =	ssyncadd.s32 $0xFFFFD800  }
0x41: {  	v5 =	vld [tilespmem:s1+$0x80]  }
0x42: {  	v6 =	vld [tilespmem:s0+$0x19600];
	_ =	sdelay $0x1  }
0x43: {  	v7 =	vld [tilespmem:s1+$0x100];
	_ =	sdelay $0x1  }
0x44: {  	v8 =	vld [tilespmem:s1+$0x180]  }
0x45: {  	v5 =	vadd.f32 v5, v6  }
0x46: {  	v6 =	vld [tilespmem:s1+$0x200]  }
0x47: {  	v5 =	vadd.f32 v7, v5  }
0x48: {  	v7 =	vld [tilespmem:s1+$0x280]  }
0x49: {  	v5 =	vadd.f32 v8, v5  }
0x4a: {  	v60 =	vld [tilespmem:s1+$0x300]  }
0x4b: {  	v5 =	vadd.f32 v6, v5  }
0x4c: {  	v6 =	vld [tilespmem:s1+$0x380]  }
0x4d: {  	v5 =	vadd.f32 v7, v5  }
0x4e: {  	v7 =	vld [tilespmem:s0+$0x1AA00]  }
0x4f: {  	v5 =	vadd.f32 v60, v5  }
0x50: {  	v61 =	vld [tilespmem:s0+$0x1AA80]  }
0x51: {  	v5 =	vadd.f32 v6, v5  }
0x52: {  	v6 =	vld [tilespmem:s0+$0x1AB00]  }
0x53: {  	v5 =	vadd.f32 v7, v5  }
0x54: {  	v7 =	vld [tilespmem:s0+$0x1AB80]  }
0x55: {  	v5 =	vadd.f32 v61, v5  }
0x56: {  	v62 =	vld [tilespmem:s0+$0x1AC00]  }
0x57: {  	v5 =	vadd.f32 v6, v5  }
0x58: {  	v6 =	vld [tilespmem:s0+$0x1AC80]  }
0x59: {  	v5 =	vadd.f32 v7, v5  }
0x5a: {  	v7 =	vld [tilespmem:s0+$0x1AD00]  }
0x5b: {  	v5 =	vadd.f32 v62, v5  }
0x5c: {  	v63 =	vld [tilespmem:s0+$0x1AD80]  }
0x5d: {  	v5 =	vadd.f32 v6, v5;
	_ =	sdelay $0x1  }
0x5e: {  	v5 =	vadd.f32 v7, v5  }
0x5f: {  	s19 =	simm.s32 $0x10;
	s0 =	simm.s32 $0x80  }
0x60: {  	s1 =	sand.u32 $0x70, s19;
	s20 =	sand.u32 $0x1C00, s0;
	v5 =	vadd.f32 v63, v5  }
0x61: {  	s30 =	simm.s32 $0x1BE00;
	s31 =	sor.u32 s1, s20;
	s1 =	simm.s32 $0x20  }
.LBB2_6:
0x62: {  	p1 =	sne.s32 s1, $0x270;
	s3 =	sadd.s32 $0x19600, s31;
	[tilespmem:s30+$0x0] =	vst v5  }
0x63: {  	v5 =	vld [tilespmem:s3+$0x80]  }
0x64: {  	v6 =	vld [tilespmem:s31+$0x19600];
	_ =	sdelay $0x1  }
0x65: {  	v7 =	vld [tilespmem:s3+$0x100];
	_ =	sdelay $0x1  }
0x66: {  	v8 =	vld [tilespmem:s3+$0x180]  }
0x67: {  	v5 =	vadd.f32 v5, v6  }
0x68: {  	v6 =	vld [tilespmem:s3+$0x200]  }
0x69: {  	v5 =	vadd.f32 v7, v5  }
0x6a: {  	v7 =	vld [tilespmem:s3+$0x280]  }
0x6b: {  	v5 =	vadd.f32 v8, v5  }
0x6c: {  	v8 =	vld [tilespmem:s3+$0x300]  }
0x6d: {  	v5 =	vadd.f32 v6, v5  }
0x6e: {  	v6 =	vld [tilespmem:s3+$0x380]  }
0x6f: {  	v5 =	vadd.f32 v7, v5  }
0x70: {  	v7 =	vld [tilespmem:s31+$0x1AA00]  }
0x71: {  	v5 =	vadd.f32 v8, v5  }
0x72: {  	v8 =	vld [tilespmem:s31+$0x1AA80]  }
0x73: {  	v5 =	vadd.f32 v6, v5  }
0x74: {  	v6 =	vld [tilespmem:s31+$0x1AB00]  }
0x75: {  	v5 =	vadd.f32 v7, v5  }
0x76: {  	v7 =	vld [tilespmem:s31+$0x1AB80]  }
0x77: {  	v5 =	vadd.f32 v8, v5  }
0x78: {  	v8 =	vld [tilespmem:s31+$0x1AC00]  }
0x79: {  	v5 =	vadd.f32 v6, v5  }
0x7a: {  	v6 =	vld [tilespmem:s31+$0x1AC80]  }
0x7b: {  	v5 =	vadd.f32 v7, v5  }
0x7c: {  	v7 =	vld [tilespmem:s31+$0x1AD00]  }
0x7d: {  	v5 =	vadd.f32 v8, v5  }
0x7e: {  	v8 =	vld [tilespmem:s31+$0x1AD80]  }
0x7f: {  	v5 =	vadd.f32 v6, v5  }
.Ltmp2:
0x80: {  	(pc) =	sbr.rel @p1 .LBB2_6-.Ltmp2, $4  }
0x81: {  	v5 =	vadd.f32 v7, v5  }
0x82: {  	s0 =	sadd.s32 $0x80, s0  }
0x83: {  	s19 =	sand.u32 $0x1C00, s0;
	s3 =	sand.u32 $0x70, s1;
	v5 =	vadd.f32 v8, v5  }
0x84: {  	s30 =	sadd.s32 $0x10, s30;
	s1 =	sadd.s32 $0x10, s1;
	s31 =	sor.u32 s3, s19  }
0x85: {  	s0 =	sadd.s32 $0x19600, s31;
	[tilespmem:s30+$0x0] =	vst v5  }
0x86: {  	v5 =	vld [tilespmem:s0+$0x80]  }
0x87: {  	v6 =	vld [tilespmem:s31+$0x19600];
	_ =	sdelay $0x1  }
0x88: {  	v7 =	vld [tilespmem:s0+$0x100];
	_ =	sdelay $0x1  }
0x89: {  	v8 =	vld [tilespmem:s0+$0x180]  }
0x8a: {  	v5 =	vadd.f32 v5, v6  }
0x8b: {  	v6 =	vld [tilespmem:s0+$0x200]  }
0x8c: {  	v5 =	vadd.f32 v7, v5  }
0x8d: {  	v7 =	vld [tilespmem:s0+$0x280]  }
0x8e: {  	v5 =	vadd.f32 v8, v5  }
0x8f: {  	v8 =	vld [tilespmem:s0+$0x300]  }
0x90: {  	v5 =	vadd.f32 v6, v5  }
0x91: {  	v6 =	vld [tilespmem:s0+$0x380]  }
0x92: {  	v5 =	vadd.f32 v7, v5  }
0x93: {  	v7 =	vld [tilespmem:s31+$0x1AA00]  }
0x94: {  	v5 =	vadd.f32 v8, v5  }
0x95: {  	v8 =	vld [tilespmem:s31+$0x1AA80]  }
0x96: {  	v5 =	vadd.f32 v6, v5  }
0x97: {  	v6 =	vld [tilespmem:s31+$0x1AB00]  }
0x98: {  	v5 =	vadd.f32 v7, v5  }
0x99: {  	v7 =	vld [tilespmem:s31+$0x1AB80]  }
0x9a: {  	v5 =	vadd.f32 v8, v5  }
0x9b: {  	v8 =	vld [tilespmem:s31+$0x1AC00]  }
0x9c: {  	v5 =	vadd.f32 v6, v5  }
0x9d: {  	v6 =	vld [tilespmem:s31+$0x1AC80]  }
0x9e: {  	v5 =	vadd.f32 v7, v5  }
0x9f: {  	v7 =	vld [tilespmem:s31+$0x1AD00]  }
0xa0: {  	v5 =	vadd.f32 v8, v5  }
0xa1: {  	v8 =	vld [tilespmem:s31+$0x1AD80]  }
0xa2: {  	v5 =	vadd.f32 v6, v5;
	_ =	sdelay $0x1  }
0xa3: {  	v5 =	vadd.f32 v7, v5;
	_ =	sdelay $0x1  }
0xa4: {  	v5 =	vadd.f32 v8, v5  }
0xa5: {  	s20 =	sadd.s32 $0x10, s30  }
0xa6: {  	[tilespmem:s20+$0x0] =	vst v5  }
0xa7: {  	[spmem:s11] =	stream.linear.scatter [tilespmem:s25], [sflag:$0x1], $0x280, $0x38;
	[tilespmem:$0x1EB80] =	vst v63  }
0xa8: {  	_ =	swait.ge [sflag:s18], $0x280  }
0xa9: {  	[sflag:s18] =	ssyncset.done $0x0  }
0xaa: {  	[sflag:s18] =	ssyncadd.s32 $0xFFFFFD80  }
0xab: {  	[bflag:$0x0] =	sbarrier.arrive $0xFFFF  }
0xac: {  	[tilespmem:s26], [sflag:$0x1] =	stream.linear.gather [spmem:s2], $0x2800, $0x38;
	[tilespmem:$0x1EB80] =	vst v63  }
0xad: {  	_ =	swait.ge [sflag:s18], $0x2800  }
0xae: {  	[sflag:s18] =	ssyncset.done $0x0  }
0xaf: {  	s1 =	simm.s32 $0x0;
	[sflag:s18] =	ssyncadd.s32 $0xFFFFD800  }
0xb0: {  	v6 =	vld [tilespmem:s1+$0xF600];
	_ =	sdelay $0x4  }
0xb1: {  	v5 =	vmax.f32 v6, $1.000000000e-30  }
0xb2: {  	(erf) = vrcp.f32 v5;
	_ =	sdelay $0x1  }
0xb3: {  	s0 =	simm.s32 $0x10  }
0xb4: {  	v5 =	vld [tilespmem:s0+$0xF600];
	_ =	sdelay $0x4  }
0xb5: {  	s30 =	simm.s32 $0x20;
	v7 =	vmax.f32 v5, $1.000000000e-30  }
0xb6: {  	vm0 =	vgt.f32 v6, $0.0e+00;
	v6 =	vld [tilespmem:s30+$0xF600];
	v8 =	vpop (erf);
	(erf) = vrcp.f32 v7;
	_ =	sdelay $0x2  }
0xb7: {  	s3 =	simm.s32 $0x0  }
0xb8: {  	s19 =	simm.s32 $0x20;
	s31 =	simm.s32 $0x10;
	s20 =	simm.s32 $0xC0;
	v7 =	vnsel vm0, $0x0, v8  }
.LBB2_8:
0xb9: {  	s5 =	sshra.s32 s20, $0x2;
	p1 =	sne.s32 s20, $0x9FC0;
	s20 =	sadd.s32 $0x40, s20;
	v8 =	vmax.f32 v6, $1.000000000e-30;
	[tilespmem:s3+$0x16E00] =	vst v7;
	v7 =	vmov v6  }
.Ltmp3:
0xba: {  	s3 =	smov.u32 s31;
	s31 =	smov.u32 s19;
	v6 =	vld [tilespmem:s5+$0xF600];
	(erf) = vrcp.f32 v8;
	(pc) =	sbr.rel @p1 .LBB2_8-.Ltmp3, $3  }
0xbb: {  	s19 =	smov.u32 s5;
	_ =	sdelay $0x1  }
0xbc: {  	vm0 =	vgt.f32 v5, $0.0e+00;
	v5 =	vmov v7;
	v8 =	vpop (erf)  }
0xbd: {  	v7 =	vnsel vm0, $0x0, v8  }
0xbe: {  	v8 =	vmax.f32 v6, $1.000000000e-30  }
0xbf: {  	(erf) = vrcp.f32 v8;
	_ =	sdelay $0x5  }
0xc0: {  	p3 =	por $0x0, $0x0  }
.Ltmp4:
0xc1: {  	_ = 	snop;
	(pc) =	sbr.rel @p3 .LBB2_10-.Ltmp4, $4  }
0xc2: {  	vm0 =	vgt.f32 v5, $0.0e+00;
	v5 =	vpop (erf)  }
0xc3: {  	[tilespmem:s3+$0x16E00] =	vst v7;
	vm15 =	vgt.f32 v6, $0.0e+00;
	v5 =	vnsel vm0, $0x0, v5;
	v6 =	vpop (erf)  }
0xc4: {  	[tilespmem:s31+$0x16E00] =	vst v5;
	v5 =	vnsel vm15, $0x0, v6  }
0xc5: {  	p1 =	por $0x0, $0x0;
	p2 =	por $0x0, $0x0;
	[tilespmem:s19+$0x16E00] =	vst v5  }
0xc6: {  	v5 =	vld [tilespmem:s1+$0x0];
	_ =	sdelay $0x2  }
0xc7: {  	p3 =	por $0x0, $0x0  }
.Ltmp5:
0xc8: {  	_ = 	snop;
	(pc) =	sbr.rel @p3 .LBB2_12-.Ltmp5, $2  }
0xc9: {  	_ =	sdelay $0x2  }
0xca: {  	p1 =	por $0x1, $0x1;
	v5 =	vld.idx.msk [tilespmem:v5+s28+$0x0], $0xffff  }
0xcb: {  	v6 =	vld [tilespmem:s0+$0x0];
	_ =	sdelay $0x2  }
0xcc: {  	p3 =	por $0x0, $0x0  }
.Ltmp6:
0xcd: {  	_ = 	snop;
	(pc) =	sbr.rel @p3 .LBB2_14-.Ltmp6, $3  }
0xce: {  	v4 =	vmul.f32 v5, v4;
	_ =	sdelay $0x1  }
0xcf: {  	[tilespmem:s1+$0xA400] =	vst v4  }
0xd0: {  	p2 =	por $0x1, $0x1;
	s19 =	smov.u32 s8;
	s1 =	simm.s32 $0xC0;
	v5 =	vld.idx.msk [tilespmem:v6+s28+$0x0], $0xffff  }
.LBB2_15:
0xd1: {  	p3 =	seq.s32 s1, $0x147C0;
	v4 =	vld [tilespmem:s30+$0x0];
	_ =	sdelay $0x1  }
0xd2: {  	s19 =	sadd.s32 $0x10, s19  }
0xd3: {  	p4 =	slt.u32 s19, $0x50910  }
.Ltmp7:
0xd4: {  	v6 =	vpsel !p4, $0x0, v1;
	(pc) =	sbr.rel @!p3 .LBB2_15-.Ltmp7, $3  }
0xd5: {  	v5 =	vmul.f32 v5, v6;
	_ =	sdelay $0x1  }
0xd6: {  	[tilespmem:s0+$0xA400] =	vst v5;
	s0 =	smov.u32 s30  }
0xd7: {  	s30 =	sshra.s32 s1, $0x2;
	s1 =	sadd.s32 $0x40, s1;
	v5 =	vld.idx.msk [tilespmem:v4+s28+$0x0], $0xffff  }
0xd8: {  	s1 =	smov.u32 s0  }
.LBB2_17:
0xd9: {  	v4 =	vld [tilespmem:s30+$0x0];
	s0 =	sadd.s32 @p2 $0x10, s19;
	s3 =	smov.u32 s8  }
0xda: {  	s3 =	smov.u32 @p2 s0  }
0xdb: {  	p2 =	slt.u32 @p1 s3, $0x50910  }
0xdc: {  	v6 =	vimm.f32 $1.000000000e+00;
	p2 =	por !p2, !p1  }
0xdd: {  	v6 =	vpsel p2, $0x0, v6  }
0xde: {  	v5 =	vmul.f32 @p1 v5, v6;
	_ =	sdelay $0x1  }
0xdf: {  	[tilespmem:s1+$0xA400] =	vst @p1 v5  }
0xe0: {  	v4 =	vld.idx.msk [tilespmem:v4+s28+$0x0], $0xffff  }
0xe1: {  	s0 =	sadd.s32 @p1 $0x10, s3;
	s1 =	smov.u32 s8  }
0xe2: {  	s1 =	smov.u32 @p1 s0  }
0xe3: {  	p1 =	slt.u32 s1, $0x50910  }
0xe4: {  	v5 =	vpsel !p1, $0x0, v1  }
0xe5: {  	v4 =	vmul.f32 v4, v5;
	_ =	sdelay $0x1  }
0xe6: {  	s0 =	simm.s32 $0x40;
	s1 =	simm.s32 $0x0;
	[tilespmem:s30+$0xA400] =	vst v4  }
.LBB2_18:
0xe7: {  	p1 =	seq.s32 s0, $0x9FC0;
	[tilespmem:s1+$0xF600] =	vst v2;
	s1 =	smov.u32 s0;
	s0 =	sadd.s32 $0x40, s0  }
.Ltmp8:
0xe8: {  	(pc) =	sbr.rel @!p1 .LBB2_18-.Ltmp8, $2  }
0xe9: {  	_ =	sdelay $0x2  }
0xea: {  	s1 =	sshra.s32 s1, $0x2  }
0xeb: {  	[tilespmem:s1+$0xF600] =	vst v2;
	v4 =	vsub.f32 $1.000000000e+00, v3;
	v3 =	vmul.f32 $9.999999740e-05, v3;
	s30 =	simm.s32 $0x0  }
.LBB2_20:
0xec: {  	s0 =	simm.s32 $0x0  }
.LBB2_21:
0xed: {  	p1 =	sne.s32 s0, $0x9FC0  }
.Ltmp9:
0xee: {  	_ = 	snop;
	(pc) =	sbr.rel @p1 .LBB2_21-.Ltmp9, $3  }
0xef: {  	_ =	sdelay $0x1  }
0xf0: {  	s1 =	sshra.s32 s0, $0x2  }
0xf1: {  	s0 =	sadd.s32 $0x40, s0;
	[tilespmem:s1+$0x11E00] =	vst v0  }
0xf2: {  	s1 =	simm.s32 $0x0;
	s0 =	simm.s32 $0x40  }
.LBB2_23:
0xf3: {  	p1 =	sne.s32 s0, $0x147C0;
	v5 =	vld [tilespmem:s1+$0x0];
	_ =	sdelay $0x6  }
0xf4: {  	v6 =	vld [tilespmem:s1+$0x5200]  }
0xf5: {  	v5 =	vld.idx.msk [tilespmem:v5+s26+$0x0], $0xffff  }
0xf6: {  	v7 =	vld [tilespmem:s1+$0xA400];
	_ =	sdelay $0x2  }
.Ltmp10:
0xf7: {  	(pc) =	sbr.rel @p1 .LBB2_23-.Ltmp10, $3  }
0xf8: {  	_ = 	snop  }
0xf9: {  	v5 =	vmul.f32 v7, v5;
	_ =	sdelay $0x1  }
0xfa: {  	s1 =	sshra.s32 s0, $0x2;
	s0 =	sadd.s32 $0x40, s0;
	[tilespmem:v6+s21+$0x0] =	vst.idx.add.f32.msk $0xffff, v5  }
0xfb: {  	v5 =	vld [tilespmem:s1+$0x0];
	_ =	sdelay $0x5  }
0xfc: {  	v6 =	vld [tilespmem:s1+$0x5200]  }
0xfd: {  	v7 =	vld [tilespmem:s1+$0xA400]  }
0xfe: {  	v5 =	vld.idx.msk [tilespmem:v5+s26+$0x0], $0xffff;
	_ =	sdelay $0x4  }
0xff: {  	v5 =	vmul.f32 v7, v5;
	_ =	sdelay $0x1  }
0x100: {  	[tilespmem:v6+s21+$0x0] =	vst.idx.add.f32.msk $0xffff, v5  }
0x101: {  	[spmem:s9] =	stream.strided.scatter [tilespmem:s21], [sflag:$0x1], $0x2800, s17, s16, $0x38;
	[tilespmem:$0x1EB80] =	vst v63  }
0x102: {  	_ =	swait.ge [sflag:s18], $0x2800  }
0x103: {  	[sflag:s18] =	ssyncset.done $0x0  }
0x104: {  	[sflag:s18] =	ssyncadd.s32 $0xFFFFD800  }
0x105: {  	s0 =	simm.s32 $0x0;
	[bflag:$0x0] =	sbarrier.arrive $0xFFFF  }
0x106: {  	[tilespmem:s24], [sflag:$0x1] =	stream.strided.gather [spmem:s10], $0x2800, s23, s22, $0x38;
	[tilespmem:$0x1EB80] =	vst v63  }
0x107: {  	s19 =	sand.u32 $0x70, s0;
	s0 =	sand.u32 $0x1C00, s0;
	_ =	swait.ge [sflag:s18], $0x2800  }
0x108: {  	s0 =	sor.u32 s19, s0;
	[sflag:s18] =	ssyncset.done $0x0  }
0x109: {  	s1 =	sadd.s32 $0x19600, s0;
	[sflag:s18] =	ssyncadd.s32 $0xFFFFD800  }
0x10a: {  	v5 =	vld [tilespmem:s1+$0x80]  }
0x10b: {  	v6 =	vld [tilespmem:s0+$0x19600];
	_ =	sdelay $0x1  }
0x10c: {  	v7 =	vld [tilespmem:s1+$0x100];
	_ =	sdelay $0x1  }
0x10d: {  	v8 =	vld [tilespmem:s1+$0x180]  }
0x10e: {  	v5 =	vadd.f32 v5, v6  }
0x10f: {  	v6 =	vld [tilespmem:s1+$0x200]  }
0x110: {  	v5 =	vadd.f32 v7, v5  }
0x111: {  	v7 =	vld [tilespmem:s1+$0x280]  }
0x112: {  	v5 =	vadd.f32 v8, v5  }
0x113: {  	v60 =	vld [tilespmem:s1+$0x300]  }
0x114: {  	v5 =	vadd.f32 v6, v5  }
0x115: {  	v6 =	vld [tilespmem:s1+$0x380]  }
0x116: {  	v5 =	vadd.f32 v7, v5  }
0x117: {  	v7 =	vld [tilespmem:s0+$0x1AA00]  }
0x118: {  	v5 =	vadd.f32 v60, v5  }
0x119: {  	v61 =	vld [tilespmem:s0+$0x1AA80]  }
0x11a: {  	v5 =	vadd.f32 v6, v5  }
0x11b: {  	v6 =	vld [tilespmem:s0+$0x1AB00]  }
0x11c: {  	v5 =	vadd.f32 v7, v5  }
0x11d: {  	v7 =	vld [tilespmem:s0+$0x1AB80]  }
0x11e: {  	v5 =	vadd.f32 v61, v5  }
0x11f: {  	v62 =	vld [tilespmem:s0+$0x1AC00]  }
0x120: {  	v5 =	vadd.f32 v6, v5  }
0x121: {  	v6 =	vld [tilespmem:s0+$0x1AC80]  }
0x122: {  	v5 =	vadd.f32 v7, v5  }
0x123: {  	v7 =	vld [tilespmem:s0+$0x1AD00]  }
0x124: {  	v5 =	vadd.f32 v62, v5  }
0x125: {  	v63 =	vld [tilespmem:s0+$0x1AD80]  }
0x126: {  	v5 =	vadd.f32 v6, v5;
	_ =	sdelay $0x1  }
0x127: {  	v5 =	vadd.f32 v7, v5  }
0x128: {  	s20 =	simm.s32 $0x10;
	s1 =	simm.s32 $0x80  }
0x129: {  	s3 =	sand.u32 $0x1C00, s1;
	s0 =	sand.u32 $0x70, s20;
	v5 =	vadd.f32 v63, v5  }
0x12a: {  	s31 =	simm.s32 $0x1BE00;
	s19 =	simm.s32 $0x20;
	s0 =	sor.u32 s0, s3  }
.LBB2_25:
0x12b: {  	p1 =	sne.s32 s19, $0x270;
	s3 =	sadd.s32 $0x19600, s0;
	[tilespmem:s31+$0x0] =	vst v5  }
0x12c: {  	v5 =	vld [tilespmem:s3+$0x80]  }
0x12d: {  	v6 =	vld [tilespmem:s0+$0x19600];
	_ =	sdelay $0x1  }
0x12e: {  	v7 =	vld [tilespmem:s3+$0x100];
	_ =	sdelay $0x1  }
0x12f: {  	v8 =	vld [tilespmem:s3+$0x180]  }
0x130: {  	v5 =	vadd.f32 v5, v6  }
0x131: {  	v6 =	vld [tilespmem:s3+$0x200]  }
0x132: {  	v5 =	vadd.f32 v7, v5  }
0x133: {  	v7 =	vld [tilespmem:s3+$0x280]  }
0x134: {  	v5 =	vadd.f32 v8, v5  }
0x135: {  	v8 =	vld [tilespmem:s3+$0x300]  }
0x136: {  	v5 =	vadd.f32 v6, v5  }
0x137: {  	v6 =	vld [tilespmem:s3+$0x380]  }
0x138: {  	v5 =	vadd.f32 v7, v5  }
0x139: {  	v7 =	vld [tilespmem:s0+$0x1AA00]  }
0x13a: {  	v5 =	vadd.f32 v8, v5  }
0x13b: {  	v8 =	vld [tilespmem:s0+$0x1AA80]  }
0x13c: {  	v5 =	vadd.f32 v6, v5  }
0x13d: {  	v6 =	vld [tilespmem:s0+$0x1AB00]  }
0x13e: {  	v5 =	vadd.f32 v7, v5  }
0x13f: {  	v7 =	vld [tilespmem:s0+$0x1AB80]  }
0x140: {  	v5 =	vadd.f32 v8, v5  }
0x141: {  	v8 =	vld [tilespmem:s0+$0x1AC00]  }
0x142: {  	v5 =	vadd.f32 v6, v5  }
0x143: {  	v6 =	vld [tilespmem:s0+$0x1AC80]  }
0x144: {  	v5 =	vadd.f32 v7, v5  }
0x145: {  	v7 =	vld [tilespmem:s0+$0x1AD00]  }
0x146: {  	v5 =	vadd.f32 v8, v5  }
0x147: {  	v8 =	vld [tilespmem:s0+$0x1AD80]  }
0x148: {  	v5 =	vadd.f32 v6, v5  }
.Ltmp11:
0x149: {  	(pc) =	sbr.rel @p1 .LBB2_25-.Ltmp11, $4  }
0x14a: {  	v5 =	vadd.f32 v7, v5  }
0x14b: {  	s1 =	sadd.s32 $0x80, s1  }
0x14c: {  	s3 =	sand.u32 $0x1C00, s1;
	s0 =	sand.u32 $0x70, s19;
	v5 =	vadd.f32 v8, v5  }
0x14d: {  	s31 =	sadd.s32 $0x10, s31;
	s19 =	sadd.s32 $0x10, s19;
	s0 =	sor.u32 s0, s3  }
0x14e: {  	s1 =	sadd.s32 $0x19600, s0;
	[tilespmem:s31+$0x0] =	vst v5  }
0x14f: {  	v5 =	vld [tilespmem:s1+$0x80]  }
0x150: {  	v6 =	vld [tilespmem:s0+$0x19600];
	_ =	sdelay $0x1  }
0x151: {  	v7 =	vld [tilespmem:s1+$0x100];
	_ =	sdelay $0x1  }
0x152: {  	v8 =	vld [tilespmem:s1+$0x180]  }
0x153: {  	v5 =	vadd.f32 v5, v6  }
0x154: {  	v6 =	vld [tilespmem:s1+$0x200]  }
0x155: {  	v5 =	vadd.f32 v7, v5  }
0x156: {  	v7 =	vld [tilespmem:s1+$0x280]  }
0x157: {  	v5 =	vadd.f32 v8, v5  }
0x158: {  	v60 =	vld [tilespmem:s1+$0x300]  }
0x159: {  	v5 =	vadd.f32 v6, v5  }
0x15a: {  	v6 =	vld [tilespmem:s1+$0x380]  }
0x15b: {  	v5 =	vadd.f32 v7, v5  }
0x15c: {  	v7 =	vld [tilespmem:s0+$0x1AA00]  }
0x15d: {  	v5 =	vadd.f32 v60, v5  }
0x15e: {  	v61 =	vld [tilespmem:s0+$0x1AA80]  }
0x15f: {  	v5 =	vadd.f32 v6, v5  }
0x160: {  	v6 =	vld [tilespmem:s0+$0x1AB00]  }
0x161: {  	v5 =	vadd.f32 v7, v5  }
0x162: {  	v7 =	vld [tilespmem:s0+$0x1AB80]  }
0x163: {  	v5 =	vadd.f32 v61, v5  }
0x164: {  	v62 =	vld [tilespmem:s0+$0x1AC00]  }
0x165: {  	v5 =	vadd.f32 v6, v5  }
0x166: {  	v6 =	vld [tilespmem:s0+$0x1AC80]  }
0x167: {  	v5 =	vadd.f32 v7, v5  }
0x168: {  	v7 =	vld [tilespmem:s0+$0x1AD00]  }
0x169: {  	v5 =	vadd.f32 v62, v5  }
0x16a: {  	v63 =	vld [tilespmem:s0+$0x1AD80]  }
0x16b: {  	v5 =	vadd.f32 v6, v5;
	_ =	sdelay $0x1  }
0x16c: {  	v5 =	vadd.f32 v7, v5;
	_ =	sdelay $0x1  }
0x16d: {  	v5 =	vadd.f32 v63, v5  }
0x16e: {  	s31 =	sadd.s32 $0x10, s31  }
0x16f: {  	[tilespmem:s31+$0x0] =	vst v5  }
0x170: {  	[spmem:s11] =	stream.linear.scatter [tilespmem:s25], [sflag:$0x1], $0x280, $0x38;
	[tilespmem:$0x1EB80] =	vst v63  }
0x171: {  	_ =	swait.ge [sflag:s18], $0x280  }
0x172: {  	[sflag:s18] =	ssyncset.done $0x0  }
0x173: {  	[sflag:s18] =	ssyncadd.s32 $0xFFFFFD80  }
0x174: {  	[bflag:$0x0] =	sbarrier.arrive $0xFFFF  }
0x175: {  	[tilespmem:s26], [sflag:$0x1] =	stream.linear.gather [spmem:s2], $0x2800, $0x38;
	[tilespmem:$0x1EB80] =	vst v63  }
0x176: {  	_ =	swait.ge [sflag:s18], $0x2800  }
0x177: {  	[sflag:s18] =	ssyncset.done $0x0  }
0x178: {  	s1 =	simm.s32 $0x40;
	s0 =	simm.s32 $0x0;
	v5 =	vimm.f32 $0.0e+00;
	[sflag:s18] =	ssyncadd.s32 $0xFFFFD800  }
.LBB2_27:
0x179: {  	p1 =	sne.s32 s1, $0x9C00;
	v6 =	vld [tilespmem:s0+$0xF600];
	_ =	sdelay $0x4  }
.Ltmp12:
0x17a: {  	v6 =	vmul.f32 v6, v4;
	(pc) =	sbr.rel @p1 .LBB2_27-.Ltmp12, $3  }
0x17b: {  	_ = 	snop  }
0x17c: {  	v6 =	vadd.f32 v6, v3;
	_ =	sdelay $0x1  }
0x17d: {  	[tilespmem:s0+$0xF600] =	vst v6;
	s0 =	sshra.s32 s1, $0x2;
	s1 =	sadd.s32 $0x40, s1;
	v5 =	vadd.f32 v6, v5  }
0x17e: {  	v6 =	vld [tilespmem:s0+$0xF600];
	_ =	sdelay $0x4  }
0x17f: {  	v6 =	vmul.f32 v6, v4;
	_ =	sdelay $0x1  }
0x180: {  	v6 =	vadd.f32 v6, v3;
	_ =	sdelay $0x1  }
0x181: {  	v5 =	vadd.f32 v6, v5;
	_ =	sdelay $0x1  }
0x182: {  	(xrf2) =	vadd.scan.msk.f32 $0xffff, v5;
	_ =	sdelay $0x9  }
0x183: {  	v5, _, _ =	vpop (xrf2)  }
0x184: {  	v5 =	vbroadcast v5, $0xF;
	_ =	sdelay $0x1  }
0x185: {  	(erf) = vrcp.f32 v5;
	_ =	sdelay $0x8  }
0x186: {  	s1 =	simm.s32 $0x40;
	[tilespmem:s0+$0xF600] =	vst v6;
	s0 =	simm.s32 $0x0;
	v5 =	vpop (erf)  }
.LBB2_29:
0x187: {  	p1 =	sne.s32 s1, $0x9C00;
	v6 =	vld [tilespmem:s0+$0xF600];
	_ =	sdelay $0x2  }
.Ltmp13:
0x188: {  	(pc) =	sbr.rel @p1 .LBB2_29-.Ltmp13, $3  }
0x189: {  	_ = 	snop  }
0x18a: {  	v6 =	vmul.f32 v6, v5;
	_ =	sdelay $0x1  }
0x18b: {  	[tilespmem:s0+$0xF600] =	vst v6;
	s0 =	sshra.s32 s1, $0x2;
	s1 =	sadd.s32 $0x40, s1  }
0x18c: {  	v6 =	vld [tilespmem:s0+$0xF600]  }
0x18d: {  	s30 =	sadd.s32 $0x1, s30  }
0x18e: {  	p1 =	sne.s32 s30, $0x14  }
.Ltmp14:
0x18f: {  	_ = 	snop;
	(pc) =	sbr.rel @p1 .LBB2_20-.Ltmp14, $3  }
0x190: {  	_ = 	snop  }
0x191: {  	v5 =	vmul.f32 v6, v5;
	_ =	sdelay $0x1  }
0x192: {  	[tilespmem:s0+$0xF600] =	vst v5;
	s0 =	simm.s32 $0x0  }
0x193: {  	s1 =	sshra.s32 s0, $0x2;
	s19 =	sadd.s32 $0x40, s0  }
.LBB2_32:
0x194: {  	p1 =	sne.s32 s19, $0x9FC0;
	v3 =	vld [tilespmem:s1+$0xF600];
	_ =	sdelay $0x4  }
0x195: {  	v3 =	vmax.f32 v3, $9.999999960e-13  }
0x196: {  	v4 =	vshra.s32 v3, $0x1;
	v5 =	vmul.f32 $5.000000000e-01, v3  }
0x197: {  	v4 =	vsub.s32 $0x5F3759DF, v4  }
0x198: {  	v6 =	vmul.f32 v4, v5;
	_ =	sdelay $0x1  }
0x199: {  	v6 =	vmul.f32 v4, v6;
	_ =	sdelay $0x1  }
0x19a: {  	v6 =	vsub.f32 $1.500000000e+00, v6;
	_ =	sdelay $0x1  }
0x19b: {  	v4 =	vmul.f32 v4, v6;
	_ =	sdelay $0x1  }
0x19c: {  	v6 =	vmul.f32 v4, v5;
	_ =	sdelay $0x1  }
0x19d: {  	v6 =	vmul.f32 v6, v4;
	_ =	sdelay $0x1  }
0x19e: {  	v6 =	vsub.f32 $1.500000000e+00, v6;
	_ =	sdelay $0x1  }
0x19f: {  	v4 =	vmul.f32 v6, v4;
	_ =	sdelay $0x1  }
0x1a0: {  	v5 =	vmul.f32 v4, v5;
	_ =	sdelay $0x1  }
0x1a1: {  	v5 =	vmul.f32 v5, v4;
	_ =	sdelay $0x1  }
0x1a2: {  	v5 =	vsub.f32 $1.500000000e+00, v5;
	_ =	sdelay $0x1  }
.Ltmp15:
0x1a3: {  	v4 =	vmul.f32 v5, v4;
	(pc) =	sbr.rel @p1 .LBB2_32-.Ltmp15, $3  }
0x1a4: {  	_ = 	snop  }
0x1a5: {  	[tilespmem:s1+$0x14600] =	vst v4;
	v3 =	vmul.f32 v4, v3;
	_ =	sdelay $0x1  }
0x1a6: {  	[tilespmem:s1+$0xF600] =	vst v3;
	s1 =	sshra.s32 s19, $0x2;
	s19 =	sadd.s32 $0x40, s19  }
0x1a7: {  	v3 =	vld [tilespmem:s1+$0xF600];
	_ =	sdelay $0x4  }
0x1a8: {  	v3 =	vmax.f32 v3, $9.999999960e-13  }
0x1a9: {  	v4 =	vshra.s32 v3, $0x1;
	v5 =	vmul.f32 $5.000000000e-01, v3  }
0x1aa: {  	v4 =	vsub.s32 $0x5F3759DF, v4  }
0x1ab: {  	v6 =	vmul.f32 v4, v5;
	_ =	sdelay $0x1  }
0x1ac: {  	v6 =	vmul.f32 v4, v6;
	_ =	sdelay $0x1  }
0x1ad: {  	v6 =	vsub.f32 $1.500000000e+00, v6;
	_ =	sdelay $0x1  }
0x1ae: {  	v4 =	vmul.f32 v4, v6;
	_ =	sdelay $0x1  }
0x1af: {  	v6 =	vmul.f32 v4, v5;
	_ =	sdelay $0x1  }
0x1b0: {  	v6 =	vmul.f32 v6, v4;
	_ =	sdelay $0x1  }
0x1b1: {  	v6 =	vsub.f32 $1.500000000e+00, v6;
	_ =	sdelay $0x1  }
0x1b2: {  	v4 =	vmul.f32 v6, v4;
	_ =	sdelay $0x1  }
0x1b3: {  	v5 =	vmul.f32 v4, v5;
	_ =	sdelay $0x1  }
0x1b4: {  	v5 =	vmul.f32 v5, v4;
	_ =	sdelay $0x1  }
0x1b5: {  	v5 =	vsub.f32 $1.500000000e+00, v5;
	_ =	sdelay $0x1  }
0x1b6: {  	v4 =	vmul.f32 v5, v4;
	_ =	sdelay $0x1  }
0x1b7: {  	s3 =	sadd.s32 $0x0, s4;
	v3 =	vmul.f32 v4, v3  }
0x1b8: {  	s0 =	sand.u32 $0x70, s0;
	s3 =	sand.u32 $0x7F80, s3;
	[tilespmem:s1+$0x14600] =	vst v4  }
0x1b9: {  	s0 =	sor.u32 s0, s3;
	[tilespmem:s1+$0xF600] =	vst v3  }
0x1ba: {  	v3 =	vld [tilespmem:s0+$0xF600];
	_ =	sdelay $0x1  }
0x1bb: {  	v4 =	vld [tilespmem:s0+$0x16E00];
	_ =	sdelay $0x2  }
0x1bc: {  	v3 =	vmul.f32 $5.000000000e-01, v3  }
0x1bd: {  	s19 =	sadd.s32 $0x10, s4  }
0x1be: {  	s3 =	simm.s32 $0x20;
	s1 =	simm.s32 $0x10;
	s0 =	simm.s32 $0x1BE00;
	v3 =	vmul.f32 v4, v3  }
.LBB2_34:
0x1bf: {  	p1 =	sne.s32 s3, $0x270;
	s5 =	sand.u32 $0x7F80, s19;
	s1 =	sand.u32 $0x70, s1  }
0x1c0: {  	s5 =	sor.u32 s1, s5;
	[tilespmem:s0+$0x0] =	vst v3;
	s1 =	smov.u32 s3  }
0x1c1: {  	v3 =	vld [tilespmem:s5+$0xF600];
	_ =	sdelay $0x1  }
0x1c2: {  	v4 =	vld [tilespmem:s5+$0x16E00]  }
.Ltmp16:
0x1c3: {  	(pc) =	sbr.rel @p1 .LBB2_34-.Ltmp16, $3  }
0x1c4: {  	_ = 	snop  }
0x1c5: {  	v3 =	vmul.f32 $5.000000000e-01, v3;
	_ =	sdelay $0x1  }
0x1c6: {  	s3 =	sadd.s32 $0x10, s3;
	s0 =	sadd.s32 $0x10, s0;
	s19 =	sadd.s32 s1, s4;
	v3 =	vmul.f32 v4, v3  }
0x1c7: {  	s3 =	sand.u32 $0x7F80, s19;
	s1 =	sand.u32 $0x70, s1  }
0x1c8: {  	s1 =	sor.u32 s1, s3;
	[tilespmem:s0+$0x0] =	vst v3  }
0x1c9: {  	v3 =	vld [tilespmem:s1+$0xF600];
	_ =	sdelay $0x1  }
0x1ca: {  	v4 =	vld [tilespmem:s1+$0x16E00];
	_ =	sdelay $0x2  }
0x1cb: {  	v3 =	vmul.f32 $5.000000000e-01, v3;
	_ =	sdelay $0x1  }
0x1cc: {  	v3 =	vmul.f32 v4, v3  }
0x1cd: {  	s31 =	sadd.s32 $0x10, s0  }
0x1ce: {  	s0 =	simm.s32 @!p0 $0x0;
	s1 =	simm.s32 @!p0 $0x1BE00;
	[tilespmem:s31+$0x0] =	vst v3  }
0x1cf: {  	[hbm4b:s12+s0] =	stream.linear.scatter @!p0 [tilespmem:s1], [sflag:$0x1], $0x280, $0x38;
	[tilespmem:$0x1EB80] =	vst v63  }
0x1d0: {  	s1 =	simm.s32 @!p0 $0x1  }
0x1d1: {  	_ =	swait.ge @!p0 [sflag:s1], $0x280  }
0x1d2: {  	s29 =	sadd.s32 $0x1, s29;
	[sflag:s1] =	ssyncset.done @!p0 $0x0  }
0x1d3: {  	p1 =	sne.s32 s29, s15;
	[sflag:s1] =	ssyncadd.s32 @!p0 $0xFFFFFD80  }
0x1d4: {  	[hbm4b:s13+s0] =	stream.linear.scatter @!p0 [tilespmem:s14], [sflag:$0x1], $0x280, $0x38;
	[tilespmem:$0x1EB80] =	vst v63  }
.Ltmp17:
0x1d5: {  	_ = 	snop;
	(pc) =	sbr.rel @p1 .LBB2_1-.Ltmp17, $4  }
.Ltmp18:
0x1d6: {  	_ = 	snop;
	(pc) =	sbr.rel @!p1 .LBB2_36-.Ltmp18, $4  }
0x1d7: {  	_ =	swait.ge @!p0 [sflag:s1], $0x280  }
0x1d8: {  	[sflag:s1] =	ssyncset.done @!p0 $0x0  }
0x1d9: {  	[sflag:s1] =	ssyncadd.s32 @!p0 $0xFFFFFD80  }
0x1da: {  	_ = 	snop  }
.LBB2_10:
.Ltmp19:
0x1db: {  	(pc) =	sbr.rel .LBB2_17-.Ltmp19, $2  }
0x1dc: {  	_ =	sdelay $0x2  }
0x1dd: {  	s30 =	simm.s32 $0x0;
	s19 =	smov.u32 s8  }
.LBB2_12:
.Ltmp20:
0x1de: {  	(pc) =	sbr.rel .LBB2_17-.Ltmp20, $2  }
0x1df: {  	_ =	sdelay $0x2  }
0x1e0: {  	s30 =	simm.s32 $0x10;
	s19 =	smov.u32 s8  }
.LBB2_14:
.Ltmp21:
0x1e1: {  	(pc) =	sbr.rel .LBB2_17-.Ltmp21, $2  }
0x1e2: {  	_ =	sdelay $0x2  }
0x1e3: {  	s19 =	smov.u32 s8;
	s1 =	simm.s32 $0x10  }
.LBB2_36:
0x1e4: {  	_ =	sfence.sel $0x180000  }
0x1e5: {  	[bflag:$0x0] =	sbarrier.arrive $0xFFFF  }
0x1e6: {  	_ =	strace $0x90000047  }
0x1e7: {  	s0 =	stileid.u32;
	[bflag:$0x2] =	sbarrier.arrive $0xFFFF  }
0x1e8: {  	p0 =	sne.s32 s0, $0x0;
	s0 =	rddreg [dreg:$0x4]  }
0x1e9: {  	s0 =	sadd.s32 @!p0 $0x100000, s0  }
0x1ea: {  	[sflag:s0] =	ssyncadd.tile.s32 @!p0 $0x1;
	_ =	shalt  }
.Lfunc_end2:
_tile_overlayer_lowered:
.L_overlay_start_2:
0x1eb: {  	(tag) =	ssettag $0x2  }
0x1ec: {  	s0 =	rddreg [dreg:$0x0];
	s2 =	stileid.u32  }
0x1ed: {  	s1 =	rddreg [dreg:$0x1];
	p0 =	sne.s32 s2, $0x0  }
0x1ee: {  	s3 =	rddreg [dreg:$0x2];
	[bflag:$0x3] =	sbarrier.arrive $0xFFFF;
	s2 =	simm.s32 @!p0 $0x1C01  }
0x1ef: {  	[timem:s3], [sflag:s2] =	dma.local @!p0 [hbm:s0], s1  }
0x1f0: {  	s0 =	simm.s32 @!p0 $0x1  }
0x1f1: {  	_ =	swait.ge @!p0 [sflag:s0], s1  }
0x1f2: {  	s1 =	ssub.s32 @!p0 $0x0, s1;
	[sflag:s0] =	ssyncset.done @!p0 $0x0  }
0x1f3: {  	[sflag:s0] =	ssyncadd.s32 @!p0 s1  }
0x1f4: {  	[bflag:$0x3] =	sbarrier.arrive $0xFFFF  }
0x1f5: {  	_ =	shalt  }

// kernel: kernel.16.cloned.1.call-start
scs
__scs_entry_jumppad:
0x0: {  	(pc) =	sbr.rel $0x88, $3  }
0x1: {  	(tag) =	ssettag $0x0;
	lr =	simm.s32 $0x1  }
0x2: {  	[smem:$0x3F98] =	sst lr;
	_ =	strace $0xD0000000  }
0x3: {  	_ = 	snop  }
0x4: {  	_ = 	snop  }
0x5: {  	_ = 	snop  }
0x6: {  	_ = 	snop  }
0x7: {  	_ = 	snop  }
__scs_overlays_trampoline_lowered:
0x8: {  	[smem:$0x3FA7] =	sst s0  }
0x9: {  	[smem:$0x3FA8] =	sst s1  }
0xa: {  	[smem:$0x3FA9] =	sst s2  }
0xb: {  	[smem:$0x3FAA] =	sst s3  }
0xc: {  	[smem:$0x3FAB] =	sst s4  }
0xd: {  	[smem:$0x3FAC] =	sst s5  }
0xe: {  	[smem:$0x3FAD] =	sst s6  }
0xf: {  	[smem:$0x3FAE] =	sst s7  }
0x10: {  	[smem:$0x3FAF] =	sst s8  }
0x11: {  	[smem:$0x3FB0] =	sst s9;
	s0 =	simm.s32 @!p0 $0x0  }
0x12: {  	s1 =	sld [smem:$0x3F96];
	s0 =	simm.s32 @p0 $0x1  }
0x13: {  	[smem:$0x3FB1] =	sst s0;
	s0 =	simm.s32 @!p1 $0x0  }
0x14: {  	s2 =	sld [smem:$0x3F95];
	s0 =	simm.s32 @p1 $0x1  }
0x15: {  	[smem:$0x3FB2] =	sst s0;
	s0 =	simm.s32 @!p2 $0x0  }
0x16: {  	s3 =	sld [smem:$0x3FDB];
	s0 =	simm.s32 @p2 $0x1  }
0x17: {  	s4 =	simm.s32 $0x1BF5;
	[smem:$0x3FB4] =	sst s0  }
0x18: {  	s0 =	sld [smem:$0x3F97];
	_ =	swait.ge [sflag:s4], $0x0  }
0x19: {  	s7 =	sld [smem:$0x3F98]  }
0x1a: {  	s8 =	sadd.s32 $0xFFFFE003, lr  }
0x1b: {  	s9 =	sadd.s32 $0xFFFFFEF7, lr;
	s5 =	simm.s32 $0xFFFFFFFF;
	p2 =	slt.u32 s8, $0xFFFFF086  }
0x1c: {  	p1 =	slt.u32 s9, $0xF7A;
	s5 =	simm.s32 @!p2 $0x0  }
0x1d: {  	s5 =	simm.s32 @p1 $0x1;
	p0 =	seq.s32 s7, s2  }
0x1e: {  	s7 =	smul.u32 @!p0 $0xF7A, s2;
	p2 =	seq.s32 @!p0 s5, $0x0  }
0x1f: {  	s9 =	smul.u32 $0xF7A, s1;
	s8 =	simm.s32 @!p0 $0x1BF5;
	p2 =	por !p2, p0  }
0x20: {  	[sflag:s8] =	ssyncset.s32 @!p0 $0xFFFFF086;
	s6 =	sadd.s32 @!p0 s3, s7;
	s7 =	simm.s32 @!p0 $0x108  }
0x21: {  	s3 =	sadd.s32 s3, s9;
	s6 =	sadd.s32 @!p0 $0x88, s6;
	s7 =	simm.s32 @p2 $0x1082  }
0x22: {  	[simem:s7], [sflag:s8] =	dma.local @!p0 [hbm:s6], $0xF7A  }
0x23: {  	s9 =	sor.u32 $0xD0000000, s2;
	s6 =	simm.s32 $0x108;
	_ =	swait.ge @!p0 [sflag:s8], $0x0  }
0x24: {  	s3 =	sadd.s32 $0x88, s3;
	s6 =	simm.s32 @!p1 $0x1082;
	[sflag:s4] =	ssyncset.s32 $0xFFFFF086  }
0x25: {  	[simem:s6], [sflag:s4] =	dma.local [hbm:s3], $0xF7A  }
0x26: {  	[smem:$0x3F98] =	sst s1;
	(tag) =	ssettag s2;
	_ =	strace s9  }
0x27: {  	s1 =	sld [smem:$0x3FA8]  }
0x28: {  	s2 =	sld [smem:$0x3FA9]  }
0x29: {  	s4 =	sld [smem:$0x3FAB]  }
0x2a: {  	p0 =	seq.s32 s5, $0x0;
	s5 =	sld [smem:$0x3FAC]  }
0x2b: {  	s6 =	sld [smem:$0x3FAD]  }
0x2c: {  	s7 =	sld [smem:$0x3FAE]  }
0x2d: {  	s3 =	simm.s32 $0x108;
	s8 =	sld [smem:$0x3FAF]  }
0x2e: {  	s3 =	simm.s32 @!p0 $0x1082;
	s9 =	sld [smem:$0x3FB0]  }
0x2f: {  	lr =	sadd.s32 s0, s3;
	s0 =	sld [smem:$0x3FA7]  }
0x30: {  	s3 =	sld [smem:$0x3FAA]  }
0x31: {  	[smem:$0x3FB3] =	sst s10  }
0x32: {  	s10 =	sld [smem:$0x3FB1];
	_ =	sdelay $0x3  }
0x33: {  	p0 =	seq.s32 s10, $0x1;
	s10 =	sld [smem:$0x3FB3];
	_ =	sdelay $0x3  }
0x34: {  	[smem:$0x3FB3] =	sst s10  }
0x35: {  	s10 =	sld [smem:$0x3FB2];
	_ =	sdelay $0x3  }
0x36: {  	p1 =	seq.s32 s10, $0x1;
	s10 =	sld [smem:$0x3FB3];
	_ =	sdelay $0x3  }
0x37: {  	[smem:$0x3FB3] =	sst s10  }
0x38: {  	s10 =	sld [smem:$0x3FB4]  }
0x39: {  	_ = 	snop;
	(pc) =	sbr.ind lr, $3  }
0x3a: {  	_ = 	snop  }
0x3b: {  	_ = 	snop  }
0x3c: {  	p2 =	seq.s32 s10, $0x1;
	s10 =	sld [smem:$0x3FB3]  }
0x3d: {  	_ =	shalt  }
0x3e: {  	_ =	shalt  }
0x3f: {  	_ =	shalt  }
0x40: {  	_ =	shalt  }
0x41: {  	_ =	shalt  }
0x42: {  	_ =	shalt  }
0x43: {  	_ =	shalt  }
0x44: {  	_ =	shalt  }
0x45: {  	_ =	shalt  }
0x46: {  	_ =	shalt  }
0x47: {  	_ =	shalt  }
0x48: {  	_ =	shalt  }
0x49: {  	_ =	shalt  }
0x4a: {  	_ =	shalt  }
0x4b: {  	_ =	shalt  }
0x4c: {  	_ =	shalt  }
0x4d: {  	_ =	shalt  }
0x4e: {  	_ =	shalt  }
0x4f: {  	_ =	shalt  }
0x50: {  	_ =	shalt  }
0x51: {  	_ =	shalt  }
0x52: {  	_ =	shalt  }
0x53: {  	_ =	shalt  }
0x54: {  	_ =	shalt  }
0x55: {  	_ =	shalt  }
0x56: {  	_ =	shalt  }
0x57: {  	_ =	shalt  }
0x58: {  	_ =	shalt  }
0x59: {  	_ =	shalt  }
0x5a: {  	_ =	shalt  }
0x5b: {  	_ =	shalt  }
0x5c: {  	_ =	shalt  }
0x5d: {  	_ =	shalt  }
0x5e: {  	_ =	shalt  }
0x5f: {  	_ =	shalt  }
0x60: {  	_ =	shalt  }
0x61: {  	_ =	shalt  }
0x62: {  	_ =	shalt  }
0x63: {  	_ =	shalt  }
0x64: {  	_ =	shalt  }
0x65: {  	_ =	shalt  }
0x66: {  	_ =	shalt  }
0x67: {  	_ =	shalt  }
0x68: {  	_ =	shalt  }
0x69: {  	_ =	shalt  }
0x6a: {  	_ =	shalt  }
0x6b: {  	_ =	shalt  }
0x6c: {  	_ =	shalt  }
0x6d: {  	_ =	shalt  }
0x6e: {  	_ =	shalt  }
0x6f: {  	_ =	shalt  }
0x70: {  	_ =	shalt  }
0x71: {  	_ =	shalt  }
0x72: {  	_ =	shalt  }
0x73: {  	_ =	shalt  }
0x74: {  	_ =	shalt  }
0x75: {  	_ =	shalt  }
0x76: {  	_ =	shalt  }
0x77: {  	_ =	shalt  }
0x78: {  	_ =	shalt  }
0x79: {  	_ =	shalt  }
0x7a: {  	_ =	shalt  }
0x7b: {  	_ =	shalt  }
0x7c: {  	_ =	shalt  }
0x7d: {  	_ =	shalt  }
0x7e: {  	_ =	shalt  }
0x7f: {  	_ =	shalt  }
0x80: {  	_ =	shalt  }
0x81: {  	_ =	shalt  }
0x82: {  	_ =	shalt  }
0x83: {  	_ =	shalt  }
0x84: {  	_ =	shalt  }
0x85: {  	_ =	shalt  }
0x86: {  	_ =	shalt  }
0x87: {  	_ =	shalt  }
.Lfunc_end0:
.L_simem_size_0:
called_computation.1_lowered:
.L_overlay_start_0:
0x88: {  	s2 =	sld [smem:$0x3FD9]  }
0x89: {  	s3 =	sld [smem:$0x3FFE];
	_ =	sdelay $0x1  }
0x8a: {  	s1 =	srdreg.scid  }
0x8b: {  	s0 =	sand.u32 $0x1, s1  }
0x8c: {  	s16 =	sshll.u32 s0, $0xA;
	s2 =	sadd.s32 s3, s2  }
0x8d: {  	s2 =	sadd.s32 s2, s16  }
0x8e: {  	[smem:$0x3FBF] =	sst s2  }
0x8f: {  	_ = 	snop  }
0x90: {  	(tm) =	ssettm $0x1  }
0x91: {  	s17 =	sld [smem:$0x3FFB];
	_ =	sdelay $0x3  }
0x92: {  	_ =	strace s17  }
0x93: {  	s2 =	sld [smem:$0x3FFC];
	_ =	sdelay $0x3  }
0x94: {  	_ =	strace s2  }
0x95: {  	s2 =	sld [smem:$0x3FFD];
	_ =	sdelay $0x3  }
0x96: {  	_ =	strace s2  }
0x97: {  	_ =	strace $0x8FFFFFFF  }
0x98: {  	s18 =	sld [smem:$0x3FDB];
	_ =	sdelay $0x1  }
0x99: {  	s19 =	simm.s32 $_scs_section_size  }
0x9a: {  	s4 =	simm.s32 $_size__tile_overlayer_lowered;
	s5 =	simm.s32 $_tile_overlayer_lowered  }
0x9b: {  	s22 =	simm.s32 $0x1BFF;
	s21 =	sshll.u32 s5, $0x1;
	s2 =	sadd.s32 s19, s18  }
0x9c: {  	s6 =	simm.s32 $0x0;
	s20 =	sshll.u32 s4, $0x1;
	s4 =	sadd.s32 s21, s2  }
0x9d: {  	[timem:s6], [sflag:s22] =	dma.local [hbm:s4], s20  }
0x9e: {  	_ =	swait.ge [sflag:s22], s20  }
0x9f: {  	s3 =	ssub.s32 $0x0, s20;
	[sflag:s22] =	ssyncset.done $0x0  }
0xa0: {  	[sflag:s22] =	ssyncadd.s32 s3;
	_ =	sdelay $0x1  }
0xa1: {  	s23 =	simm.s32 $0x1B8B  }
0xa2: {  	_ =	swait.ge [sflag:s23], $0x1  }
0xa3: {  	[sflag:s23] =	ssyncset.done $0x0  }
0xa4: {  	s25 =	simm.s32 $0x1B8E;
	s24 =	sld [smem:$0x3FFE];
	[sflag:s23] =	ssyncadd.s32 $0xFFFFFFFF  }
0xa5: {  	s26 =	simm.s32 $execute0_lowered;
	[smem:$0x3FD2] =	sst s25  }
0xa6: {  	s4 =	sshll.u32 s26, $0x1;
	_ =	strace $0x80000049;
	[dreg:$0x1] =	wrdreg $0xFFFFFFFF  }
0xa7: {  	s28 =	simm.s32 $_size_execute0_lowered;
	s2 =	sadd.s32 s2, s4;
	[dreg:$0x0] =	wrdreg $0x0  }
0xa8: {  	s4 =	sshll.u32 s28, $0x1;
	[dreg:$0x2] =	wrdreg s2  }
0xa9: {  	[dreg:$0x3] =	wrdreg s4  }
0xaa: {  	[dreg:$0x4] =	wrdreg $0xC0  }
0xab: {  	_ =	task [dreg:s6], $0x5FFFF  }
0xac: {  	[dreg:$0x1] =	wrdreg $0xFFFFFFFF  }
0xad: {  	[dreg:$0x0] =	wrdreg $0x60  }
0xae: {  	[dreg:$0x2] =	wrdreg s24  }
0xaf: {  	[dreg:$0x3] =	wrdreg $0x84000  }
0xb0: {  	[dreg:$0x4] =	wrdreg $0x9  }
0xb1: {  	_ =	task.clear_ibuf [dreg:s6], $0x5FFFF;
	_ =	strace $0x90000049  }
0xb2: {  	s29 =	simm.s32 $0x9;
	_ =	strace $0x8000004B  }
0xb3: {  	_ =	swait.ge [sflag:s29], $0x1  }
0xb4: {  	[sflag:s29] =	ssyncadd.s32 $0xFFFFFFFF  }
0xb5: {  	_ =	strace $0x9000004B  }
0xb6: {  	_ =	sfence  }
0xb7: {  	s30 =	sld [smem:$0x0];
	_ =	sdelay $0x2  }
0xb8: {  	s31 =	sshll.u32 s1, $0xD;
	s1 =	sshrl.u32 s1, $0x2  }
0xb9: {  	s3 =	sand.u32 $0x4000, s31;
	s1 =	sadd.s32 s1, s30  }
0xba: {  	s0 =	sor.u32 s3, s0;
	s1 =	sshll.u32 s1, $0x11  }
0xbb: {  	s0 =	sor.u32 s1, s0  }
0xbc: {  	s0 =	sadd.s32 $0x8F2B, s0  }
0xbd: {  	[sflag:s0] =	ssyncadd.remote.s32 $0x1  }
0xbe: {  	_ =	sfence.sel $0xFFFF  }
0xbf: {  	[dreg:$0x0] =	wrdreg $0xFFFFFFFF;
	(pc) =	sbr.abs _section_cstart, $3  }
0xc0: {  	[dreg:$0x1] =	wrdreg $0xFFFFFFFF  }
0xc1: {  	_ =	task.clear_ibuf [dreg:s6], $0x2FFFF;
	_ =	strace $0x9FFFFFFF  }
0xc2: {  	(tm) =	ssettm $0x7FFFFFFF  }
0xc3: {  	_ =	shalt  }
tec
execute0_lowered:
.L_overlay_start_1:
0x0: {  	(tag) =	ssettag $0x1  }
0x1: {  	s0 =	srdreg.scid  }
0x2: {  	s4 =	stileid.u32;
	s6 =	rddreg [dreg:$0x0]  }
0x3: {  	s2 =	rddreg [dreg:$0x1];
	s3 =	simm.s32 $0x0;
	s13 =	simm.s32 $0x400  }
0x4: {  	s14 =	simm.s32 $0x9;
	s15 =	simm.s32 $0x1;
	s17 =	simm.s32 $0x100  }
0x5: {  	s18 =	simm.s32 $0x80;
	s28 =	simm.s32 $0x300;
	s29 =	simm.s32 $0x6  }
0x6: {  	s30 =	simm.s32 $0x3;
	s31 =	simm.s32 $0x7;
	s5 =	smul.u32 $0x2800, s4  }
0x7: {  	s0 =	sand.u32 $0x1, s0;
	[smem:$0x7FF] =	sst s3;
	s7 =	smul.u32 $0x50000, s4  }
0x8: {  	s1 =	sshll.u32 s0, $0x4;
	_ =	strace $0x8000004A;
	s8 =	smul.u32 $0x28000, s0  }
0x9: {  	s0 =	ssub.s32 $0x2, s0;
	s1 =	sor.u32 s4, s1;
	s7 =	sshrl.u32 s7, $0x2  }
0xa: {  	s4 =	sadd.s32 $0x37000, s6;
	s8 =	sadd.s32 s5, s8;
	s5 =	sadd.s32 s7, s2  }
0xb: {  	s9 =	sshrl.u32 s0, $0x1;
	s1 =	smul.u32 $0x1480, s1;
	s7 =	sadd.s32 $0x4000, s5  }
0xc: {  	s0 =	ssub.s32 s0, s9;
	s21 =	sadd.s32 $0x8000, s5;
	[dreg:$0x3] =	wrdreg s7  }
0xd: {  	s9 =	simm.s32 $0x0;
	s22 =	sadd.s32 $0xC000, s5;
	[dreg:$0x4] =	wrdreg s21  }
0xe: {  	s23 =	sadd.s32 $0x10000, s5;
	s0 =	smax.u32 s0, $0x1;
	[dreg:$0x5] =	wrdreg s22  }
0xf: {  	s1 =	sadd.s32 s1, s6;
	s6 =	sadd.s32 s8, s6;
	[dreg:$0x6] =	wrdreg s23  }
0x10: {  	[dreg:$0x8] =	wrdreg s0;
	s23 =	simm.s32 $0x200;
	s0 =	simm.s32 $0x4  }
0x11: {  	s7 =	simm.s32 $0x280;
	s8 =	simm.s32 $0x380;
	s10 =	sadd.s32 $0xE000, s1  }
.Ltmp0:
0x12: {  	s24 =	sadd.s32 $0x87000, s6;
	s1 =	simm.s32 $0x180;
	(pc) =	sbr.rel .LBB2_1-.Ltmp0, $4  }
0x13: {  	s6 =	simm.s32 $0x8;
	[dreg:$0x7] =	wrdreg s24;
	s25 =	sadd.s32 $0x20, s10  }
0x14: {  	s26 =	sadd.s32 $0x40, s10;
	s20 =	sadd.s32 $0x60, s10;
	s21 =	sadd.s32 $0x80, s10  }
0x15: {  	s22 =	sadd.s32 $0xA0, s10;
	s24 =	simm.s32 $0x5;
	[dreg:$0x9] =	wrdreg s25  }
0x16: {  	v0 =	vimm.f32 $0.0e+00;
	[dreg:$0xa] =	wrdreg s26;
	s25 =	simm.s32 $0x2;
	s26 =	simm.s32 $0x4400  }
.LBB2_6:
0x17: {  	_ =	swait.ge [sflag:s29], $0x4000  }
0x18: {  	[sflag:s29] =	ssyncset.done $0x0  }
0x19: {  	[sflag:s29] =	ssyncadd.s32 $0xFFFFC000  }
0x1a: {  	[spmem:s2] =	stream.indirect.scatter.add.f32 [tilespmem:s26], [sflag:$0x8], $0x80, s8, s18, $0xb8;
	[tilespmem:$0x1C400] =	vst v63  }
0x1b: {  	_ =	swait.ge [sflag:s6], $0x4000  }
0x1c: {  	[sflag:s6] =	ssyncset.done $0x0  }
0x1d: {  	[sflag:s6] =	ssyncadd.s32 $0xFFFFC000  }
0x1e: {  	_ =	swait.ge [sflag:s31], $0x4000  }
0x1f: {  	[sflag:s31] =	ssyncset.done $0x0  }
0x20: {  	s11 =	stileid.u32;
	[sflag:s31] =	ssyncadd.s32 $0xFFFFC000  }
0x21: {  	s11 =	sshll.u32 s11, $0x6;
	[bflag:$0x0] =	sbarrier.arrive $0xFFFF  }
0x22: {  	s12 =	sshrl.u32 s5, $0x3;
	s11 =	sor.u32 $0x1C09, s11;
	s16 =	rddreg [dreg:$0x7]  }
0x23: {  	[hbm:s16], [sflag:s11] =	dma.local [spmem:s12], $0x2800  }
0x24: {  	_ =	swait.ge [sflag:s14], $0x2800  }
0x25: {  	s9 =	sadd.s32 $0x1, s9;
	s19 =	rddreg [dreg:$0x8]  }
0x26: {  	p0 =	sne.s32 s9, s19  }
.Ltmp1:
0x27: {  	_ = 	snop;
	(pc) =	sbr.rel @!p0 .LBB2_7-.Ltmp1, $3  }
0x28: {  	_ =	sdelay $0x1  }
0x29: {  	[sflag:s14] =	ssyncset.done $0x0  }
0x2a: {  	[sflag:s14] =	ssyncadd.s32 $0xFFFFD800  }
.LBB2_1:
0x2b: {  	s11 =	simm.s32 $0x0;
	s12 =	simm.s32 $0x200  }
.LBB2_2:
0x2c: {  	p0 =	sne.s32 s12, $0xFE00;
	[tilespmem:s11+$0x470] =	vst v0  }
0x2d: {  	[tilespmem:s11+$0x400] =	vst v0  }
0x2e: {  	[tilespmem:s11+$0x410] =	vst v0  }
.Ltmp2:
0x2f: {  	[tilespmem:s11+$0x420] =	vst v0;
	(pc) =	sbr.rel @p0 .LBB2_2-.Ltmp2, $4  }
0x30: {  	[tilespmem:s11+$0x430] =	vst v0  }
0x31: {  	[tilespmem:s11+$0x440] =	vst v0  }
0x32: {  	[tilespmem:s11+$0x450] =	vst v0  }
0x33: {  	[tilespmem:s11+$0x460] =	vst v0;
	s11 =	sshra.s32 s12, $0x2;
	s12 =	sadd.s32 $0x200, s12  }
0x34: {  	[tilespmem:s11+$0x470] =	vst v0  }
0x35: {  	[tilespmem:s11+$0x400] =	vst v0  }
0x36: {  	[tilespmem:s11+$0x410] =	vst v0  }
0x37: {  	[tilespmem:s11+$0x420] =	vst v0  }
0x38: {  	[tilespmem:s11+$0x430] =	vst v0  }
0x39: {  	[tilespmem:s11+$0x440] =	vst v0  }
0x3a: {  	[tilespmem:s11+$0x450] =	vst v0  }
0x3b: {  	[tilespmem:s11+$0x460] =	vst v0  }
0x3c: {  	[spmem:s5] =	stream.linear.scatter [tilespmem:s13], [sflag:$0x9], $0x4000, $0x38;
	[tilespmem:$0x1C400] =	vst v63  }
0x3d: {  	_ =	swait.ge [sflag:s14], $0x4000  }
0x3e: {  	[sflag:s14] =	ssyncset.done $0x0  }
0x3f: {  	s12 =	rddreg [dreg:$0x3];
	[sflag:s14] =	ssyncadd.s32 $0xFFFFC000  }
0x40: {  	[spmem:s12] =	stream.linear.scatter [tilespmem:s13], [sflag:$0x9], $0x4000, $0x38;
	[tilespmem:$0x1C400] =	vst v63  }
0x41: {  	_ =	swait.ge [sflag:s14], $0x4000  }
0x42: {  	[sflag:s14] =	ssyncset.done $0x0  }
0x43: {  	s16 =	rddreg [dreg:$0x4];
	[sflag:s14] =	ssyncadd.s32 $0xFFFFC000  }
0x44: {  	[spmem:s16] =	stream.linear.scatter [tilespmem:s13], [sflag:$0x9], $0x4000, $0x38;
	[tilespmem:$0x1C400] =	vst v63  }
0x45: {  	_ =	swait.ge [sflag:s14], $0x4000  }
0x46: {  	[sflag:s14] =	ssyncset.done $0x0  }
0x47: {  	s19 =	rddreg [dreg:$0x5];
	[sflag:s14] =	ssyncadd.s32 $0xFFFFC000  }
0x48: {  	[spmem:s19] =	stream.linear.scatter [tilespmem:s13], [sflag:$0x9], $0x4000, $0x38;
	[tilespmem:$0x1C400] =	vst v63  }
0x49: {  	_ =	swait.ge [sflag:s14], $0x4000  }
0x4a: {  	[sflag:s14] =	ssyncset.done $0x0  }
0x4b: {  	s12 =	rddreg [dreg:$0x6];
	[sflag:s14] =	ssyncadd.s32 $0xFFFFC000  }
0x4c: {  	[spmem:s12] =	stream.linear.scatter [tilespmem:s13], [sflag:$0x9], $0x4000, $0x38;
	[tilespmem:$0x1C400] =	vst v63  }
0x4d: {  	_ =	swait.ge [sflag:s14], $0x4000  }
0x4e: {  	[sflag:s14] =	ssyncset.done $0x0  }
0x4f: {  	[sflag:s14] =	ssyncadd.s32 $0xFFFFC000  }
0x50: {  	[bflag:$0x0] =	sbarrier.arrive $0xFFFF  }
0x51: {  	[tilespmem:s3], [sflag:$0x1] =	stream.linear.gather [hbm4b:s10+s3], $0x100, $0x38;
	[tilespmem:$0x1C400] =	vst v63  }
0x52: {  	_ =	swait.ge [sflag:s15], $0x100  }
0x53: {  	[sflag:s15] =	ssyncset.done $0x0  }
0x54: {  	s16 =	rddreg [dreg:$0x9];
	[sflag:s15] =	ssyncadd.s32 $0xFFFFFF00  }
0x55: {  	[tilespmem:s17], [sflag:$0x2] =	stream.linear.gather [hbm4b:s16+s3], $0x100, $0x38;
	[tilespmem:$0x1C400] =	vst v63  }
0x56: {  	_ = 	snop  }
0x57: {  	[tilespmem:s13], [sflag:$0x5] =	stream.indirect.gather [hbm4b:s4+s18], $0x80, s3, s18, $0xb8;
	[tilespmem:$0x1C400] =	vst v63  }
0x58: {  	s19 =	rddreg [dreg:$0xa]  }
0x59: {  	[tilespmem:s23], [sflag:$0x3] =	stream.linear.gather [hbm4b:s19+s3], $0x100, $0x38;
	[tilespmem:$0x1C400] =	vst v63  }
0x5a: {  	_ =	swait.ge [sflag:s24], $0x4000  }
0x5b: {  	[sflag:s24] =	ssyncset.done $0x0  }
0x5c: {  	[sflag:s24] =	ssyncadd.s32 $0xFFFFC000  }
0x5d: {  	_ =	swait.ge [sflag:s25], $0x100  }
0x5e: {  	[sflag:s25] =	ssyncset.done $0x0  }
0x5f: {  	[sflag:s25] =	ssyncadd.s32 $0xFFFFFF00  }
0x60: {  	[tilespmem:s26], [sflag:$0x6] =	stream.indirect.gather [hbm4b:s4+s18], $0x80, s17, s18, $0xb8;
	[tilespmem:$0x1C400] =	vst v63  }
0x61: {  	_ = 	snop  }
0x62: {  	[spmem:s2] =	stream.indirect.scatter.add.f32 [tilespmem:s13], [sflag:$0x7], $0x80, s18, s18, $0xb8;
	[tilespmem:$0x1C400] =	vst v63  }
0x63: {  	_ = 	snop  }
0x64: {  	[tilespmem:s28], [sflag:$0x4] =	stream.linear.gather [hbm4b:s20+s3], $0x100, $0x38;
	[tilespmem:$0x1C400] =	vst v63  }
0x65: {  	_ =	swait.ge [sflag:s29], $0x4000  }
0x66: {  	[sflag:s29] =	ssyncset.done $0x0  }
0x67: {  	[sflag:s29] =	ssyncadd.s32 $0xFFFFC000  }
0x68: {  	_ =	swait.ge [sflag:s30], $0x100  }
0x69: {  	[sflag:s30] =	ssyncset.done $0x0  }
0x6a: {  	[sflag:s30] =	ssyncadd.s32 $0xFFFFFF00  }
0x6b: {  	_ =	swait.ge [sflag:s31], $0x4000  }
0x6c: {  	[sflag:s31] =	ssyncset.done $0x0  }
0x6d: {  	[sflag:s31] =	ssyncadd.s32 $0xFFFFC000  }
0x6e: {  	[tilespmem:s13], [sflag:$0x5] =	stream.indirect.gather [hbm4b:s4+s18], $0x80, s23, s18, $0xb8;
	[tilespmem:$0x1C400] =	vst v63  }
0x6f: {  	_ = 	snop  }
0x70: {  	[spmem:s2] =	stream.indirect.scatter.add.f32 [tilespmem:s26], [sflag:$0x8], $0x80, s1, s18, $0xb8;
	[tilespmem:$0x1C400] =	vst v63  }
0x71: {  	_ = 	snop  }
0x72: {  	[tilespmem:s3], [sflag:$0x1] =	stream.linear.gather [hbm4b:s21+s3], $0x100, $0x38;
	[tilespmem:$0x1C400] =	vst v63  }
0x73: {  	_ =	swait.ge [sflag:s24], $0x4000  }
0x74: {  	[sflag:s24] =	ssyncset.done $0x0  }
0x75: {  	[sflag:s24] =	ssyncadd.s32 $0xFFFFC000  }
0x76: {  	_ =	swait.ge [sflag:s0], $0x100  }
0x77: {  	[sflag:s0] =	ssyncset.done $0x0  }
0x78: {  	[sflag:s0] =	ssyncadd.s32 $0xFFFFFF00  }
0x79: {  	_ =	swait.ge [sflag:s6], $0x4000  }
0x7a: {  	[sflag:s6] =	ssyncset.done $0x0  }
0x7b: {  	[sflag:s6] =	ssyncadd.s32 $0xFFFFC000  }
0x7c: {  	[tilespmem:s26], [sflag:$0x6] =	stream.indirect.gather [hbm4b:s4+s18], $0x80, s28, s18, $0xb8;
	[tilespmem:$0x1C400] =	vst v63  }
0x7d: {  	_ = 	snop  }
0x7e: {  	[spmem:s2] =	stream.indirect.scatter.add.f32 [tilespmem:s13], [sflag:$0x7], $0x80, s7, s18, $0xb8;
	[tilespmem:$0x1C400] =	vst v63  }
0x7f: {  	_ = 	snop  }
0x80: {  	[tilespmem:s17], [sflag:$0x2] =	stream.linear.gather [hbm4b:s22+s3], $0x100, $0x38;
	[tilespmem:$0x1C400] =	vst v63  }
0x81: {  	_ =	swait.ge [sflag:s29], $0x4000  }
0x82: {  	[sflag:s29] =	ssyncset.done $0x0  }
0x83: {  	[sflag:s29] =	ssyncadd.s32 $0xFFFFC000  }
0x84: {  	_ =	swait.ge [sflag:s15], $0x100  }
0x85: {  	[sflag:s15] =	ssyncset.done $0x0  }
0x86: {  	[sflag:s15] =	ssyncadd.s32 $0xFFFFFF00  }
0x87: {  	_ =	swait.ge [sflag:s31], $0x4000  }
0x88: {  	[sflag:s31] =	ssyncset.done $0x0  }
0x89: {  	[sflag:s31] =	ssyncadd.s32 $0xFFFFC000  }
0x8a: {  	[tilespmem:s13], [sflag:$0x5] =	stream.indirect.gather [hbm4b:s4+s18], $0x80, s3, s18, $0xb8;
	[tilespmem:$0x1C400] =	vst v63  }
0x8b: {  	s11 =	simm.s32 $0xFFFFEC80  }
0x8c: {  	[spmem:s2] =	stream.indirect.scatter.add.f32 [tilespmem:s26], [sflag:$0x8], $0x80, s8, s18, $0xb8;
	[tilespmem:$0x1C400] =	vst v63  }
.LBB2_4:
0x8d: {  	s12 =	sadd.s32 s11, s10  }
0x8e: {  	s16 =	sadd.s32 $0x1440, s12  }
0x8f: {  	[tilespmem:s23], [sflag:$0x3] =	stream.linear.gather [hbm4b:s16+s3], $0x100, $0x38;
	[tilespmem:$0x1C400] =	vst v63  }
0x90: {  	_ =	swait.ge [sflag:s24], $0x4000  }
0x91: {  	[sflag:s24] =	ssyncset.done $0x0  }
0x92: {  	[sflag:s24] =	ssyncadd.s32 $0xFFFFC000  }
0x93: {  	_ =	swait.ge [sflag:s25], $0x100  }
0x94: {  	[sflag:s25] =	ssyncset.done $0x0  }
0x95: {  	[sflag:s25] =	ssyncadd.s32 $0xFFFFFF00  }
0x96: {  	_ =	swait.ge [sflag:s6], $0x4000  }
0x97: {  	[sflag:s6] =	ssyncset.done $0x0  }
0x98: {  	[sflag:s6] =	ssyncadd.s32 $0xFFFFC000  }
0x99: {  	[tilespmem:s26], [sflag:$0x6] =	stream.indirect.gather [hbm4b:s4+s18], $0x80, s17, s18, $0xb8;
	[tilespmem:$0x1C400] =	vst v63  }
0x9a: {  	_ = 	snop  }
0x9b: {  	[spmem:s2] =	stream.indirect.scatter.add.f32 [tilespmem:s13], [sflag:$0x7], $0x80, s18, s18, $0xb8;
	[tilespmem:$0x1C400] =	vst v63  }
0x9c: {  	s19 =	sadd.s32 $0x1460, s12  }
0x9d: {  	[tilespmem:s28], [sflag:$0x4] =	stream.linear.gather [hbm4b:s19+s3], $0x100, $0x38;
	[tilespmem:$0x1C400] =	vst v63  }
0x9e: {  	_ =	swait.ge [sflag:s29], $0x4000  }
0x9f: {  	[sflag:s29] =	ssyncset.done $0x0  }
0xa0: {  	[sflag:s29] =	ssyncadd.s32 $0xFFFFC000  }
0xa1: {  	_ =	swait.ge [sflag:s30], $0x100  }
0xa2: {  	[sflag:s30] =	ssyncset.done $0x0  }
0xa3: {  	[sflag:s30] =	ssyncadd.s32 $0xFFFFFF00  }
0xa4: {  	_ =	swait.ge [sflag:s31], $0x4000  }
0xa5: {  	[sflag:s31] =	ssyncset.done $0x0  }
0xa6: {  	p0 =	seq.s32 s11, $0x0;
	[sflag:s31] =	ssyncadd.s32 $0xFFFFC000  }
0xa7: {  	[tilespmem:s13], [sflag:$0x5] =	stream.indirect.gather [hbm4b:s4+s18], $0x80, s23, s18, $0xb8;
	[tilespmem:$0x1C400] =	vst v63  }
0xa8: {  	s16 =	sadd.s32 @!p0 s11, s10  }
0xa9: {  	[spmem:s2] =	stream.indirect.scatter.add.f32 [tilespmem:s26], [sflag:$0x8], $0x80, s1, s18, $0xb8;
	[tilespmem:$0x1C400] =	vst v63  }
0xaa: {  	s16 =	sadd.s32 @!p0 $0x1480, s16;
	s19 =	simm.s32 @!p0 $0x0  }
0xab: {  	[tilespmem:s19], [sflag:$0x1] =	stream.linear.gather @!p0 [hbm4b:s16+s19], $0x100, $0x38;
	[tilespmem:$0x1C400] =	vst v63  }
0xac: {  	_ =	swait.ge [sflag:s24], $0x4000  }
0xad: {  	[sflag:s24] =	ssyncset.done $0x0  }
0xae: {  	[sflag:s24] =	ssyncadd.s32 $0xFFFFC000  }
0xaf: {  	_ =	swait.ge [sflag:s0], $0x100  }
0xb0: {  	[sflag:s0] =	ssyncset.done $0x0  }
0xb1: {  	[sflag:s0] =	ssyncadd.s32 $0xFFFFFF00  }
0xb2: {  	_ =	swait.ge [sflag:s6], $0x4000  }
.Ltmp3:
0xb3: {  	[sflag:s6] =	ssyncset.done $0x0;
	(pc) =	sbr.rel @p0 .LBB2_6-.Ltmp3, $4  }
0xb4: {  	[sflag:s6] =	ssyncadd.s32 $0xFFFFC000  }
0xb5: {  	[tilespmem:s26], [sflag:$0x6] =	stream.indirect.gather [hbm4b:s4+s18], $0x80, s28, s18, $0xb8;
	[tilespmem:$0x1C400] =	vst v63  }
0xb6: {  	_ = 	snop  }
0xb7: {  	[spmem:s2] =	stream.indirect.scatter.add.f32 [tilespmem:s13], [sflag:$0x7], $0x80, s7, s18, $0xb8;
	[tilespmem:$0x1C400] =	vst v63  }
0xb8: {  	s12 =	sadd.s32 $0x14A0, s12  }
0xb9: {  	[tilespmem:s17], [sflag:$0x2] =	stream.linear.gather [hbm4b:s12+s3], $0x100, $0x38;
	[tilespmem:$0x1C400] =	vst v63  }
0xba: {  	_ =	swait.ge [sflag:s29], $0x4000  }
0xbb: {  	[sflag:s29] =	ssyncset.done $0x0  }
0xbc: {  	[sflag:s29] =	ssyncadd.s32 $0xFFFFC000  }
0xbd: {  	_ =	swait.ge [sflag:s15], $0x100  }
0xbe: {  	[sflag:s15] =	ssyncset.done $0x0  }
0xbf: {  	[sflag:s15] =	ssyncadd.s32 $0xFFFFFF00  }
0xc0: {  	_ =	swait.ge [sflag:s31], $0x4000  }
.Ltmp4:
0xc1: {  	[sflag:s31] =	ssyncset.done $0x0;
	(pc) =	sbr.rel .LBB2_4-.Ltmp4, $4  }
0xc2: {  	[sflag:s31] =	ssyncadd.s32 $0xFFFFC000  }
0xc3: {  	[tilespmem:s13], [sflag:$0x5] =	stream.indirect.gather [hbm4b:s4+s18], $0x80, s3, s18, $0xb8;
	[tilespmem:$0x1C400] =	vst v63  }
0xc4: {  	s11 =	sadd.s32 $0x80, s11  }
0xc5: {  	[spmem:s2] =	stream.indirect.scatter.add.f32 [tilespmem:s26], [sflag:$0x8], $0x80, s8, s18, $0xb8;
	[tilespmem:$0x1C400] =	vst v63  }
.LBB2_7:
0xc6: {  	_ =	sfence.sel $0x180000  }
0xc7: {  	[bflag:$0x0] =	sbarrier.arrive $0xFFFF  }
0xc8: {  	_ =	strace $0x9000004A  }
0xc9: {  	s0 =	stileid.u32;
	[bflag:$0x2] =	sbarrier.arrive $0xFFFF  }
0xca: {  	p0 =	sne.s32 s0, $0x0;
	s0 =	rddreg [dreg:$0x2]  }
0xcb: {  	s0 =	sadd.s32 @!p0 $0x100000, s0  }
0xcc: {  	[sflag:s0] =	ssyncadd.tile.s32 @!p0 $0x1;
	_ =	shalt  }
.Lfunc_end2:
_tile_overlayer_lowered:
.L_overlay_start_2:
0xcd: {  	(tag) =	ssettag $0x2  }
0xce: {  	s0 =	rddreg [dreg:$0x0];
	s2 =	stileid.u32  }
0xcf: {  	s1 =	rddreg [dreg:$0x1];
	p0 =	sne.s32 s2, $0x0  }
0xd0: {  	s3 =	rddreg [dreg:$0x2];
	[bflag:$0x3] =	sbarrier.arrive $0xFFFF;
	s2 =	simm.s32 @!p0 $0x1C09  }
0xd1: {  	[timem:s3], [sflag:s2] =	dma.local @!p0 [hbm:s0], s1  }
0xd2: {  	s0 =	simm.s32 @!p0 $0x9  }
0xd3: {  	_ =	swait.ge @!p0 [sflag:s0], s1  }
0xd4: {  	s1 =	ssub.s32 @!p0 $0x0, s1;
	[sflag:s0] =	ssyncset.done @!p0 $0x0  }
0xd5: {  	[sflag:s0] =	ssyncadd.s32 @!p0 s1  }
0xd6: {  	[bflag:$0x3] =	sbarrier.arrive $0xFFFF  }
0xd7: {  	_ =	shalt  }

// kernel: kernel.19.cloned.1.call-start
scs
__scs_entry_jumppad:
0x0: {  	(pc) =	sbr.rel $0x88, $3  }
0x1: {  	(tag) =	ssettag $0x0;
	lr =	simm.s32 $0x1  }
0x2: {  	[smem:$0x3F98] =	sst lr;
	_ =	strace $0xD0000000  }
0x3: {  	_ = 	snop  }
0x4: {  	_ = 	snop  }
0x5: {  	_ = 	snop  }
0x6: {  	_ = 	snop  }
0x7: {  	_ = 	snop  }
__scs_overlays_trampoline_lowered:
0x8: {  	[smem:$0x3FA7] =	sst s0  }
0x9: {  	[smem:$0x3FA8] =	sst s1  }
0xa: {  	[smem:$0x3FA9] =	sst s2  }
0xb: {  	[smem:$0x3FAA] =	sst s3  }
0xc: {  	[smem:$0x3FAB] =	sst s4  }
0xd: {  	[smem:$0x3FAC] =	sst s5  }
0xe: {  	[smem:$0x3FAD] =	sst s6  }
0xf: {  	[smem:$0x3FAE] =	sst s7  }
0x10: {  	[smem:$0x3FAF] =	sst s8  }
0x11: {  	[smem:$0x3FB0] =	sst s9;
	s0 =	simm.s32 @!p0 $0x0  }
0x12: {  	s1 =	sld [smem:$0x3F96];
	s0 =	simm.s32 @p0 $0x1  }
0x13: {  	[smem:$0x3FB1] =	sst s0;
	s0 =	simm.s32 @!p1 $0x0  }
0x14: {  	s2 =	sld [smem:$0x3F95];
	s0 =	simm.s32 @p1 $0x1  }
0x15: {  	[smem:$0x3FB2] =	sst s0;
	s0 =	simm.s32 @!p2 $0x0  }
0x16: {  	s3 =	sld [smem:$0x3FDB];
	s0 =	simm.s32 @p2 $0x1  }
0x17: {  	s4 =	simm.s32 $0x1BF5;
	[smem:$0x3FB4] =	sst s0  }
0x18: {  	s0 =	sld [smem:$0x3F97];
	_ =	swait.ge [sflag:s4], $0x0  }
0x19: {  	s7 =	sld [smem:$0x3F98]  }
0x1a: {  	s8 =	sadd.s32 $0xFFFFE003, lr  }
0x1b: {  	s9 =	sadd.s32 $0xFFFFFEF7, lr;
	s5 =	simm.s32 $0xFFFFFFFF;
	p2 =	slt.u32 s8, $0xFFFFF086  }
0x1c: {  	p1 =	slt.u32 s9, $0xF7A;
	s5 =	simm.s32 @!p2 $0x0  }
0x1d: {  	s5 =	simm.s32 @p1 $0x1;
	p0 =	seq.s32 s7, s2  }
0x1e: {  	s7 =	smul.u32 @!p0 $0xF7A, s2;
	p2 =	seq.s32 @!p0 s5, $0x0  }
0x1f: {  	s9 =	smul.u32 $0xF7A, s1;
	s8 =	simm.s32 @!p0 $0x1BF5;
	p2 =	por !p2, p0  }
0x20: {  	[sflag:s8] =	ssyncset.s32 @!p0 $0xFFFFF086;
	s6 =	sadd.s32 @!p0 s3, s7;
	s7 =	simm.s32 @!p0 $0x108  }
0x21: {  	s3 =	sadd.s32 s3, s9;
	s6 =	sadd.s32 @!p0 $0x88, s6;
	s7 =	simm.s32 @p2 $0x1082  }
0x22: {  	[simem:s7], [sflag:s8] =	dma.local @!p0 [hbm:s6], $0xF7A  }
0x23: {  	s9 =	sor.u32 $0xD0000000, s2;
	s6 =	simm.s32 $0x108;
	_ =	swait.ge @!p0 [sflag:s8], $0x0  }
0x24: {  	s3 =	sadd.s32 $0x88, s3;
	s6 =	simm.s32 @!p1 $0x1082;
	[sflag:s4] =	ssyncset.s32 $0xFFFFF086  }
0x25: {  	[simem:s6], [sflag:s4] =	dma.local [hbm:s3], $0xF7A  }
0x26: {  	[smem:$0x3F98] =	sst s1;
	(tag) =	ssettag s2;
	_ =	strace s9  }
0x27: {  	s1 =	sld [smem:$0x3FA8]  }
0x28: {  	s2 =	sld [smem:$0x3FA9]  }
0x29: {  	s4 =	sld [smem:$0x3FAB]  }
0x2a: {  	p0 =	seq.s32 s5, $0x0;
	s5 =	sld [smem:$0x3FAC]  }
0x2b: {  	s6 =	sld [smem:$0x3FAD]  }
0x2c: {  	s7 =	sld [smem:$0x3FAE]  }
0x2d: {  	s3 =	simm.s32 $0x108;
	s8 =	sld [smem:$0x3FAF]  }
0x2e: {  	s3 =	simm.s32 @!p0 $0x1082;
	s9 =	sld [smem:$0x3FB0]  }
0x2f: {  	lr =	sadd.s32 s0, s3;
	s0 =	sld [smem:$0x3FA7]  }
0x30: {  	s3 =	sld [smem:$0x3FAA]  }
0x31: {  	[smem:$0x3FB3] =	sst s10  }
0x32: {  	s10 =	sld [smem:$0x3FB1];
	_ =	sdelay $0x3  }
0x33: {  	p0 =	seq.s32 s10, $0x1;
	s10 =	sld [smem:$0x3FB3];
	_ =	sdelay $0x3  }
0x34: {  	[smem:$0x3FB3] =	sst s10  }
0x35: {  	s10 =	sld [smem:$0x3FB2];
	_ =	sdelay $0x3  }
0x36: {  	p1 =	seq.s32 s10, $0x1;
	s10 =	sld [smem:$0x3FB3];
	_ =	sdelay $0x3  }
0x37: {  	[smem:$0x3FB3] =	sst s10  }
0x38: {  	s10 =	sld [smem:$0x3FB4]  }
0x39: {  	_ = 	snop;
	(pc) =	sbr.ind lr, $3  }
0x3a: {  	_ = 	snop  }
0x3b: {  	_ = 	snop  }
0x3c: {  	p2 =	seq.s32 s10, $0x1;
	s10 =	sld [smem:$0x3FB3]  }
0x3d: {  	_ =	shalt  }
0x3e: {  	_ =	shalt  }
0x3f: {  	_ =	shalt  }
0x40: {  	_ =	shalt  }
0x41: {  	_ =	shalt  }
0x42: {  	_ =	shalt  }
0x43: {  	_ =	shalt  }
0x44: {  	_ =	shalt  }
0x45: {  	_ =	shalt  }
0x46: {  	_ =	shalt  }
0x47: {  	_ =	shalt  }
0x48: {  	_ =	shalt  }
0x49: {  	_ =	shalt  }
0x4a: {  	_ =	shalt  }
0x4b: {  	_ =	shalt  }
0x4c: {  	_ =	shalt  }
0x4d: {  	_ =	shalt  }
0x4e: {  	_ =	shalt  }
0x4f: {  	_ =	shalt  }
0x50: {  	_ =	shalt  }
0x51: {  	_ =	shalt  }
0x52: {  	_ =	shalt  }
0x53: {  	_ =	shalt  }
0x54: {  	_ =	shalt  }
0x55: {  	_ =	shalt  }
0x56: {  	_ =	shalt  }
0x57: {  	_ =	shalt  }
0x58: {  	_ =	shalt  }
0x59: {  	_ =	shalt  }
0x5a: {  	_ =	shalt  }
0x5b: {  	_ =	shalt  }
0x5c: {  	_ =	shalt  }
0x5d: {  	_ =	shalt  }
0x5e: {  	_ =	shalt  }
0x5f: {  	_ =	shalt  }
0x60: {  	_ =	shalt  }
0x61: {  	_ =	shalt  }
0x62: {  	_ =	shalt  }
0x63: {  	_ =	shalt  }
0x64: {  	_ =	shalt  }
0x65: {  	_ =	shalt  }
0x66: {  	_ =	shalt  }
0x67: {  	_ =	shalt  }
0x68: {  	_ =	shalt  }
0x69: {  	_ =	shalt  }
0x6a: {  	_ =	shalt  }
0x6b: {  	_ =	shalt  }
0x6c: {  	_ =	shalt  }
0x6d: {  	_ =	shalt  }
0x6e: {  	_ =	shalt  }
0x6f: {  	_ =	shalt  }
0x70: {  	_ =	shalt  }
0x71: {  	_ =	shalt  }
0x72: {  	_ =	shalt  }
0x73: {  	_ =	shalt  }
0x74: {  	_ =	shalt  }
0x75: {  	_ =	shalt  }
0x76: {  	_ =	shalt  }
0x77: {  	_ =	shalt  }
0x78: {  	_ =	shalt  }
0x79: {  	_ =	shalt  }
0x7a: {  	_ =	shalt  }
0x7b: {  	_ =	shalt  }
0x7c: {  	_ =	shalt  }
0x7d: {  	_ =	shalt  }
0x7e: {  	_ =	shalt  }
0x7f: {  	_ =	shalt  }
0x80: {  	_ =	shalt  }
0x81: {  	_ =	shalt  }
0x82: {  	_ =	shalt  }
0x83: {  	_ =	shalt  }
0x84: {  	_ =	shalt  }
0x85: {  	_ =	shalt  }
0x86: {  	_ =	shalt  }
0x87: {  	_ =	shalt  }
.Lfunc_end0:
.L_simem_size_0:
called_computation.2_lowered:
.L_overlay_start_0:
0x88: {  	s2 =	sld [smem:$0x3FD9]  }
0x89: {  	s3 =	sld [smem:$0x3FFE];
	_ =	sdelay $0x1  }
0x8a: {  	s1 =	srdreg.scid  }
0x8b: {  	s0 =	sand.u32 $0x1, s1  }
0x8c: {  	s16 =	sshll.u32 s0, $0xA;
	s2 =	sadd.s32 s3, s2  }
0x8d: {  	s2 =	sadd.s32 s2, s16  }
0x8e: {  	[smem:$0x3FBF] =	sst s2  }
0x8f: {  	_ = 	snop  }
0x90: {  	(tm) =	ssettm $0x1  }
0x91: {  	s17 =	sld [smem:$0x3FFB];
	_ =	sdelay $0x3  }
0x92: {  	_ =	strace s17  }
0x93: {  	s2 =	sld [smem:$0x3FFC];
	_ =	sdelay $0x3  }
0x94: {  	_ =	strace s2  }
0x95: {  	s2 =	sld [smem:$0x3FFD];
	_ =	sdelay $0x3  }
0x96: {  	_ =	strace s2  }
0x97: {  	_ =	strace $0x8FFFFFFF  }
0x98: {  	s18 =	sld [smem:$0x3FDB];
	_ =	sdelay $0x1  }
0x99: {  	s19 =	simm.s32 $_scs_section_size  }
0x9a: {  	s4 =	simm.s32 $_size__tile_overlayer_lowered;
	s5 =	simm.s32 $_tile_overlayer_lowered  }
0x9b: {  	s22 =	simm.s32 $0x1BFF;
	s21 =	sshll.u32 s5, $0x1;
	s2 =	sadd.s32 s19, s18  }
0x9c: {  	s6 =	simm.s32 $0x0;
	s20 =	sshll.u32 s4, $0x1;
	s4 =	sadd.s32 s21, s2  }
0x9d: {  	[timem:s6], [sflag:s22] =	dma.local [hbm:s4], s20  }
0x9e: {  	_ =	swait.ge [sflag:s22], s20  }
0x9f: {  	s3 =	ssub.s32 $0x0, s20;
	[sflag:s22] =	ssyncset.done $0x0  }
0xa0: {  	[sflag:s22] =	ssyncadd.s32 s3;
	_ =	sdelay $0x1  }
0xa1: {  	s23 =	simm.s32 $0x1B8B  }
0xa2: {  	_ =	swait.ge [sflag:s23], $0x1  }
0xa3: {  	[sflag:s23] =	ssyncset.done $0x0  }
0xa4: {  	s25 =	simm.s32 $0x1B8E;
	s24 =	sld [smem:$0x3FFE];
	[sflag:s23] =	ssyncadd.s32 $0xFFFFFFFF  }
0xa5: {  	s26 =	simm.s32 $execute0_lowered;
	[smem:$0x3FD2] =	sst s25  }
0xa6: {  	s4 =	sshll.u32 s26, $0x1;
	_ =	strace $0x8000004C;
	[dreg:$0x1] =	wrdreg $0xFFFFFFFF  }
0xa7: {  	s28 =	simm.s32 $_size_execute0_lowered;
	s2 =	sadd.s32 s2, s4;
	[dreg:$0x0] =	wrdreg $0x0  }
0xa8: {  	s4 =	sshll.u32 s28, $0x1;
	[dreg:$0x2] =	wrdreg s2  }
0xa9: {  	[dreg:$0x3] =	wrdreg s4  }
0xaa: {  	[dreg:$0x4] =	wrdreg $0xC0  }
0xab: {  	_ =	task [dreg:s6], $0x5FFFF  }
0xac: {  	[dreg:$0x1] =	wrdreg $0xFFFFFFFF  }
0xad: {  	[dreg:$0x0] =	wrdreg $0x60  }
0xae: {  	[dreg:$0x2] =	wrdreg s24  }
0xaf: {  	[dreg:$0x3] =	wrdreg $0x84000  }
0xb0: {  	[dreg:$0x4] =	wrdreg $0x9  }
0xb1: {  	_ =	task.clear_ibuf [dreg:s6], $0x5FFFF;
	_ =	strace $0x9000004C  }
0xb2: {  	s29 =	simm.s32 $0x9;
	_ =	strace $0x8000004E  }
0xb3: {  	_ =	swait.ge [sflag:s29], $0x1  }
0xb4: {  	[sflag:s29] =	ssyncadd.s32 $0xFFFFFFFF  }
0xb5: {  	_ =	strace $0x9000004E  }
0xb6: {  	_ =	sfence  }
0xb7: {  	s30 =	sld [smem:$0x0];
	_ =	sdelay $0x2  }
0xb8: {  	s31 =	sshll.u32 s1, $0xD;
	s1 =	sshrl.u32 s1, $0x2  }
0xb9: {  	s3 =	sand.u32 $0x4000, s31;
	s1 =	sadd.s32 s1, s30  }
0xba: {  	s0 =	sor.u32 s3, s0;
	s1 =	sshll.u32 s1, $0x11  }
0xbb: {  	s0 =	sor.u32 s1, s0  }
0xbc: {  	s0 =	sadd.s32 $0x8F2B, s0  }
0xbd: {  	[sflag:s0] =	ssyncadd.remote.s32 $0x1  }
0xbe: {  	_ =	sfence.sel $0xFFFF  }
0xbf: {  	[dreg:$0x0] =	wrdreg $0xFFFFFFFF;
	(pc) =	sbr.abs _section_cstart, $3  }
0xc0: {  	[dreg:$0x1] =	wrdreg $0xFFFFFFFF  }
0xc1: {  	_ =	task.clear_ibuf [dreg:s6], $0x2FFFF;
	_ =	strace $0x9FFFFFFF  }
0xc2: {  	(tm) =	ssettm $0x7FFFFFFF  }
0xc3: {  	_ =	shalt  }
tec
execute0_lowered:
.L_overlay_start_1:
0x0: {  	(tag) =	ssettag $0x1  }
0x1: {  	s0 =	srdreg.scid  }
0x2: {  	s4 =	stileid.u32;
	s6 =	rddreg [dreg:$0x0]  }
0x3: {  	s2 =	rddreg [dreg:$0x1];
	s3 =	simm.s32 $0x0;
	s13 =	simm.s32 $0x400  }
0x4: {  	s14 =	simm.s32 $0x9;
	s15 =	simm.s32 $0x1;
	s17 =	simm.s32 $0x100  }
0x5: {  	s18 =	simm.s32 $0x80;
	s28 =	simm.s32 $0x300;
	s29 =	simm.s32 $0x6  }
0x6: {  	s30 =	simm.s32 $0x3;
	s31 =	simm.s32 $0x7;
	s5 =	smul.u32 $0x2800, s4  }
0x7: {  	s0 =	sand.u32 $0x1, s0;
	[smem:$0x7FF] =	sst s3;
	s7 =	smul.u32 $0x50000, s4  }
0x8: {  	s1 =	sshll.u32 s0, $0x4;
	_ =	strace $0x8000004D;
	s8 =	smul.u32 $0x28000, s0  }
0x9: {  	s0 =	ssub.s32 $0x2, s0;
	s1 =	sor.u32 s4, s1;
	s7 =	sshrl.u32 s7, $0x2  }
0xa: {  	s4 =	sadd.s32 $0x37000, s6;
	s8 =	sadd.s32 s5, s8;
	s5 =	sadd.s32 s7, s2  }
0xb: {  	s9 =	sshrl.u32 s0, $0x1;
	s1 =	smul.u32 $0x1480, s1;
	s7 =	sadd.s32 $0x4000, s5  }
0xc: {  	s0 =	ssub.s32 s0, s9;
	s21 =	sadd.s32 $0x8000, s5;
	[dreg:$0x3] =	wrdreg s7  }
0xd: {  	s9 =	simm.s32 $0x0;
	s22 =	sadd.s32 $0xC000, s5;
	[dreg:$0x4] =	wrdreg s21  }
0xe: {  	s23 =	sadd.s32 $0x10000, s5;
	s0 =	smax.u32 s0, $0x1;
	[dreg:$0x5] =	wrdreg s22  }
0xf: {  	s1 =	sadd.s32 s1, s6;
	s6 =	sadd.s32 s8, s6;
	[dreg:$0x6] =	wrdreg s23  }
0x10: {  	[dreg:$0x8] =	wrdreg s0;
	s23 =	simm.s32 $0x200;
	s0 =	simm.s32 $0x4  }
0x11: {  	s7 =	simm.s32 $0x280;
	s8 =	simm.s32 $0x380;
	s10 =	sadd.s32 $0xE000, s1  }
.Ltmp0:
0x12: {  	s24 =	sadd.s32 $0x87000, s6;
	s1 =	simm.s32 $0x180;
	(pc) =	sbr.rel .LBB2_1-.Ltmp0, $4  }
0x13: {  	s6 =	simm.s32 $0x8;
	[dreg:$0x7] =	wrdreg s24;
	s25 =	sadd.s32 $0x20, s10  }
0x14: {  	s26 =	sadd.s32 $0x40, s10;
	s20 =	sadd.s32 $0x60, s10;
	s21 =	sadd.s32 $0x80, s10  }
0x15: {  	s22 =	sadd.s32 $0xA0, s10;
	s24 =	simm.s32 $0x5;
	[dreg:$0x9] =	wrdreg s25  }
0x16: {  	v0 =	vimm.f32 $0.0e+00;
	[dreg:$0xa] =	wrdreg s26;
	s25 =	simm.s32 $0x2;
	s26 =	simm.s32 $0x4400  }
.LBB2_6:
0x17: {  	_ =	swait.ge [sflag:s29], $0x4000  }
0x18: {  	[sflag:s29] =	ssyncset.done $0x0  }
0x19: {  	[sflag:s29] =	ssyncadd.s32 $0xFFFFC000  }
0x1a: {  	[spmem:s2] =	stream.indirect.scatter.add.f32 [tilespmem:s26], [sflag:$0x8], $0x80, s8, s18, $0xb8;
	[tilespmem:$0x1C400] =	vst v63  }
0x1b: {  	_ =	swait.ge [sflag:s6], $0x4000  }
0x1c: {  	[sflag:s6] =	ssyncset.done $0x0  }
0x1d: {  	[sflag:s6] =	ssyncadd.s32 $0xFFFFC000  }
0x1e: {  	_ =	swait.ge [sflag:s31], $0x4000  }
0x1f: {  	[sflag:s31] =	ssyncset.done $0x0  }
0x20: {  	s11 =	stileid.u32;
	[sflag:s31] =	ssyncadd.s32 $0xFFFFC000  }
0x21: {  	s11 =	sshll.u32 s11, $0x6;
	[bflag:$0x0] =	sbarrier.arrive $0xFFFF  }
0x22: {  	s12 =	sshrl.u32 s5, $0x3;
	s11 =	sor.u32 $0x1C09, s11;
	s16 =	rddreg [dreg:$0x7]  }
0x23: {  	[hbm:s16], [sflag:s11] =	dma.local [spmem:s12], $0x2800  }
0x24: {  	_ =	swait.ge [sflag:s14], $0x2800  }
0x25: {  	s9 =	sadd.s32 $0x1, s9;
	s19 =	rddreg [dreg:$0x8]  }
0x26: {  	p0 =	sne.s32 s9, s19  }
.Ltmp1:
0x27: {  	_ = 	snop;
	(pc) =	sbr.rel @!p0 .LBB2_7-.Ltmp1, $3  }
0x28: {  	_ =	sdelay $0x1  }
0x29: {  	[sflag:s14] =	ssyncset.done $0x0  }
0x2a: {  	[sflag:s14] =	ssyncadd.s32 $0xFFFFD800  }
.LBB2_1:
0x2b: {  	s11 =	simm.s32 $0x0;
	s12 =	simm.s32 $0x200  }
.LBB2_2:
0x2c: {  	p0 =	sne.s32 s12, $0xFE00;
	[tilespmem:s11+$0x470] =	vst v0  }
0x2d: {  	[tilespmem:s11+$0x400] =	vst v0  }
0x2e: {  	[tilespmem:s11+$0x410] =	vst v0  }
.Ltmp2:
0x2f: {  	[tilespmem:s11+$0x420] =	vst v0;
	(pc) =	sbr.rel @p0 .LBB2_2-.Ltmp2, $4  }
0x30: {  	[tilespmem:s11+$0x430] =	vst v0  }
0x31: {  	[tilespmem:s11+$0x440] =	vst v0  }
0x32: {  	[tilespmem:s11+$0x450] =	vst v0  }
0x33: {  	[tilespmem:s11+$0x460] =	vst v0;
	s11 =	sshra.s32 s12, $0x2;
	s12 =	sadd.s32 $0x200, s12  }
0x34: {  	[tilespmem:s11+$0x470] =	vst v0  }
0x35: {  	[tilespmem:s11+$0x400] =	vst v0  }
0x36: {  	[tilespmem:s11+$0x410] =	vst v0  }
0x37: {  	[tilespmem:s11+$0x420] =	vst v0  }
0x38: {  	[tilespmem:s11+$0x430] =	vst v0  }
0x39: {  	[tilespmem:s11+$0x440] =	vst v0  }
0x3a: {  	[tilespmem:s11+$0x450] =	vst v0  }
0x3b: {  	[tilespmem:s11+$0x460] =	vst v0  }
0x3c: {  	[spmem:s5] =	stream.linear.scatter [tilespmem:s13], [sflag:$0x9], $0x4000, $0x38;
	[tilespmem:$0x1C400] =	vst v63  }
0x3d: {  	_ =	swait.ge [sflag:s14], $0x4000  }
0x3e: {  	[sflag:s14] =	ssyncset.done $0x0  }
0x3f: {  	s12 =	rddreg [dreg:$0x3];
	[sflag:s14] =	ssyncadd.s32 $0xFFFFC000  }
0x40: {  	[spmem:s12] =	stream.linear.scatter [tilespmem:s13], [sflag:$0x9], $0x4000, $0x38;
	[tilespmem:$0x1C400] =	vst v63  }
0x41: {  	_ =	swait.ge [sflag:s14], $0x4000  }
0x42: {  	[sflag:s14] =	ssyncset.done $0x0  }
0x43: {  	s16 =	rddreg [dreg:$0x4];
	[sflag:s14] =	ssyncadd.s32 $0xFFFFC000  }
0x44: {  	[spmem:s16] =	stream.linear.scatter [tilespmem:s13], [sflag:$0x9], $0x4000, $0x38;
	[tilespmem:$0x1C400] =	vst v63  }
0x45: {  	_ =	swait.ge [sflag:s14], $0x4000  }
0x46: {  	[sflag:s14] =	ssyncset.done $0x0  }
0x47: {  	s19 =	rddreg [dreg:$0x5];
	[sflag:s14] =	ssyncadd.s32 $0xFFFFC000  }
0x48: {  	[spmem:s19] =	stream.linear.scatter [tilespmem:s13], [sflag:$0x9], $0x4000, $0x38;
	[tilespmem:$0x1C400] =	vst v63  }
0x49: {  	_ =	swait.ge [sflag:s14], $0x4000  }
0x4a: {  	[sflag:s14] =	ssyncset.done $0x0  }
0x4b: {  	s12 =	rddreg [dreg:$0x6];
	[sflag:s14] =	ssyncadd.s32 $0xFFFFC000  }
0x4c: {  	[spmem:s12] =	stream.linear.scatter [tilespmem:s13], [sflag:$0x9], $0x4000, $0x38;
	[tilespmem:$0x1C400] =	vst v63  }
0x4d: {  	_ =	swait.ge [sflag:s14], $0x4000  }
0x4e: {  	[sflag:s14] =	ssyncset.done $0x0  }
0x4f: {  	[sflag:s14] =	ssyncadd.s32 $0xFFFFC000  }
0x50: {  	[bflag:$0x0] =	sbarrier.arrive $0xFFFF  }
0x51: {  	[tilespmem:s3], [sflag:$0x1] =	stream.linear.gather [hbm4b:s10+s3], $0x100, $0x38;
	[tilespmem:$0x1C400] =	vst v63  }
0x52: {  	_ =	swait.ge [sflag:s15], $0x100  }
0x53: {  	[sflag:s15] =	ssyncset.done $0x0  }
0x54: {  	s16 =	rddreg [dreg:$0x9];
	[sflag:s15] =	ssyncadd.s32 $0xFFFFFF00  }
0x55: {  	[tilespmem:s17], [sflag:$0x2] =	stream.linear.gather [hbm4b:s16+s3], $0x100, $0x38;
	[tilespmem:$0x1C400] =	vst v63  }
0x56: {  	_ = 	snop  }
0x57: {  	[tilespmem:s13], [sflag:$0x5] =	stream.indirect.gather [hbm4b:s4+s18], $0x80, s3, s18, $0xb8;
	[tilespmem:$0x1C400] =	vst v63  }
0x58: {  	s19 =	rddreg [dreg:$0xa]  }
0x59: {  	[tilespmem:s23], [sflag:$0x3] =	stream.linear.gather [hbm4b:s19+s3], $0x100, $0x38;
	[tilespmem:$0x1C400] =	vst v63  }
0x5a: {  	_ =	swait.ge [sflag:s24], $0x4000  }
0x5b: {  	[sflag:s24] =	ssyncset.done $0x0  }
0x5c: {  	[sflag:s24] =	ssyncadd.s32 $0xFFFFC000  }
0x5d: {  	_ =	swait.ge [sflag:s25], $0x100  }
0x5e: {  	[sflag:s25] =	ssyncset.done $0x0  }
0x5f: {  	[sflag:s25] =	ssyncadd.s32 $0xFFFFFF00  }
0x60: {  	[tilespmem:s26], [sflag:$0x6] =	stream.indirect.gather [hbm4b:s4+s18], $0x80, s17, s18, $0xb8;
	[tilespmem:$0x1C400] =	vst v63  }
0x61: {  	_ = 	snop  }
0x62: {  	[spmem:s2] =	stream.indirect.scatter.add.f32 [tilespmem:s13], [sflag:$0x7], $0x80, s18, s18, $0xb8;
	[tilespmem:$0x1C400] =	vst v63  }
0x63: {  	_ = 	snop  }
0x64: {  	[tilespmem:s28], [sflag:$0x4] =	stream.linear.gather [hbm4b:s20+s3], $0x100, $0x38;
	[tilespmem:$0x1C400] =	vst v63  }
0x65: {  	_ =	swait.ge [sflag:s29], $0x4000  }
0x66: {  	[sflag:s29] =	ssyncset.done $0x0  }
0x67: {  	[sflag:s29] =	ssyncadd.s32 $0xFFFFC000  }
0x68: {  	_ =	swait.ge [sflag:s30], $0x100  }
0x69: {  	[sflag:s30] =	ssyncset.done $0x0  }
0x6a: {  	[sflag:s30] =	ssyncadd.s32 $0xFFFFFF00  }
0x6b: {  	_ =	swait.ge [sflag:s31], $0x4000  }
0x6c: {  	[sflag:s31] =	ssyncset.done $0x0  }
0x6d: {  	[sflag:s31] =	ssyncadd.s32 $0xFFFFC000  }
0x6e: {  	[tilespmem:s13], [sflag:$0x5] =	stream.indirect.gather [hbm4b:s4+s18], $0x80, s23, s18, $0xb8;
	[tilespmem:$0x1C400] =	vst v63  }
0x6f: {  	_ = 	snop  }
0x70: {  	[spmem:s2] =	stream.indirect.scatter.add.f32 [tilespmem:s26], [sflag:$0x8], $0x80, s1, s18, $0xb8;
	[tilespmem:$0x1C400] =	vst v63  }
0x71: {  	_ = 	snop  }
0x72: {  	[tilespmem:s3], [sflag:$0x1] =	stream.linear.gather [hbm4b:s21+s3], $0x100, $0x38;
	[tilespmem:$0x1C400] =	vst v63  }
0x73: {  	_ =	swait.ge [sflag:s24], $0x4000  }
0x74: {  	[sflag:s24] =	ssyncset.done $0x0  }
0x75: {  	[sflag:s24] =	ssyncadd.s32 $0xFFFFC000  }
0x76: {  	_ =	swait.ge [sflag:s0], $0x100  }
0x77: {  	[sflag:s0] =	ssyncset.done $0x0  }
0x78: {  	[sflag:s0] =	ssyncadd.s32 $0xFFFFFF00  }
0x79: {  	_ =	swait.ge [sflag:s6], $0x4000  }
0x7a: {  	[sflag:s6] =	ssyncset.done $0x0  }
0x7b: {  	[sflag:s6] =	ssyncadd.s32 $0xFFFFC000  }
0x7c: {  	[tilespmem:s26], [sflag:$0x6] =	stream.indirect.gather [hbm4b:s4+s18], $0x80, s28, s18, $0xb8;
	[tilespmem:$0x1C400] =	vst v63  }
0x7d: {  	_ = 	snop  }
0x7e: {  	[spmem:s2] =	stream.indirect.scatter.add.f32 [tilespmem:s13], [sflag:$0x7], $0x80, s7, s18, $0xb8;
	[tilespmem:$0x1C400] =	vst v63  }
0x7f: {  	_ = 	snop  }
0x80: {  	[tilespmem:s17], [sflag:$0x2] =	stream.linear.gather [hbm4b:s22+s3], $0x100, $0x38;
	[tilespmem:$0x1C400] =	vst v63  }
0x81: {  	_ =	swait.ge [sflag:s29], $0x4000  }
0x82: {  	[sflag:s29] =	ssyncset.done $0x0  }
0x83: {  	[sflag:s29] =	ssyncadd.s32 $0xFFFFC000  }
0x84: {  	_ =	swait.ge [sflag:s15], $0x100  }
0x85: {  	[sflag:s15] =	ssyncset.done $0x0  }
0x86: {  	[sflag:s15] =	ssyncadd.s32 $0xFFFFFF00  }
0x87: {  	_ =	swait.ge [sflag:s31], $0x4000  }
0x88: {  	[sflag:s31] =	ssyncset.done $0x0  }
0x89: {  	[sflag:s31] =	ssyncadd.s32 $0xFFFFC000  }
0x8a: {  	[tilespmem:s13], [sflag:$0x5] =	stream.indirect.gather [hbm4b:s4+s18], $0x80, s3, s18, $0xb8;
	[tilespmem:$0x1C400] =	vst v63  }
0x8b: {  	s11 =	simm.s32 $0xFFFFEC80  }
0x8c: {  	[spmem:s2] =	stream.indirect.scatter.add.f32 [tilespmem:s26], [sflag:$0x8], $0x80, s8, s18, $0xb8;
	[tilespmem:$0x1C400] =	vst v63  }
.LBB2_4:
0x8d: {  	s12 =	sadd.s32 s11, s10  }
0x8e: {  	s16 =	sadd.s32 $0x1440, s12  }
0x8f: {  	[tilespmem:s23], [sflag:$0x3] =	stream.linear.gather [hbm4b:s16+s3], $0x100, $0x38;
	[tilespmem:$0x1C400] =	vst v63  }
0x90: {  	_ =	swait.ge [sflag:s24], $0x4000  }
0x91: {  	[sflag:s24] =	ssyncset.done $0x0  }
0x92: {  	[sflag:s24] =	ssyncadd.s32 $0xFFFFC000  }
0x93: {  	_ =	swait.ge [sflag:s25], $0x100  }
0x94: {  	[sflag:s25] =	ssyncset.done $0x0  }
0x95: {  	[sflag:s25] =	ssyncadd.s32 $0xFFFFFF00  }
0x96: {  	_ =	swait.ge [sflag:s6], $0x4000  }
0x97: {  	[sflag:s6] =	ssyncset.done $0x0  }
0x98: {  	[sflag:s6] =	ssyncadd.s32 $0xFFFFC000  }
0x99: {  	[tilespmem:s26], [sflag:$0x6] =	stream.indirect.gather [hbm4b:s4+s18], $0x80, s17, s18, $0xb8;
	[tilespmem:$0x1C400] =	vst v63  }
0x9a: {  	_ = 	snop  }
0x9b: {  	[spmem:s2] =	stream.indirect.scatter.add.f32 [tilespmem:s13], [sflag:$0x7], $0x80, s18, s18, $0xb8;
	[tilespmem:$0x1C400] =	vst v63  }
0x9c: {  	s19 =	sadd.s32 $0x1460, s12  }
0x9d: {  	[tilespmem:s28], [sflag:$0x4] =	stream.linear.gather [hbm4b:s19+s3], $0x100, $0x38;
	[tilespmem:$0x1C400] =	vst v63  }
0x9e: {  	_ =	swait.ge [sflag:s29], $0x4000  }
0x9f: {  	[sflag:s29] =	ssyncset.done $0x0  }
0xa0: {  	[sflag:s29] =	ssyncadd.s32 $0xFFFFC000  }
0xa1: {  	_ =	swait.ge [sflag:s30], $0x100  }
0xa2: {  	[sflag:s30] =	ssyncset.done $0x0  }
0xa3: {  	[sflag:s30] =	ssyncadd.s32 $0xFFFFFF00  }
0xa4: {  	_ =	swait.ge [sflag:s31], $0x4000  }
0xa5: {  	[sflag:s31] =	ssyncset.done $0x0  }
0xa6: {  	p0 =	seq.s32 s11, $0x0;
	[sflag:s31] =	ssyncadd.s32 $0xFFFFC000  }
0xa7: {  	[tilespmem:s13], [sflag:$0x5] =	stream.indirect.gather [hbm4b:s4+s18], $0x80, s23, s18, $0xb8;
	[tilespmem:$0x1C400] =	vst v63  }
0xa8: {  	s16 =	sadd.s32 @!p0 s11, s10  }
0xa9: {  	[spmem:s2] =	stream.indirect.scatter.add.f32 [tilespmem:s26], [sflag:$0x8], $0x80, s1, s18, $0xb8;
	[tilespmem:$0x1C400] =	vst v63  }
0xaa: {  	s16 =	sadd.s32 @!p0 $0x1480, s16;
	s19 =	simm.s32 @!p0 $0x0  }
0xab: {  	[tilespmem:s19], [sflag:$0x1] =	stream.linear.gather @!p0 [hbm4b:s16+s19], $0x100, $0x38;
	[tilespmem:$0x1C400] =	vst v63  }
0xac: {  	_ =	swait.ge [sflag:s24], $0x4000  }
0xad: {  	[sflag:s24] =	ssyncset.done $0x0  }
0xae: {  	[sflag:s24] =	ssyncadd.s32 $0xFFFFC000  }
0xaf: {  	_ =	swait.ge [sflag:s0], $0x100  }
0xb0: {  	[sflag:s0] =	ssyncset.done $0x0  }
0xb1: {  	[sflag:s0] =	ssyncadd.s32 $0xFFFFFF00  }
0xb2: {  	_ =	swait.ge [sflag:s6], $0x4000  }
.Ltmp3:
0xb3: {  	[sflag:s6] =	ssyncset.done $0x0;
	(pc) =	sbr.rel @p0 .LBB2_6-.Ltmp3, $4  }
0xb4: {  	[sflag:s6] =	ssyncadd.s32 $0xFFFFC000  }
0xb5: {  	[tilespmem:s26], [sflag:$0x6] =	stream.indirect.gather [hbm4b:s4+s18], $0x80, s28, s18, $0xb8;
	[tilespmem:$0x1C400] =	vst v63  }
0xb6: {  	_ = 	snop  }
0xb7: {  	[spmem:s2] =	stream.indirect.scatter.add.f32 [tilespmem:s13], [sflag:$0x7], $0x80, s7, s18, $0xb8;
	[tilespmem:$0x1C400] =	vst v63  }
0xb8: {  	s12 =	sadd.s32 $0x14A0, s12  }
0xb9: {  	[tilespmem:s17], [sflag:$0x2] =	stream.linear.gather [hbm4b:s12+s3], $0x100, $0x38;
	[tilespmem:$0x1C400] =	vst v63  }
0xba: {  	_ =	swait.ge [sflag:s29], $0x4000  }
0xbb: {  	[sflag:s29] =	ssyncset.done $0x0  }
0xbc: {  	[sflag:s29] =	ssyncadd.s32 $0xFFFFC000  }
0xbd: {  	_ =	swait.ge [sflag:s15], $0x100  }
0xbe: {  	[sflag:s15] =	ssyncset.done $0x0  }
0xbf: {  	[sflag:s15] =	ssyncadd.s32 $0xFFFFFF00  }
0xc0: {  	_ =	swait.ge [sflag:s31], $0x4000  }
.Ltmp4:
0xc1: {  	[sflag:s31] =	ssyncset.done $0x0;
	(pc) =	sbr.rel .LBB2_4-.Ltmp4, $4  }
0xc2: {  	[sflag:s31] =	ssyncadd.s32 $0xFFFFC000  }
0xc3: {  	[tilespmem:s13], [sflag:$0x5] =	stream.indirect.gather [hbm4b:s4+s18], $0x80, s3, s18, $0xb8;
	[tilespmem:$0x1C400] =	vst v63  }
0xc4: {  	s11 =	sadd.s32 $0x80, s11  }
0xc5: {  	[spmem:s2] =	stream.indirect.scatter.add.f32 [tilespmem:s26], [sflag:$0x8], $0x80, s8, s18, $0xb8;
	[tilespmem:$0x1C400] =	vst v63  }
.LBB2_7:
0xc6: {  	_ =	sfence.sel $0x180000  }
0xc7: {  	[bflag:$0x0] =	sbarrier.arrive $0xFFFF  }
0xc8: {  	_ =	strace $0x9000004D  }
0xc9: {  	s0 =	stileid.u32;
	[bflag:$0x2] =	sbarrier.arrive $0xFFFF  }
0xca: {  	p0 =	sne.s32 s0, $0x0;
	s0 =	rddreg [dreg:$0x2]  }
0xcb: {  	s0 =	sadd.s32 @!p0 $0x100000, s0  }
0xcc: {  	[sflag:s0] =	ssyncadd.tile.s32 @!p0 $0x1;
	_ =	shalt  }
.Lfunc_end2:
_tile_overlayer_lowered:
.L_overlay_start_2:
0xcd: {  	(tag) =	ssettag $0x2  }
0xce: {  	s0 =	rddreg [dreg:$0x0];
	s2 =	stileid.u32  }
0xcf: {  	s1 =	rddreg [dreg:$0x1];
	p0 =	sne.s32 s2, $0x0  }
0xd0: {  	s3 =	rddreg [dreg:$0x2];
	[bflag:$0x3] =	sbarrier.arrive $0xFFFF;
	s2 =	simm.s32 @!p0 $0x1C09  }
0xd1: {  	[timem:s3], [sflag:s2] =	dma.local @!p0 [hbm:s0], s1  }
0xd2: {  	s0 =	simm.s32 @!p0 $0x9  }
0xd3: {  	_ =	swait.ge @!p0 [sflag:s0], s1  }
0xd4: {  	s1 =	ssub.s32 @!p0 $0x0, s1;
	[sflag:s0] =	ssyncset.done @!p0 $0x0  }
0xd5: {  	[sflag:s0] =	ssyncadd.s32 @!p0 s1  }
0xd6: {  	[bflag:$0x3] =	sbarrier.arrive $0xFFFF  }
0xd7: {  	_ =	shalt  }

// kernel: kernel.22.cloned.1.call-start
scs
__scs_entry_jumppad:
0x0: {  	(pc) =	sbr.rel $0x88, $3  }
0x1: {  	(tag) =	ssettag $0x0;
	lr =	simm.s32 $0x1  }
0x2: {  	[smem:$0x3F98] =	sst lr;
	_ =	strace $0xD0000000  }
0x3: {  	_ = 	snop  }
0x4: {  	_ = 	snop  }
0x5: {  	_ = 	snop  }
0x6: {  	_ = 	snop  }
0x7: {  	_ = 	snop  }
__scs_overlays_trampoline_lowered:
0x8: {  	[smem:$0x3FA7] =	sst s0  }
0x9: {  	[smem:$0x3FA8] =	sst s1  }
0xa: {  	[smem:$0x3FA9] =	sst s2  }
0xb: {  	[smem:$0x3FAA] =	sst s3  }
0xc: {  	[smem:$0x3FAB] =	sst s4  }
0xd: {  	[smem:$0x3FAC] =	sst s5  }
0xe: {  	[smem:$0x3FAD] =	sst s6  }
0xf: {  	[smem:$0x3FAE] =	sst s7  }
0x10: {  	[smem:$0x3FAF] =	sst s8  }
0x11: {  	[smem:$0x3FB0] =	sst s9;
	s0 =	simm.s32 @!p0 $0x0  }
0x12: {  	s1 =	sld [smem:$0x3F96];
	s0 =	simm.s32 @p0 $0x1  }
0x13: {  	[smem:$0x3FB1] =	sst s0;
	s0 =	simm.s32 @!p1 $0x0  }
0x14: {  	s2 =	sld [smem:$0x3F95];
	s0 =	simm.s32 @p1 $0x1  }
0x15: {  	[smem:$0x3FB2] =	sst s0;
	s0 =	simm.s32 @!p2 $0x0  }
0x16: {  	s3 =	sld [smem:$0x3FDB];
	s0 =	simm.s32 @p2 $0x1  }
0x17: {  	s4 =	simm.s32 $0x1BF5;
	[smem:$0x3FB4] =	sst s0  }
0x18: {  	s0 =	sld [smem:$0x3F97];
	_ =	swait.ge [sflag:s4], $0x0  }
0x19: {  	s7 =	sld [smem:$0x3F98]  }
0x1a: {  	s8 =	sadd.s32 $0xFFFFE003, lr  }
0x1b: {  	s9 =	sadd.s32 $0xFFFFFEF7, lr;
	s5 =	simm.s32 $0xFFFFFFFF;
	p2 =	slt.u32 s8, $0xFFFFF086  }
0x1c: {  	p1 =	slt.u32 s9, $0xF7A;
	s5 =	simm.s32 @!p2 $0x0  }
0x1d: {  	s5 =	simm.s32 @p1 $0x1;
	p0 =	seq.s32 s7, s2  }
0x1e: {  	s7 =	smul.u32 @!p0 $0xF7A, s2;
	p2 =	seq.s32 @!p0 s5, $0x0  }
0x1f: {  	s9 =	smul.u32 $0xF7A, s1;
	s8 =	simm.s32 @!p0 $0x1BF5;
	p2 =	por !p2, p0  }
0x20: {  	[sflag:s8] =	ssyncset.s32 @!p0 $0xFFFFF086;
	s6 =	sadd.s32 @!p0 s3, s7;
	s7 =	simm.s32 @!p0 $0x108  }
0x21: {  	s3 =	sadd.s32 s3, s9;
	s6 =	sadd.s32 @!p0 $0x88, s6;
	s7 =	simm.s32 @p2 $0x1082  }
0x22: {  	[simem:s7], [sflag:s8] =	dma.local @!p0 [hbm:s6], $0xF7A  }
0x23: {  	s9 =	sor.u32 $0xD0000000, s2;
	s6 =	simm.s32 $0x108;
	_ =	swait.ge @!p0 [sflag:s8], $0x0  }
0x24: {  	s3 =	sadd.s32 $0x88, s3;
	s6 =	simm.s32 @!p1 $0x1082;
	[sflag:s4] =	ssyncset.s32 $0xFFFFF086  }
0x25: {  	[simem:s6], [sflag:s4] =	dma.local [hbm:s3], $0xF7A  }
0x26: {  	[smem:$0x3F98] =	sst s1;
	(tag) =	ssettag s2;
	_ =	strace s9  }
0x27: {  	s1 =	sld [smem:$0x3FA8]  }
0x28: {  	s2 =	sld [smem:$0x3FA9]  }
0x29: {  	s4 =	sld [smem:$0x3FAB]  }
0x2a: {  	p0 =	seq.s32 s5, $0x0;
	s5 =	sld [smem:$0x3FAC]  }
0x2b: {  	s6 =	sld [smem:$0x3FAD]  }
0x2c: {  	s7 =	sld [smem:$0x3FAE]  }
0x2d: {  	s3 =	simm.s32 $0x108;
	s8 =	sld [smem:$0x3FAF]  }
0x2e: {  	s3 =	simm.s32 @!p0 $0x1082;
	s9 =	sld [smem:$0x3FB0]  }
0x2f: {  	lr =	sadd.s32 s0, s3;
	s0 =	sld [smem:$0x3FA7]  }
0x30: {  	s3 =	sld [smem:$0x3FAA]  }
0x31: {  	[smem:$0x3FB3] =	sst s10  }
0x32: {  	s10 =	sld [smem:$0x3FB1];
	_ =	sdelay $0x3  }
0x33: {  	p0 =	seq.s32 s10, $0x1;
	s10 =	sld [smem:$0x3FB3];
	_ =	sdelay $0x3  }
0x34: {  	[smem:$0x3FB3] =	sst s10  }
0x35: {  	s10 =	sld [smem:$0x3FB2];
	_ =	sdelay $0x3  }
0x36: {  	p1 =	seq.s32 s10, $0x1;
	s10 =	sld [smem:$0x3FB3];
	_ =	sdelay $0x3  }
0x37: {  	[smem:$0x3FB3] =	sst s10  }
0x38: {  	s10 =	sld [smem:$0x3FB4]  }
0x39: {  	_ = 	snop;
	(pc) =	sbr.ind lr, $3  }
0x3a: {  	_ = 	snop  }
0x3b: {  	_ = 	snop  }
0x3c: {  	p2 =	seq.s32 s10, $0x1;
	s10 =	sld [smem:$0x3FB3]  }
0x3d: {  	_ =	shalt  }
0x3e: {  	_ =	shalt  }
0x3f: {  	_ =	shalt  }
0x40: {  	_ =	shalt  }
0x41: {  	_ =	shalt  }
0x42: {  	_ =	shalt  }
0x43: {  	_ =	shalt  }
0x44: {  	_ =	shalt  }
0x45: {  	_ =	shalt  }
0x46: {  	_ =	shalt  }
0x47: {  	_ =	shalt  }
0x48: {  	_ =	shalt  }
0x49: {  	_ =	shalt  }
0x4a: {  	_ =	shalt  }
0x4b: {  	_ =	shalt  }
0x4c: {  	_ =	shalt  }
0x4d: {  	_ =	shalt  }
0x4e: {  	_ =	shalt  }
0x4f: {  	_ =	shalt  }
0x50: {  	_ =	shalt  }
0x51: {  	_ =	shalt  }
0x52: {  	_ =	shalt  }
0x53: {  	_ =	shalt  }
0x54: {  	_ =	shalt  }
0x55: {  	_ =	shalt  }
0x56: {  	_ =	shalt  }
0x57: {  	_ =	shalt  }
0x58: {  	_ =	shalt  }
0x59: {  	_ =	shalt  }
0x5a: {  	_ =	shalt  }
0x5b: {  	_ =	shalt  }
0x5c: {  	_ =	shalt  }
0x5d: {  	_ =	shalt  }
0x5e: {  	_ =	shalt  }
0x5f: {  	_ =	shalt  }
0x60: {  	_ =	shalt  }
0x61: {  	_ =	shalt  }
0x62: {  	_ =	shalt  }
0x63: {  	_ =	shalt  }
0x64: {  	_ =	shalt  }
0x65: {  	_ =	shalt  }
0x66: {  	_ =	shalt  }
0x67: {  	_ =	shalt  }
0x68: {  	_ =	shalt  }
0x69: {  	_ =	shalt  }
0x6a: {  	_ =	shalt  }
0x6b: {  	_ =	shalt  }
0x6c: {  	_ =	shalt  }
0x6d: {  	_ =	shalt  }
0x6e: {  	_ =	shalt  }
0x6f: {  	_ =	shalt  }
0x70: {  	_ =	shalt  }
0x71: {  	_ =	shalt  }
0x72: {  	_ =	shalt  }
0x73: {  	_ =	shalt  }
0x74: {  	_ =	shalt  }
0x75: {  	_ =	shalt  }
0x76: {  	_ =	shalt  }
0x77: {  	_ =	shalt  }
0x78: {  	_ =	shalt  }
0x79: {  	_ =	shalt  }
0x7a: {  	_ =	shalt  }
0x7b: {  	_ =	shalt  }
0x7c: {  	_ =	shalt  }
0x7d: {  	_ =	shalt  }
0x7e: {  	_ =	shalt  }
0x7f: {  	_ =	shalt  }
0x80: {  	_ =	shalt  }
0x81: {  	_ =	shalt  }
0x82: {  	_ =	shalt  }
0x83: {  	_ =	shalt  }
0x84: {  	_ =	shalt  }
0x85: {  	_ =	shalt  }
0x86: {  	_ =	shalt  }
0x87: {  	_ =	shalt  }
.Lfunc_end0:
.L_simem_size_0:
called_computation.3_lowered:
.L_overlay_start_0:
0x88: {  	s2 =	sld [smem:$0x3FD9]  }
0x89: {  	s3 =	sld [smem:$0x3FFE];
	_ =	sdelay $0x1  }
0x8a: {  	s1 =	srdreg.scid  }
0x8b: {  	s0 =	sand.u32 $0x1, s1  }
0x8c: {  	s16 =	sshll.u32 s0, $0xA;
	s2 =	sadd.s32 s3, s2  }
0x8d: {  	s2 =	sadd.s32 s2, s16  }
0x8e: {  	[smem:$0x3FBF] =	sst s2  }
0x8f: {  	_ = 	snop  }
0x90: {  	(tm) =	ssettm $0x1  }
0x91: {  	s17 =	sld [smem:$0x3FFB];
	_ =	sdelay $0x3  }
0x92: {  	_ =	strace s17  }
0x93: {  	s2 =	sld [smem:$0x3FFC];
	_ =	sdelay $0x3  }
0x94: {  	_ =	strace s2  }
0x95: {  	s2 =	sld [smem:$0x3FFD];
	_ =	sdelay $0x3  }
0x96: {  	_ =	strace s2  }
0x97: {  	_ =	strace $0x8FFFFFFF  }
0x98: {  	s18 =	sld [smem:$0x3FDB];
	_ =	sdelay $0x1  }
0x99: {  	s19 =	simm.s32 $_scs_section_size  }
0x9a: {  	s4 =	simm.s32 $_size__tile_overlayer_lowered;
	s5 =	simm.s32 $_tile_overlayer_lowered  }
0x9b: {  	s22 =	simm.s32 $0x1BFF;
	s21 =	sshll.u32 s5, $0x1;
	s2 =	sadd.s32 s19, s18  }
0x9c: {  	s6 =	simm.s32 $0x0;
	s20 =	sshll.u32 s4, $0x1;
	s4 =	sadd.s32 s21, s2  }
0x9d: {  	[timem:s6], [sflag:s22] =	dma.local [hbm:s4], s20  }
0x9e: {  	_ =	swait.ge [sflag:s22], s20  }
0x9f: {  	s3 =	ssub.s32 $0x0, s20;
	[sflag:s22] =	ssyncset.done $0x0  }
0xa0: {  	[sflag:s22] =	ssyncadd.s32 s3;
	_ =	sdelay $0x1  }
0xa1: {  	s23 =	simm.s32 $0x1B8B  }
0xa2: {  	_ =	swait.ge [sflag:s23], $0x1  }
0xa3: {  	[sflag:s23] =	ssyncset.done $0x0  }
0xa4: {  	s25 =	simm.s32 $0x1B8E;
	s24 =	sld [smem:$0x3FFE];
	[sflag:s23] =	ssyncadd.s32 $0xFFFFFFFF  }
0xa5: {  	s26 =	simm.s32 $execute0_lowered;
	[smem:$0x3FD2] =	sst s25  }
0xa6: {  	s4 =	sshll.u32 s26, $0x1;
	_ =	strace $0x8000004F;
	[dreg:$0x1] =	wrdreg $0xFFFFFFFF  }
0xa7: {  	s28 =	simm.s32 $_size_execute0_lowered;
	s2 =	sadd.s32 s2, s4;
	[dreg:$0x0] =	wrdreg $0x0  }
0xa8: {  	s4 =	sshll.u32 s28, $0x1;
	[dreg:$0x2] =	wrdreg s2  }
0xa9: {  	[dreg:$0x3] =	wrdreg s4  }
0xaa: {  	[dreg:$0x4] =	wrdreg $0xC0  }
0xab: {  	_ =	task [dreg:s6], $0x5FFFF  }
0xac: {  	[dreg:$0x1] =	wrdreg $0xFFFFFFFF  }
0xad: {  	[dreg:$0x0] =	wrdreg $0x60  }
0xae: {  	[dreg:$0x2] =	wrdreg s24  }
0xaf: {  	[dreg:$0x3] =	wrdreg $0x84000  }
0xb0: {  	[dreg:$0x4] =	wrdreg $0x9  }
0xb1: {  	_ =	task.clear_ibuf [dreg:s6], $0x5FFFF;
	_ =	strace $0x9000004F  }
0xb2: {  	s29 =	simm.s32 $0x9;
	_ =	strace $0x80000051  }
0xb3: {  	_ =	swait.ge [sflag:s29], $0x1  }
0xb4: {  	[sflag:s29] =	ssyncadd.s32 $0xFFFFFFFF  }
0xb5: {  	_ =	strace $0x90000051  }
0xb6: {  	_ =	sfence  }
0xb7: {  	s30 =	sld [smem:$0x0];
	_ =	sdelay $0x2  }
0xb8: {  	s31 =	sshll.u32 s1, $0xD;
	s1 =	sshrl.u32 s1, $0x2  }
0xb9: {  	s3 =	sand.u32 $0x4000, s31;
	s1 =	sadd.s32 s1, s30  }
0xba: {  	s0 =	sor.u32 s3, s0;
	s1 =	sshll.u32 s1, $0x11  }
0xbb: {  	s0 =	sor.u32 s1, s0  }
0xbc: {  	s0 =	sadd.s32 $0x8F2B, s0  }
0xbd: {  	[sflag:s0] =	ssyncadd.remote.s32 $0x1  }
0xbe: {  	_ =	sfence.sel $0xFFFF  }
0xbf: {  	[dreg:$0x0] =	wrdreg $0xFFFFFFFF;
	(pc) =	sbr.abs _section_cstart, $3  }
0xc0: {  	[dreg:$0x1] =	wrdreg $0xFFFFFFFF  }
0xc1: {  	_ =	task.clear_ibuf [dreg:s6], $0x2FFFF;
	_ =	strace $0x9FFFFFFF  }
0xc2: {  	(tm) =	ssettm $0x7FFFFFFF  }
0xc3: {  	_ =	shalt  }
tec
execute0_lowered:
.L_overlay_start_1:
0x0: {  	(tag) =	ssettag $0x1  }
0x1: {  	s0 =	srdreg.scid  }
0x2: {  	s4 =	stileid.u32;
	s6 =	rddreg [dreg:$0x0]  }
0x3: {  	s2 =	rddreg [dreg:$0x1];
	s3 =	simm.s32 $0x0;
	s13 =	simm.s32 $0x400  }
0x4: {  	s14 =	simm.s32 $0x9;
	s15 =	simm.s32 $0x1;
	s17 =	simm.s32 $0x100  }
0x5: {  	s18 =	simm.s32 $0x80;
	s28 =	simm.s32 $0x300;
	s29 =	simm.s32 $0x6  }
0x6: {  	s30 =	simm.s32 $0x3;
	s31 =	simm.s32 $0x7;
	s5 =	smul.u32 $0x2800, s4  }
0x7: {  	s0 =	sand.u32 $0x1, s0;
	[smem:$0x7FF] =	sst s3;
	s7 =	smul.u32 $0x50000, s4  }
0x8: {  	s1 =	sshll.u32 s0, $0x4;
	_ =	strace $0x80000050;
	s8 =	smul.u32 $0x28000, s0  }
0x9: {  	s0 =	ssub.s32 $0x2, s0;
	s1 =	sor.u32 s4, s1;
	s7 =	sshrl.u32 s7, $0x2  }
0xa: {  	s4 =	sadd.s32 $0x37000, s6;
	s8 =	sadd.s32 s5, s8;
	s5 =	sadd.s32 s7, s2  }
0xb: {  	s9 =	sshrl.u32 s0, $0x1;
	s1 =	smul.u32 $0x1480, s1;
	s7 =	sadd.s32 $0x4000, s5  }
0xc: {  	s0 =	ssub.s32 s0, s9;
	s21 =	sadd.s32 $0x8000, s5;
	[dreg:$0x3] =	wrdreg s7  }
0xd: {  	s9 =	simm.s32 $0x0;
	s22 =	sadd.s32 $0xC000, s5;
	[dreg:$0x4] =	wrdreg s21  }
0xe: {  	s23 =	sadd.s32 $0x10000, s5;
	s0 =	smax.u32 s0, $0x1;
	[dreg:$0x5] =	wrdreg s22  }
0xf: {  	s1 =	sadd.s32 s1, s6;
	s6 =	sadd.s32 s8, s6;
	[dreg:$0x6] =	wrdreg s23  }
0x10: {  	[dreg:$0x8] =	wrdreg s0;
	s23 =	simm.s32 $0x200;
	s0 =	simm.s32 $0x4  }
0x11: {  	s7 =	simm.s32 $0x280;
	s8 =	simm.s32 $0x380;
	s10 =	sadd.s32 $0xE000, s1  }
.Ltmp0:
0x12: {  	s24 =	sadd.s32 $0x87000, s6;
	s1 =	simm.s32 $0x180;
	(pc) =	sbr.rel .LBB2_1-.Ltmp0, $4  }
0x13: {  	s6 =	simm.s32 $0x8;
	[dreg:$0x7] =	wrdreg s24;
	s25 =	sadd.s32 $0x20, s10  }
0x14: {  	s26 =	sadd.s32 $0x40, s10;
	s20 =	sadd.s32 $0x60, s10;
	s21 =	sadd.s32 $0x80, s10  }
0x15: {  	s22 =	sadd.s32 $0xA0, s10;
	s24 =	simm.s32 $0x5;
	[dreg:$0x9] =	wrdreg s25  }
0x16: {  	v0 =	vimm.f32 $0.0e+00;
	[dreg:$0xa] =	wrdreg s26;
	s25 =	simm.s32 $0x2;
	s26 =	simm.s32 $0x4400  }
.LBB2_6:
0x17: {  	_ =	swait.ge [sflag:s29], $0x4000  }
0x18: {  	[sflag:s29] =	ssyncset.done $0x0  }
0x19: {  	[sflag:s29] =	ssyncadd.s32 $0xFFFFC000  }
0x1a: {  	[spmem:s2] =	stream.indirect.scatter.add.f32 [tilespmem:s26], [sflag:$0x8], $0x80, s8, s18, $0xb8;
	[tilespmem:$0x1C400] =	vst v63  }
0x1b: {  	_ =	swait.ge [sflag:s6], $0x4000  }
0x1c: {  	[sflag:s6] =	ssyncset.done $0x0  }
0x1d: {  	[sflag:s6] =	ssyncadd.s32 $0xFFFFC000  }
0x1e: {  	_ =	swait.ge [sflag:s31], $0x4000  }
0x1f: {  	[sflag:s31] =	ssyncset.done $0x0  }
0x20: {  	s11 =	stileid.u32;
	[sflag:s31] =	ssyncadd.s32 $0xFFFFC000  }
0x21: {  	s11 =	sshll.u32 s11, $0x6;
	[bflag:$0x0] =	sbarrier.arrive $0xFFFF  }
0x22: {  	s12 =	sshrl.u32 s5, $0x3;
	s11 =	sor.u32 $0x1C09, s11;
	s16 =	rddreg [dreg:$0x7]  }
0x23: {  	[hbm:s16], [sflag:s11] =	dma.local [spmem:s12], $0x2800  }
0x24: {  	_ =	swait.ge [sflag:s14], $0x2800  }
0x25: {  	s9 =	sadd.s32 $0x1, s9;
	s19 =	rddreg [dreg:$0x8]  }
0x26: {  	p0 =	sne.s32 s9, s19  }
.Ltmp1:
0x27: {  	_ = 	snop;
	(pc) =	sbr.rel @!p0 .LBB2_7-.Ltmp1, $3  }
0x28: {  	_ =	sdelay $0x1  }
0x29: {  	[sflag:s14] =	ssyncset.done $0x0  }
0x2a: {  	[sflag:s14] =	ssyncadd.s32 $0xFFFFD800  }
.LBB2_1:
0x2b: {  	s11 =	simm.s32 $0x0;
	s12 =	simm.s32 $0x200  }
.LBB2_2:
0x2c: {  	p0 =	sne.s32 s12, $0xFE00;
	[tilespmem:s11+$0x470] =	vst v0  }
0x2d: {  	[tilespmem:s11+$0x400] =	vst v0  }
0x2e: {  	[tilespmem:s11+$0x410] =	vst v0  }
.Ltmp2:
0x2f: {  	[tilespmem:s11+$0x420] =	vst v0;
	(pc) =	sbr.rel @p0 .LBB2_2-.Ltmp2, $4  }
0x30: {  	[tilespmem:s11+$0x430] =	vst v0  }
0x31: {  	[tilespmem:s11+$0x440] =	vst v0  }
0x32: {  	[tilespmem:s11+$0x450] =	vst v0  }
0x33: {  	[tilespmem:s11+$0x460] =	vst v0;
	s11 =	sshra.s32 s12, $0x2;
	s12 =	sadd.s32 $0x200, s12  }
0x34: {  	[tilespmem:s11+$0x470] =	vst v0  }
0x35: {  	[tilespmem:s11+$0x400] =	vst v0  }
0x36: {  	[tilespmem:s11+$0x410] =	vst v0  }
0x37: {  	[tilespmem:s11+$0x420] =	vst v0  }
0x38: {  	[tilespmem:s11+$0x430] =	vst v0  }
0x39: {  	[tilespmem:s11+$0x440] =	vst v0  }
0x3a: {  	[tilespmem:s11+$0x450] =	vst v0  }
0x3b: {  	[tilespmem:s11+$0x460] =	vst v0  }
0x3c: {  	[spmem:s5] =	stream.linear.scatter [tilespmem:s13], [sflag:$0x9], $0x4000, $0x38;
	[tilespmem:$0x1C400] =	vst v63  }
0x3d: {  	_ =	swait.ge [sflag:s14], $0x4000  }
0x3e: {  	[sflag:s14] =	ssyncset.done $0x0  }
0x3f: {  	s12 =	rddreg [dreg:$0x3];
	[sflag:s14] =	ssyncadd.s32 $0xFFFFC000  }
0x40: {  	[spmem:s12] =	stream.linear.scatter [tilespmem:s13], [sflag:$0x9], $0x4000, $0x38;
	[tilespmem:$0x1C400] =	vst v63  }
0x41: {  	_ =	swait.ge [sflag:s14], $0x4000  }
0x42: {  	[sflag:s14] =	ssyncset.done $0x0  }
0x43: {  	s16 =	rddreg [dreg:$0x4];
	[sflag:s14] =	ssyncadd.s32 $0xFFFFC000  }
0x44: {  	[spmem:s16] =	stream.linear.scatter [tilespmem:s13], [sflag:$0x9], $0x4000, $0x38;
	[tilespmem:$0x1C400] =	vst v63  }
0x45: {  	_ =	swait.ge [sflag:s14], $0x4000  }
0x46: {  	[sflag:s14] =	ssyncset.done $0x0  }
0x47: {  	s19 =	rddreg [dreg:$0x5];
	[sflag:s14] =	ssyncadd.s32 $0xFFFFC000  }
0x48: {  	[spmem:s19] =	stream.linear.scatter [tilespmem:s13], [sflag:$0x9], $0x4000, $0x38;
	[tilespmem:$0x1C400] =	vst v63  }
0x49: {  	_ =	swait.ge [sflag:s14], $0x4000  }
0x4a: {  	[sflag:s14] =	ssyncset.done $0x0  }
0x4b: {  	s12 =	rddreg [dreg:$0x6];
	[sflag:s14] =	ssyncadd.s32 $0xFFFFC000  }
0x4c: {  	[spmem:s12] =	stream.linear.scatter [tilespmem:s13], [sflag:$0x9], $0x4000, $0x38;
	[tilespmem:$0x1C400] =	vst v63  }
0x4d: {  	_ =	swait.ge [sflag:s14], $0x4000  }
0x4e: {  	[sflag:s14] =	ssyncset.done $0x0  }
0x4f: {  	[sflag:s14] =	ssyncadd.s32 $0xFFFFC000  }
0x50: {  	[bflag:$0x0] =	sbarrier.arrive $0xFFFF  }
0x51: {  	[tilespmem:s3], [sflag:$0x1] =	stream.linear.gather [hbm4b:s10+s3], $0x100, $0x38;
	[tilespmem:$0x1C400] =	vst v63  }
0x52: {  	_ =	swait.ge [sflag:s15], $0x100  }
0x53: {  	[sflag:s15] =	ssyncset.done $0x0  }
0x54: {  	s16 =	rddreg [dreg:$0x9];
	[sflag:s15] =	ssyncadd.s32 $0xFFFFFF00  }
0x55: {  	[tilespmem:s17], [sflag:$0x2] =	stream.linear.gather [hbm4b:s16+s3], $0x100, $0x38;
	[tilespmem:$0x1C400] =	vst v63  }
0x56: {  	_ = 	snop  }
0x57: {  	[tilespmem:s13], [sflag:$0x5] =	stream.indirect.gather [hbm4b:s4+s18], $0x80, s3, s18, $0xb8;
	[tilespmem:$0x1C400] =	vst v63  }
0x58: {  	s19 =	rddreg [dreg:$0xa]  }
0x59: {  	[tilespmem:s23], [sflag:$0x3] =	stream.linear.gather [hbm4b:s19+s3], $0x100, $0x38;
	[tilespmem:$0x1C400] =	vst v63  }
0x5a: {  	_ =	swait.ge [sflag:s24], $0x4000  }
0x5b: {  	[sflag:s24] =	ssyncset.done $0x0  }
0x5c: {  	[sflag:s24] =	ssyncadd.s32 $0xFFFFC000  }
0x5d: {  	_ =	swait.ge [sflag:s25], $0x100  }
0x5e: {  	[sflag:s25] =	ssyncset.done $0x0  }
0x5f: {  	[sflag:s25] =	ssyncadd.s32 $0xFFFFFF00  }
0x60: {  	[tilespmem:s26], [sflag:$0x6] =	stream.indirect.gather [hbm4b:s4+s18], $0x80, s17, s18, $0xb8;
	[tilespmem:$0x1C400] =	vst v63  }
0x61: {  	_ = 	snop  }
0x62: {  	[spmem:s2] =	stream.indirect.scatter.add.f32 [tilespmem:s13], [sflag:$0x7], $0x80, s18, s18, $0xb8;
	[tilespmem:$0x1C400] =	vst v63  }
0x63: {  	_ = 	snop  }
0x64: {  	[tilespmem:s28], [sflag:$0x4] =	stream.linear.gather [hbm4b:s20+s3], $0x100, $0x38;
	[tilespmem:$0x1C400] =	vst v63  }
0x65: {  	_ =	swait.ge [sflag:s29], $0x4000  }
0x66: {  	[sflag:s29] =	ssyncset.done $0x0  }
0x67: {  	[sflag:s29] =	ssyncadd.s32 $0xFFFFC000  }
0x68: {  	_ =	swait.ge [sflag:s30], $0x100  }
0x69: {  	[sflag:s30] =	ssyncset.done $0x0  }
0x6a: {  	[sflag:s30] =	ssyncadd.s32 $0xFFFFFF00  }
0x6b: {  	_ =	swait.ge [sflag:s31], $0x4000  }
0x6c: {  	[sflag:s31] =	ssyncset.done $0x0  }
0x6d: {  	[sflag:s31] =	ssyncadd.s32 $0xFFFFC000  }
0x6e: {  	[tilespmem:s13], [sflag:$0x5] =	stream.indirect.gather [hbm4b:s4+s18], $0x80, s23, s18, $0xb8;
	[tilespmem:$0x1C400] =	vst v63  }
0x6f: {  	_ = 	snop  }
0x70: {  	[spmem:s2] =	stream.indirect.scatter.add.f32 [tilespmem:s26], [sflag:$0x8], $0x80, s1, s18, $0xb8;
	[tilespmem:$0x1C400] =	vst v63  }
0x71: {  	_ = 	snop  }
0x72: {  	[tilespmem:s3], [sflag:$0x1] =	stream.linear.gather [hbm4b:s21+s3], $0x100, $0x38;
	[tilespmem:$0x1C400] =	vst v63  }
0x73: {  	_ =	swait.ge [sflag:s24], $0x4000  }
0x74: {  	[sflag:s24] =	ssyncset.done $0x0  }
0x75: {  	[sflag:s24] =	ssyncadd.s32 $0xFFFFC000  }
0x76: {  	_ =	swait.ge [sflag:s0], $0x100  }
0x77: {  	[sflag:s0] =	ssyncset.done $0x0  }
0x78: {  	[sflag:s0] =	ssyncadd.s32 $0xFFFFFF00  }
0x79: {  	_ =	swait.ge [sflag:s6], $0x4000  }
0x7a: {  	[sflag:s6] =	ssyncset.done $0x0  }
0x7b: {  	[sflag:s6] =	ssyncadd.s32 $0xFFFFC000  }
0x7c: {  	[tilespmem:s26], [sflag:$0x6] =	stream.indirect.gather [hbm4b:s4+s18], $0x80, s28, s18, $0xb8;
	[tilespmem:$0x1C400] =	vst v63  }
0x7d: {  	_ = 	snop  }
0x7e: {  	[spmem:s2] =	stream.indirect.scatter.add.f32 [tilespmem:s13], [sflag:$0x7], $0x80, s7, s18, $0xb8;
	[tilespmem:$0x1C400] =	vst v63  }
0x7f: {  	_ = 	snop  }
0x80: {  	[tilespmem:s17], [sflag:$0x2] =	stream.linear.gather [hbm4b:s22+s3], $0x100, $0x38;
	[tilespmem:$0x1C400] =	vst v63  }
0x81: {  	_ =	swait.ge [sflag:s29], $0x4000  }
0x82: {  	[sflag:s29] =	ssyncset.done $0x0  }
0x83: {  	[sflag:s29] =	ssyncadd.s32 $0xFFFFC000  }
0x84: {  	_ =	swait.ge [sflag:s15], $0x100  }
0x85: {  	[sflag:s15] =	ssyncset.done $0x0  }
0x86: {  	[sflag:s15] =	ssyncadd.s32 $0xFFFFFF00  }
0x87: {  	_ =	swait.ge [sflag:s31], $0x4000  }
0x88: {  	[sflag:s31] =	ssyncset.done $0x0  }
0x89: {  	[sflag:s31] =	ssyncadd.s32 $0xFFFFC000  }
0x8a: {  	[tilespmem:s13], [sflag:$0x5] =	stream.indirect.gather [hbm4b:s4+s18], $0x80, s3, s18, $0xb8;
	[tilespmem:$0x1C400] =	vst v63  }
0x8b: {  	s11 =	simm.s32 $0xFFFFEC80  }
0x8c: {  	[spmem:s2] =	stream.indirect.scatter.add.f32 [tilespmem:s26], [sflag:$0x8], $0x80, s8, s18, $0xb8;
	[tilespmem:$0x1C400] =	vst v63  }
.LBB2_4:
0x8d: {  	s12 =	sadd.s32 s11, s10  }
0x8e: {  	s16 =	sadd.s32 $0x1440, s12  }
0x8f: {  	[tilespmem:s23], [sflag:$0x3] =	stream.linear.gather [hbm4b:s16+s3], $0x100, $0x38;
	[tilespmem:$0x1C400] =	vst v63  }
0x90: {  	_ =	swait.ge [sflag:s24], $0x4000  }
0x91: {  	[sflag:s24] =	ssyncset.done $0x0  }
0x92: {  	[sflag:s24] =	ssyncadd.s32 $0xFFFFC000  }
0x93: {  	_ =	swait.ge [sflag:s25], $0x100  }
0x94: {  	[sflag:s25] =	ssyncset.done $0x0  }
0x95: {  	[sflag:s25] =	ssyncadd.s32 $0xFFFFFF00  }
0x96: {  	_ =	swait.ge [sflag:s6], $0x4000  }
0x97: {  	[sflag:s6] =	ssyncset.done $0x0  }
0x98: {  	[sflag:s6] =	ssyncadd.s32 $0xFFFFC000  }
0x99: {  	[tilespmem:s26], [sflag:$0x6] =	stream.indirect.gather [hbm4b:s4+s18], $0x80, s17, s18, $0xb8;
	[tilespmem:$0x1C400] =	vst v63  }
0x9a: {  	_ = 	snop  }
0x9b: {  	[spmem:s2] =	stream.indirect.scatter.add.f32 [tilespmem:s13], [sflag:$0x7], $0x80, s18, s18, $0xb8;
	[tilespmem:$0x1C400] =	vst v63  }
0x9c: {  	s19 =	sadd.s32 $0x1460, s12  }
0x9d: {  	[tilespmem:s28], [sflag:$0x4] =	stream.linear.gather [hbm4b:s19+s3], $0x100, $0x38;
	[tilespmem:$0x1C400] =	vst v63  }
0x9e: {  	_ =	swait.ge [sflag:s29], $0x4000  }
0x9f: {  	[sflag:s29] =	ssyncset.done $0x0  }
0xa0: {  	[sflag:s29] =	ssyncadd.s32 $0xFFFFC000  }
0xa1: {  	_ =	swait.ge [sflag:s30], $0x100  }
0xa2: {  	[sflag:s30] =	ssyncset.done $0x0  }
0xa3: {  	[sflag:s30] =	ssyncadd.s32 $0xFFFFFF00  }
0xa4: {  	_ =	swait.ge [sflag:s31], $0x4000  }
0xa5: {  	[sflag:s31] =	ssyncset.done $0x0  }
0xa6: {  	p0 =	seq.s32 s11, $0x0;
	[sflag:s31] =	ssyncadd.s32 $0xFFFFC000  }
0xa7: {  	[tilespmem:s13], [sflag:$0x5] =	stream.indirect.gather [hbm4b:s4+s18], $0x80, s23, s18, $0xb8;
	[tilespmem:$0x1C400] =	vst v63  }
0xa8: {  	s16 =	sadd.s32 @!p0 s11, s10  }
0xa9: {  	[spmem:s2] =	stream.indirect.scatter.add.f32 [tilespmem:s26], [sflag:$0x8], $0x80, s1, s18, $0xb8;
	[tilespmem:$0x1C400] =	vst v63  }
0xaa: {  	s16 =	sadd.s32 @!p0 $0x1480, s16;
	s19 =	simm.s32 @!p0 $0x0  }
0xab: {  	[tilespmem:s19], [sflag:$0x1] =	stream.linear.gather @!p0 [hbm4b:s16+s19], $0x100, $0x38;
	[tilespmem:$0x1C400] =	vst v63  }
0xac: {  	_ =	swait.ge [sflag:s24], $0x4000  }
0xad: {  	[sflag:s24] =	ssyncset.done $0x0  }
0xae: {  	[sflag:s24] =	ssyncadd.s32 $0xFFFFC000  }
0xaf: {  	_ =	swait.ge [sflag:s0], $0x100  }
0xb0: {  	[sflag:s0] =	ssyncset.done $0x0  }
0xb1: {  	[sflag:s0] =	ssyncadd.s32 $0xFFFFFF00  }
0xb2: {  	_ =	swait.ge [sflag:s6], $0x4000  }
.Ltmp3:
0xb3: {  	[sflag:s6] =	ssyncset.done $0x0;
	(pc) =	sbr.rel @p0 .LBB2_6-.Ltmp3, $4  }
0xb4: {  	[sflag:s6] =	ssyncadd.s32 $0xFFFFC000  }
0xb5: {  	[tilespmem:s26], [sflag:$0x6] =	stream.indirect.gather [hbm4b:s4+s18], $0x80, s28, s18, $0xb8;
	[tilespmem:$0x1C400] =	vst v63  }
0xb6: {  	_ = 	snop  }
0xb7: {  	[spmem:s2] =	stream.indirect.scatter.add.f32 [tilespmem:s13], [sflag:$0x7], $0x80, s7, s18, $0xb8;
	[tilespmem:$0x1C400] =	vst v63  }
0xb8: {  	s12 =	sadd.s32 $0x14A0, s12  }
0xb9: {  	[tilespmem:s17], [sflag:$0x2] =	stream.linear.gather [hbm4b:s12+s3], $0x100, $0x38;
	[tilespmem:$0x1C400] =	vst v63  }
0xba: {  	_ =	swait.ge [sflag:s29], $0x4000  }
0xbb: {  	[sflag:s29] =	ssyncset.done $0x0  }
0xbc: {  	[sflag:s29] =	ssyncadd.s32 $0xFFFFC000  }
0xbd: {  	_ =	swait.ge [sflag:s15], $0x100  }
0xbe: {  	[sflag:s15] =	ssyncset.done $0x0  }
0xbf: {  	[sflag:s15] =	ssyncadd.s32 $0xFFFFFF00  }
0xc0: {  	_ =	swait.ge [sflag:s31], $0x4000  }
.Ltmp4:
0xc1: {  	[sflag:s31] =	ssyncset.done $0x0;
	(pc) =	sbr.rel .LBB2_4-.Ltmp4, $4  }
0xc2: {  	[sflag:s31] =	ssyncadd.s32 $0xFFFFC000  }
0xc3: {  	[tilespmem:s13], [sflag:$0x5] =	stream.indirect.gather [hbm4b:s4+s18], $0x80, s3, s18, $0xb8;
	[tilespmem:$0x1C400] =	vst v63  }
0xc4: {  	s11 =	sadd.s32 $0x80, s11  }
0xc5: {  	[spmem:s2] =	stream.indirect.scatter.add.f32 [tilespmem:s26], [sflag:$0x8], $0x80, s8, s18, $0xb8;
	[tilespmem:$0x1C400] =	vst v63  }
.LBB2_7:
0xc6: {  	_ =	sfence.sel $0x180000  }
0xc7: {  	[bflag:$0x0] =	sbarrier.arrive $0xFFFF  }
0xc8: {  	_ =	strace $0x90000050  }
0xc9: {  	s0 =	stileid.u32;
	[bflag:$0x2] =	sbarrier.arrive $0xFFFF  }
0xca: {  	p0 =	sne.s32 s0, $0x0;
	s0 =	rddreg [dreg:$0x2]  }
0xcb: {  	s0 =	sadd.s32 @!p0 $0x100000, s0  }
0xcc: {  	[sflag:s0] =	ssyncadd.tile.s32 @!p0 $0x1;
	_ =	shalt  }
.Lfunc_end2:
_tile_overlayer_lowered:
.L_overlay_start_2:
0xcd: {  	(tag) =	ssettag $0x2  }
0xce: {  	s0 =	rddreg [dreg:$0x0];
	s2 =	stileid.u32  }
0xcf: {  	s1 =	rddreg [dreg:$0x1];
	p0 =	sne.s32 s2, $0x0  }
0xd0: {  	s3 =	rddreg [dreg:$0x2];
	[bflag:$0x3] =	sbarrier.arrive $0xFFFF;
	s2 =	simm.s32 @!p0 $0x1C09  }
0xd1: {  	[timem:s3], [sflag:s2] =	dma.local @!p0 [hbm:s0], s1  }
0xd2: {  	s0 =	simm.s32 @!p0 $0x9  }
0xd3: {  	_ =	swait.ge @!p0 [sflag:s0], s1  }
0xd4: {  	s1 =	ssub.s32 @!p0 $0x0, s1;
	[sflag:s0] =	ssyncset.done @!p0 $0x0  }
0xd5: {  	[sflag:s0] =	ssyncadd.s32 @!p0 s1  }
0xd6: {  	[bflag:$0x3] =	sbarrier.arrive $0xFFFF  }
0xd7: {  	_ =	shalt  }

// kernel: kernel.25.cloned.1.call-start
scs
__scs_entry_jumppad:
0x0: {  	(pc) =	sbr.rel $0x88, $3  }
0x1: {  	(tag) =	ssettag $0x0;
	lr =	simm.s32 $0x1  }
0x2: {  	[smem:$0x3F98] =	sst lr;
	_ =	strace $0xD0000000  }
0x3: {  	_ = 	snop  }
0x4: {  	_ = 	snop  }
0x5: {  	_ = 	snop  }
0x6: {  	_ = 	snop  }
0x7: {  	_ = 	snop  }
__scs_overlays_trampoline_lowered:
0x8: {  	[smem:$0x3FA7] =	sst s0  }
0x9: {  	[smem:$0x3FA8] =	sst s1  }
0xa: {  	[smem:$0x3FA9] =	sst s2  }
0xb: {  	[smem:$0x3FAA] =	sst s3  }
0xc: {  	[smem:$0x3FAB] =	sst s4  }
0xd: {  	[smem:$0x3FAC] =	sst s5  }
0xe: {  	[smem:$0x3FAD] =	sst s6  }
0xf: {  	[smem:$0x3FAE] =	sst s7  }
0x10: {  	[smem:$0x3FAF] =	sst s8  }
0x11: {  	[smem:$0x3FB0] =	sst s9;
	s0 =	simm.s32 @!p0 $0x0  }
0x12: {  	s1 =	sld [smem:$0x3F96];
	s0 =	simm.s32 @p0 $0x1  }
0x13: {  	[smem:$0x3FB1] =	sst s0;
	s0 =	simm.s32 @!p1 $0x0  }
0x14: {  	s2 =	sld [smem:$0x3F95];
	s0 =	simm.s32 @p1 $0x1  }
0x15: {  	[smem:$0x3FB2] =	sst s0;
	s0 =	simm.s32 @!p2 $0x0  }
0x16: {  	s3 =	sld [smem:$0x3FDB];
	s0 =	simm.s32 @p2 $0x1  }
0x17: {  	s4 =	simm.s32 $0x1BF5;
	[smem:$0x3FB4] =	sst s0  }
0x18: {  	s0 =	sld [smem:$0x3F97];
	_ =	swait.ge [sflag:s4], $0x0  }
0x19: {  	s7 =	sld [smem:$0x3F98]  }
0x1a: {  	s8 =	sadd.s32 $0xFFFFE003, lr  }
0x1b: {  	s9 =	sadd.s32 $0xFFFFFEF7, lr;
	s5 =	simm.s32 $0xFFFFFFFF;
	p2 =	slt.u32 s8, $0xFFFFF086  }
0x1c: {  	p1 =	slt.u32 s9, $0xF7A;
	s5 =	simm.s32 @!p2 $0x0  }
0x1d: {  	s5 =	simm.s32 @p1 $0x1;
	p0 =	seq.s32 s7, s2  }
0x1e: {  	s7 =	smul.u32 @!p0 $0xF7A, s2;
	p2 =	seq.s32 @!p0 s5, $0x0  }
0x1f: {  	s9 =	smul.u32 $0xF7A, s1;
	s8 =	simm.s32 @!p0 $0x1BF5;
	p2 =	por !p2, p0  }
0x20: {  	[sflag:s8] =	ssyncset.s32 @!p0 $0xFFFFF086;
	s6 =	sadd.s32 @!p0 s3, s7;
	s7 =	simm.s32 @!p0 $0x108  }
0x21: {  	s3 =	sadd.s32 s3, s9;
	s6 =	sadd.s32 @!p0 $0x88, s6;
	s7 =	simm.s32 @p2 $0x1082  }
0x22: {  	[simem:s7], [sflag:s8] =	dma.local @!p0 [hbm:s6], $0xF7A  }
0x23: {  	s9 =	sor.u32 $0xD0000000, s2;
	s6 =	simm.s32 $0x108;
	_ =	swait.ge @!p0 [sflag:s8], $0x0  }
0x24: {  	s3 =	sadd.s32 $0x88, s3;
	s6 =	simm.s32 @!p1 $0x1082;
	[sflag:s4] =	ssyncset.s32 $0xFFFFF086  }
0x25: {  	[simem:s6], [sflag:s4] =	dma.local [hbm:s3], $0xF7A  }
0x26: {  	[smem:$0x3F98] =	sst s1;
	(tag) =	ssettag s2;
	_ =	strace s9  }
0x27: {  	s1 =	sld [smem:$0x3FA8]  }
0x28: {  	s2 =	sld [smem:$0x3FA9]  }
0x29: {  	s4 =	sld [smem:$0x3FAB]  }
0x2a: {  	p0 =	seq.s32 s5, $0x0;
	s5 =	sld [smem:$0x3FAC]  }
0x2b: {  	s6 =	sld [smem:$0x3FAD]  }
0x2c: {  	s7 =	sld [smem:$0x3FAE]  }
0x2d: {  	s3 =	simm.s32 $0x108;
	s8 =	sld [smem:$0x3FAF]  }
0x2e: {  	s3 =	simm.s32 @!p0 $0x1082;
	s9 =	sld [smem:$0x3FB0]  }
0x2f: {  	lr =	sadd.s32 s0, s3;
	s0 =	sld [smem:$0x3FA7]  }
0x30: {  	s3 =	sld [smem:$0x3FAA]  }
0x31: {  	[smem:$0x3FB3] =	sst s10  }
0x32: {  	s10 =	sld [smem:$0x3FB1];
	_ =	sdelay $0x3  }
0x33: {  	p0 =	seq.s32 s10, $0x1;
	s10 =	sld [smem:$0x3FB3];
	_ =	sdelay $0x3  }
0x34: {  	[smem:$0x3FB3] =	sst s10  }
0x35: {  	s10 =	sld [smem:$0x3FB2];
	_ =	sdelay $0x3  }
0x36: {  	p1 =	seq.s32 s10, $0x1;
	s10 =	sld [smem:$0x3FB3];
	_ =	sdelay $0x3  }
0x37: {  	[smem:$0x3FB3] =	sst s10  }
0x38: {  	s10 =	sld [smem:$0x3FB4]  }
0x39: {  	_ = 	snop;
	(pc) =	sbr.ind lr, $3  }
0x3a: {  	_ = 	snop  }
0x3b: {  	_ = 	snop  }
0x3c: {  	p2 =	seq.s32 s10, $0x1;
	s10 =	sld [smem:$0x3FB3]  }
0x3d: {  	_ =	shalt  }
0x3e: {  	_ =	shalt  }
0x3f: {  	_ =	shalt  }
0x40: {  	_ =	shalt  }
0x41: {  	_ =	shalt  }
0x42: {  	_ =	shalt  }
0x43: {  	_ =	shalt  }
0x44: {  	_ =	shalt  }
0x45: {  	_ =	shalt  }
0x46: {  	_ =	shalt  }
0x47: {  	_ =	shalt  }
0x48: {  	_ =	shalt  }
0x49: {  	_ =	shalt  }
0x4a: {  	_ =	shalt  }
0x4b: {  	_ =	shalt  }
0x4c: {  	_ =	shalt  }
0x4d: {  	_ =	shalt  }
0x4e: {  	_ =	shalt  }
0x4f: {  	_ =	shalt  }
0x50: {  	_ =	shalt  }
0x51: {  	_ =	shalt  }
0x52: {  	_ =	shalt  }
0x53: {  	_ =	shalt  }
0x54: {  	_ =	shalt  }
0x55: {  	_ =	shalt  }
0x56: {  	_ =	shalt  }
0x57: {  	_ =	shalt  }
0x58: {  	_ =	shalt  }
0x59: {  	_ =	shalt  }
0x5a: {  	_ =	shalt  }
0x5b: {  	_ =	shalt  }
0x5c: {  	_ =	shalt  }
0x5d: {  	_ =	shalt  }
0x5e: {  	_ =	shalt  }
0x5f: {  	_ =	shalt  }
0x60: {  	_ =	shalt  }
0x61: {  	_ =	shalt  }
0x62: {  	_ =	shalt  }
0x63: {  	_ =	shalt  }
0x64: {  	_ =	shalt  }
0x65: {  	_ =	shalt  }
0x66: {  	_ =	shalt  }
0x67: {  	_ =	shalt  }
0x68: {  	_ =	shalt  }
0x69: {  	_ =	shalt  }
0x6a: {  	_ =	shalt  }
0x6b: {  	_ =	shalt  }
0x6c: {  	_ =	shalt  }
0x6d: {  	_ =	shalt  }
0x6e: {  	_ =	shalt  }
0x6f: {  	_ =	shalt  }
0x70: {  	_ =	shalt  }
0x71: {  	_ =	shalt  }
0x72: {  	_ =	shalt  }
0x73: {  	_ =	shalt  }
0x74: {  	_ =	shalt  }
0x75: {  	_ =	shalt  }
0x76: {  	_ =	shalt  }
0x77: {  	_ =	shalt  }
0x78: {  	_ =	shalt  }
0x79: {  	_ =	shalt  }
0x7a: {  	_ =	shalt  }
0x7b: {  	_ =	shalt  }
0x7c: {  	_ =	shalt  }
0x7d: {  	_ =	shalt  }
0x7e: {  	_ =	shalt  }
0x7f: {  	_ =	shalt  }
0x80: {  	_ =	shalt  }
0x81: {  	_ =	shalt  }
0x82: {  	_ =	shalt  }
0x83: {  	_ =	shalt  }
0x84: {  	_ =	shalt  }
0x85: {  	_ =	shalt  }
0x86: {  	_ =	shalt  }
0x87: {  	_ =	shalt  }
.Lfunc_end0:
.L_simem_size_0:
called_computation.4_lowered:
.L_overlay_start_0:
0x88: {  	s2 =	sld [smem:$0x3FD9]  }
0x89: {  	s3 =	sld [smem:$0x3FFE];
	_ =	sdelay $0x1  }
0x8a: {  	s1 =	srdreg.scid  }
0x8b: {  	s0 =	sand.u32 $0x1, s1  }
0x8c: {  	s16 =	sshll.u32 s0, $0xA;
	s2 =	sadd.s32 s3, s2  }
0x8d: {  	s2 =	sadd.s32 s2, s16  }
0x8e: {  	[smem:$0x3FBF] =	sst s2  }
0x8f: {  	_ = 	snop  }
0x90: {  	(tm) =	ssettm $0x1  }
0x91: {  	s17 =	sld [smem:$0x3FFB];
	_ =	sdelay $0x3  }
0x92: {  	_ =	strace s17  }
0x93: {  	s2 =	sld [smem:$0x3FFC];
	_ =	sdelay $0x3  }
0x94: {  	_ =	strace s2  }
0x95: {  	s2 =	sld [smem:$0x3FFD];
	_ =	sdelay $0x3  }
0x96: {  	_ =	strace s2  }
0x97: {  	_ =	strace $0x8FFFFFFF  }
0x98: {  	s18 =	sld [smem:$0x3FDB];
	_ =	sdelay $0x1  }
0x99: {  	s19 =	simm.s32 $_scs_section_size  }
0x9a: {  	s4 =	simm.s32 $_size__tile_overlayer_lowered;
	s5 =	simm.s32 $_tile_overlayer_lowered  }
0x9b: {  	s22 =	simm.s32 $0x1BFF;
	s21 =	sshll.u32 s5, $0x1;
	s2 =	sadd.s32 s19, s18  }
0x9c: {  	s6 =	simm.s32 $0x0;
	s20 =	sshll.u32 s4, $0x1;
	s4 =	sadd.s32 s21, s2  }
0x9d: {  	[timem:s6], [sflag:s22] =	dma.local [hbm:s4], s20  }
0x9e: {  	_ =	swait.ge [sflag:s22], s20  }
0x9f: {  	s3 =	ssub.s32 $0x0, s20;
	[sflag:s22] =	ssyncset.done $0x0  }
0xa0: {  	[sflag:s22] =	ssyncadd.s32 s3;
	_ =	sdelay $0x1  }
0xa1: {  	s23 =	simm.s32 $0x1B8B  }
0xa2: {  	_ =	swait.ge [sflag:s23], $0x1  }
0xa3: {  	[sflag:s23] =	ssyncset.done $0x0  }
0xa4: {  	s25 =	simm.s32 $0x1B8E;
	s24 =	sld [smem:$0x3FFE];
	[sflag:s23] =	ssyncadd.s32 $0xFFFFFFFF  }
0xa5: {  	s26 =	simm.s32 $execute0_lowered;
	[smem:$0x3FD2] =	sst s25  }
0xa6: {  	s4 =	sshll.u32 s26, $0x1;
	_ =	strace $0x80000052;
	[dreg:$0x1] =	wrdreg $0xFFFFFFFF  }
0xa7: {  	s28 =	simm.s32 $_size_execute0_lowered;
	s2 =	sadd.s32 s2, s4;
	[dreg:$0x0] =	wrdreg $0x0  }
0xa8: {  	s4 =	sshll.u32 s28, $0x1;
	[dreg:$0x2] =	wrdreg s2  }
0xa9: {  	[dreg:$0x3] =	wrdreg s4  }
0xaa: {  	[dreg:$0x4] =	wrdreg $0xC0  }
0xab: {  	_ =	task [dreg:s6], $0x5FFFF  }
0xac: {  	[dreg:$0x1] =	wrdreg $0xFFFFFFFF  }
0xad: {  	[dreg:$0x0] =	wrdreg $0x60  }
0xae: {  	[dreg:$0x2] =	wrdreg s24  }
0xaf: {  	[dreg:$0x3] =	wrdreg $0x84000  }
0xb0: {  	[dreg:$0x4] =	wrdreg $0x9  }
0xb1: {  	_ =	task.clear_ibuf [dreg:s6], $0x5FFFF;
	_ =	strace $0x90000052  }
0xb2: {  	s29 =	simm.s32 $0x9;
	_ =	strace $0x80000054  }
0xb3: {  	_ =	swait.ge [sflag:s29], $0x1  }
0xb4: {  	[sflag:s29] =	ssyncadd.s32 $0xFFFFFFFF  }
0xb5: {  	_ =	strace $0x90000054  }
0xb6: {  	_ =	sfence  }
0xb7: {  	s30 =	sld [smem:$0x0];
	_ =	sdelay $0x2  }
0xb8: {  	s31 =	sshll.u32 s1, $0xD;
	s1 =	sshrl.u32 s1, $0x2  }
0xb9: {  	s3 =	sand.u32 $0x4000, s31;
	s1 =	sadd.s32 s1, s30  }
0xba: {  	s0 =	sor.u32 s3, s0;
	s1 =	sshll.u32 s1, $0x11  }
0xbb: {  	s0 =	sor.u32 s1, s0  }
0xbc: {  	s0 =	sadd.s32 $0x8F2B, s0  }
0xbd: {  	[sflag:s0] =	ssyncadd.remote.s32 $0x1  }
0xbe: {  	_ =	sfence.sel $0xFFFF  }
0xbf: {  	[dreg:$0x0] =	wrdreg $0xFFFFFFFF;
	(pc) =	sbr.abs _section_cstart, $3  }
0xc0: {  	[dreg:$0x1] =	wrdreg $0xFFFFFFFF  }
0xc1: {  	_ =	task.clear_ibuf [dreg:s6], $0x2FFFF;
	_ =	strace $0x9FFFFFFF  }
0xc2: {  	(tm) =	ssettm $0x7FFFFFFF  }
0xc3: {  	_ =	shalt  }
tec
execute0_lowered:
.L_overlay_start_1:
0x0: {  	(tag) =	ssettag $0x1  }
0x1: {  	s0 =	srdreg.scid  }
0x2: {  	s4 =	stileid.u32;
	s6 =	rddreg [dreg:$0x0]  }
0x3: {  	s2 =	rddreg [dreg:$0x1];
	s3 =	simm.s32 $0x0;
	s13 =	simm.s32 $0x400  }
0x4: {  	s14 =	simm.s32 $0x9;
	s15 =	simm.s32 $0x1;
	s17 =	simm.s32 $0x100  }
0x5: {  	s18 =	simm.s32 $0x80;
	s28 =	simm.s32 $0x300;
	s29 =	simm.s32 $0x6  }
0x6: {  	s30 =	simm.s32 $0x3;
	s31 =	simm.s32 $0x7;
	s5 =	smul.u32 $0x2800, s4  }
0x7: {  	s0 =	sand.u32 $0x1, s0;
	[smem:$0x7FF] =	sst s3;
	s7 =	smul.u32 $0x50000, s4  }
0x8: {  	s1 =	sshll.u32 s0, $0x4;
	_ =	strace $0x80000053;
	s8 =	smul.u32 $0x28000, s0  }
0x9: {  	s0 =	ssub.s32 $0x2, s0;
	s1 =	sor.u32 s4, s1;
	s7 =	sshrl.u32 s7, $0x2  }
0xa: {  	s4 =	sadd.s32 $0x37000, s6;
	s8 =	sadd.s32 s5, s8;
	s5 =	sadd.s32 s7, s2  }
0xb: {  	s9 =	sshrl.u32 s0, $0x1;
	s1 =	smul.u32 $0x1480, s1;
	s7 =	sadd.s32 $0x4000, s5  }
0xc: {  	s0 =	ssub.s32 s0, s9;
	s21 =	sadd.s32 $0x8000, s5;
	[dreg:$0x3] =	wrdreg s7  }
0xd: {  	s9 =	simm.s32 $0x0;
	s22 =	sadd.s32 $0xC000, s5;
	[dreg:$0x4] =	wrdreg s21  }
0xe: {  	s23 =	sadd.s32 $0x10000, s5;
	s0 =	smax.u32 s0, $0x1;
	[dreg:$0x5] =	wrdreg s22  }
0xf: {  	s1 =	sadd.s32 s1, s6;
	s6 =	sadd.s32 s8, s6;
	[dreg:$0x6] =	wrdreg s23  }
0x10: {  	[dreg:$0x8] =	wrdreg s0;
	s23 =	simm.s32 $0x200;
	s0 =	simm.s32 $0x4  }
0x11: {  	s7 =	simm.s32 $0x280;
	s8 =	simm.s32 $0x380;
	s10 =	sadd.s32 $0xE000, s1  }
.Ltmp0:
0x12: {  	s24 =	sadd.s32 $0x87000, s6;
	s1 =	simm.s32 $0x180;
	(pc) =	sbr.rel .LBB2_1-.Ltmp0, $4  }
0x13: {  	s6 =	simm.s32 $0x8;
	[dreg:$0x7] =	wrdreg s24;
	s25 =	sadd.s32 $0x20, s10  }
0x14: {  	s26 =	sadd.s32 $0x40, s10;
	s20 =	sadd.s32 $0x60, s10;
	s21 =	sadd.s32 $0x80, s10  }
0x15: {  	s22 =	sadd.s32 $0xA0, s10;
	s24 =	simm.s32 $0x5;
	[dreg:$0x9] =	wrdreg s25  }
0x16: {  	v0 =	vimm.f32 $0.0e+00;
	[dreg:$0xa] =	wrdreg s26;
	s25 =	simm.s32 $0x2;
	s26 =	simm.s32 $0x4400  }
.LBB2_6:
0x17: {  	_ =	swait.ge [sflag:s29], $0x4000  }
0x18: {  	[sflag:s29] =	ssyncset.done $0x0  }
0x19: {  	[sflag:s29] =	ssyncadd.s32 $0xFFFFC000  }
0x1a: {  	[spmem:s2] =	stream.indirect.scatter.add.f32 [tilespmem:s26], [sflag:$0x8], $0x80, s8, s18, $0xb8;
	[tilespmem:$0x1C400] =	vst v63  }
0x1b: {  	_ =	swait.ge [sflag:s6], $0x4000  }
0x1c: {  	[sflag:s6] =	ssyncset.done $0x0  }
0x1d: {  	[sflag:s6] =	ssyncadd.s32 $0xFFFFC000  }
0x1e: {  	_ =	swait.ge [sflag:s31], $0x4000  }
0x1f: {  	[sflag:s31] =	ssyncset.done $0x0  }
0x20: {  	s11 =	stileid.u32;
	[sflag:s31] =	ssyncadd.s32 $0xFFFFC000  }
0x21: {  	s11 =	sshll.u32 s11, $0x6;
	[bflag:$0x0] =	sbarrier.arrive $0xFFFF  }
0x22: {  	s12 =	sshrl.u32 s5, $0x3;
	s11 =	sor.u32 $0x1C09, s11;
	s16 =	rddreg [dreg:$0x7]  }
0x23: {  	[hbm:s16], [sflag:s11] =	dma.local [spmem:s12], $0x2800  }
0x24: {  	_ =	swait.ge [sflag:s14], $0x2800  }
0x25: {  	s9 =	sadd.s32 $0x1, s9;
	s19 =	rddreg [dreg:$0x8]  }
0x26: {  	p0 =	sne.s32 s9, s19  }
.Ltmp1:
0x27: {  	_ = 	snop;
	(pc) =	sbr.rel @!p0 .LBB2_7-.Ltmp1, $3  }
0x28: {  	_ =	sdelay $0x1  }
0x29: {  	[sflag:s14] =	ssyncset.done $0x0  }
0x2a: {  	[sflag:s14] =	ssyncadd.s32 $0xFFFFD800  }
.LBB2_1:
0x2b: {  	s11 =	simm.s32 $0x0;
	s12 =	simm.s32 $0x200  }
.LBB2_2:
0x2c: {  	p0 =	sne.s32 s12, $0xFE00;
	[tilespmem:s11+$0x470] =	vst v0  }
0x2d: {  	[tilespmem:s11+$0x400] =	vst v0  }
0x2e: {  	[tilespmem:s11+$0x410] =	vst v0  }
.Ltmp2:
0x2f: {  	[tilespmem:s11+$0x420] =	vst v0;
	(pc) =	sbr.rel @p0 .LBB2_2-.Ltmp2, $4  }
0x30: {  	[tilespmem:s11+$0x430] =	vst v0  }
0x31: {  	[tilespmem:s11+$0x440] =	vst v0  }
0x32: {  	[tilespmem:s11+$0x450] =	vst v0  }
0x33: {  	[tilespmem:s11+$0x460] =	vst v0;
	s11 =	sshra.s32 s12, $0x2;
	s12 =	sadd.s32 $0x200, s12  }
0x34: {  	[tilespmem:s11+$0x470] =	vst v0  }
0x35: {  	[tilespmem:s11+$0x400] =	vst v0  }
0x36: {  	[tilespmem:s11+$0x410] =	vst v0  }
0x37: {  	[tilespmem:s11+$0x420] =	vst v0  }
0x38: {  	[tilespmem:s11+$0x430] =	vst v0  }
0x39: {  	[tilespmem:s11+$0x440] =	vst v0  }
0x3a: {  	[tilespmem:s11+$0x450] =	vst v0  }
0x3b: {  	[tilespmem:s11+$0x460] =	vst v0  }
0x3c: {  	[spmem:s5] =	stream.linear.scatter [tilespmem:s13], [sflag:$0x9], $0x4000, $0x38;
	[tilespmem:$0x1C400] =	vst v63  }
0x3d: {  	_ =	swait.ge [sflag:s14], $0x4000  }
0x3e: {  	[sflag:s14] =	ssyncset.done $0x0  }
0x3f: {  	s12 =	rddreg [dreg:$0x3];
	[sflag:s14] =	ssyncadd.s32 $0xFFFFC000  }
0x40: {  	[spmem:s12] =	stream.linear.scatter [tilespmem:s13], [sflag:$0x9], $0x4000, $0x38;
	[tilespmem:$0x1C400] =	vst v63  }
0x41: {  	_ =	swait.ge [sflag:s14], $0x4000  }
0x42: {  	[sflag:s14] =	ssyncset.done $0x0  }
0x43: {  	s16 =	rddreg [dreg:$0x4];
	[sflag:s14] =	ssyncadd.s32 $0xFFFFC000  }
0x44: {  	[spmem:s16] =	stream.linear.scatter [tilespmem:s13], [sflag:$0x9], $0x4000, $0x38;
	[tilespmem:$0x1C400] =	vst v63  }
0x45: {  	_ =	swait.ge [sflag:s14], $0x4000  }
0x46: {  	[sflag:s14] =	ssyncset.done $0x0  }
0x47: {  	s19 =	rddreg [dreg:$0x5];
	[sflag:s14] =	ssyncadd.s32 $0xFFFFC000  }
0x48: {  	[spmem:s19] =	stream.linear.scatter [tilespmem:s13], [sflag:$0x9], $0x4000, $0x38;
	[tilespmem:$0x1C400] =	vst v63  }
0x49: {  	_ =	swait.ge [sflag:s14], $0x4000  }
0x4a: {  	[sflag:s14] =	ssyncset.done $0x0  }
0x4b: {  	s12 =	rddreg [dreg:$0x6];
	[sflag:s14] =	ssyncadd.s32 $0xFFFFC000  }
0x4c: {  	[spmem:s12] =	stream.linear.scatter [tilespmem:s13], [sflag:$0x9], $0x4000, $0x38;
	[tilespmem:$0x1C400] =	vst v63  }
0x4d: {  	_ =	swait.ge [sflag:s14], $0x4000  }
0x4e: {  	[sflag:s14] =	ssyncset.done $0x0  }
0x4f: {  	[sflag:s14] =	ssyncadd.s32 $0xFFFFC000  }
0x50: {  	[bflag:$0x0] =	sbarrier.arrive $0xFFFF  }
0x51: {  	[tilespmem:s3], [sflag:$0x1] =	stream.linear.gather [hbm4b:s10+s3], $0x100, $0x38;
	[tilespmem:$0x1C400] =	vst v63  }
0x52: {  	_ =	swait.ge [sflag:s15], $0x100  }
0x53: {  	[sflag:s15] =	ssyncset.done $0x0  }
0x54: {  	s16 =	rddreg [dreg:$0x9];
	[sflag:s15] =	ssyncadd.s32 $0xFFFFFF00  }
0x55: {  	[tilespmem:s17], [sflag:$0x2] =	stream.linear.gather [hbm4b:s16+s3], $0x100, $0x38;
	[tilespmem:$0x1C400] =	vst v63  }
0x56: {  	_ = 	snop  }
0x57: {  	[tilespmem:s13], [sflag:$0x5] =	stream.indirect.gather [hbm4b:s4+s18], $0x80, s3, s18, $0xb8;
	[tilespmem:$0x1C400] =	vst v63  }
0x58: {  	s19 =	rddreg [dreg:$0xa]  }
0x59: {  	[tilespmem:s23], [sflag:$0x3] =	stream.linear.gather [hbm4b:s19+s3], $0x100, $0x38;
	[tilespmem:$0x1C400] =	vst v63  }
0x5a: {  	_ =	swait.ge [sflag:s24], $0x4000  }
0x5b: {  	[sflag:s24] =	ssyncset.done $0x0  }
0x5c: {  	[sflag:s24] =	ssyncadd.s32 $0xFFFFC000  }
0x5d: {  	_ =	swait.ge [sflag:s25], $0x100  }
0x5e: {  	[sflag:s25] =	ssyncset.done $0x0  }
0x5f: {  	[sflag:s25] =	ssyncadd.s32 $0xFFFFFF00  }
0x60: {  	[tilespmem:s26], [sflag:$0x6] =	stream.indirect.gather [hbm4b:s4+s18], $0x80, s17, s18, $0xb8;
	[tilespmem:$0x1C400] =	vst v63  }
0x61: {  	_ = 	snop  }
0x62: {  	[spmem:s2] =	stream.indirect.scatter.add.f32 [tilespmem:s13], [sflag:$0x7], $0x80, s18, s18, $0xb8;
	[tilespmem:$0x1C400] =	vst v63  }
0x63: {  	_ = 	snop  }
0x64: {  	[tilespmem:s28], [sflag:$0x4] =	stream.linear.gather [hbm4b:s20+s3], $0x100, $0x38;
	[tilespmem:$0x1C400] =	vst v63  }
0x65: {  	_ =	swait.ge [sflag:s29], $0x4000  }
0x66: {  	[sflag:s29] =	ssyncset.done $0x0  }
0x67: {  	[sflag:s29] =	ssyncadd.s32 $0xFFFFC000  }
0x68: {  	_ =	swait.ge [sflag:s30], $0x100  }
0x69: {  	[sflag:s30] =	ssyncset.done $0x0  }
0x6a: {  	[sflag:s30] =	ssyncadd.s32 $0xFFFFFF00  }
0x6b: {  	_ =	swait.ge [sflag:s31], $0x4000  }
0x6c: {  	[sflag:s31] =	ssyncset.done $0x0  }
0x6d: {  	[sflag:s31] =	ssyncadd.s32 $0xFFFFC000  }
0x6e: {  	[tilespmem:s13], [sflag:$0x5] =	stream.indirect.gather [hbm4b:s4+s18], $0x80, s23, s18, $0xb8;
	[tilespmem:$0x1C400] =	vst v63  }
0x6f: {  	_ = 	snop  }
0x70: {  	[spmem:s2] =	stream.indirect.scatter.add.f32 [tilespmem:s26], [sflag:$0x8], $0x80, s1, s18, $0xb8;
	[tilespmem:$0x1C400] =	vst v63  }
0x71: {  	_ = 	snop  }
0x72: {  	[tilespmem:s3], [sflag:$0x1] =	stream.linear.gather [hbm4b:s21+s3], $0x100, $0x38;
	[tilespmem:$0x1C400] =	vst v63  }
0x73: {  	_ =	swait.ge [sflag:s24], $0x4000  }
0x74: {  	[sflag:s24] =	ssyncset.done $0x0  }
0x75: {  	[sflag:s24] =	ssyncadd.s32 $0xFFFFC000  }
0x76: {  	_ =	swait.ge [sflag:s0], $0x100  }
0x77: {  	[sflag:s0] =	ssyncset.done $0x0  }
0x78: {  	[sflag:s0] =	ssyncadd.s32 $0xFFFFFF00  }
0x79: {  	_ =	swait.ge [sflag:s6], $0x4000  }
0x7a: {  	[sflag:s6] =	ssyncset.done $0x0  }
0x7b: {  	[sflag:s6] =	ssyncadd.s32 $0xFFFFC000  }
0x7c: {  	[tilespmem:s26], [sflag:$0x6] =	stream.indirect.gather [hbm4b:s4+s18], $0x80, s28, s18, $0xb8;
	[tilespmem:$0x1C400] =	vst v63  }
0x7d: {  	_ = 	snop  }
0x7e: {  	[spmem:s2] =	stream.indirect.scatter.add.f32 [tilespmem:s13], [sflag:$0x7], $0x80, s7, s18, $0xb8;
	[tilespmem:$0x1C400] =	vst v63  }
0x7f: {  	_ = 	snop  }
0x80: {  	[tilespmem:s17], [sflag:$0x2] =	stream.linear.gather [hbm4b:s22+s3], $0x100, $0x38;
	[tilespmem:$0x1C400] =	vst v63  }
0x81: {  	_ =	swait.ge [sflag:s29], $0x4000  }
0x82: {  	[sflag:s29] =	ssyncset.done $0x0  }
0x83: {  	[sflag:s29] =	ssyncadd.s32 $0xFFFFC000  }
0x84: {  	_ =	swait.ge [sflag:s15], $0x100  }
0x85: {  	[sflag:s15] =	ssyncset.done $0x0  }
0x86: {  	[sflag:s15] =	ssyncadd.s32 $0xFFFFFF00  }
0x87: {  	_ =	swait.ge [sflag:s31], $0x4000  }
0x88: {  	[sflag:s31] =	ssyncset.done $0x0  }
0x89: {  	[sflag:s31] =	ssyncadd.s32 $0xFFFFC000  }
0x8a: {  	[tilespmem:s13], [sflag:$0x5] =	stream.indirect.gather [hbm4b:s4+s18], $0x80, s3, s18, $0xb8;
	[tilespmem:$0x1C400] =	vst v63  }
0x8b: {  	s11 =	simm.s32 $0xFFFFEC80  }
0x8c: {  	[spmem:s2] =	stream.indirect.scatter.add.f32 [tilespmem:s26], [sflag:$0x8], $0x80, s8, s18, $0xb8;
	[tilespmem:$0x1C400] =	vst v63  }
.LBB2_4:
0x8d: {  	s12 =	sadd.s32 s11, s10  }
0x8e: {  	s16 =	sadd.s32 $0x1440, s12  }
0x8f: {  	[tilespmem:s23], [sflag:$0x3] =	stream.linear.gather [hbm4b:s16+s3], $0x100, $0x38;
	[tilespmem:$0x1C400] =	vst v63  }
0x90: {  	_ =	swait.ge [sflag:s24], $0x4000  }
0x91: {  	[sflag:s24] =	ssyncset.done $0x0  }
0x92: {  	[sflag:s24] =	ssyncadd.s32 $0xFFFFC000  }
0x93: {  	_ =	swait.ge [sflag:s25], $0x100  }
0x94: {  	[sflag:s25] =	ssyncset.done $0x0  }
0x95: {  	[sflag:s25] =	ssyncadd.s32 $0xFFFFFF00  }
0x96: {  	_ =	swait.ge [sflag:s6], $0x4000  }
0x97: {  	[sflag:s6] =	ssyncset.done $0x0  }
0x98: {  	[sflag:s6] =	ssyncadd.s32 $0xFFFFC000  }
0x99: {  	[tilespmem:s26], [sflag:$0x6] =	stream.indirect.gather [hbm4b:s4+s18], $0x80, s17, s18, $0xb8;
	[tilespmem:$0x1C400] =	vst v63  }
0x9a: {  	_ = 	snop  }
0x9b: {  	[spmem:s2] =	stream.indirect.scatter.add.f32 [tilespmem:s13], [sflag:$0x7], $0x80, s18, s18, $0xb8;
	[tilespmem:$0x1C400] =	vst v63  }
0x9c: {  	s19 =	sadd.s32 $0x1460, s12  }
0x9d: {  	[tilespmem:s28], [sflag:$0x4] =	stream.linear.gather [hbm4b:s19+s3], $0x100, $0x38;
	[tilespmem:$0x1C400] =	vst v63  }
0x9e: {  	_ =	swait.ge [sflag:s29], $0x4000  }
0x9f: {  	[sflag:s29] =	ssyncset.done $0x0  }
0xa0: {  	[sflag:s29] =	ssyncadd.s32 $0xFFFFC000  }
0xa1: {  	_ =	swait.ge [sflag:s30], $0x100  }
0xa2: {  	[sflag:s30] =	ssyncset.done $0x0  }
0xa3: {  	[sflag:s30] =	ssyncadd.s32 $0xFFFFFF00  }
0xa4: {  	_ =	swait.ge [sflag:s31], $0x4000  }
0xa5: {  	[sflag:s31] =	ssyncset.done $0x0  }
0xa6: {  	p0 =	seq.s32 s11, $0x0;
	[sflag:s31] =	ssyncadd.s32 $0xFFFFC000  }
0xa7: {  	[tilespmem:s13], [sflag:$0x5] =	stream.indirect.gather [hbm4b:s4+s18], $0x80, s23, s18, $0xb8;
	[tilespmem:$0x1C400] =	vst v63  }
0xa8: {  	s16 =	sadd.s32 @!p0 s11, s10  }
0xa9: {  	[spmem:s2] =	stream.indirect.scatter.add.f32 [tilespmem:s26], [sflag:$0x8], $0x80, s1, s18, $0xb8;
	[tilespmem:$0x1C400] =	vst v63  }
0xaa: {  	s16 =	sadd.s32 @!p0 $0x1480, s16;
	s19 =	simm.s32 @!p0 $0x0  }
0xab: {  	[tilespmem:s19], [sflag:$0x1] =	stream.linear.gather @!p0 [hbm4b:s16+s19], $0x100, $0x38;
	[tilespmem:$0x1C400] =	vst v63  }
0xac: {  	_ =	swait.ge [sflag:s24], $0x4000  }
0xad: {  	[sflag:s24] =	ssyncset.done $0x0  }
0xae: {  	[sflag:s24] =	ssyncadd.s32 $0xFFFFC000  }
0xaf: {  	_ =	swait.ge [sflag:s0], $0x100  }
0xb0: {  	[sflag:s0] =	ssyncset.done $0x0  }
0xb1: {  	[sflag:s0] =	ssyncadd.s32 $0xFFFFFF00  }
0xb2: {  	_ =	swait.ge [sflag:s6], $0x4000  }
.Ltmp3:
0xb3: {  	[sflag:s6] =	ssyncset.done $0x0;
	(pc) =	sbr.rel @p0 .LBB2_6-.Ltmp3, $4  }
0xb4: {  	[sflag:s6] =	ssyncadd.s32 $0xFFFFC000  }
0xb5: {  	[tilespmem:s26], [sflag:$0x6] =	stream.indirect.gather [hbm4b:s4+s18], $0x80, s28, s18, $0xb8;
	[tilespmem:$0x1C400] =	vst v63  }
0xb6: {  	_ = 	snop  }
0xb7: {  	[spmem:s2] =	stream.indirect.scatter.add.f32 [tilespmem:s13], [sflag:$0x7], $0x80, s7, s18, $0xb8;
	[tilespmem:$0x1C400] =	vst v63  }
0xb8: {  	s12 =	sadd.s32 $0x14A0, s12  }
0xb9: {  	[tilespmem:s17], [sflag:$0x2] =	stream.linear.gather [hbm4b:s12+s3], $0x100, $0x38;
	[tilespmem:$0x1C400] =	vst v63  }
0xba: {  	_ =	swait.ge [sflag:s29], $0x4000  }
0xbb: {  	[sflag:s29] =	ssyncset.done $0x0  }
0xbc: {  	[sflag:s29] =	ssyncadd.s32 $0xFFFFC000  }
0xbd: {  	_ =	swait.ge [sflag:s15], $0x100  }
0xbe: {  	[sflag:s15] =	ssyncset.done $0x0  }
0xbf: {  	[sflag:s15] =	ssyncadd.s32 $0xFFFFFF00  }
0xc0: {  	_ =	swait.ge [sflag:s31], $0x4000  }
.Ltmp4:
0xc1: {  	[sflag:s31] =	ssyncset.done $0x0;
	(pc) =	sbr.rel .LBB2_4-.Ltmp4, $4  }
0xc2: {  	[sflag:s31] =	ssyncadd.s32 $0xFFFFC000  }
0xc3: {  	[tilespmem:s13], [sflag:$0x5] =	stream.indirect.gather [hbm4b:s4+s18], $0x80, s3, s18, $0xb8;
	[tilespmem:$0x1C400] =	vst v63  }
0xc4: {  	s11 =	sadd.s32 $0x80, s11  }
0xc5: {  	[spmem:s2] =	stream.indirect.scatter.add.f32 [tilespmem:s26], [sflag:$0x8], $0x80, s8, s18, $0xb8;
	[tilespmem:$0x1C400] =	vst v63  }
.LBB2_7:
0xc6: {  	_ =	sfence.sel $0x180000  }
0xc7: {  	[bflag:$0x0] =	sbarrier.arrive $0xFFFF  }
0xc8: {  	_ =	strace $0x90000053  }
0xc9: {  	s0 =	stileid.u32;
	[bflag:$0x2] =	sbarrier.arrive $0xFFFF  }
0xca: {  	p0 =	sne.s32 s0, $0x0;
	s0 =	rddreg [dreg:$0x2]  }
0xcb: {  	s0 =	sadd.s32 @!p0 $0x100000, s0  }
0xcc: {  	[sflag:s0] =	ssyncadd.tile.s32 @!p0 $0x1;
	_ =	shalt  }
.Lfunc_end2:
_tile_overlayer_lowered:
.L_overlay_start_2:
0xcd: {  	(tag) =	ssettag $0x2  }
0xce: {  	s0 =	rddreg [dreg:$0x0];
	s2 =	stileid.u32  }
0xcf: {  	s1 =	rddreg [dreg:$0x1];
	p0 =	sne.s32 s2, $0x0  }
0xd0: {  	s3 =	rddreg [dreg:$0x2];
	[bflag:$0x3] =	sbarrier.arrive $0xFFFF;
	s2 =	simm.s32 @!p0 $0x1C09  }
0xd1: {  	[timem:s3], [sflag:s2] =	dma.local @!p0 [hbm:s0], s1  }
0xd2: {  	s0 =	simm.s32 @!p0 $0x9  }
0xd3: {  	_ =	swait.ge @!p0 [sflag:s0], s1  }
0xd4: {  	s1 =	ssub.s32 @!p0 $0x0, s1;
	[sflag:s0] =	ssyncset.done @!p0 $0x0  }
0xd5: {  	[sflag:s0] =	ssyncadd.s32 @!p0 s1  }
0xd6: {  	[bflag:$0x3] =	sbarrier.arrive $0xFFFF  }
0xd7: {  	_ =	shalt  }

</sc_bundles>
